<compile_context>
chip_gen: v7x
topology: tpu7x:2x2x1
jax: 0.10.2.dev20260603
libtpu: 0.0.44.dev20260713+nightly
codegen_flags: <defaults>
</compile_context>

<pallas_src>
import jax
import jax.numpy as jnp
from jax import lax
from jax.experimental import pallas as pl
from jax.experimental.pallas import tpu as pltpu
from jax.experimental.pallas import tpu_sc as plsc

N = 10000
E = 320000
D = 128
G = 64
CLS = 64

NC = 2
NS = 16
NW = NC * NS
N_PAD = 10240
EW = E // NW
CHUNK = 125
BLK = 5
NCHUNK = EW // CHUNK
NGRP = NCHUNK // BLK
RPS = N_PAD // NS

R = 1024
NB = N_PAD // R


def _agg_body(with_deg, h_hbm, src_hbm, dst_hbm, out_hbm, deg_hbm,
              sblk, dblk, rows, sem_g, sem_i, acc, ones_v, deg_sh):
    cid = lax.axis_index("c")
    sid = lax.axis_index("s")
    wid = sid * NC + cid

    zeros16 = jnp.zeros((16,), jnp.float32)

    def _zrow(r, carry):
        for c8 in range(D // 16):
            rows[0][r, pl.ds(c8 * 16, 16)] = zeros16
        return carry
    lax.fori_loop(0, CHUNK, _zrow, 0)
    base = sid * RPS
    for k in range(RPS // CHUNK):
        pltpu.sync_copy(rows[0], acc.at[pl.ds(base + k * CHUNK, CHUNK)])
    rem = RPS - (RPS // CHUNK) * CHUNK
    if rem:
        pltpu.sync_copy(rows[0].at[pl.ds(0, rem)],
                        acc.at[pl.ds(base + RPS - rem, rem)])

    if with_deg:
        ones16 = jnp.ones((16,), jnp.float32)
        for k in range(8):
            ones_v[pl.ds(k * 16, 16)] = ones16
        for k in range(RPS // D):
            pltpu.sync_copy(rows[0].at[0],
                            deg_sh.at[pl.ds(base + k * D, D)])

    pltpu.sync_copy(src_hbm.at[wid, 0], sblk[0])
    pltpu.sync_copy(dst_hbm.at[wid, 0], dblk[0])
    pltpu.async_copy(src_hbm.at[wid, 1], sblk[1], sem_i[1])
    pltpu.async_copy(dst_hbm.at[wid, 1], dblk[1], sem_i[1])

    pltpu.async_copy(h_hbm.at[sblk[0].at[0]], rows[0], sem_g[0])

    plsc.subcore_barrier()

    def _outer(tt, carry):
        for p in range(2):
            t = tt * 2 + p

            @pl.when(t + 1 < NGRP)
            def _():
                nt = t + 1
                pltpu.make_async_copy(src_hbm.at[wid, nt],
                                      sblk[1 - p], sem_i[1 - p]).wait()
                pltpu.make_async_copy(dst_hbm.at[wid, nt],
                                      dblk[1 - p], sem_i[1 - p]).wait()

            for b in range(BLK):
                j = t * BLK + b
                rb = (p * BLK + b) % 2
                nrb = 1 - rb
                gq, gr = (p, b + 1) if b + 1 < BLK else (1 - p, 0)

                @pl.when(j + 1 < NCHUNK)
                def _():
                    pltpu.async_copy(h_hbm.at[sblk[gq].at[gr]], rows[nrb],
                                     sem_g[nrb])

                pltpu.make_async_copy(h_hbm.at[sblk[p].at[b]], rows[rb],
                                      sem_g[rb]).wait()
                pltpu.sync_copy(rows[rb], acc.at[dblk[p].at[b]], add=True)
                if with_deg:
                    pltpu.sync_copy(ones_v.at[pl.ds(0, CHUNK)],
                                    deg_sh.at[dblk[p].at[b]], add=True)

            @pl.when(t + 2 < NGRP)
            def _():
                nt2 = t + 2
                pltpu.async_copy(src_hbm.at[wid, nt2], sblk[p], sem_i[p])
                pltpu.async_copy(dst_hbm.at[wid, nt2], dblk[p], sem_i[p])
        return carry
    lax.fori_loop(0, NGRP // 2, _outer, 0)

    plsc.subcore_barrier()

    pltpu.sync_copy(acc.at[pl.ds(base, RPS)],
                    out_hbm.at[cid, pl.ds(base, RPS)])
    if with_deg:
        pltpu.sync_copy(deg_sh.at[pl.ds(base, RPS)],
                        deg_hbm.at[cid, pl.ds(base, RPS)])


def _make_agg(with_deg):
    mesh = plsc.VectorSubcoreMesh(core_axis_name="c", subcore_axis_name="s")
    out_type = [jax.ShapeDtypeStruct((NC, N_PAD, D), jnp.float32)]
    scratch = [pltpu.VMEM((BLK, CHUNK), jnp.int32) for _ in range(4)]
    scratch += [pltpu.VMEM((CHUNK, D), jnp.float32) for _ in range(2)]
    scratch += [pltpu.SemaphoreType.DMA for _ in range(4)]
    scratch.append(pltpu.VMEM_SHARED((N_PAD, D), jnp.float32))
    if with_deg:
        out_type.append(jax.ShapeDtypeStruct((NC, N_PAD), jnp.float32))
        scratch.append(pltpu.VMEM((128,), jnp.float32))
        scratch.append(pltpu.VMEM_SHARED((N_PAD,), jnp.float32))

        def body(h, src, dst, out, deg, *rest):
            _split(True, h, src, dst, out, deg, rest)
    else:
        def body(h, src, dst, out, *rest):
            _split(False, h, src, dst, out, None, rest)

    def _split(wd, h, src, dst, out, deg, rest):
        sblk = rest[0:2]
        dblk = rest[2:4]
        rows = rest[4:6]
        sem_g = rest[6:8]
        sem_i = rest[8:10]
        acc = rest[10]
        ones_v = rest[11] if wd else None
        deg_sh = rest[12] if wd else None
        _agg_body(wd, h, src, dst, out, deg, sblk, dblk, rows, sem_g,
                  sem_i, acc, ones_v, deg_sh)

    out_type = tuple(out_type) if with_deg else out_type[0]
    return pl.kernel(body, out_type=out_type, mesh=mesh,
                     scratch_types=tuple(scratch))


_agg_deg = _make_agg(True)
_agg = _make_agg(False)


def _layer_body(p_ref, degp_ref, x_ref, wl_ref, wr_ref, b_ref, o_ref):
    deg = jnp.sum(degp_ref[...], axis=0)
    inv = 1.0 / jnp.maximum(deg, 1.0)
    mean = (p_ref[0] + p_ref[1]) * inv[:, None]
    h = jnp.dot(mean, wl_ref[...]) + jnp.dot(x_ref[...], wr_ref[...]) + b_ref[...]
    o_ref[...] = jnp.maximum(h, 0.0)


def _layer(partials, deg_parts, x, wl, wr, b):
    return pl.pallas_call(
        _layer_body,
        grid=(NB,),
        in_specs=[
            pl.BlockSpec((NC, R, D), lambda i: (0, i, 0)),
            pl.BlockSpec((NC, R), lambda i: (0, i)),
            pl.BlockSpec((R, D), lambda i: (i, 0)),
            pl.BlockSpec((D, D), lambda i: (0, 0)),
            pl.BlockSpec((D, D), lambda i: (0, 0)),
            pl.BlockSpec((1, D), lambda i: (0, 0)),
        ],
        out_specs=pl.BlockSpec((R, D), lambda i: (i, 0)),
        out_shape=jax.ShapeDtypeStruct((N_PAD, D), jnp.float32),
    )(partials, deg_parts, x, wl, wr, b)


def _final_body(p_ref, degp_ref, h_ref, wl_ref, wr_ref, b_ref, batch_ref,
                w1_ref, b1_ref, w2_ref, b2_ref, o_ref, pool_scr, cnt_scr):
    i = pl.program_id(0)
    deg = jnp.sum(degp_ref[...], axis=0)
    inv = 1.0 / jnp.maximum(deg, 1.0)
    mean = (p_ref[0] + p_ref[1]) * inv[:, None]
    h3 = jnp.maximum(
        jnp.dot(mean, wl_ref[...]) + jnp.dot(h_ref[...], wr_ref[...])
        + b_ref[...], 0.0)
    bvec = batch_ref[0, 0, :]
    oh = (bvec[None, :] == lax.broadcasted_iota(jnp.int32, (G, R), 0)
          ).astype(jnp.float32)
    pool_upd = jnp.dot(oh, h3)
    cnt_upd = jnp.sum(oh, axis=1)[None, :]

    @pl.when(i == 0)
    def _():
        pool_scr[...] = pool_upd
        cnt_scr[...] = cnt_upd

    @pl.when(i > 0)
    def _():
        pool_scr[...] += pool_upd
        cnt_scr[...] += cnt_upd

    @pl.when(i == NB - 1)
    def _():
        pooled = pool_scr[...] / jnp.maximum(cnt_scr[0, :], 1.0)[:, None]
        z = jnp.maximum(jnp.dot(pooled, w1_ref[...]) + b1_ref[...], 0.0)
        logits = jnp.dot(z, w2_ref[...]) + b2_ref[...]
        m = jnp.max(logits, axis=-1, keepdims=True)
        s = jnp.log(jnp.sum(jnp.exp(logits - m), axis=-1, keepdims=True))
        o_ref[...] = logits - m - s


def _final(partials, deg_parts, h, wl, wr, b, batch3d, w1, b1, w2, b2):
    return pl.pallas_call(
        _final_body,
        grid=(NB,),
        in_specs=[
            pl.BlockSpec((NC, R, D), lambda i: (0, i, 0)),
            pl.BlockSpec((NC, R), lambda i: (0, i)),
            pl.BlockSpec((R, D), lambda i: (i, 0)),
            pl.BlockSpec((D, D), lambda i: (0, 0)),
            pl.BlockSpec((D, D), lambda i: (0, 0)),
            pl.BlockSpec((1, D), lambda i: (0, 0)),
            pl.BlockSpec((1, 1, R), lambda i: (i, 0, 0)),
            pl.BlockSpec((D, D), lambda i: (0, 0)),
            pl.BlockSpec((1, D), lambda i: (0, 0)),
            pl.BlockSpec((D, CLS), lambda i: (0, 0)),
            pl.BlockSpec((1, CLS), lambda i: (0, 0)),
        ],
        out_specs=pl.BlockSpec((G, CLS), lambda i: (0, 0)),
        out_shape=jax.ShapeDtypeStruct((G, CLS), jnp.float32),
        scratch_shapes=[
            pltpu.VMEM((G, D), jnp.float32),
            pltpu.VMEM((1, G), jnp.float32),
        ],
    )(partials, deg_parts, h, wl, wr, b, batch3d, w1, b1, w2, b2)


def kernel(x, edge_index, batch, Wl1, Wr1, b1, Wl2, Wr2, b2, Wl3, Wr3, b3,
           W_lin1, b_lin1, W_lin2, b_lin2):
    srcr = edge_index[0].reshape(NW, NGRP, BLK, CHUNK)
    dstr = edge_index[1].reshape(NW, NGRP, BLK, CHUNK)
    x_pad = jnp.pad(x, ((0, N_PAD - N), (0, 0)))
    batch3d = jnp.pad(batch, (0, N_PAD - N), constant_values=G
                      ).reshape(NB, 1, R)

    agg1, degp = _agg_deg(x_pad, srcr, dstr)
    h1 = _layer(agg1, degp, x_pad, Wl1, Wr1, b1.reshape(1, D))
    agg2 = _agg(h1, srcr, dstr)
    h2 = _layer(agg2, degp, h1, Wl2, Wr2, b2.reshape(1, D))
    agg3 = _agg(h2, srcr, dstr)
    return _final(agg3, degp, h2, Wl3, Wr3, b3.reshape(1, D), batch3d,
                  W_lin1, b_lin1.reshape(1, D), W_lin2, b_lin2.reshape(1, CLS))

# --- scband reference (transcript-rebuilt; emitter-appended) ---
"""Pipeline reference for scband-graph-sage-16192026706591 (READ-ONLY COPY).

The authoritative reference and input builder live on the scoring server;
editing this copy changes nothing except your own understanding.
"""

import jax, jax.numpy as jnp
import numpy as np

N = 10000
E = 320000
D = 128
H = 128
C = 64
G = 64


def setup_inputs(seed: int = 0) -> dict:
    key = jax.random.key(seed)
    ks = jax.random.split(key, 20)
    x = jax.random.normal(ks[0], (N, D), dtype=jnp.float32)
    edge_index = jax.random.randint(ks[1], (2, E), 0, N, dtype=jnp.int32)
    batch = jnp.sort(jax.random.randint(ks[2], (N,), 0, G, dtype=jnp.int32))
    def lin(k, fan_in, fan_out):
        s = 1.0 / np.sqrt(fan_in)
        return jax.random.uniform(k, (fan_in, fan_out), jnp.float32, -s, s)
    inp = {
        'x': x,
        'edge_index': edge_index,
        'batch': batch,
        'Wl1': lin(ks[3], D, H), 'Wr1': lin(ks[4], D, H), 'b1': jnp.zeros((H,), jnp.float32),
        'Wl2': lin(ks[5], H, H), 'Wr2': lin(ks[6], H, H), 'b2': jnp.zeros((H,), jnp.float32),
        'Wl3': lin(ks[7], H, H), 'Wr3': lin(ks[8], H, H), 'b3': jnp.zeros((H,), jnp.float32),
        'W_lin1': lin(ks[9], H, H), 'b_lin1': jnp.zeros((H,), jnp.float32),
        'W_lin2': lin(ks[10], H, C), 'b_lin2': jnp.zeros((C,), jnp.float32),
    }
    return inp


def _sage_conv(x, edge_index, Wl, Wr, b, num_nodes):
    # PyG SAGEConv (mean aggregation): out = lin_l(mean_j x_j) + lin_r(x)
    src = edge_index[0]
    dst = edge_index[1]
    msg = jnp.take(x, src, axis=0)
    agg = jax.ops.segment_sum(msg, dst, num_segments=num_nodes)
    deg = jax.ops.segment_sum(jnp.ones((msg.shape[0], 1), x.dtype), dst, num_segments=num_nodes)
    mean = agg / jnp.clip(deg, 1.0)
    return mean @ Wl + b + x @ Wr


def reference(x, edge_index, batch, Wl1, Wr1, b1, Wl2, Wr2, b2, Wl3, Wr3, b3, W_lin1, b_lin1, W_lin2, b_lin2):
    n = x.shape[0]
    h = jax.nn.relu(_sage_conv(x, edge_index, Wl1, Wr1, b1, n))
    h = jax.nn.relu(_sage_conv(h, edge_index, Wl2, Wr2, b2, n))
    h = jax.nn.relu(_sage_conv(h, edge_index, Wl3, Wr3, b3, n))
    # global mean pool over graphs
    summed = jax.ops.segment_sum(h, batch, num_segments=G)
    counts = jax.ops.segment_sum(jnp.ones((n, 1), h.dtype), batch, num_segments=G)
    pooled = summed / jnp.clip(counts, 1.0)
    h2 = jax.nn.relu(pooled @ W_lin1 + b_lin1)
    # dropout is identity in eval mode
    logits = h2 @ W_lin2 + b_lin2
    return jax.nn.log_softmax(logits, axis=-1)

if __name__ == "__main__":
    import jax
    _d = setup_inputs()
    print(jax.jit(kernel)(*tuple(_d.values())))

</pallas_src>

<mosaic_0001>
#map = affine_map<(d0, d1) -> (0, 0)>
#map1 = affine_map<(d0, d1) -> (0, 0, 0, 0)>
#map2 = affine_map<(d0, d1) -> (0, 0, 0)>
module attributes {stable_mosaic.version = 14 : i64} {
  func.func @body(%arg0: i32, %arg1: i32, %arg2: memref<10240x128xf32, #tpu.memory_space<hbm>>, %arg3: memref<32x16x5x125xi32, #tpu.memory_space<hbm>>, %arg4: memref<32x16x5x125xi32, #tpu.memory_space<hbm>>, %arg5: memref<2x10240x128xf32, #tpu.memory_space<hbm>>, %arg6: memref<2x10240xf32, #tpu.memory_space<hbm>>, %arg7: memref<5x125xi32, #tpu.memory_space<vmem>>, %arg8: memref<5x125xi32, #tpu.memory_space<vmem>>, %arg9: memref<5x125xi32, #tpu.memory_space<vmem>>, %arg10: memref<5x125xi32, #tpu.memory_space<vmem>>, %arg11: memref<125x128xf32, #tpu.memory_space<vmem>>, %arg12: memref<125x128xf32, #tpu.memory_space<vmem>>, %arg13: memref<!tpu.dma_semaphore, #tpu.memory_space<semaphore_mem>>, %arg14: memref<!tpu.dma_semaphore, #tpu.memory_space<semaphore_mem>>, %arg15: memref<!tpu.dma_semaphore, #tpu.memory_space<semaphore_mem>>, %arg16: memref<!tpu.dma_semaphore, #tpu.memory_space<semaphore_mem>>, %arg17: memref<10240x128xf32, #tpu.memory_space<vmem_shared>>, %arg18: memref<128xf32, #tpu.memory_space<vmem>>, %arg19: memref<10240xf32, #tpu.memory_space<vmem_shared>>) attributes {dimension_semantics = [#tpu.dimension_semantics<core_parallel>, #tpu.dimension_semantics<subcore_parallel>], iteration_bounds = array<i64: 2, 16>, scalar_prefetch = 0 : i64, scratch_operands = 13 : i64, tpu.core_type = #tpu.core_type<sc_vector_subcore>, window_params = [{transform_indices = #map}, {transform_indices = #map1}, {transform_indices = #map1}, {transform_indices = #map2}, {transform_indices = #map}]} {
    %mul3A = arith.constant 2 : i32
    %mul3A_0 = arith.muli %arg1, %mul3A : i32
    %add3A = arith.addi %mul3A_0, %arg0 : i32
    %broadcast_in_dim3A = arith.constant 0.000000e+00 : f32
    %broadcast_in_dim3A_1 = vector.broadcast %broadcast_in_dim3A : f32 to vector<16xf32>
    %scan3A = arith.constant 0 : i32
    %scan3A_2 = arith.constant 0 : i32
    %scan3A_3 = arith.constant 125 : i32
    %scan3A_4 = arith.addi %scan3A_2, %scan3A_3 : i32
    %scan3A_5 = arith.constant 1 : i32
    scf.for %scan3A_102 = %scan3A_2 to %scan3A_4 step %scan3A_5  : i32 {
      %swap3A_103 = arith.index_cast %scan3A_102 : i32 to index
      %swap3A_104 = arith.constant 0 : index
      %swap3A_105 = tpu.vector_load %arg11[%swap3A_103, %swap3A_104] {strides = array<i32>} : memref<125x128xf32, #tpu.memory_space<vmem>>, vector<1x16xf32>,
      %swap3A_106 = vector.shape_cast %swap3A_105 : vector<1x16xf32> to vector<16xf32>
      %swap3A_107 = vector.shape_cast %broadcast_in_dim3A_1 : vector<16xf32> to vector<1x16xf32>
      tpu.vector_store %arg11[%swap3A_103, %swap3A_104], %swap3A_107 {strides = array<i32>} : memref<125x128xf32, #tpu.memory_space<vmem>>, vector<1x16xf32>,
      %swap3A_108 = arith.index_cast %scan3A_102 : i32 to index
      %swap3A_109 = arith.constant 16 : index
      %swap3A_110 = tpu.vector_load %arg11[%swap3A_108, %swap3A_109] {strides = array<i32>} : memref<125x128xf32, #tpu.memory_space<vmem>>, vector<1x16xf32>,
      %swap3A_111 = vector.shape_cast %swap3A_110 : vector<1x16xf32> to vector<16xf32>
      %swap3A_112 = vector.shape_cast %broadcast_in_dim3A_1 : vector<16xf32> to vector<1x16xf32>
      tpu.vector_store %arg11[%swap3A_108, %swap3A_109], %swap3A_112 {strides = array<i32>} : memref<125x128xf32, #tpu.memory_space<vmem>>, vector<1x16xf32>,
      %swap3A_113 = arith.index_cast %scan3A_102 : i32 to index
      %swap3A_114 = arith.constant 32 : index
      %swap3A_115 = tpu.vector_load %arg11[%swap3A_113, %swap3A_114] {strides = array<i32>} : memref<125x128xf32, #tpu.memory_space<vmem>>, vector<1x16xf32>,
      %swap3A_116 = vector.shape_cast %swap3A_115 : vector<1x16xf32> to vector<16xf32>
      %swap3A_117 = vector.shape_cast %broadcast_in_dim3A_1 : vector<16xf32> to vector<1x16xf32>
      tpu.vector_store %arg11[%swap3A_113, %swap3A_114], %swap3A_117 {strides = array<i32>} : memref<125x128xf32, #tpu.memory_space<vmem>>, vector<1x16xf32>,
      %swap3A_118 = arith.index_cast %scan3A_102 : i32 to index
      %swap3A_119 = arith.constant 48 : index
      %swap3A_120 = tpu.vector_load %arg11[%swap3A_118, %swap3A_119] {strides = array<i32>} : memref<125x128xf32, #tpu.memory_space<vmem>>, vector<1x16xf32>,
      %swap3A_121 = vector.shape_cast %swap3A_120 : vector<1x16xf32> to vector<16xf32>
      %swap3A_122 = vector.shape_cast %broadcast_in_dim3A_1 : vector<16xf32> to vector<1x16xf32>
      tpu.vector_store %arg11[%swap3A_118, %swap3A_119], %swap3A_122 {strides = array<i32>} : memref<125x128xf32, #tpu.memory_space<vmem>>, vector<1x16xf32>,
      %swap3A_123 = arith.index_cast %scan3A_102 : i32 to index
      %swap3A_124 = arith.constant 64 : index
      %swap3A_125 = tpu.vector_load %arg11[%swap3A_123, %swap3A_124] {strides = array<i32>} : memref<125x128xf32, #tpu.memory_space<vmem>>, vector<1x16xf32>,
      %swap3A_126 = vector.shape_cast %swap3A_125 : vector<1x16xf32> to vector<16xf32>
      %swap3A_127 = vector.shape_cast %broadcast_in_dim3A_1 : vector<16xf32> to vector<1x16xf32>
      tpu.vector_store %arg11[%swap3A_123, %swap3A_124], %swap3A_127 {strides = array<i32>} : memref<125x128xf32, #tpu.memory_space<vmem>>, vector<1x16xf32>,
      %swap3A_128 = arith.index_cast %scan3A_102 : i32 to index
      %swap3A_129 = arith.constant 80 : index
      %swap3A_130 = tpu.vector_load %arg11[%swap3A_128, %swap3A_129] {strides = array<i32>} : memref<125x128xf32, #tpu.memory_space<vmem>>, vector<1x16xf32>,
      %swap3A_131 = vector.shape_cast %swap3A_130 : vector<1x16xf32> to vector<16xf32>
      %swap3A_132 = vector.shape_cast %broadcast_in_dim3A_1 : vector<16xf32> to vector<1x16xf32>
      tpu.vector_store %arg11[%swap3A_128, %swap3A_129], %swap3A_132 {strides = array<i32>} : memref<125x128xf32, #tpu.memory_space<vmem>>, vector<1x16xf32>,
      %swap3A_133 = arith.index_cast %scan3A_102 : i32 to index
      %swap3A_134 = arith.constant 96 : index
      %swap3A_135 = tpu.vector_load %arg11[%swap3A_133, %swap3A_134] {strides = array<i32>} : memref<125x128xf32, #tpu.memory_space<vmem>>, vector<1x16xf32>,
      %swap3A_136 = vector.shape_cast %swap3A_135 : vector<1x16xf32> to vector<16xf32>
      %swap3A_137 = vector.shape_cast %broadcast_in_dim3A_1 : vector<16xf32> to vector<1x16xf32>
      tpu.vector_store %arg11[%swap3A_133, %swap3A_134], %swap3A_137 {strides = array<i32>} : memref<125x128xf32, #tpu.memory_space<vmem>>, vector<1x16xf32>,
      %swap3A_138 = arith.index_cast %scan3A_102 : i32 to index
      %swap3A_139 = arith.constant 112 : index
      %swap3A_140 = tpu.vector_load %arg11[%swap3A_138, %swap3A_139] {strides = array<i32>} : memref<125x128xf32, #tpu.memory_space<vmem>>, vector<1x16xf32>,
      %swap3A_141 = vector.shape_cast %swap3A_140 : vector<1x16xf32> to vector<16xf32>
      %swap3A_142 = vector.shape_cast %broadcast_in_dim3A_1 : vector<16xf32> to vector<1x16xf32>
      tpu.vector_store %arg11[%swap3A_138, %swap3A_139], %swap3A_142 {strides = array<i32>} : memref<125x128xf32, #tpu.memory_space<vmem>>, vector<1x16xf32>,
    }
    %scan3A_6 = arith.constant 125 : i32
    %mul3A_7 = arith.constant 640 : i32
    %mul3A_8 = arith.muli %arg1, %mul3A_7 : i32
    %add3A_9 = arith.constant 0 : i32
    %add3A_10 = arith.addi %mul3A_8, %add3A_9 : i32
    "tpu.region"() ({
      %run_scoped3A_102 = tpu.sem_alloc : memref<!tpu.dma_semaphore, #tpu.memory_space<semaphore_mem>>
      %dma_start3A_103 = arith.constant 0 : i32
      %dma_start3A_104 = tpu.memref_slice %arg17[%add3A_10, %dma_start3A_103] : memref<10240x128xf32, #tpu.memory_space<vmem_shared>> -> memref<125x128xf32, #tpu.memory_space<vmem_shared>>
      %dma_start3A_105 = arith.constant 0 : i32
      %dma_start3A_106 = tpu.memref_slice %arg17[%add3A_10, %dma_start3A_105] : memref<10240x128xf32, #tpu.memory_space<vmem_shared>> -> memref<125x128xf32, #tpu.memory_space<vmem_shared>>
      tpu.enqueue_dma source(%arg11 : memref<125x128xf32, #tpu.memory_space<vmem>>) target(%dma_start3A_106 : memref<125x128xf32, #tpu.memory_space<vmem_shared>>) target_semaphore(%run_scoped3A_102 : memref<!tpu.dma_semaphore, #tpu.memory_space<semaphore_mem>>)
      %dma_wait3A = arith.constant 0 : i32
      %dma_wait3A_107 = tpu.memref_slice %arg17[%add3A_10, %dma_wait3A] : memref<10240x128xf32, #tpu.memory_space<vmem_shared>> -> memref<125x128xf32, #tpu.memory_space<vmem_shared>>
      %dma_wait3A_108 = arith.constant 0 : i32
      %dma_wait3A_109 = tpu.memref_slice %arg17[%add3A_10, %dma_wait3A_108] : memref<10240x128xf32, #tpu.memory_space<vmem_shared>> -> memref<125x128xf32, #tpu.memory_space<vmem_shared>>
      tpu.wait_dma2 semaphore(%run_scoped3A_102 : memref<!tpu.dma_semaphore, #tpu.memory_space<semaphore_mem>>) src(%arg11 : memref<125x128xf32, #tpu.memory_space<vmem>>) dst(%dma_wait3A_109 : memref<125x128xf32, #tpu.memory_space<vmem_shared>>)
      tpu.yield
    }) : () -> ()
    %add3A_11 = arith.constant 125 : i32
    %add3A_12 = arith.addi %mul3A_8, %add3A_11 : i32
    "tpu.region"() ({
      %run_scoped3A_102 = tpu.sem_alloc : memref<!tpu.dma_semaphore, #tpu.memory_space<semaphore_mem>>
      %dma_start3A_103 = arith.constant 0 : i32
      %dma_start3A_104 = tpu.memref_slice %arg17[%add3A_12, %dma_start3A_103] : memref<10240x128xf32, #tpu.memory_space<vmem_shared>> -> memref<125x128xf32, #tpu.memory_space<vmem_shared>>
      %dma_start3A_105 = arith.constant 0 : i32
      %dma_start3A_106 = tpu.memref_slice %arg17[%add3A_12, %dma_start3A_105] : memref<10240x128xf32, #tpu.memory_space<vmem_shared>> -> memref<125x128xf32, #tpu.memory_space<vmem_shared>>
      tpu.enqueue_dma source(%arg11 : memref<125x128xf32, #tpu.memory_space<vmem>>) target(%dma_start3A_106 : memref<125x128xf32, #tpu.memory_space<vmem_shared>>) target_semaphore(%run_scoped3A_102 : memref<!tpu.dma_semaphore, #tpu.memory_space<semaphore_mem>>)
      %dma_wait3A = arith.constant 0 : i32
      %dma_wait3A_107 = tpu.memref_slice %arg17[%add3A_12, %dma_wait3A] : memref<10240x128xf32, #tpu.memory_space<vmem_shared>> -> memref<125x128xf32, #tpu.memory_space<vmem_shared>>
      %dma_wait3A_108 = arith.constant 0 : i32
      %dma_wait3A_109 = tpu.memref_slice %arg17[%add3A_12, %dma_wait3A_108] : memref<10240x128xf32, #tpu.memory_space<vmem_shared>> -> memref<125x128xf32, #tpu.memory_space<vmem_shared>>
      tpu.wait_dma2 semaphore(%run_scoped3A_102 : memref<!tpu.dma_semaphore, #tpu.memory_space<semaphore_mem>>) src(%arg11 : memref<125x128xf32, #tpu.memory_space<vmem>>) dst(%dma_wait3A_109 : memref<125x128xf32, #tpu.memory_space<vmem_shared>>)
      tpu.yield
    }) : () -> ()
    %add3A_13 = arith.constant 250 : i32
    %add3A_14 = arith.addi %mul3A_8, %add3A_13 : i32
    "tpu.region"() ({
      %run_scoped3A_102 = tpu.sem_alloc : memref<!tpu.dma_semaphore, #tpu.memory_space<semaphore_mem>>
      %dma_start3A_103 = arith.constant 0 : i32
      %dma_start3A_104 = tpu.memref_slice %arg17[%add3A_14, %dma_start3A_103] : memref<10240x128xf32, #tpu.memory_space<vmem_shared>> -> memref<125x128xf32, #tpu.memory_space<vmem_shared>>
      %dma_start3A_105 = arith.constant 0 : i32
      %dma_start3A_106 = tpu.memref_slice %arg17[%add3A_14, %dma_start3A_105] : memref<10240x128xf32, #tpu.memory_space<vmem_shared>> -> memref<125x128xf32, #tpu.memory_space<vmem_shared>>
      tpu.enqueue_dma source(%arg11 : memref<125x128xf32, #tpu.memory_space<vmem>>) target(%dma_start3A_106 : memref<125x128xf32, #tpu.memory_space<vmem_shared>>) target_semaphore(%run_scoped3A_102 : memref<!tpu.dma_semaphore, #tpu.memory_space<semaphore_mem>>)
      %dma_wait3A = arith.constant 0 : i32
      %dma_wait3A_107 = tpu.memref_slice %arg17[%add3A_14, %dma_wait3A] : memref<10240x128xf32, #tpu.memory_space<vmem_shared>> -> memref<125x128xf32, #tpu.memory_space<vmem_shared>>
      %dma_wait3A_108 = arith.constant 0 : i32
      %dma_wait3A_109 = tpu.memref_slice %arg17[%add3A_14, %dma_wait3A_108] : memref<10240x128xf32, #tpu.memory_space<vmem_shared>> -> memref<125x128xf32, #tpu.memory_space<vmem_shared>>
      tpu.wait_dma2 semaphore(%run_scoped3A_102 : memref<!tpu.dma_semaphore, #tpu.memory_space<semaphore_mem>>) src(%arg11 : memref<125x128xf32, #tpu.memory_space<vmem>>) dst(%dma_wait3A_109 : memref<125x128xf32, #tpu.memory_space<vmem_shared>>)
      tpu.yield
    }) : () -> ()
    %add3A_15 = arith.constant 375 : i32
    %add3A_16 = arith.addi %mul3A_8, %add3A_15 : i32
    "tpu.region"() ({
      %run_scoped3A_102 = tpu.sem_alloc : memref<!tpu.dma_semaphore, #tpu.memory_space<semaphore_mem>>
      %dma_start3A_103 = arith.constant 0 : i32
      %dma_start3A_104 = tpu.memref_slice %arg17[%add3A_16, %dma_start3A_103] : memref<10240x128xf32, #tpu.memory_space<vmem_shared>> -> memref<125x128xf32, #tpu.memory_space<vmem_shared>>
      %dma_start3A_105 = arith.constant 0 : i32
      %dma_start3A_106 = tpu.memref_slice %arg17[%add3A_16, %dma_start3A_105] : memref<10240x128xf32, #tpu.memory_space<vmem_shared>> -> memref<125x128xf32, #tpu.memory_space<vmem_shared>>
      tpu.enqueue_dma source(%arg11 : memref<125x128xf32, #tpu.memory_space<vmem>>) target(%dma_start3A_106 : memref<125x128xf32, #tpu.memory_space<vmem_shared>>) target_semaphore(%run_scoped3A_102 : memref<!tpu.dma_semaphore, #tpu.memory_space<semaphore_mem>>)
      %dma_wait3A = arith.constant 0 : i32
      %dma_wait3A_107 = tpu.memref_slice %arg17[%add3A_16, %dma_wait3A] : memref<10240x128xf32, #tpu.memory_space<vmem_shared>> -> memref<125x128xf32, #tpu.memory_space<vmem_shared>>
      %dma_wait3A_108 = arith.constant 0 : i32
      %dma_wait3A_109 = tpu.memref_slice %arg17[%add3A_16, %dma_wait3A_108] : memref<10240x128xf32, #tpu.memory_space<vmem_shared>> -> memref<125x128xf32, #tpu.memory_space<vmem_shared>>
      tpu.wait_dma2 semaphore(%run_scoped3A_102 : memref<!tpu.dma_semaphore, #tpu.memory_space<semaphore_mem>>) src(%arg11 : memref<125x128xf32, #tpu.memory_space<vmem>>) dst(%dma_wait3A_109 : memref<125x128xf32, #tpu.memory_space<vmem_shared>>)
      tpu.yield
    }) : () -> ()
    %add3A_17 = arith.constant 500 : i32
    %add3A_18 = arith.addi %mul3A_8, %add3A_17 : i32
    "tpu.region"() ({
      %run_scoped3A_102 = tpu.sem_alloc : memref<!tpu.dma_semaphore, #tpu.memory_space<semaphore_mem>>
      %dma_start3A_103 = arith.constant 0 : i32
      %dma_start3A_104 = tpu.memref_slice %arg17[%add3A_18, %dma_start3A_103] : memref<10240x128xf32, #tpu.memory_space<vmem_shared>> -> memref<125x128xf32, #tpu.memory_space<vmem_shared>>
      %dma_start3A_105 = arith.constant 0 : i32
      %dma_start3A_106 = tpu.memref_slice %arg17[%add3A_18, %dma_start3A_105] : memref<10240x128xf32, #tpu.memory_space<vmem_shared>> -> memref<125x128xf32, #tpu.memory_space<vmem_shared>>
      tpu.enqueue_dma source(%arg11 : memref<125x128xf32, #tpu.memory_space<vmem>>) target(%dma_start3A_106 : memref<125x128xf32, #tpu.memory_space<vmem_shared>>) target_semaphore(%run_scoped3A_102 : memref<!tpu.dma_semaphore, #tpu.memory_space<semaphore_mem>>)
      %dma_wait3A = arith.constant 0 : i32
      %dma_wait3A_107 = tpu.memref_slice %arg17[%add3A_18, %dma_wait3A] : memref<10240x128xf32, #tpu.memory_space<vmem_shared>> -> memref<125x128xf32, #tpu.memory_space<vmem_shared>>
      %dma_wait3A_108 = arith.constant 0 : i32
      %dma_wait3A_109 = tpu.memref_slice %arg17[%add3A_18, %dma_wait3A_108] : memref<10240x128xf32, #tpu.memory_space<vmem_shared>> -> memref<125x128xf32, #tpu.memory_space<vmem_shared>>
      tpu.wait_dma2 semaphore(%run_scoped3A_102 : memref<!tpu.dma_semaphore, #tpu.memory_space<semaphore_mem>>) src(%arg11 : memref<125x128xf32, #tpu.memory_space<vmem>>) dst(%dma_wait3A_109 : memref<125x128xf32, #tpu.memory_space<vmem_shared>>)
      tpu.yield
    }) : () -> ()
    %add3A_19 = arith.constant 640 : i32
    %add3A_20 = arith.addi %mul3A_8, %add3A_19 : i32
    %sub3A = arith.constant 15 : i32
    %sub3A_21 = arith.subi %add3A_20, %sub3A : i32
    "tpu.region"() ({
      %run_scoped3A_102 = tpu.sem_alloc : memref<!tpu.dma_semaphore, #tpu.memory_space<semaphore_mem>>
      %dma_start3A_103 = arith.constant 0 : i32
      %dma_start3A_104 = arith.constant 0 : i32
      %dma_start3A_105 = tpu.memref_slice %arg11[%dma_start3A_103, %dma_start3A_104] : memref<125x128xf32, #tpu.memory_space<vmem>> -> memref<15x128xf32, #tpu.memory_space<vmem>>
      %dma_start3A_106 = arith.constant 0 : i32
      %dma_start3A_107 = tpu.memref_slice %arg17[%sub3A_21, %dma_start3A_106] : memref<10240x128xf32, #tpu.memory_space<vmem_shared>> -> memref<15x128xf32, #tpu.memory_space<vmem_shared>>
      %dma_start3A_108 = arith.constant 0 : i32
      %dma_start3A_109 = tpu.memref_slice %arg17[%sub3A_21, %dma_start3A_108] : memref<10240x128xf32, #tpu.memory_space<vmem_shared>> -> memref<15x128xf32, #tpu.memory_space<vmem_shared>>
      %dma_start3A_110 = arith.constant 0 : i32
      %dma_start3A_111 = arith.constant 0 : i32
      %dma_start3A_112 = tpu.memref_slice %arg11[%dma_start3A_110, %dma_start3A_111] : memref<125x128xf32, #tpu.memory_space<vmem>> -> memref<15x128xf32, #tpu.memory_space<vmem>>
      tpu.enqueue_dma source(%dma_start3A_112 : memref<15x128xf32, #tpu.memory_space<vmem>>) target(%dma_start3A_109 : memref<15x128xf32, #tpu.memory_space<vmem_shared>>) target_semaphore(%run_scoped3A_102 : memref<!tpu.dma_semaphore, #tpu.memory_space<semaphore_mem>>)
      %dma_wait3A = arith.constant 0 : i32
      %dma_wait3A_113 = arith.constant 0 : i32
      %dma_wait3A_114 = tpu.memref_slice %arg11[%dma_wait3A, %dma_wait3A_113] : memref<125x128xf32, #tpu.memory_space<vmem>> -> memref<15x128xf32, #tpu.memory_space<vmem>>
      %dma_wait3A_115 = arith.constant 0 : i32
      %dma_wait3A_116 = tpu.memref_slice %arg17[%sub3A_21, %dma_wait3A_115] : memref<10240x128xf32, #tpu.memory_space<vmem_shared>> -> memref<15x128xf32, #tpu.memory_space<vmem_shared>>
      %dma_wait3A_117 = arith.constant 0 : i32
      %dma_wait3A_118 = tpu.memref_slice %arg17[%sub3A_21, %dma_wait3A_117] : memref<10240x128xf32, #tpu.memory_space<vmem_shared>> -> memref<15x128xf32, #tpu.memory_space<vmem_shared>>
      %dma_wait3A_119 = arith.constant 0 : i32
      %dma_wait3A_120 = arith.constant 0 : i32
      %dma_wait3A_121 = tpu.memref_slice %arg11[%dma_wait3A_119, %dma_wait3A_120] : memref<125x128xf32, #tpu.memory_space<vmem>> -> memref<15x128xf32, #tpu.memory_space<vmem>>
      tpu.wait_dma2 semaphore(%run_scoped3A_102 : memref<!tpu.dma_semaphore, #tpu.memory_space<semaphore_mem>>) src(%dma_wait3A_121 : memref<15x128xf32, #tpu.memory_space<vmem>>) dst(%dma_wait3A_118 : memref<15x128xf32, #tpu.memory_space<vmem_shared>>)
      tpu.yield
    }) : () -> ()
    %broadcast_in_dim3A_22 = arith.constant 1.000000e+00 : f32
    %broadcast_in_dim3A_23 = vector.broadcast %broadcast_in_dim3A_22 : f32 to vector<16xf32>
    %swap3A = arith.constant 0 : index
    %swap3A_24 = tpu.vector_load %arg18[%swap3A] {strides = array<i32>} : memref<128xf32, #tpu.memory_space<vmem>>, vector<16xf32>,
    %swap3A_25 = vector.shape_cast %swap3A_24 : vector<16xf32> to vector<16xf32>
    %swap3A_26 = vector.shape_cast %broadcast_in_dim3A_23 : vector<16xf32> to vector<16xf32>
    tpu.vector_store %arg18[%swap3A], %swap3A_26 {strides = array<i32>} : memref<128xf32, #tpu.memory_space<vmem>>, vector<16xf32>,
    %swap3A_27 = arith.constant 16 : index
    %swap3A_28 = tpu.vector_load %arg18[%swap3A_27] {strides = array<i32>} : memref<128xf32, #tpu.memory_space<vmem>>, vector<16xf32>,
    %swap3A_29 = vector.shape_cast %swap3A_28 : vector<16xf32> to vector<16xf32>
    %swap3A_30 = vector.shape_cast %broadcast_in_dim3A_23 : vector<16xf32> to vector<16xf32>
    tpu.vector_store %arg18[%swap3A_27], %swap3A_30 {strides = array<i32>} : memref<128xf32, #tpu.memory_space<vmem>>, vector<16xf32>,
    %swap3A_31 = arith.constant 32 : index
    %swap3A_32 = tpu.vector_load %arg18[%swap3A_31] {strides = array<i32>} : memref<128xf32, #tpu.memory_space<vmem>>, vector<16xf32>,
    %swap3A_33 = vector.shape_cast %swap3A_32 : vector<16xf32> to vector<16xf32>
    %swap3A_34 = vector.shape_cast %broadcast_in_dim3A_23 : vector<16xf32> to vector<16xf32>
    tpu.vector_store %arg18[%swap3A_31], %swap3A_34 {strides = array<i32>} : memref<128xf32, #tpu.memory_space<vmem>>, vector<16xf32>,
    %swap3A_35 = arith.constant 48 : index
    %swap3A_36 = tpu.vector_load %arg18[%swap3A_35] {strides = array<i32>} : memref<128xf32, #tpu.memory_space<vmem>>, vector<16xf32>,
    %swap3A_37 = vector.shape_cast %swap3A_36 : vector<16xf32> to vector<16xf32>
    %swap3A_38 = vector.shape_cast %broadcast_in_dim3A_23 : vector<16xf32> to vector<16xf32>
    tpu.vector_store %arg18[%swap3A_35], %swap3A_38 {strides = array<i32>} : memref<128xf32, #tpu.memory_space<vmem>>, vector<16xf32>,
    %swap3A_39 = arith.constant 64 : index
    %swap3A_40 = tpu.vector_load %arg18[%swap3A_39] {strides = array<i32>} : memref<128xf32, #tpu.memory_space<vmem>>, vector<16xf32>,
    %swap3A_41 = vector.shape_cast %swap3A_40 : vector<16xf32> to vector<16xf32>
    %swap3A_42 = vector.shape_cast %broadcast_in_dim3A_23 : vector<16xf32> to vector<16xf32>
    tpu.vector_store %arg18[%swap3A_39], %swap3A_42 {strides = array<i32>} : memref<128xf32, #tpu.memory_space<vmem>>, vector<16xf32>,
    %swap3A_43 = arith.constant 80 : index
    %swap3A_44 = tpu.vector_load %arg18[%swap3A_43] {strides = array<i32>} : memref<128xf32, #tpu.memory_space<vmem>>, vector<16xf32>,
    %swap3A_45 = vector.shape_cast %swap3A_44 : vector<16xf32> to vector<16xf32>
    %swap3A_46 = vector.shape_cast %broadcast_in_dim3A_23 : vector<16xf32> to vector<16xf32>
    tpu.vector_store %arg18[%swap3A_43], %swap3A_46 {strides = array<i32>} : memref<128xf32, #tpu.memory_space<vmem>>, vector<16xf32>,
    %swap3A_47 = arith.constant 96 : index
    %swap3A_48 = tpu.vector_load %arg18[%swap3A_47] {strides = array<i32>} : memref<128xf32, #tpu.memory_space<vmem>>, vector<16xf32>,
    %swap3A_49 = vector.shape_cast %swap3A_48 : vector<16xf32> to vector<16xf32>
    %swap3A_50 = vector.shape_cast %broadcast_in_dim3A_23 : vector<16xf32> to vector<16xf32>
    tpu.vector_store %arg18[%swap3A_47], %swap3A_50 {strides = array<i32>} : memref<128xf32, #tpu.memory_space<vmem>>, vector<16xf32>,
    %swap3A_51 = arith.constant 112 : index
    %swap3A_52 = tpu.vector_load %arg18[%swap3A_51] {strides = array<i32>} : memref<128xf32, #tpu.memory_space<vmem>>, vector<16xf32>,
    %swap3A_53 = vector.shape_cast %swap3A_52 : vector<16xf32> to vector<16xf32>
    %swap3A_54 = vector.shape_cast %broadcast_in_dim3A_23 : vector<16xf32> to vector<16xf32>
    tpu.vector_store %arg18[%swap3A_51], %swap3A_54 {strides = array<i32>} : memref<128xf32, #tpu.memory_space<vmem>>, vector<16xf32>,
    %add3A_55 = arith.constant 0 : i32
    %add3A_56 = arith.addi %mul3A_8, %add3A_55 : i32
    %run_scoped3A = arith.constant 0 : i32
    "tpu.region"() ({
      %run_scoped3A_102 = tpu.sem_alloc : memref<!tpu.dma_semaphore, #tpu.memory_space<semaphore_mem>>
      %dma_start3A_103 = arith.constant 0 : i32
      %dma_start3A_104 = tpu.memref_slice %arg11[%run_scoped3A, %dma_start3A_103] : memref<125x128xf32, #tpu.memory_space<vmem>> -> memref<1x128xf32, #tpu.memory_space<vmem>>
      %dma_start3A_105 = tpu.memref_squeeze %dma_start3A_104 : memref<1x128xf32, #tpu.memory_space<vmem>> -> memref<128xf32, #tpu.memory_space<vmem>>
      %dma_start3A_106 = tpu.memref_slice %arg19[%add3A_56] : memref<10240xf32, #tpu.memory_space<vmem_shared>> -> memref<128xf32, #tpu.memory_space<vmem_shared>>
      %dma_start3A_107 = tpu.memref_slice %arg19[%add3A_56] : memref<10240xf32, #tpu.memory_space<vmem_shared>> -> memref<128xf32, #tpu.memory_space<vmem_shared>>
      %dma_start3A_108 = arith.constant 0 : i32
      %dma_start3A_109 = tpu.memref_slice %arg11[%run_scoped3A, %dma_start3A_108] : memref<125x128xf32, #tpu.memory_space<vmem>> -> memref<1x128xf32, #tpu.memory_space<vmem>>
      %dma_start3A_110 = tpu.memref_squeeze %dma_start3A_109 : memref<1x128xf32, #tpu.memory_space<vmem>> -> memref<128xf32, #tpu.memory_space<vmem>>
      tpu.enqueue_dma source(%dma_start3A_110 : memref<128xf32, #tpu.memory_space<vmem>>) target(%dma_start3A_107 : memref<128xf32, #tpu.memory_space<vmem_shared>>) target_semaphore(%run_scoped3A_102 : memref<!tpu.dma_semaphore, #tpu.memory_space<semaphore_mem>>)
      %dma_wait3A = arith.constant 0 : i32
      %dma_wait3A_111 = tpu.memref_slice %arg11[%run_scoped3A, %dma_wait3A] : memref<125x128xf32, #tpu.memory_space<vmem>> -> memref<1x128xf32, #tpu.memory_space<vmem>>
      %dma_wait3A_112 = tpu.memref_squeeze %dma_wait3A_111 : memref<1x128xf32, #tpu.memory_space<vmem>> -> memref<128xf32, #tpu.memory_space<vmem>>
      %dma_wait3A_113 = tpu.memref_slice %arg19[%add3A_56] : memref<10240xf32, #tpu.memory_space<vmem_shared>> -> memref<128xf32, #tpu.memory_space<vmem_shared>>
      %dma_wait3A_114 = tpu.memref_slice %arg19[%add3A_56] : memref<10240xf32, #tpu.memory_space<vmem_shared>> -> memref<128xf32, #tpu.memory_space<vmem_shared>>
      %dma_wait3A_115 = arith.constant 0 : i32
      %dma_wait3A_116 = tpu.memref_slice %arg11[%run_scoped3A, %dma_wait3A_115] : memref<125x128xf32, #tpu.memory_space<vmem>> -> memref<1x128xf32, #tpu.memory_space<vmem>>
      %dma_wait3A_117 = tpu.memref_squeeze %dma_wait3A_116 : memref<1x128xf32, #tpu.memory_space<vmem>> -> memref<128xf32, #tpu.memory_space<vmem>>
      tpu.wait_dma2 semaphore(%run_scoped3A_102 : memref<!tpu.dma_semaphore, #tpu.memory_space<semaphore_mem>>) src(%dma_wait3A_117 : memref<128xf32, #tpu.memory_space<vmem>>) dst(%dma_wait3A_114 : memref<128xf32, #tpu.memory_space<vmem_shared>>)
      tpu.yield
    }) : () -> ()
    %add3A_57 = arith.constant 128 : i32
    %add3A_58 = arith.addi %mul3A_8, %add3A_57 : i32
    %run_scoped3A_59 = arith.constant 0 : i32
    "tpu.region"() ({
      %run_scoped3A_102 = tpu.sem_alloc : memref<!tpu.dma_semaphore, #tpu.memory_space<semaphore_mem>>
      %dma_start3A_103 = arith.constant 0 : i32
      %dma_start3A_104 = tpu.memref_slice %arg11[%run_scoped3A_59, %dma_start3A_103] : memref<125x128xf32, #tpu.memory_space<vmem>> -> memref<1x128xf32, #tpu.memory_space<vmem>>
      %dma_start3A_105 = tpu.memref_squeeze %dma_start3A_104 : memref<1x128xf32, #tpu.memory_space<vmem>> -> memref<128xf32, #tpu.memory_space<vmem>>
      %dma_start3A_106 = tpu.memref_slice %arg19[%add3A_58] : memref<10240xf32, #tpu.memory_space<vmem_shared>> -> memref<128xf32, #tpu.memory_space<vmem_shared>>
      %dma_start3A_107 = tpu.memref_slice %arg19[%add3A_58] : memref<10240xf32, #tpu.memory_space<vmem_shared>> -> memref<128xf32, #tpu.memory_space<vmem_shared>>
      %dma_start3A_108 = arith.constant 0 : i32
      %dma_start3A_109 = tpu.memref_slice %arg11[%run_scoped3A_59, %dma_start3A_108] : memref<125x128xf32, #tpu.memory_space<vmem>> -> memref<1x128xf32, #tpu.memory_space<vmem>>
      %dma_start3A_110 = tpu.memref_squeeze %dma_start3A_109 : memref<1x128xf32, #tpu.memory_space<vmem>> -> memref<128xf32, #tpu.memory_space<vmem>>
      tpu.enqueue_dma source(%dma_start3A_110 : memref<128xf32, #tpu.memory_space<vmem>>) target(%dma_start3A_107 : memref<128xf32, #tpu.memory_space<vmem_shared>>) target_semaphore(%run_scoped3A_102 : memref<!tpu.dma_semaphore, #tpu.memory_space<semaphore_mem>>)
      %dma_wait3A = arith.constant 0 : i32
      %dma_wait3A_111 = tpu.memref_slice %arg11[%run_scoped3A_59, %dma_wait3A] : memref<125x128xf32, #tpu.memory_space<vmem>> -> memref<1x128xf32, #tpu.memory_space<vmem>>
      %dma_wait3A_112 = tpu.memref_squeeze %dma_wait3A_111 : memref<1x128xf32, #tpu.memory_space<vmem>> -> memref<128xf32, #tpu.memory_space<vmem>>
      %dma_wait3A_113 = tpu.memref_slice %arg19[%add3A_58] : memref<10240xf32, #tpu.memory_space<vmem_shared>> -> memref<128xf32, #tpu.memory_space<vmem_shared>>
      %dma_wait3A_114 = tpu.memref_slice %arg19[%add3A_58] : memref<10240xf32, #tpu.memory_space<vmem_shared>> -> memref<128xf32, #tpu.memory_space<vmem_shared>>
      %dma_wait3A_115 = arith.constant 0 : i32
      %dma_wait3A_116 = tpu.memref_slice %arg11[%run_scoped3A_59, %dma_wait3A_115] : memref<125x128xf32, #tpu.memory_space<vmem>> -> memref<1x128xf32, #tpu.memory_space<vmem>>
      %dma_wait3A_117 = tpu.memref_squeeze %dma_wait3A_116 : memref<1x128xf32, #tpu.memory_space<vmem>> -> memref<128xf32, #tpu.memory_space<vmem>>
      tpu.wait_dma2 semaphore(%run_scoped3A_102 : memref<!tpu.dma_semaphore, #tpu.memory_space<semaphore_mem>>) src(%dma_wait3A_117 : memref<128xf32, #tpu.memory_space<vmem>>) dst(%dma_wait3A_114 : memref<128xf32, #tpu.memory_space<vmem_shared>>)
      tpu.yield
    }) : () -> ()
    %add3A_60 = arith.constant 256 : i32
    %add3A_61 = arith.addi %mul3A_8, %add3A_60 : i32
    %run_scoped3A_62 = arith.constant 0 : i32
    "tpu.region"() ({
      %run_scoped3A_102 = tpu.sem_alloc : memref<!tpu.dma_semaphore, #tpu.memory_space<semaphore_mem>>
      %dma_start3A_103 = arith.constant 0 : i32
      %dma_start3A_104 = tpu.memref_slice %arg11[%run_scoped3A_62, %dma_start3A_103] : memref<125x128xf32, #tpu.memory_space<vmem>> -> memref<1x128xf32, #tpu.memory_space<vmem>>
      %dma_start3A_105 = tpu.memref_squeeze %dma_start3A_104 : memref<1x128xf32, #tpu.memory_space<vmem>> -> memref<128xf32, #tpu.memory_space<vmem>>
      %dma_start3A_106 = tpu.memref_slice %arg19[%add3A_61] : memref<10240xf32, #tpu.memory_space<vmem_shared>> -> memref<128xf32, #tpu.memory_space<vmem_shared>>
      %dma_start3A_107 = tpu.memref_slice %arg19[%add3A_61] : memref<10240xf32, #tpu.memory_space<vmem_shared>> -> memref<128xf32, #tpu.memory_space<vmem_shared>>
      %dma_start3A_108 = arith.constant 0 : i32
      %dma_start3A_109 = tpu.memref_slice %arg11[%run_scoped3A_62, %dma_start3A_108] : memref<125x128xf32, #tpu.memory_space<vmem>> -> memref<1x128xf32, #tpu.memory_space<vmem>>
      %dma_start3A_110 = tpu.memref_squeeze %dma_start3A_109 : memref<1x128xf32, #tpu.memory_space<vmem>> -> memref<128xf32, #tpu.memory_space<vmem>>
      tpu.enqueue_dma source(%dma_start3A_110 : memref<128xf32, #tpu.memory_space<vmem>>) target(%dma_start3A_107 : memref<128xf32, #tpu.memory_space<vmem_shared>>) target_semaphore(%run_scoped3A_102 : memref<!tpu.dma_semaphore, #tpu.memory_space<semaphore_mem>>)
      %dma_wait3A = arith.constant 0 : i32
      %dma_wait3A_111 = tpu.memref_slice %arg11[%run_scoped3A_62, %dma_wait3A] : memref<125x128xf32, #tpu.memory_space<vmem>> -> memref<1x128xf32, #tpu.memory_space<vmem>>
      %dma_wait3A_112 = tpu.memref_squeeze %dma_wait3A_111 : memref<1x128xf32, #tpu.memory_space<vmem>> -> memref<128xf32, #tpu.memory_space<vmem>>
      %dma_wait3A_113 = tpu.memref_slice %arg19[%add3A_61] : memref<10240xf32, #tpu.memory_space<vmem_shared>> -> memref<128xf32, #tpu.memory_space<vmem_shared>>
      %dma_wait3A_114 = tpu.memref_slice %arg19[%add3A_61] : memref<10240xf32, #tpu.memory_space<vmem_shared>> -> memref<128xf32, #tpu.memory_space<vmem_shared>>
      %dma_wait3A_115 = arith.constant 0 : i32
      %dma_wait3A_116 = tpu.memref_slice %arg11[%run_scoped3A_62, %dma_wait3A_115] : memref<125x128xf32, #tpu.memory_space<vmem>> -> memref<1x128xf32, #tpu.memory_space<vmem>>
      %dma_wait3A_117 = tpu.memref_squeeze %dma_wait3A_116 : memref<1x128xf32, #tpu.memory_space<vmem>> -> memref<128xf32, #tpu.memory_space<vmem>>
      tpu.wait_dma2 semaphore(%run_scoped3A_102 : memref<!tpu.dma_semaphore, #tpu.memory_space<semaphore_mem>>) src(%dma_wait3A_117 : memref<128xf32, #tpu.memory_space<vmem>>) dst(%dma_wait3A_114 : memref<128xf32, #tpu.memory_space<vmem_shared>>)
      tpu.yield
    }) : () -> ()
    %add3A_63 = arith.constant 384 : i32
    %add3A_64 = arith.addi %mul3A_8, %add3A_63 : i32
    %run_scoped3A_65 = arith.constant 0 : i32
    "tpu.region"() ({
      %run_scoped3A_102 = tpu.sem_alloc : memref<!tpu.dma_semaphore, #tpu.memory_space<semaphore_mem>>
      %dma_start3A_103 = arith.constant 0 : i32
      %dma_start3A_104 = tpu.memref_slice %arg11[%run_scoped3A_65, %dma_start3A_103] : memref<125x128xf32, #tpu.memory_space<vmem>> -> memref<1x128xf32, #tpu.memory_space<vmem>>
      %dma_start3A_105 = tpu.memref_squeeze %dma_start3A_104 : memref<1x128xf32, #tpu.memory_space<vmem>> -> memref<128xf32, #tpu.memory_space<vmem>>
      %dma_start3A_106 = tpu.memref_slice %arg19[%add3A_64] : memref<10240xf32, #tpu.memory_space<vmem_shared>> -> memref<128xf32, #tpu.memory_space<vmem_shared>>
      %dma_start3A_107 = tpu.memref_slice %arg19[%add3A_64] : memref<10240xf32, #tpu.memory_space<vmem_shared>> -> memref<128xf32, #tpu.memory_space<vmem_shared>>
      %dma_start3A_108 = arith.constant 0 : i32
      %dma_start3A_109 = tpu.memref_slice %arg11[%run_scoped3A_65, %dma_start3A_108] : memref<125x128xf32, #tpu.memory_space<vmem>> -> memref<1x128xf32, #tpu.memory_space<vmem>>
      %dma_start3A_110 = tpu.memref_squeeze %dma_start3A_109 : memref<1x128xf32, #tpu.memory_space<vmem>> -> memref<128xf32, #tpu.memory_space<vmem>>
      tpu.enqueue_dma source(%dma_start3A_110 : memref<128xf32, #tpu.memory_space<vmem>>) target(%dma_start3A_107 : memref<128xf32, #tpu.memory_space<vmem_shared>>) target_semaphore(%run_scoped3A_102 : memref<!tpu.dma_semaphore, #tpu.memory_space<semaphore_mem>>)
      %dma_wait3A = arith.constant 0 : i32
      %dma_wait3A_111 = tpu.memref_slice %arg11[%run_scoped3A_65, %dma_wait3A] : memref<125x128xf32, #tpu.memory_space<vmem>> -> memref<1x128xf32, #tpu.memory_space<vmem>>
      %dma_wait3A_112 = tpu.memref_squeeze %dma_wait3A_111 : memref<1x128xf32, #tpu.memory_space<vmem>> -> memref<128xf32, #tpu.memory_space<vmem>>
      %dma_wait3A_113 = tpu.memref_slice %arg19[%add3A_64] : memref<10240xf32, #tpu.memory_space<vmem_shared>> -> memref<128xf32, #tpu.memory_space<vmem_shared>>
      %dma_wait3A_114 = tpu.memref_slice %arg19[%add3A_64] : memref<10240xf32, #tpu.memory_space<vmem_shared>> -> memref<128xf32, #tpu.memory_space<vmem_shared>>
      %dma_wait3A_115 = arith.constant 0 : i32
      %dma_wait3A_116 = tpu.memref_slice %arg11[%run_scoped3A_65, %dma_wait3A_115] : memref<125x128xf32, #tpu.memory_space<vmem>> -> memref<1x128xf32, #tpu.memory_space<vmem>>
      %dma_wait3A_117 = tpu.memref_squeeze %dma_wait3A_116 : memref<1x128xf32, #tpu.memory_space<vmem>> -> memref<128xf32, #tpu.memory_space<vmem>>
      tpu.wait_dma2 semaphore(%run_scoped3A_102 : memref<!tpu.dma_semaphore, #tpu.memory_space<semaphore_mem>>) src(%dma_wait3A_117 : memref<128xf32, #tpu.memory_space<vmem>>) dst(%dma_wait3A_114 : memref<128xf32, #tpu.memory_space<vmem_shared>>)
      tpu.yield
    }) : () -> ()
    %add3A_66 = arith.constant 512 : i32
    %add3A_67 = arith.addi %mul3A_8, %add3A_66 : i32
    %run_scoped3A_68 = arith.constant 0 : i32
    "tpu.region"() ({
      %run_scoped3A_102 = tpu.sem_alloc : memref<!tpu.dma_semaphore, #tpu.memory_space<semaphore_mem>>
      %dma_start3A_103 = arith.constant 0 : i32
      %dma_start3A_104 = tpu.memref_slice %arg11[%run_scoped3A_68, %dma_start3A_103] : memref<125x128xf32, #tpu.memory_space<vmem>> -> memref<1x128xf32, #tpu.memory_space<vmem>>
      %dma_start3A_105 = tpu.memref_squeeze %dma_start3A_104 : memref<1x128xf32, #tpu.memory_space<vmem>> -> memref<128xf32, #tpu.memory_space<vmem>>
      %dma_start3A_106 = tpu.memref_slice %arg19[%add3A_67] : memref<10240xf32, #tpu.memory_space<vmem_shared>> -> memref<128xf32, #tpu.memory_space<vmem_shared>>
      %dma_start3A_107 = tpu.memref_slice %arg19[%add3A_67] : memref<10240xf32, #tpu.memory_space<vmem_shared>> -> memref<128xf32, #tpu.memory_space<vmem_shared>>
      %dma_start3A_108 = arith.constant 0 : i32
      %dma_start3A_109 = tpu.memref_slice %arg11[%run_scoped3A_68, %dma_start3A_108] : memref<125x128xf32, #tpu.memory_space<vmem>> -> memref<1x128xf32, #tpu.memory_space<vmem>>
      %dma_start3A_110 = tpu.memref_squeeze %dma_start3A_109 : memref<1x128xf32, #tpu.memory_space<vmem>> -> memref<128xf32, #tpu.memory_space<vmem>>
      tpu.enqueue_dma source(%dma_start3A_110 : memref<128xf32, #tpu.memory_space<vmem>>) target(%dma_start3A_107 : memref<128xf32, #tpu.memory_space<vmem_shared>>) target_semaphore(%run_scoped3A_102 : memref<!tpu.dma_semaphore, #tpu.memory_space<semaphore_mem>>)
      %dma_wait3A = arith.constant 0 : i32
      %dma_wait3A_111 = tpu.memref_slice %arg11[%run_scoped3A_68, %dma_wait3A] : memref<125x128xf32, #tpu.memory_space<vmem>> -> memref<1x128xf32, #tpu.memory_space<vmem>>
      %dma_wait3A_112 = tpu.memref_squeeze %dma_wait3A_111 : memref<1x128xf32, #tpu.memory_space<vmem>> -> memref<128xf32, #tpu.memory_space<vmem>>
      %dma_wait3A_113 = tpu.memref_slice %arg19[%add3A_67] : memref<10240xf32, #tpu.memory_space<vmem_shared>> -> memref<128xf32, #tpu.memory_space<vmem_shared>>
      %dma_wait3A_114 = tpu.memref_slice %arg19[%add3A_67] : memref<10240xf32, #tpu.memory_space<vmem_shared>> -> memref<128xf32, #tpu.memory_space<vmem_shared>>
      %dma_wait3A_115 = arith.constant 0 : i32
      %dma_wait3A_116 = tpu.memref_slice %arg11[%run_scoped3A_68, %dma_wait3A_115] : memref<125x128xf32, #tpu.memory_space<vmem>> -> memref<1x128xf32, #tpu.memory_space<vmem>>
      %dma_wait3A_117 = tpu.memref_squeeze %dma_wait3A_116 : memref<1x128xf32, #tpu.memory_space<vmem>> -> memref<128xf32, #tpu.memory_space<vmem>>
      tpu.wait_dma2 semaphore(%run_scoped3A_102 : memref<!tpu.dma_semaphore, #tpu.memory_space<semaphore_mem>>) src(%dma_wait3A_117 : memref<128xf32, #tpu.memory_space<vmem>>) dst(%dma_wait3A_114 : memref<128xf32, #tpu.memory_space<vmem_shared>>)
      tpu.yield
    }) : () -> ()
    %run_scoped3A_69 = arith.constant 0 : i32
    "tpu.region"() ({
      %run_scoped3A_102 = tpu.sem_alloc : memref<!tpu.dma_semaphore, #tpu.memory_space<semaphore_mem>>
      %dma_start3A_103 = arith.constant 0 : i32
      %dma_start3A_104 = arith.constant 0 : i32
      %dma_start3A_105 = tpu.memref_slice %arg3[%add3A, %run_scoped3A_69, %dma_start3A_103, %dma_start3A_104] : memref<32x16x5x125xi32, #tpu.memory_space<hbm>> -> memref<1x1x5x125xi32, #tpu.memory_space<hbm>>
      %dma_start3A_106 = tpu.memref_squeeze %dma_start3A_105 : memref<1x1x5x125xi32, #tpu.memory_space<hbm>> -> memref<5x125xi32, #tpu.memory_space<hbm>>
      %dma_start3A_107 = arith.constant 0 : i32
      %dma_start3A_108 = arith.constant 0 : i32
      %dma_start3A_109 = tpu.memref_slice %arg3[%add3A, %run_scoped3A_69, %dma_start3A_107, %dma_start3A_108] : memref<32x16x5x125xi32, #tpu.memory_space<hbm>> -> memref<1x1x5x125xi32, #tpu.memory_space<hbm>>
      %dma_start3A_110 = tpu.memref_squeeze %dma_start3A_109 : memref<1x1x5x125xi32, #tpu.memory_space<hbm>> -> memref<5x125xi32, #tpu.memory_space<hbm>>
      tpu.enqueue_dma source(%dma_start3A_110 : memref<5x125xi32, #tpu.memory_space<hbm>>) target(%arg7 : memref<5x125xi32, #tpu.memory_space<vmem>>) target_semaphore(%run_scoped3A_102 : memref<!tpu.dma_semaphore, #tpu.memory_space<semaphore_mem>>)
      %dma_wait3A = arith.constant 0 : i32
      %dma_wait3A_111 = arith.constant 0 : i32
      %dma_wait3A_112 = tpu.memref_slice %arg3[%add3A, %run_scoped3A_69, %dma_wait3A, %dma_wait3A_111] : memref<32x16x5x125xi32, #tpu.memory_space<hbm>> -> memref<1x1x5x125xi32, #tpu.memory_space<hbm>>
      %dma_wait3A_113 = tpu.memref_squeeze %dma_wait3A_112 : memref<1x1x5x125xi32, #tpu.memory_space<hbm>> -> memref<5x125xi32, #tpu.memory_space<hbm>>
      %dma_wait3A_114 = arith.constant 0 : i32
      %dma_wait3A_115 = arith.constant 0 : i32
      %dma_wait3A_116 = tpu.memref_slice %arg3[%add3A, %run_scoped3A_69, %dma_wait3A_114, %dma_wait3A_115] : memref<32x16x5x125xi32, #tpu.memory_space<hbm>> -> memref<1x1x5x125xi32, #tpu.memory_space<hbm>>
      %dma_wait3A_117 = tpu.memref_squeeze %dma_wait3A_116 : memref<1x1x5x125xi32, #tpu.memory_space<hbm>> -> memref<5x125xi32, #tpu.memory_space<hbm>>
      tpu.wait_dma2 semaphore(%run_scoped3A_102 : memref<!tpu.dma_semaphore, #tpu.memory_space<semaphore_mem>>) src(%dma_wait3A_117 : memref<5x125xi32, #tpu.memory_space<hbm>>) dst(%arg7 : memref<5x125xi32, #tpu.memory_space<vmem>>)
      tpu.yield
    }) : () -> ()
    %run_scoped3A_70 = arith.constant 0 : i32
    "tpu.region"() ({
      %run_scoped3A_102 = tpu.sem_alloc : memref<!tpu.dma_semaphore, #tpu.memory_space<semaphore_mem>>
      %dma_start3A_103 = arith.constant 0 : i32
      %dma_start3A_104 = arith.constant 0 : i32
      %dma_start3A_105 = tpu.memref_slice %arg4[%add3A, %run_scoped3A_70, %dma_start3A_103, %dma_start3A_104] : memref<32x16x5x125xi32, #tpu.memory_space<hbm>> -> memref<1x1x5x125xi32, #tpu.memory_space<hbm>>
      %dma_start3A_106 = tpu.memref_squeeze %dma_start3A_105 : memref<1x1x5x125xi32, #tpu.memory_space<hbm>> -> memref<5x125xi32, #tpu.memory_space<hbm>>
      %dma_start3A_107 = arith.constant 0 : i32
      %dma_start3A_108 = arith.constant 0 : i32
      %dma_start3A_109 = tpu.memref_slice %arg4[%add3A, %run_scoped3A_70, %dma_start3A_107, %dma_start3A_108] : memref<32x16x5x125xi32, #tpu.memory_space<hbm>> -> memref<1x1x5x125xi32, #tpu.memory_space<hbm>>
      %dma_start3A_110 = tpu.memref_squeeze %dma_start3A_109 : memref<1x1x5x125xi32, #tpu.memory_space<hbm>> -> memref<5x125xi32, #tpu.memory_space<hbm>>
      tpu.enqueue_dma source(%dma_start3A_110 : memref<5x125xi32, #tpu.memory_space<hbm>>) target(%arg9 : memref<5x125xi32, #tpu.memory_space<vmem>>) target_semaphore(%run_scoped3A_102 : memref<!tpu.dma_semaphore, #tpu.memory_space<semaphore_mem>>)
      %dma_wait3A = arith.constant 0 : i32
      %dma_wait3A_111 = arith.constant 0 : i32
      %dma_wait3A_112 = tpu.memref_slice %arg4[%add3A, %run_scoped3A_70, %dma_wait3A, %dma_wait3A_111] : memref<32x16x5x125xi32, #tpu.memory_space<hbm>> -> memref<1x1x5x125xi32, #tpu.memory_space<hbm>>
      %dma_wait3A_113 = tpu.memref_squeeze %dma_wait3A_112 : memref<1x1x5x125xi32, #tpu.memory_space<hbm>> -> memref<5x125xi32, #tpu.memory_space<hbm>>
      %dma_wait3A_114 = arith.constant 0 : i32
      %dma_wait3A_115 = arith.constant 0 : i32
      %dma_wait3A_116 = tpu.memref_slice %arg4[%add3A, %run_scoped3A_70, %dma_wait3A_114, %dma_wait3A_115] : memref<32x16x5x125xi32, #tpu.memory_space<hbm>> -> memref<1x1x5x125xi32, #tpu.memory_space<hbm>>
      %dma_wait3A_117 = tpu.memref_squeeze %dma_wait3A_116 : memref<1x1x5x125xi32, #tpu.memory_space<hbm>> -> memref<5x125xi32, #tpu.memory_space<hbm>>
      tpu.wait_dma2 semaphore(%run_scoped3A_102 : memref<!tpu.dma_semaphore, #tpu.memory_space<semaphore_mem>>) src(%dma_wait3A_117 : memref<5x125xi32, #tpu.memory_space<hbm>>) dst(%arg9 : memref<5x125xi32, #tpu.memory_space<vmem>>)
      tpu.yield
    }) : () -> ()
    %dma_start3A = arith.constant 1 : i32
    %dma_start3A_71 = arith.constant 0 : i32
    %dma_start3A_72 = arith.constant 0 : i32
    %dma_start3A_73 = tpu.memref_slice %arg3[%add3A, %dma_start3A, %dma_start3A_71, %dma_start3A_72] : memref<32x16x5x125xi32, #tpu.memory_space<hbm>> -> memref<1x1x5x125xi32, #tpu.memory_space<hbm>>
    %dma_start3A_74 = tpu.memref_squeeze %dma_start3A_73 : memref<1x1x5x125xi32, #tpu.memory_space<hbm>> -> memref<5x125xi32, #tpu.memory_space<hbm>>
    %dma_start3A_75 = arith.constant 0 : i32
    %dma_start3A_76 = arith.constant 0 : i32
    %dma_start3A_77 = tpu.memref_slice %arg3[%add3A, %dma_start3A, %dma_start3A_75, %dma_start3A_76] : memref<32x16x5x125xi32, #tpu.memory_space<hbm>> -> memref<1x1x5x125xi32, #tpu.memory_space<hbm>>
    %dma_start3A_78 = tpu.memref_squeeze %dma_start3A_77 : memref<1x1x5x125xi32, #tpu.memory_space<hbm>> -> memref<5x125xi32, #tpu.memory_space<hbm>>
    tpu.enqueue_dma source(%dma_start3A_78 : memref<5x125xi32, #tpu.memory_space<hbm>>) target(%arg8 : memref<5x125xi32, #tpu.memory_space<vmem>>) target_semaphore(%arg16 : memref<!tpu.dma_semaphore, #tpu.memory_space<semaphore_mem>>)
    %dma_start3A_79 = arith.constant 1 : i32
    %dma_start3A_80 = arith.constant 0 : i32
    %dma_start3A_81 = arith.constant 0 : i32
    %dma_start3A_82 = tpu.memref_slice %arg4[%add3A, %dma_start3A_79, %dma_start3A_80, %dma_start3A_81] : memref<32x16x5x125xi32, #tpu.memory_space<hbm>> -> memref<1x1x5x125xi32, #tpu.memory_space<hbm>>
    %dma_start3A_83 = tpu.memref_squeeze %dma_start3A_82 : memref<1x1x5x125xi32, #tpu.memory_space<hbm>> -> memref<5x125xi32, #tpu.memory_space<hbm>>
    %dma_start3A_84 = arith.constant 0 : i32
    %dma_start3A_85 = arith.constant 0 : i32
    %dma_start3A_86 = tpu.memref_slice %arg4[%add3A, %dma_start3A_79, %dma_start3A_84, %dma_start3A_85] : memref<32x16x5x125xi32, #tpu.memory_space<hbm>> -> memref<1x1x5x125xi32, #tpu.memory_space<hbm>>
    %dma_start3A_87 = tpu.memref_squeeze %dma_start3A_86 : memref<1x1x5x125xi32, #tpu.memory_space<hbm>> -> memref<5x125xi32, #tpu.memory_space<hbm>>
    tpu.enqueue_dma source(%dma_start3A_87 : memref<5x125xi32, #tpu.memory_space<hbm>>) target(%arg10 : memref<5x125xi32, #tpu.memory_space<vmem>>) target_semaphore(%arg16 : memref<!tpu.dma_semaphore, #tpu.memory_space<semaphore_mem>>)
    %dma_start3A_88 = arith.constant 0 : i32
    %dma_start3A_89 = arith.constant 0 : i32
    %dma_start3A_90 = tpu.memref_slice %arg7[%dma_start3A_88, %dma_start3A_89] : memref<5x125xi32, #tpu.memory_space<vmem>> -> memref<1x125xi32, #tpu.memory_space<vmem>>
    %dma_start3A_91 = tpu.memref_squeeze %dma_start3A_90 : memref<1x125xi32, #tpu.memory_space<vmem>> -> memref<125xi32, #tpu.memory_space<vmem>>
    %dma_start3A_92 = arith.constant 0 : i32
    %dma_start3A_93 = arith.constant 0 : i32
    %dma_start3A_94 = tpu.memref_slice %arg2[%dma_start3A_92, %dma_start3A_93] : memref<10240x128xf32, #tpu.memory_space<hbm>> -> memref<10240x128xf32, #tpu.memory_space<hbm>>
    tpu.enqueue_indirect_dma source(%dma_start3A_94 : memref<10240x128xf32, #tpu.memory_space<hbm>>) target(%arg11 : memref<125x128xf32, #tpu.memory_space<vmem>>) offsets(%dma_start3A_91 : memref<125xi32, #tpu.memory_space<vmem>>) semaphore(%arg13 : memref<!tpu.dma_semaphore, #tpu.memory_space<semaphore_mem>>)
    %barrier3A = arith.constant 0 : index
    tpu.barrier barrier_id(%barrier3A)
    %scan3A_95 = arith.constant 0 : i32
    %scan3A_96 = arith.constant 0 : i32
    %scan3A_97 = arith.constant 8 : i32
    %scan3A_98 = arith.addi %scan3A_96, %scan3A_97 : i32
    %scan3A_99 = arith.constant 1 : i32
    scf.for %scan3A_102 = %scan3A_96 to %scan3A_98 step %scan3A_99  : i32 {
      %mul3A_103 = arith.constant 2 : i32
      %mul3A_104 = arith.muli %scan3A_102, %mul3A_103 : i32
      %add3A_105 = arith.constant 0 : i32
      %add3A_106 = arith.addi %mul3A_104, %add3A_105 : i32
      %add3A_107 = arith.constant 1 : i32
      %add3A_108 = arith.addi %add3A_106, %add3A_107 : i32
      %lt3A = arith.constant 16 : i32
      %lt3A_109 = arith.cmpi slt, %add3A_108, %lt3A : i32
      %convert_element_type3A = arith.extui %lt3A_109 : i1 to i32
      %cond3A = arith.constant 0 : i32
      %cond3A_110 = arith.cmpi ne, %convert_element_type3A, %cond3A : i32
      scf.if %cond3A_110 {
        %add3A_335 = arith.constant 1 : i32
        %add3A_336 = arith.addi %add3A_106, %add3A_335 : i32
        %dma_wait3A_337 = arith.constant 0 : i32
        %dma_wait3A_338 = arith.constant 0 : i32
        %dma_wait3A_339 = tpu.memref_slice %arg3[%add3A, %add3A_336, %dma_wait3A_337, %dma_wait3A_338] : memref<32x16x5x125xi32, #tpu.memory_space<hbm>> -> memref<1x1x5x125xi32, #tpu.memory_space<hbm>>
        %dma_wait3A_340 = tpu.memref_squeeze %dma_wait3A_339 : memref<1x1x5x125xi32, #tpu.memory_space<hbm>> -> memref<5x125xi32, #tpu.memory_space<hbm>>
        %dma_wait3A_341 = arith.constant 0 : i32
        %dma_wait3A_342 = arith.constant 0 : i32
        %dma_wait3A_343 = tpu.memref_slice %arg3[%add3A, %add3A_336, %dma_wait3A_341, %dma_wait3A_342] : memref<32x16x5x125xi32, #tpu.memory_space<hbm>> -> memref<1x1x5x125xi32, #tpu.memory_space<hbm>>
        %dma_wait3A_344 = tpu.memref_squeeze %dma_wait3A_343 : memref<1x1x5x125xi32, #tpu.memory_space<hbm>> -> memref<5x125xi32, #tpu.memory_space<hbm>>
        tpu.wait_dma2 semaphore(%arg16 : memref<!tpu.dma_semaphore, #tpu.memory_space<semaphore_mem>>) src(%dma_wait3A_344 : memref<5x125xi32, #tpu.memory_space<hbm>>) dst(%arg8 : memref<5x125xi32, #tpu.memory_space<vmem>>)
        %dma_wait3A_345 = arith.constant 0 : i32
        %dma_wait3A_346 = arith.constant 0 : i32
        %dma_wait3A_347 = tpu.memref_slice %arg4[%add3A, %add3A_336, %dma_wait3A_345, %dma_wait3A_346] : memref<32x16x5x125xi32, #tpu.memory_space<hbm>> -> memref<1x1x5x125xi32, #tpu.memory_space<hbm>>
        %dma_wait3A_348 = tpu.memref_squeeze %dma_wait3A_347 : memref<1x1x5x125xi32, #tpu.memory_space<hbm>> -> memref<5x125xi32, #tpu.memory_space<hbm>>
        %dma_wait3A_349 = arith.constant 0 : i32
        %dma_wait3A_350 = arith.constant 0 : i32
        %dma_wait3A_351 = tpu.memref_slice %arg4[%add3A, %add3A_336, %dma_wait3A_349, %dma_wait3A_350] : memref<32x16x5x125xi32, #tpu.memory_space<hbm>> -> memref<1x1x5x125xi32, #tpu.memory_space<hbm>>
        %dma_wait3A_352 = tpu.memref_squeeze %dma_wait3A_351 : memref<1x1x5x125xi32, #tpu.memory_space<hbm>> -> memref<5x125xi32, #tpu.memory_space<hbm>>
        tpu.wait_dma2 semaphore(%arg16 : memref<!tpu.dma_semaphore, #tpu.memory_space<semaphore_mem>>) src(%dma_wait3A_352 : memref<5x125xi32, #tpu.memory_space<hbm>>) dst(%arg10 : memref<5x125xi32, #tpu.memory_space<vmem>>)
      } else {
      }
      %mul3A_111 = arith.constant 5 : i32
      %mul3A_112 = arith.muli %add3A_106, %mul3A_111 : i32
      %add3A_113 = arith.constant 0 : i32
      %add3A_114 = arith.addi %mul3A_112, %add3A_113 : i32
      %add3A_115 = arith.constant 1 : i32
      %add3A_116 = arith.addi %add3A_114, %add3A_115 : i32
      %lt3A_117 = arith.constant 80 : i32
      %lt3A_118 = arith.cmpi slt, %add3A_116, %lt3A_117 : i32
      %convert_element_type3A_119 = arith.extui %lt3A_118 : i1 to i32
      %cond3A_120 = arith.constant 0 : i32
      %cond3A_121 = arith.cmpi ne, %convert_element_type3A_119, %cond3A_120 : i32
      scf.if %cond3A_121 {
        %dma_start3A_335 = arith.constant 1 : i32
        %dma_start3A_336 = arith.constant 0 : i32
        %dma_start3A_337 = tpu.memref_slice %arg7[%dma_start3A_335, %dma_start3A_336] : memref<5x125xi32, #tpu.memory_space<vmem>> -> memref<1x125xi32, #tpu.memory_space<vmem>>
        %dma_start3A_338 = tpu.memref_squeeze %dma_start3A_337 : memref<1x125xi32, #tpu.memory_space<vmem>> -> memref<125xi32, #tpu.memory_space<vmem>>
        %dma_start3A_339 = arith.constant 0 : i32
        %dma_start3A_340 = arith.constant 0 : i32
        %dma_start3A_341 = tpu.memref_slice %arg2[%dma_start3A_339, %dma_start3A_340] : memref<10240x128xf32, #tpu.memory_space<hbm>> -> memref<10240x128xf32, #tpu.memory_space<hbm>>
        tpu.enqueue_indirect_dma source(%dma_start3A_341 : memref<10240x128xf32, #tpu.memory_space<hbm>>) target(%arg12 : memref<125x128xf32, #tpu.memory_space<vmem>>) offsets(%dma_start3A_338 : memref<125xi32, #tpu.memory_space<vmem>>) semaphore(%arg14 : memref<!tpu.dma_semaphore, #tpu.memory_space<semaphore_mem>>)
      } else {
      }
      %dma_wait3A = arith.constant 0 : i32
      %dma_wait3A_122 = arith.constant 0 : i32
      %dma_wait3A_123 = tpu.memref_slice %arg7[%dma_wait3A, %dma_wait3A_122] : memref<5x125xi32, #tpu.memory_space<vmem>> -> memref<1x125xi32, #tpu.memory_space<vmem>>
      %dma_wait3A_124 = tpu.memref_squeeze %dma_wait3A_123 : memref<1x125xi32, #tpu.memory_space<vmem>> -> memref<125xi32, #tpu.memory_space<vmem>>
      %dma_wait3A_125 = arith.constant 0 : i32
      %dma_wait3A_126 = arith.constant 0 : i32
      %dma_wait3A_127 = tpu.memref_slice %arg2[%dma_wait3A_125, %dma_wait3A_126] : memref<10240x128xf32, #tpu.memory_space<hbm>> -> memref<10240x128xf32, #tpu.memory_space<hbm>>
      tpu.wait_indirect_dma semaphore(%arg13 : memref<!tpu.dma_semaphore, #tpu.memory_space<semaphore_mem>>) src(%dma_wait3A_127 : memref<10240x128xf32, #tpu.memory_space<hbm>>) dst(%arg11 : memref<125x128xf32, #tpu.memory_space<vmem>>)
      %run_scoped3A_128 = arith.constant 0 : i32
      "tpu.region"() ({
        %run_scoped3A_335 = tpu.sem_alloc : memref<!tpu.dma_semaphore, #tpu.memory_space<semaphore_mem>>
        %dma_start3A_336 = arith.constant 0 : i32
        %dma_start3A_337 = tpu.memref_slice %arg9[%run_scoped3A_128, %dma_start3A_336] : memref<5x125xi32, #tpu.memory_space<vmem>> -> memref<1x125xi32, #tpu.memory_space<vmem>>
        %dma_start3A_338 = tpu.memref_squeeze %dma_start3A_337 : memref<1x125xi32, #tpu.memory_space<vmem>> -> memref<125xi32, #tpu.memory_space<vmem>>
        %dma_start3A_339 = arith.constant 0 : i32
        %dma_start3A_340 = arith.constant 0 : i32
        %dma_start3A_341 = tpu.memref_slice %arg17[%dma_start3A_339, %dma_start3A_340] : memref<10240x128xf32, #tpu.memory_space<vmem_shared>> -> memref<10240x128xf32, #tpu.memory_space<vmem_shared>>
        tpu.enqueue_indirect_dma source(%arg11 : memref<125x128xf32, #tpu.memory_space<vmem>>) target(%dma_start3A_341 : memref<10240x128xf32, #tpu.memory_space<vmem_shared>>) offsets(%dma_start3A_338 : memref<125xi32, #tpu.memory_space<vmem>>) semaphore(%run_scoped3A_335 : memref<!tpu.dma_semaphore, #tpu.memory_space<semaphore_mem>>) {add = true}
        %dma_wait3A_342 = arith.constant 0 : i32
        %dma_wait3A_343 = tpu.memref_slice %arg9[%run_scoped3A_128, %dma_wait3A_342] : memref<5x125xi32, #tpu.memory_space<vmem>> -> memref<1x125xi32, #tpu.memory_space<vmem>>
        %dma_wait3A_344 = tpu.memref_squeeze %dma_wait3A_343 : memref<1x125xi32, #tpu.memory_space<vmem>> -> memref<125xi32, #tpu.memory_space<vmem>>
        %dma_wait3A_345 = arith.constant 0 : i32
        %dma_wait3A_346 = arith.constant 0 : i32
        %dma_wait3A_347 = tpu.memref_slice %arg17[%dma_wait3A_345, %dma_wait3A_346] : memref<10240x128xf32, #tpu.memory_space<vmem_shared>> -> memref<10240x128xf32, #tpu.memory_space<vmem_shared>>
        tpu.wait_indirect_dma semaphore(%run_scoped3A_335 : memref<!tpu.dma_semaphore, #tpu.memory_space<semaphore_mem>>) src(%arg11 : memref<125x128xf32, #tpu.memory_space<vmem>>) dst(%dma_wait3A_347 : memref<10240x128xf32, #tpu.memory_space<vmem_shared>>)
        tpu.yield
      }) : () -> ()
      %run_scoped3A_129 = arith.constant 0 : i32
      "tpu.region"() ({
        %run_scoped3A_335 = tpu.sem_alloc : memref<!tpu.dma_semaphore, #tpu.memory_space<semaphore_mem>>
        %dma_start3A_336 = arith.constant 0 : i32
        %dma_start3A_337 = tpu.memref_slice %arg18[%dma_start3A_336] : memref<128xf32, #tpu.memory_space<vmem>> -> memref<125xf32, #tpu.memory_space<vmem>>
        %dma_start3A_338 = arith.constant 0 : i32
        %dma_start3A_339 = tpu.memref_slice %arg9[%run_scoped3A_129, %dma_start3A_338] : memref<5x125xi32, #tpu.memory_space<vmem>> -> memref<1x125xi32, #tpu.memory_space<vmem>>
        %dma_start3A_340 = tpu.memref_squeeze %dma_start3A_339 : memref<1x125xi32, #tpu.memory_space<vmem>> -> memref<125xi32, #tpu.memory_space<vmem>>
        %dma_start3A_341 = arith.constant 0 : i32
        %dma_start3A_342 = tpu.memref_slice %arg19[%dma_start3A_341] : memref<10240xf32, #tpu.memory_space<vmem_shared>> -> memref<10240xf32, #tpu.memory_space<vmem_shared>>
        tpu.enqueue_indirect_dma source(%dma_start3A_337 : memref<125xf32, #tpu.memory_space<vmem>>) target(%dma_start3A_342 : memref<10240xf32, #tpu.memory_space<vmem_shared>>) offsets(%dma_start3A_340 : memref<125xi32, #tpu.memory_space<vmem>>) semaphore(%run_scoped3A_335 : memref<!tpu.dma_semaphore, #tpu.memory_space<semaphore_mem>>) {add = true}
        %dma_wait3A_343 = arith.constant 0 : i32
        %dma_wait3A_344 = tpu.memref_slice %arg18[%dma_wait3A_343] : memref<128xf32, #tpu.memory_space<vmem>> -> memref<125xf32, #tpu.memory_space<vmem>>
        %dma_wait3A_345 = arith.constant 0 : i32
        %dma_wait3A_346 = tpu.memref_slice %arg9[%run_scoped3A_129, %dma_wait3A_345] : memref<5x125xi32, #tpu.memory_space<vmem>> -> memref<1x125xi32, #tpu.memory_space<vmem>>
        %dma_wait3A_347 = tpu.memref_squeeze %dma_wait3A_346 : memref<1x125xi32, #tpu.memory_space<vmem>> -> memref<125xi32, #tpu.memory_space<vmem>>
        %dma_wait3A_348 = arith.constant 0 : i32
        %dma_wait3A_349 = tpu.memref_slice %arg19[%dma_wait3A_348] : memref<10240xf32, #tpu.memory_space<vmem_shared>> -> memref<10240xf32, #tpu.memory_space<vmem_shared>>
        tpu.wait_indirect_dma semaphore(%run_scoped3A_335 : memref<!tpu.dma_semaphore, #tpu.memory_space<semaphore_mem>>) src(%dma_wait3A_344 : memref<125xf32, #tpu.memory_space<vmem>>) dst(%dma_wait3A_349 : memref<10240xf32, #tpu.memory_space<vmem_shared>>)
        tpu.yield
      }) : () -> ()
      %mul3A_130 = arith.constant 5 : i32
      %mul3A_131 = arith.muli %add3A_106, %mul3A_130 : i32
      %add3A_132 = arith.constant 1 : i32
      %add3A_133 = arith.addi %mul3A_131, %add3A_132 : i32
      %add3A_134 = arith.constant 1 : i32
      %add3A_135 = arith.addi %add3A_133, %add3A_134 : i32
      %lt3A_136 = arith.constant 80 : i32
      %lt3A_137 = arith.cmpi slt, %add3A_135, %lt3A_136 : i32
      %convert_element_type3A_138 = arith.extui %lt3A_137 : i1 to i32
      %cond3A_139 = arith.constant 0 : i32
      %cond3A_140 = arith.cmpi ne, %convert_element_type3A_138, %cond3A_139 : i32
      scf.if %cond3A_140 {
        %dma_start3A_335 = arith.constant 2 : i32
        %dma_start3A_336 = arith.constant 0 : i32
        %dma_start3A_337 = tpu.memref_slice %arg7[%dma_start3A_335, %dma_start3A_336] : memref<5x125xi32, #tpu.memory_space<vmem>> -> memref<1x125xi32, #tpu.memory_space<vmem>>
        %dma_start3A_338 = tpu.memref_squeeze %dma_start3A_337 : memref<1x125xi32, #tpu.memory_space<vmem>> -> memref<125xi32, #tpu.memory_space<vmem>>
        %dma_start3A_339 = arith.constant 0 : i32
        %dma_start3A_340 = arith.constant 0 : i32
        %dma_start3A_341 = tpu.memref_slice %arg2[%dma_start3A_339, %dma_start3A_340] : memref<10240x128xf32, #tpu.memory_space<hbm>> -> memref<10240x128xf32, #tpu.memory_space<hbm>>
        tpu.enqueue_indirect_dma source(%dma_start3A_341 : memref<10240x128xf32, #tpu.memory_space<hbm>>) target(%arg11 : memref<125x128xf32, #tpu.memory_space<vmem>>) offsets(%dma_start3A_338 : memref<125xi32, #tpu.memory_space<vmem>>) semaphore(%arg13 : memref<!tpu.dma_semaphore, #tpu.memory_space<semaphore_mem>>)
      } else {
      }
      %dma_wait3A_141 = arith.constant 1 : i32
      %dma_wait3A_142 = arith.constant 0 : i32
      %dma_wait3A_143 = tpu.memref_slice %arg7[%dma_wait3A_141, %dma_wait3A_142] : memref<5x125xi32, #tpu.memory_space<vmem>> -> memref<1x125xi32, #tpu.memory_space<vmem>>
      %dma_wait3A_144 = tpu.memref_squeeze %dma_wait3A_143 : memref<1x125xi32, #tpu.memory_space<vmem>> -> memref<125xi32, #tpu.memory_space<vmem>>
      %dma_wait3A_145 = arith.constant 0 : i32
      %dma_wait3A_146 = arith.constant 0 : i32
      %dma_wait3A_147 = tpu.memref_slice %arg2[%dma_wait3A_145, %dma_wait3A_146] : memref<10240x128xf32, #tpu.memory_space<hbm>> -> memref<10240x128xf32, #tpu.memory_space<hbm>>
      tpu.wait_indirect_dma semaphore(%arg14 : memref<!tpu.dma_semaphore, #tpu.memory_space<semaphore_mem>>) src(%dma_wait3A_147 : memref<10240x128xf32, #tpu.memory_space<hbm>>) dst(%arg12 : memref<125x128xf32, #tpu.memory_space<vmem>>)
      %run_scoped3A_148 = arith.constant 1 : i32
      "tpu.region"() ({
        %run_scoped3A_335 = tpu.sem_alloc : memref<!tpu.dma_semaphore, #tpu.memory_space<semaphore_mem>>
        %dma_start3A_336 = arith.constant 0 : i32
        %dma_start3A_337 = tpu.memref_slice %arg9[%run_scoped3A_148, %dma_start3A_336] : memref<5x125xi32, #tpu.memory_space<vmem>> -> memref<1x125xi32, #tpu.memory_space<vmem>>
        %dma_start3A_338 = tpu.memref_squeeze %dma_start3A_337 : memref<1x125xi32, #tpu.memory_space<vmem>> -> memref<125xi32, #tpu.memory_space<vmem>>
        %dma_start3A_339 = arith.constant 0 : i32
        %dma_start3A_340 = arith.constant 0 : i32
        %dma_start3A_341 = tpu.memref_slice %arg17[%dma_start3A_339, %dma_start3A_340] : memref<10240x128xf32, #tpu.memory_space<vmem_shared>> -> memref<10240x128xf32, #tpu.memory_space<vmem_shared>>
        tpu.enqueue_indirect_dma source(%arg12 : memref<125x128xf32, #tpu.memory_space<vmem>>) target(%dma_start3A_341 : memref<10240x128xf32, #tpu.memory_space<vmem_shared>>) offsets(%dma_start3A_338 : memref<125xi32, #tpu.memory_space<vmem>>) semaphore(%run_scoped3A_335 : memref<!tpu.dma_semaphore, #tpu.memory_space<semaphore_mem>>) {add = true}
        %dma_wait3A_342 = arith.constant 0 : i32
        %dma_wait3A_343 = tpu.memref_slice %arg9[%run_scoped3A_148, %dma_wait3A_342] : memref<5x125xi32, #tpu.memory_space<vmem>> -> memref<1x125xi32, #tpu.memory_space<vmem>>
        %dma_wait3A_344 = tpu.memref_squeeze %dma_wait3A_343 : memref<1x125xi32, #tpu.memory_space<vmem>> -> memref<125xi32, #tpu.memory_space<vmem>>
        %dma_wait3A_345 = arith.constant 0 : i32
        %dma_wait3A_346 = arith.constant 0 : i32
        %dma_wait3A_347 = tpu.memref_slice %arg17[%dma_wait3A_345, %dma_wait3A_346] : memref<10240x128xf32, #tpu.memory_space<vmem_shared>> -> memref<10240x128xf32, #tpu.memory_space<vmem_shared>>
        tpu.wait_indirect_dma semaphore(%run_scoped3A_335 : memref<!tpu.dma_semaphore, #tpu.memory_space<semaphore_mem>>) src(%arg12 : memref<125x128xf32, #tpu.memory_space<vmem>>) dst(%dma_wait3A_347 : memref<10240x128xf32, #tpu.memory_space<vmem_shared>>)
        tpu.yield
      }) : () -> ()
      %run_scoped3A_149 = arith.constant 1 : i32
      "tpu.region"() ({
        %run_scoped3A_335 = tpu.sem_alloc : memref<!tpu.dma_semaphore, #tpu.memory_space<semaphore_mem>>
        %dma_start3A_336 = arith.constant 0 : i32
        %dma_start3A_337 = tpu.memref_slice %arg18[%dma_start3A_336] : memref<128xf32, #tpu.memory_space<vmem>> -> memref<125xf32, #tpu.memory_space<vmem>>
        %dma_start3A_338 = arith.constant 0 : i32
        %dma_start3A_339 = tpu.memref_slice %arg9[%run_scoped3A_149, %dma_start3A_338] : memref<5x125xi32, #tpu.memory_space<vmem>> -> memref<1x125xi32, #tpu.memory_space<vmem>>
        %dma_start3A_340 = tpu.memref_squeeze %dma_start3A_339 : memref<1x125xi32, #tpu.memory_space<vmem>> -> memref<125xi32, #tpu.memory_space<vmem>>
        %dma_start3A_341 = arith.constant 0 : i32
        %dma_start3A_342 = tpu.memref_slice %arg19[%dma_start3A_341] : memref<10240xf32, #tpu.memory_space<vmem_shared>> -> memref<10240xf32, #tpu.memory_space<vmem_shared>>
        tpu.enqueue_indirect_dma source(%dma_start3A_337 : memref<125xf32, #tpu.memory_space<vmem>>) target(%dma_start3A_342 : memref<10240xf32, #tpu.memory_space<vmem_shared>>) offsets(%dma_start3A_340 : memref<125xi32, #tpu.memory_space<vmem>>) semaphore(%run_scoped3A_335 : memref<!tpu.dma_semaphore, #tpu.memory_space<semaphore_mem>>) {add = true}
        %dma_wait3A_343 = arith.constant 0 : i32
        %dma_wait3A_344 = tpu.memref_slice %arg18[%dma_wait3A_343] : memref<128xf32, #tpu.memory_space<vmem>> -> memref<125xf32, #tpu.memory_space<vmem>>
        %dma_wait3A_345 = arith.constant 0 : i32
        %dma_wait3A_346 = tpu.memref_slice %arg9[%run_scoped3A_149, %dma_wait3A_345] : memref<5x125xi32, #tpu.memory_space<vmem>> -> memref<1x125xi32, #tpu.memory_space<vmem>>
        %dma_wait3A_347 = tpu.memref_squeeze %dma_wait3A_346 : memref<1x125xi32, #tpu.memory_space<vmem>> -> memref<125xi32, #tpu.memory_space<vmem>>
        %dma_wait3A_348 = arith.constant 0 : i32
        %dma_wait3A_349 = tpu.memref_slice %arg19[%dma_wait3A_348] : memref<10240xf32, #tpu.memory_space<vmem_shared>> -> memref<10240xf32, #tpu.memory_space<vmem_shared>>
        tpu.wait_indirect_dma semaphore(%run_scoped3A_335 : memref<!tpu.dma_semaphore, #tpu.memory_space<semaphore_mem>>) src(%dma_wait3A_344 : memref<125xf32, #tpu.memory_space<vmem>>) dst(%dma_wait3A_349 : memref<10240xf32, #tpu.memory_space<vmem_shared>>)
        tpu.yield
      }) : () -> ()
      %mul3A_150 = arith.constant 5 : i32
      %mul3A_151 = arith.muli %add3A_106, %mul3A_150 : i32
      %add3A_152 = arith.constant 2 : i32
      %add3A_153 = arith.addi %mul3A_151, %add3A_152 : i32
      %add3A_154 = arith.constant 1 : i32
      %add3A_155 = arith.addi %add3A_153, %add3A_154 : i32
      %lt3A_156 = arith.constant 80 : i32
      %lt3A_157 = arith.cmpi slt, %add3A_155, %lt3A_156 : i32
      %convert_element_type3A_158 = arith.extui %lt3A_157 : i1 to i32
      %cond3A_159 = arith.constant 0 : i32
      %cond3A_160 = arith.cmpi ne, %convert_element_type3A_158, %cond3A_159 : i32
      scf.if %cond3A_160 {
        %dma_start3A_335 = arith.constant 3 : i32
        %dma_start3A_336 = arith.constant 0 : i32
        %dma_start3A_337 = tpu.memref_slice %arg7[%dma_start3A_335, %dma_start3A_336] : memref<5x125xi32, #tpu.memory_space<vmem>> -> memref<1x125xi32, #tpu.memory_space<vmem>>
        %dma_start3A_338 = tpu.memref_squeeze %dma_start3A_337 : memref<1x125xi32, #tpu.memory_space<vmem>> -> memref<125xi32, #tpu.memory_space<vmem>>
        %dma_start3A_339 = arith.constant 0 : i32
        %dma_start3A_340 = arith.constant 0 : i32
        %dma_start3A_341 = tpu.memref_slice %arg2[%dma_start3A_339, %dma_start3A_340] : memref<10240x128xf32, #tpu.memory_space<hbm>> -> memref<10240x128xf32, #tpu.memory_space<hbm>>
        tpu.enqueue_indirect_dma source(%dma_start3A_341 : memref<10240x128xf32, #tpu.memory_space<hbm>>) target(%arg12 : memref<125x128xf32, #tpu.memory_space<vmem>>) offsets(%dma_start3A_338 : memref<125xi32, #tpu.memory_space<vmem>>) semaphore(%arg14 : memref<!tpu.dma_semaphore, #tpu.memory_space<semaphore_mem>>)
      } else {
      }
      %dma_wait3A_161 = arith.constant 2 : i32
      %dma_wait3A_162 = arith.constant 0 : i32
      %dma_wait3A_163 = tpu.memref_slice %arg7[%dma_wait3A_161, %dma_wait3A_162] : memref<5x125xi32, #tpu.memory_space<vmem>> -> memref<1x125xi32, #tpu.memory_space<vmem>>
      %dma_wait3A_164 = tpu.memref_squeeze %dma_wait3A_163 : memref<1x125xi32, #tpu.memory_space<vmem>> -> memref<125xi32, #tpu.memory_space<vmem>>
      %dma_wait3A_165 = arith.constant 0 : i32
      %dma_wait3A_166 = arith.constant 0 : i32
      %dma_wait3A_167 = tpu.memref_slice %arg2[%dma_wait3A_165, %dma_wait3A_166] : memref<10240x128xf32, #tpu.memory_space<hbm>> -> memref<10240x128xf32, #tpu.memory_space<hbm>>
      tpu.wait_indirect_dma semaphore(%arg13 : memref<!tpu.dma_semaphore, #tpu.memory_space<semaphore_mem>>) src(%dma_wait3A_167 : memref<10240x128xf32, #tpu.memory_space<hbm>>) dst(%arg11 : memref<125x128xf32, #tpu.memory_space<vmem>>)
      %run_scoped3A_168 = arith.constant 2 : i32
      "tpu.region"() ({
        %run_scoped3A_335 = tpu.sem_alloc : memref<!tpu.dma_semaphore, #tpu.memory_space<semaphore_mem>>
        %dma_start3A_336 = arith.constant 0 : i32
        %dma_start3A_337 = tpu.memref_slice %arg9[%run_scoped3A_168, %dma_start3A_336] : memref<5x125xi32, #tpu.memory_space<vmem>> -> memref<1x125xi32, #tpu.memory_space<vmem>>
        %dma_start3A_338 = tpu.memref_squeeze %dma_start3A_337 : memref<1x125xi32, #tpu.memory_space<vmem>> -> memref<125xi32, #tpu.memory_space<vmem>>
        %dma_start3A_339 = arith.constant 0 : i32
        %dma_start3A_340 = arith.constant 0 : i32
        %dma_start3A_341 = tpu.memref_slice %arg17[%dma_start3A_339, %dma_start3A_340] : memref<10240x128xf32, #tpu.memory_space<vmem_shared>> -> memref<10240x128xf32, #tpu.memory_space<vmem_shared>>
        tpu.enqueue_indirect_dma source(%arg11 : memref<125x128xf32, #tpu.memory_space<vmem>>) target(%dma_start3A_341 : memref<10240x128xf32, #tpu.memory_space<vmem_shared>>) offsets(%dma_start3A_338 : memref<125xi32, #tpu.memory_space<vmem>>) semaphore(%run_scoped3A_335 : memref<!tpu.dma_semaphore, #tpu.memory_space<semaphore_mem>>) {add = true}
        %dma_wait3A_342 = arith.constant 0 : i32
        %dma_wait3A_343 = tpu.memref_slice %arg9[%run_scoped3A_168, %dma_wait3A_342] : memref<5x125xi32, #tpu.memory_space<vmem>> -> memref<1x125xi32, #tpu.memory_space<vmem>>
        %dma_wait3A_344 = tpu.memref_squeeze %dma_wait3A_343 : memref<1x125xi32, #tpu.memory_space<vmem>> -> memref<125xi32, #tpu.memory_space<vmem>>
        %dma_wait3A_345 = arith.constant 0 : i32
        %dma_wait3A_346 = arith.constant 0 : i32
        %dma_wait3A_347 = tpu.memref_slice %arg17[%dma_wait3A_345, %dma_wait3A_346] : memref<10240x128xf32, #tpu.memory_space<vmem_shared>> -> memref<10240x128xf32, #tpu.memory_space<vmem_shared>>
        tpu.wait_indirect_dma semaphore(%run_scoped3A_335 : memref<!tpu.dma_semaphore, #tpu.memory_space<semaphore_mem>>) src(%arg11 : memref<125x128xf32, #tpu.memory_space<vmem>>) dst(%dma_wait3A_347 : memref<10240x128xf32, #tpu.memory_space<vmem_shared>>)
        tpu.yield
      }) : () -> ()
      %run_scoped3A_169 = arith.constant 2 : i32
      "tpu.region"() ({
        %run_scoped3A_335 = tpu.sem_alloc : memref<!tpu.dma_semaphore, #tpu.memory_space<semaphore_mem>>
        %dma_start3A_336 = arith.constant 0 : i32
        %dma_start3A_337 = tpu.memref_slice %arg18[%dma_start3A_336] : memref<128xf32, #tpu.memory_space<vmem>> -> memref<125xf32, #tpu.memory_space<vmem>>
        %dma_start3A_338 = arith.constant 0 : i32
        %dma_start3A_339 = tpu.memref_slice %arg9[%run_scoped3A_169, %dma_start3A_338] : memref<5x125xi32, #tpu.memory_space<vmem>> -> memref<1x125xi32, #tpu.memory_space<vmem>>
        %dma_start3A_340 = tpu.memref_squeeze %dma_start3A_339 : memref<1x125xi32, #tpu.memory_space<vmem>> -> memref<125xi32, #tpu.memory_space<vmem>>
        %dma_start3A_341 = arith.constant 0 : i32
        %dma_start3A_342 = tpu.memref_slice %arg19[%dma_start3A_341] : memref<10240xf32, #tpu.memory_space<vmem_shared>> -> memref<10240xf32, #tpu.memory_space<vmem_shared>>
        tpu.enqueue_indirect_dma source(%dma_start3A_337 : memref<125xf32, #tpu.memory_space<vmem>>) target(%dma_start3A_342 : memref<10240xf32, #tpu.memory_space<vmem_shared>>) offsets(%dma_start3A_340 : memref<125xi32, #tpu.memory_space<vmem>>) semaphore(%run_scoped3A_335 : memref<!tpu.dma_semaphore, #tpu.memory_space<semaphore_mem>>) {add = true}
        %dma_wait3A_343 = arith.constant 0 : i32
        %dma_wait3A_344 = tpu.memref_slice %arg18[%dma_wait3A_343] : memref<128xf32, #tpu.memory_space<vmem>> -> memref<125xf32, #tpu.memory_space<vmem>>
        %dma_wait3A_345 = arith.constant 0 : i32
        %dma_wait3A_346 = tpu.memref_slice %arg9[%run_scoped3A_169, %dma_wait3A_345] : memref<5x125xi32, #tpu.memory_space<vmem>> -> memref<1x125xi32, #tpu.memory_space<vmem>>
        %dma_wait3A_347 = tpu.memref_squeeze %dma_wait3A_346 : memref<1x125xi32, #tpu.memory_space<vmem>> -> memref<125xi32, #tpu.memory_space<vmem>>
        %dma_wait3A_348 = arith.constant 0 : i32
        %dma_wait3A_349 = tpu.memref_slice %arg19[%dma_wait3A_348] : memref<10240xf32, #tpu.memory_space<vmem_shared>> -> memref<10240xf32, #tpu.memory_space<vmem_shared>>
        tpu.wait_indirect_dma semaphore(%run_scoped3A_335 : memref<!tpu.dma_semaphore, #tpu.memory_space<semaphore_mem>>) src(%dma_wait3A_344 : memref<125xf32, #tpu.memory_space<vmem>>) dst(%dma_wait3A_349 : memref<10240xf32, #tpu.memory_space<vmem_shared>>)
        tpu.yield
      }) : () -> ()
      %mul3A_170 = arith.constant 5 : i32
      %mul3A_171 = arith.muli %add3A_106, %mul3A_170 : i32
      %add3A_172 = arith.constant 3 : i32
      %add3A_173 = arith.addi %mul3A_171, %add3A_172 : i32
      %add3A_174 = arith.constant 1 : i32
      %add3A_175 = arith.addi %add3A_173, %add3A_174 : i32
      %lt3A_176 = arith.constant 80 : i32
      %lt3A_177 = arith.cmpi slt, %add3A_175, %lt3A_176 : i32
      %convert_element_type3A_178 = arith.extui %lt3A_177 : i1 to i32
      %cond3A_179 = arith.constant 0 : i32
      %cond3A_180 = arith.cmpi ne, %convert_element_type3A_178, %cond3A_179 : i32
      scf.if %cond3A_180 {
        %dma_start3A_335 = arith.constant 4 : i32
        %dma_start3A_336 = arith.constant 0 : i32
        %dma_start3A_337 = tpu.memref_slice %arg7[%dma_start3A_335, %dma_start3A_336] : memref<5x125xi32, #tpu.memory_space<vmem>> -> memref<1x125xi32, #tpu.memory_space<vmem>>
        %dma_start3A_338 = tpu.memref_squeeze %dma_start3A_337 : memref<1x125xi32, #tpu.memory_space<vmem>> -> memref<125xi32, #tpu.memory_space<vmem>>
        %dma_start3A_339 = arith.constant 0 : i32
        %dma_start3A_340 = arith.constant 0 : i32
        %dma_start3A_341 = tpu.memref_slice %arg2[%dma_start3A_339, %dma_start3A_340] : memref<10240x128xf32, #tpu.memory_space<hbm>> -> memref<10240x128xf32, #tpu.memory_space<hbm>>
        tpu.enqueue_indirect_dma source(%dma_start3A_341 : memref<10240x128xf32, #tpu.memory_space<hbm>>) target(%arg11 : memref<125x128xf32, #tpu.memory_space<vmem>>) offsets(%dma_start3A_338 : memref<125xi32, #tpu.memory_space<vmem>>) semaphore(%arg13 : memref<!tpu.dma_semaphore, #tpu.memory_space<semaphore_mem>>)
      } else {
      }
      %dma_wait3A_181 = arith.constant 3 : i32
      %dma_wait3A_182 = arith.constant 0 : i32
      %dma_wait3A_183 = tpu.memref_slice %arg7[%dma_wait3A_181, %dma_wait3A_182] : memref<5x125xi32, #tpu.memory_space<vmem>> -> memref<1x125xi32, #tpu.memory_space<vmem>>
      %dma_wait3A_184 = tpu.memref_squeeze %dma_wait3A_183 : memref<1x125xi32, #tpu.memory_space<vmem>> -> memref<125xi32, #tpu.memory_space<vmem>>
      %dma_wait3A_185 = arith.constant 0 : i32
      %dma_wait3A_186 = arith.constant 0 : i32
      %dma_wait3A_187 = tpu.memref_slice %arg2[%dma_wait3A_185, %dma_wait3A_186] : memref<10240x128xf32, #tpu.memory_space<hbm>> -> memref<10240x128xf32, #tpu.memory_space<hbm>>
      tpu.wait_indirect_dma semaphore(%arg14 : memref<!tpu.dma_semaphore, #tpu.memory_space<semaphore_mem>>) src(%dma_wait3A_187 : memref<10240x128xf32, #tpu.memory_space<hbm>>) dst(%arg12 : memref<125x128xf32, #tpu.memory_space<vmem>>)
      %run_scoped3A_188 = arith.constant 3 : i32
      "tpu.region"() ({
        %run_scoped3A_335 = tpu.sem_alloc : memref<!tpu.dma_semaphore, #tpu.memory_space<semaphore_mem>>
        %dma_start3A_336 = arith.constant 0 : i32
        %dma_start3A_337 = tpu.memref_slice %arg9[%run_scoped3A_188, %dma_start3A_336] : memref<5x125xi32, #tpu.memory_space<vmem>> -> memref<1x125xi32, #tpu.memory_space<vmem>>
        %dma_start3A_338 = tpu.memref_squeeze %dma_start3A_337 : memref<1x125xi32, #tpu.memory_space<vmem>> -> memref<125xi32, #tpu.memory_space<vmem>>
        %dma_start3A_339 = arith.constant 0 : i32
        %dma_start3A_340 = arith.constant 0 : i32
        %dma_start3A_341 = tpu.memref_slice %arg17[%dma_start3A_339, %dma_start3A_340] : memref<10240x128xf32, #tpu.memory_space<vmem_shared>> -> memref<10240x128xf32, #tpu.memory_space<vmem_shared>>
        tpu.enqueue_indirect_dma source(%arg12 : memref<125x128xf32, #tpu.memory_space<vmem>>) target(%dma_start3A_341 : memref<10240x128xf32, #tpu.memory_space<vmem_shared>>) offsets(%dma_start3A_338 : memref<125xi32, #tpu.memory_space<vmem>>) semaphore(%run_scoped3A_335 : memref<!tpu.dma_semaphore, #tpu.memory_space<semaphore_mem>>) {add = true}
        %dma_wait3A_342 = arith.constant 0 : i32
        %dma_wait3A_343 = tpu.memref_slice %arg9[%run_scoped3A_188, %dma_wait3A_342] : memref<5x125xi32, #tpu.memory_space<vmem>> -> memref<1x125xi32, #tpu.memory_space<vmem>>
        %dma_wait3A_344 = tpu.memref_squeeze %dma_wait3A_343 : memref<1x125xi32, #tpu.memory_space<vmem>> -> memref<125xi32, #tpu.memory_space<vmem>>
        %dma_wait3A_345 = arith.constant 0 : i32
        %dma_wait3A_346 = arith.constant 0 : i32
        %dma_wait3A_347 = tpu.memref_slice %arg17[%dma_wait3A_345, %dma_wait3A_346] : memref<10240x128xf32, #tpu.memory_space<vmem_shared>> -> memref<10240x128xf32, #tpu.memory_space<vmem_shared>>
        tpu.wait_indirect_dma semaphore(%run_scoped3A_335 : memref<!tpu.dma_semaphore, #tpu.memory_space<semaphore_mem>>) src(%arg12 : memref<125x128xf32, #tpu.memory_space<vmem>>) dst(%dma_wait3A_347 : memref<10240x128xf32, #tpu.memory_space<vmem_shared>>)
        tpu.yield
      }) : () -> ()
      %run_scoped3A_189 = arith.constant 3 : i32
      "tpu.region"() ({
        %run_scoped3A_335 = tpu.sem_alloc : memref<!tpu.dma_semaphore, #tpu.memory_space<semaphore_mem>>
        %dma_start3A_336 = arith.constant 0 : i32
        %dma_start3A_337 = tpu.memref_slice %arg18[%dma_start3A_336] : memref<128xf32, #tpu.memory_space<vmem>> -> memref<125xf32, #tpu.memory_space<vmem>>
        %dma_start3A_338 = arith.constant 0 : i32
        %dma_start3A_339 = tpu.memref_slice %arg9[%run_scoped3A_189, %dma_start3A_338] : memref<5x125xi32, #tpu.memory_space<vmem>> -> memref<1x125xi32, #tpu.memory_space<vmem>>
        %dma_start3A_340 = tpu.memref_squeeze %dma_start3A_339 : memref<1x125xi32, #tpu.memory_space<vmem>> -> memref<125xi32, #tpu.memory_space<vmem>>
        %dma_start3A_341 = arith.constant 0 : i32
        %dma_start3A_342 = tpu.memref_slice %arg19[%dma_start3A_341] : memref<10240xf32, #tpu.memory_space<vmem_shared>> -> memref<10240xf32, #tpu.memory_space<vmem_shared>>
        tpu.enqueue_indirect_dma source(%dma_start3A_337 : memref<125xf32, #tpu.memory_space<vmem>>) target(%dma_start3A_342 : memref<10240xf32, #tpu.memory_space<vmem_shared>>) offsets(%dma_start3A_340 : memref<125xi32, #tpu.memory_space<vmem>>) semaphore(%run_scoped3A_335 : memref<!tpu.dma_semaphore, #tpu.memory_space<semaphore_mem>>) {add = true}
        %dma_wait3A_343 = arith.constant 0 : i32
        %dma_wait3A_344 = tpu.memref_slice %arg18[%dma_wait3A_343] : memref<128xf32, #tpu.memory_space<vmem>> -> memref<125xf32, #tpu.memory_space<vmem>>
        %dma_wait3A_345 = arith.constant 0 : i32
        %dma_wait3A_346 = tpu.memref_slice %arg9[%run_scoped3A_189, %dma_wait3A_345] : memref<5x125xi32, #tpu.memory_space<vmem>> -> memref<1x125xi32, #tpu.memory_space<vmem>>
        %dma_wait3A_347 = tpu.memref_squeeze %dma_wait3A_346 : memref<1x125xi32, #tpu.memory_space<vmem>> -> memref<125xi32, #tpu.memory_space<vmem>>
        %dma_wait3A_348 = arith.constant 0 : i32
        %dma_wait3A_349 = tpu.memref_slice %arg19[%dma_wait3A_348] : memref<10240xf32, #tpu.memory_space<vmem_shared>> -> memref<10240xf32, #tpu.memory_space<vmem_shared>>
        tpu.wait_indirect_dma semaphore(%run_scoped3A_335 : memref<!tpu.dma_semaphore, #tpu.memory_space<semaphore_mem>>) src(%dma_wait3A_344 : memref<125xf32, #tpu.memory_space<vmem>>) dst(%dma_wait3A_349 : memref<10240xf32, #tpu.memory_space<vmem_shared>>)
        tpu.yield
      }) : () -> ()
      %mul3A_190 = arith.constant 5 : i32
      %mul3A_191 = arith.muli %add3A_106, %mul3A_190 : i32
      %add3A_192 = arith.constant 4 : i32
      %add3A_193 = arith.addi %mul3A_191, %add3A_192 : i32
      %add3A_194 = arith.constant 1 : i32
      %add3A_195 = arith.addi %add3A_193, %add3A_194 : i32
      %lt3A_196 = arith.constant 80 : i32
      %lt3A_197 = arith.cmpi slt, %add3A_195, %lt3A_196 : i32
      %convert_element_type3A_198 = arith.extui %lt3A_197 : i1 to i32
      %cond3A_199 = arith.constant 0 : i32
      %cond3A_200 = arith.cmpi ne, %convert_element_type3A_198, %cond3A_199 : i32
      scf.if %cond3A_200 {
        %dma_start3A_335 = arith.constant 0 : i32
        %dma_start3A_336 = arith.constant 0 : i32
        %dma_start3A_337 = tpu.memref_slice %arg8[%dma_start3A_335, %dma_start3A_336] : memref<5x125xi32, #tpu.memory_space<vmem>> -> memref<1x125xi32, #tpu.memory_space<vmem>>
        %dma_start3A_338 = tpu.memref_squeeze %dma_start3A_337 : memref<1x125xi32, #tpu.memory_space<vmem>> -> memref<125xi32, #tpu.memory_space<vmem>>
        %dma_start3A_339 = arith.constant 0 : i32
        %dma_start3A_340 = arith.constant 0 : i32
        %dma_start3A_341 = tpu.memref_slice %arg2[%dma_start3A_339, %dma_start3A_340] : memref<10240x128xf32, #tpu.memory_space<hbm>> -> memref<10240x128xf32, #tpu.memory_space<hbm>>
        tpu.enqueue_indirect_dma source(%dma_start3A_341 : memref<10240x128xf32, #tpu.memory_space<hbm>>) target(%arg12 : memref<125x128xf32, #tpu.memory_space<vmem>>) offsets(%dma_start3A_338 : memref<125xi32, #tpu.memory_space<vmem>>) semaphore(%arg14 : memref<!tpu.dma_semaphore, #tpu.memory_space<semaphore_mem>>)
      } else {
      }
      %dma_wait3A_201 = arith.constant 4 : i32
      %dma_wait3A_202 = arith.constant 0 : i32
      %dma_wait3A_203 = tpu.memref_slice %arg7[%dma_wait3A_201, %dma_wait3A_202] : memref<5x125xi32, #tpu.memory_space<vmem>> -> memref<1x125xi32, #tpu.memory_space<vmem>>
      %dma_wait3A_204 = tpu.memref_squeeze %dma_wait3A_203 : memref<1x125xi32, #tpu.memory_space<vmem>> -> memref<125xi32, #tpu.memory_space<vmem>>
      %dma_wait3A_205 = arith.constant 0 : i32
      %dma_wait3A_206 = arith.constant 0 : i32
      %dma_wait3A_207 = tpu.memref_slice %arg2[%dma_wait3A_205, %dma_wait3A_206] : memref<10240x128xf32, #tpu.memory_space<hbm>> -> memref<10240x128xf32, #tpu.memory_space<hbm>>
      tpu.wait_indirect_dma semaphore(%arg13 : memref<!tpu.dma_semaphore, #tpu.memory_space<semaphore_mem>>) src(%dma_wait3A_207 : memref<10240x128xf32, #tpu.memory_space<hbm>>) dst(%arg11 : memref<125x128xf32, #tpu.memory_space<vmem>>)
      %run_scoped3A_208 = arith.constant 4 : i32
      "tpu.region"() ({
        %run_scoped3A_335 = tpu.sem_alloc : memref<!tpu.dma_semaphore, #tpu.memory_space<semaphore_mem>>
        %dma_start3A_336 = arith.constant 0 : i32
        %dma_start3A_337 = tpu.memref_slice %arg9[%run_scoped3A_208, %dma_start3A_336] : memref<5x125xi32, #tpu.memory_space<vmem>> -> memref<1x125xi32, #tpu.memory_space<vmem>>
        %dma_start3A_338 = tpu.memref_squeeze %dma_start3A_337 : memref<1x125xi32, #tpu.memory_space<vmem>> -> memref<125xi32, #tpu.memory_space<vmem>>
        %dma_start3A_339 = arith.constant 0 : i32
        %dma_start3A_340 = arith.constant 0 : i32
        %dma_start3A_341 = tpu.memref_slice %arg17[%dma_start3A_339, %dma_start3A_340] : memref<10240x128xf32, #tpu.memory_space<vmem_shared>> -> memref<10240x128xf32, #tpu.memory_space<vmem_shared>>
        tpu.enqueue_indirect_dma source(%arg11 : memref<125x128xf32, #tpu.memory_space<vmem>>) target(%dma_start3A_341 : memref<10240x128xf32, #tpu.memory_space<vmem_shared>>) offsets(%dma_start3A_338 : memref<125xi32, #tpu.memory_space<vmem>>) semaphore(%run_scoped3A_335 : memref<!tpu.dma_semaphore, #tpu.memory_space<semaphore_mem>>) {add = true}
        %dma_wait3A_342 = arith.constant 0 : i32
        %dma_wait3A_343 = tpu.memref_slice %arg9[%run_scoped3A_208, %dma_wait3A_342] : memref<5x125xi32, #tpu.memory_space<vmem>> -> memref<1x125xi32, #tpu.memory_space<vmem>>
        %dma_wait3A_344 = tpu.memref_squeeze %dma_wait3A_343 : memref<1x125xi32, #tpu.memory_space<vmem>> -> memref<125xi32, #tpu.memory_space<vmem>>
        %dma_wait3A_345 = arith.constant 0 : i32
        %dma_wait3A_346 = arith.constant 0 : i32
        %dma_wait3A_347 = tpu.memref_slice %arg17[%dma_wait3A_345, %dma_wait3A_346] : memref<10240x128xf32, #tpu.memory_space<vmem_shared>> -> memref<10240x128xf32, #tpu.memory_space<vmem_shared>>
        tpu.wait_indirect_dma semaphore(%run_scoped3A_335 : memref<!tpu.dma_semaphore, #tpu.memory_space<semaphore_mem>>) src(%arg11 : memref<125x128xf32, #tpu.memory_space<vmem>>) dst(%dma_wait3A_347 : memref<10240x128xf32, #tpu.memory_space<vmem_shared>>)
        tpu.yield
      }) : () -> ()
      %run_scoped3A_209 = arith.constant 4 : i32
      "tpu.region"() ({
        %run_scoped3A_335 = tpu.sem_alloc : memref<!tpu.dma_semaphore, #tpu.memory_space<semaphore_mem>>
        %dma_start3A_336 = arith.constant 0 : i32
        %dma_start3A_337 = tpu.memref_slice %arg18[%dma_start3A_336] : memref<128xf32, #tpu.memory_space<vmem>> -> memref<125xf32, #tpu.memory_space<vmem>>
        %dma_start3A_338 = arith.constant 0 : i32
        %dma_start3A_339 = tpu.memref_slice %arg9[%run_scoped3A_209, %dma_start3A_338] : memref<5x125xi32, #tpu.memory_space<vmem>> -> memref<1x125xi32, #tpu.memory_space<vmem>>
        %dma_start3A_340 = tpu.memref_squeeze %dma_start3A_339 : memref<1x125xi32, #tpu.memory_space<vmem>> -> memref<125xi32, #tpu.memory_space<vmem>>
        %dma_start3A_341 = arith.constant 0 : i32
        %dma_start3A_342 = tpu.memref_slice %arg19[%dma_start3A_341] : memref<10240xf32, #tpu.memory_space<vmem_shared>> -> memref<10240xf32, #tpu.memory_space<vmem_shared>>
        tpu.enqueue_indirect_dma source(%dma_start3A_337 : memref<125xf32, #tpu.memory_space<vmem>>) target(%dma_start3A_342 : memref<10240xf32, #tpu.memory_space<vmem_shared>>) offsets(%dma_start3A_340 : memref<125xi32, #tpu.memory_space<vmem>>) semaphore(%run_scoped3A_335 : memref<!tpu.dma_semaphore, #tpu.memory_space<semaphore_mem>>) {add = true}
        %dma_wait3A_343 = arith.constant 0 : i32
        %dma_wait3A_344 = tpu.memref_slice %arg18[%dma_wait3A_343] : memref<128xf32, #tpu.memory_space<vmem>> -> memref<125xf32, #tpu.memory_space<vmem>>
        %dma_wait3A_345 = arith.constant 0 : i32
        %dma_wait3A_346 = tpu.memref_slice %arg9[%run_scoped3A_209, %dma_wait3A_345] : memref<5x125xi32, #tpu.memory_space<vmem>> -> memref<1x125xi32, #tpu.memory_space<vmem>>
        %dma_wait3A_347 = tpu.memref_squeeze %dma_wait3A_346 : memref<1x125xi32, #tpu.memory_space<vmem>> -> memref<125xi32, #tpu.memory_space<vmem>>
        %dma_wait3A_348 = arith.constant 0 : i32
        %dma_wait3A_349 = tpu.memref_slice %arg19[%dma_wait3A_348] : memref<10240xf32, #tpu.memory_space<vmem_shared>> -> memref<10240xf32, #tpu.memory_space<vmem_shared>>
        tpu.wait_indirect_dma semaphore(%run_scoped3A_335 : memref<!tpu.dma_semaphore, #tpu.memory_space<semaphore_mem>>) src(%dma_wait3A_344 : memref<125xf32, #tpu.memory_space<vmem>>) dst(%dma_wait3A_349 : memref<10240xf32, #tpu.memory_space<vmem_shared>>)
        tpu.yield
      }) : () -> ()
      %add3A_210 = arith.constant 2 : i32
      %add3A_211 = arith.addi %add3A_106, %add3A_210 : i32
      %lt3A_212 = arith.constant 16 : i32
      %lt3A_213 = arith.cmpi slt, %add3A_211, %lt3A_212 : i32
      %convert_element_type3A_214 = arith.extui %lt3A_213 : i1 to i32
      %cond3A_215 = arith.constant 0 : i32
      %cond3A_216 = arith.cmpi ne, %convert_element_type3A_214, %cond3A_215 : i32
      scf.if %cond3A_216 {
        %add3A_335 = arith.constant 2 : i32
        %add3A_336 = arith.addi %add3A_106, %add3A_335 : i32
        %dma_start3A_337 = arith.constant 0 : i32
        %dma_start3A_338 = arith.constant 0 : i32
        %dma_start3A_339 = tpu.memref_slice %arg3[%add3A, %add3A_336, %dma_start3A_337, %dma_start3A_338] : memref<32x16x5x125xi32, #tpu.memory_space<hbm>> -> memref<1x1x5x125xi32, #tpu.memory_space<hbm>>
        %dma_start3A_340 = tpu.memref_squeeze %dma_start3A_339 : memref<1x1x5x125xi32, #tpu.memory_space<hbm>> -> memref<5x125xi32, #tpu.memory_space<hbm>>
        %dma_start3A_341 = arith.constant 0 : i32
        %dma_start3A_342 = arith.constant 0 : i32
        %dma_start3A_343 = tpu.memref_slice %arg3[%add3A, %add3A_336, %dma_start3A_341, %dma_start3A_342] : memref<32x16x5x125xi32, #tpu.memory_space<hbm>> -> memref<1x1x5x125xi32, #tpu.memory_space<hbm>>
        %dma_start3A_344 = tpu.memref_squeeze %dma_start3A_343 : memref<1x1x5x125xi32, #tpu.memory_space<hbm>> -> memref<5x125xi32, #tpu.memory_space<hbm>>
        tpu.enqueue_dma source(%dma_start3A_344 : memref<5x125xi32, #tpu.memory_space<hbm>>) target(%arg7 : memref<5x125xi32, #tpu.memory_space<vmem>>) target_semaphore(%arg15 : memref<!tpu.dma_semaphore, #tpu.memory_space<semaphore_mem>>)
        %dma_start3A_345 = arith.constant 0 : i32
        %dma_start3A_346 = arith.constant 0 : i32
        %dma_start3A_347 = tpu.memref_slice %arg4[%add3A, %add3A_336, %dma_start3A_345, %dma_start3A_346] : memref<32x16x5x125xi32, #tpu.memory_space<hbm>> -> memref<1x1x5x125xi32, #tpu.memory_space<hbm>>
        %dma_start3A_348 = tpu.memref_squeeze %dma_start3A_347 : memref<1x1x5x125xi32, #tpu.memory_space<hbm>> -> memref<5x125xi32, #tpu.memory_space<hbm>>
        %dma_start3A_349 = arith.constant 0 : i32
        %dma_start3A_350 = arith.constant 0 : i32
        %dma_start3A_351 = tpu.memref_slice %arg4[%add3A, %add3A_336, %dma_start3A_349, %dma_start3A_350] : memref<32x16x5x125xi32, #tpu.memory_space<hbm>> -> memref<1x1x5x125xi32, #tpu.memory_space<hbm>>
        %dma_start3A_352 = tpu.memref_squeeze %dma_start3A_351 : memref<1x1x5x125xi32, #tpu.memory_space<hbm>> -> memref<5x125xi32, #tpu.memory_space<hbm>>
        tpu.enqueue_dma source(%dma_start3A_352 : memref<5x125xi32, #tpu.memory_space<hbm>>) target(%arg9 : memref<5x125xi32, #tpu.memory_space<vmem>>) target_semaphore(%arg15 : memref<!tpu.dma_semaphore, #tpu.memory_space<semaphore_mem>>)
      } else {
      }
      %mul3A_217 = arith.constant 2 : i32
      %mul3A_218 = arith.muli %scan3A_102, %mul3A_217 : i32
      %add3A_219 = arith.constant 1 : i32
      %add3A_220 = arith.addi %mul3A_218, %add3A_219 : i32
      %add3A_221 = arith.constant 1 : i32
      %add3A_222 = arith.addi %add3A_220, %add3A_221 : i32
      %lt3A_223 = arith.constant 16 : i32
      %lt3A_224 = arith.cmpi slt, %add3A_222, %lt3A_223 : i32
      %convert_element_type3A_225 = arith.extui %lt3A_224 : i1 to i32
      %cond3A_226 = arith.constant 0 : i32
      %cond3A_227 = arith.cmpi ne, %convert_element_type3A_225, %cond3A_226 : i32
      scf.if %cond3A_227 {
        %add3A_335 = arith.constant 1 : i32
        %add3A_336 = arith.addi %add3A_220, %add3A_335 : i32
        %dma_wait3A_337 = arith.constant 0 : i32
        %dma_wait3A_338 = arith.constant 0 : i32
        %dma_wait3A_339 = tpu.memref_slice %arg3[%add3A, %add3A_336, %dma_wait3A_337, %dma_wait3A_338] : memref<32x16x5x125xi32, #tpu.memory_space<hbm>> -> memref<1x1x5x125xi32, #tpu.memory_space<hbm>>
        %dma_wait3A_340 = tpu.memref_squeeze %dma_wait3A_339 : memref<1x1x5x125xi32, #tpu.memory_space<hbm>> -> memref<5x125xi32, #tpu.memory_space<hbm>>
        %dma_wait3A_341 = arith.constant 0 : i32
        %dma_wait3A_342 = arith.constant 0 : i32
        %dma_wait3A_343 = tpu.memref_slice %arg3[%add3A, %add3A_336, %dma_wait3A_341, %dma_wait3A_342] : memref<32x16x5x125xi32, #tpu.memory_space<hbm>> -> memref<1x1x5x125xi32, #tpu.memory_space<hbm>>
        %dma_wait3A_344 = tpu.memref_squeeze %dma_wait3A_343 : memref<1x1x5x125xi32, #tpu.memory_space<hbm>> -> memref<5x125xi32, #tpu.memory_space<hbm>>
        tpu.wait_dma2 semaphore(%arg15 : memref<!tpu.dma_semaphore, #tpu.memory_space<semaphore_mem>>) src(%dma_wait3A_344 : memref<5x125xi32, #tpu.memory_space<hbm>>) dst(%arg7 : memref<5x125xi32, #tpu.memory_space<vmem>>)
        %dma_wait3A_345 = arith.constant 0 : i32
        %dma_wait3A_346 = arith.constant 0 : i32
        %dma_wait3A_347 = tpu.memref_slice %arg4[%add3A, %add3A_336, %dma_wait3A_345, %dma_wait3A_346] : memref<32x16x5x125xi32, #tpu.memory_space<hbm>> -> memref<1x1x5x125xi32, #tpu.memory_space<hbm>>
        %dma_wait3A_348 = tpu.memref_squeeze %dma_wait3A_347 : memref<1x1x5x125xi32, #tpu.memory_space<hbm>> -> memref<5x125xi32, #tpu.memory_space<hbm>>
        %dma_wait3A_349 = arith.constant 0 : i32
        %dma_wait3A_350 = arith.constant 0 : i32
        %dma_wait3A_351 = tpu.memref_slice %arg4[%add3A, %add3A_336, %dma_wait3A_349, %dma_wait3A_350] : memref<32x16x5x125xi32, #tpu.memory_space<hbm>> -> memref<1x1x5x125xi32, #tpu.memory_space<hbm>>
        %dma_wait3A_352 = tpu.memref_squeeze %dma_wait3A_351 : memref<1x1x5x125xi32, #tpu.memory_space<hbm>> -> memref<5x125xi32, #tpu.memory_space<hbm>>
        tpu.wait_dma2 semaphore(%arg15 : memref<!tpu.dma_semaphore, #tpu.memory_space<semaphore_mem>>) src(%dma_wait3A_352 : memref<5x125xi32, #tpu.memory_space<hbm>>) dst(%arg9 : memref<5x125xi32, #tpu.memory_space<vmem>>)
      } else {
      }
      %mul3A_228 = arith.constant 5 : i32
      %mul3A_229 = arith.muli %add3A_220, %mul3A_228 : i32
      %add3A_230 = arith.constant 0 : i32
      %add3A_231 = arith.addi %mul3A_229, %add3A_230 : i32
      %add3A_232 = arith.constant 1 : i32
      %add3A_233 = arith.addi %add3A_231, %add3A_232 : i32
      %lt3A_234 = arith.constant 80 : i32
      %lt3A_235 = arith.cmpi slt, %add3A_233, %lt3A_234 : i32
      %convert_element_type3A_236 = arith.extui %lt3A_235 : i1 to i32
      %cond3A_237 = arith.constant 0 : i32
      %cond3A_238 = arith.cmpi ne, %convert_element_type3A_236, %cond3A_237 : i32
      scf.if %cond3A_238 {
        %dma_start3A_335 = arith.constant 1 : i32
        %dma_start3A_336 = arith.constant 0 : i32
        %dma_start3A_337 = tpu.memref_slice %arg8[%dma_start3A_335, %dma_start3A_336] : memref<5x125xi32, #tpu.memory_space<vmem>> -> memref<1x125xi32, #tpu.memory_space<vmem>>
        %dma_start3A_338 = tpu.memref_squeeze %dma_start3A_337 : memref<1x125xi32, #tpu.memory_space<vmem>> -> memref<125xi32, #tpu.memory_space<vmem>>
        %dma_start3A_339 = arith.constant 0 : i32
        %dma_start3A_340 = arith.constant 0 : i32
        %dma_start3A_341 = tpu.memref_slice %arg2[%dma_start3A_339, %dma_start3A_340] : memref<10240x128xf32, #tpu.memory_space<hbm>> -> memref<10240x128xf32, #tpu.memory_space<hbm>>
        tpu.enqueue_indirect_dma source(%dma_start3A_341 : memref<10240x128xf32, #tpu.memory_space<hbm>>) target(%arg11 : memref<125x128xf32, #tpu.memory_space<vmem>>) offsets(%dma_start3A_338 : memref<125xi32, #tpu.memory_space<vmem>>) semaphore(%arg13 : memref<!tpu.dma_semaphore, #tpu.memory_space<semaphore_mem>>)
      } else {
      }
      %dma_wait3A_239 = arith.constant 0 : i32
      %dma_wait3A_240 = arith.constant 0 : i32
      %dma_wait3A_241 = tpu.memref_slice %arg8[%dma_wait3A_239, %dma_wait3A_240] : memref<5x125xi32, #tpu.memory_space<vmem>> -> memref<1x125xi32, #tpu.memory_space<vmem>>
      %dma_wait3A_242 = tpu.memref_squeeze %dma_wait3A_241 : memref<1x125xi32, #tpu.memory_space<vmem>> -> memref<125xi32, #tpu.memory_space<vmem>>
      %dma_wait3A_243 = arith.constant 0 : i32
      %dma_wait3A_244 = arith.constant 0 : i32
      %dma_wait3A_245 = tpu.memref_slice %arg2[%dma_wait3A_243, %dma_wait3A_244] : memref<10240x128xf32, #tpu.memory_space<hbm>> -> memref<10240x128xf32, #tpu.memory_space<hbm>>
      tpu.wait_indirect_dma semaphore(%arg14 : memref<!tpu.dma_semaphore, #tpu.memory_space<semaphore_mem>>) src(%dma_wait3A_245 : memref<10240x128xf32, #tpu.memory_space<hbm>>) dst(%arg12 : memref<125x128xf32, #tpu.memory_space<vmem>>)
      %run_scoped3A_246 = arith.constant 0 : i32
      "tpu.region"() ({
        %run_scoped3A_335 = tpu.sem_alloc : memref<!tpu.dma_semaphore, #tpu.memory_space<semaphore_mem>>
        %dma_start3A_336 = arith.constant 0 : i32
        %dma_start3A_337 = tpu.memref_slice %arg10[%run_scoped3A_246, %dma_start3A_336] : memref<5x125xi32, #tpu.memory_space<vmem>> -> memref<1x125xi32, #tpu.memory_space<vmem>>
        %dma_start3A_338 = tpu.memref_squeeze %dma_start3A_337 : memref<1x125xi32, #tpu.memory_space<vmem>> -> memref<125xi32, #tpu.memory_space<vmem>>
        %dma_start3A_339 = arith.constant 0 : i32
        %dma_start3A_340 = arith.constant 0 : i32
        %dma_start3A_341 = tpu.memref_slice %arg17[%dma_start3A_339, %dma_start3A_340] : memref<10240x128xf32, #tpu.memory_space<vmem_shared>> -> memref<10240x128xf32, #tpu.memory_space<vmem_shared>>
        tpu.enqueue_indirect_dma source(%arg12 : memref<125x128xf32, #tpu.memory_space<vmem>>) target(%dma_start3A_341 : memref<10240x128xf32, #tpu.memory_space<vmem_shared>>) offsets(%dma_start3A_338 : memref<125xi32, #tpu.memory_space<vmem>>) semaphore(%run_scoped3A_335 : memref<!tpu.dma_semaphore, #tpu.memory_space<semaphore_mem>>) {add = true}
        %dma_wait3A_342 = arith.constant 0 : i32
        %dma_wait3A_343 = tpu.memref_slice %arg10[%run_scoped3A_246, %dma_wait3A_342] : memref<5x125xi32, #tpu.memory_space<vmem>> -> memref<1x125xi32, #tpu.memory_space<vmem>>
        %dma_wait3A_344 = tpu.memref_squeeze %dma_wait3A_343 : memref<1x125xi32, #tpu.memory_space<vmem>> -> memref<125xi32, #tpu.memory_space<vmem>>
        %dma_wait3A_345 = arith.constant 0 : i32
        %dma_wait3A_346 = arith.constant 0 : i32
        %dma_wait3A_347 = tpu.memref_slice %arg17[%dma_wait3A_345, %dma_wait3A_346] : memref<10240x128xf32, #tpu.memory_space<vmem_shared>> -> memref<10240x128xf32, #tpu.memory_space<vmem_shared>>
        tpu.wait_indirect_dma semaphore(%run_scoped3A_335 : memref<!tpu.dma_semaphore, #tpu.memory_space<semaphore_mem>>) src(%arg12 : memref<125x128xf32, #tpu.memory_space<vmem>>) dst(%dma_wait3A_347 : memref<10240x128xf32, #tpu.memory_space<vmem_shared>>)
        tpu.yield
      }) : () -> ()
      %run_scoped3A_247 = arith.constant 0 : i32
      "tpu.region"() ({
        %run_scoped3A_335 = tpu.sem_alloc : memref<!tpu.dma_semaphore, #tpu.memory_space<semaphore_mem>>
        %dma_start3A_336 = arith.constant 0 : i32
        %dma_start3A_337 = tpu.memref_slice %arg18[%dma_start3A_336] : memref<128xf32, #tpu.memory_space<vmem>> -> memref<125xf32, #tpu.memory_space<vmem>>
        %dma_start3A_338 = arith.constant 0 : i32
        %dma_start3A_339 = tpu.memref_slice %arg10[%run_scoped3A_247, %dma_start3A_338] : memref<5x125xi32, #tpu.memory_space<vmem>> -> memref<1x125xi32, #tpu.memory_space<vmem>>
        %dma_start3A_340 = tpu.memref_squeeze %dma_start3A_339 : memref<1x125xi32, #tpu.memory_space<vmem>> -> memref<125xi32, #tpu.memory_space<vmem>>
        %dma_start3A_341 = arith.constant 0 : i32
        %dma_start3A_342 = tpu.memref_slice %arg19[%dma_start3A_341] : memref<10240xf32, #tpu.memory_space<vmem_shared>> -> memref<10240xf32, #tpu.memory_space<vmem_shared>>
        tpu.enqueue_indirect_dma source(%dma_start3A_337 : memref<125xf32, #tpu.memory_space<vmem>>) target(%dma_start3A_342 : memref<10240xf32, #tpu.memory_space<vmem_shared>>) offsets(%dma_start3A_340 : memref<125xi32, #tpu.memory_space<vmem>>) semaphore(%run_scoped3A_335 : memref<!tpu.dma_semaphore, #tpu.memory_space<semaphore_mem>>) {add = true}
        %dma_wait3A_343 = arith.constant 0 : i32
        %dma_wait3A_344 = tpu.memref_slice %arg18[%dma_wait3A_343] : memref<128xf32, #tpu.memory_space<vmem>> -> memref<125xf32, #tpu.memory_space<vmem>>
        %dma_wait3A_345 = arith.constant 0 : i32
        %dma_wait3A_346 = tpu.memref_slice %arg10[%run_scoped3A_247, %dma_wait3A_345] : memref<5x125xi32, #tpu.memory_space<vmem>> -> memref<1x125xi32, #tpu.memory_space<vmem>>
        %dma_wait3A_347 = tpu.memref_squeeze %dma_wait3A_346 : memref<1x125xi32, #tpu.memory_space<vmem>> -> memref<125xi32, #tpu.memory_space<vmem>>
        %dma_wait3A_348 = arith.constant 0 : i32
        %dma_wait3A_349 = tpu.memref_slice %arg19[%dma_wait3A_348] : memref<10240xf32, #tpu.memory_space<vmem_shared>> -> memref<10240xf32, #tpu.memory_space<vmem_shared>>
        tpu.wait_indirect_dma semaphore(%run_scoped3A_335 : memref<!tpu.dma_semaphore, #tpu.memory_space<semaphore_mem>>) src(%dma_wait3A_344 : memref<125xf32, #tpu.memory_space<vmem>>) dst(%dma_wait3A_349 : memref<10240xf32, #tpu.memory_space<vmem_shared>>)
        tpu.yield
      }) : () -> ()
      %mul3A_248 = arith.constant 5 : i32
      %mul3A_249 = arith.muli %add3A_220, %mul3A_248 : i32
      %add3A_250 = arith.constant 1 : i32
      %add3A_251 = arith.addi %mul3A_249, %add3A_250 : i32
      %add3A_252 = arith.constant 1 : i32
      %add3A_253 = arith.addi %add3A_251, %add3A_252 : i32
      %lt3A_254 = arith.constant 80 : i32
      %lt3A_255 = arith.cmpi slt, %add3A_253, %lt3A_254 : i32
      %convert_element_type3A_256 = arith.extui %lt3A_255 : i1 to i32
      %cond3A_257 = arith.constant 0 : i32
      %cond3A_258 = arith.cmpi ne, %convert_element_type3A_256, %cond3A_257 : i32
      scf.if %cond3A_258 {
        %dma_start3A_335 = arith.constant 2 : i32
        %dma_start3A_336 = arith.constant 0 : i32
        %dma_start3A_337 = tpu.memref_slice %arg8[%dma_start3A_335, %dma_start3A_336] : memref<5x125xi32, #tpu.memory_space<vmem>> -> memref<1x125xi32, #tpu.memory_space<vmem>>
        %dma_start3A_338 = tpu.memref_squeeze %dma_start3A_337 : memref<1x125xi32, #tpu.memory_space<vmem>> -> memref<125xi32, #tpu.memory_space<vmem>>
        %dma_start3A_339 = arith.constant 0 : i32
        %dma_start3A_340 = arith.constant 0 : i32
        %dma_start3A_341 = tpu.memref_slice %arg2[%dma_start3A_339, %dma_start3A_340] : memref<10240x128xf32, #tpu.memory_space<hbm>> -> memref<10240x128xf32, #tpu.memory_space<hbm>>
        tpu.enqueue_indirect_dma source(%dma_start3A_341 : memref<10240x128xf32, #tpu.memory_space<hbm>>) target(%arg12 : memref<125x128xf32, #tpu.memory_space<vmem>>) offsets(%dma_start3A_338 : memref<125xi32, #tpu.memory_space<vmem>>) semaphore(%arg14 : memref<!tpu.dma_semaphore, #tpu.memory_space<semaphore_mem>>)
      } else {
      }
      %dma_wait3A_259 = arith.constant 1 : i32
      %dma_wait3A_260 = arith.constant 0 : i32
      %dma_wait3A_261 = tpu.memref_slice %arg8[%dma_wait3A_259, %dma_wait3A_260] : memref<5x125xi32, #tpu.memory_space<vmem>> -> memref<1x125xi32, #tpu.memory_space<vmem>>
      %dma_wait3A_262 = tpu.memref_squeeze %dma_wait3A_261 : memref<1x125xi32, #tpu.memory_space<vmem>> -> memref<125xi32, #tpu.memory_space<vmem>>
      %dma_wait3A_263 = arith.constant 0 : i32
      %dma_wait3A_264 = arith.constant 0 : i32
      %dma_wait3A_265 = tpu.memref_slice %arg2[%dma_wait3A_263, %dma_wait3A_264] : memref<10240x128xf32, #tpu.memory_space<hbm>> -> memref<10240x128xf32, #tpu.memory_space<hbm>>
      tpu.wait_indirect_dma semaphore(%arg13 : memref<!tpu.dma_semaphore, #tpu.memory_space<semaphore_mem>>) src(%dma_wait3A_265 : memref<10240x128xf32, #tpu.memory_space<hbm>>) dst(%arg11 : memref<125x128xf32, #tpu.memory_space<vmem>>)
      %run_scoped3A_266 = arith.constant 1 : i32
      "tpu.region"() ({
        %run_scoped3A_335 = tpu.sem_alloc : memref<!tpu.dma_semaphore, #tpu.memory_space<semaphore_mem>>
        %dma_start3A_336 = arith.constant 0 : i32
        %dma_start3A_337 = tpu.memref_slice %arg10[%run_scoped3A_266, %dma_start3A_336] : memref<5x125xi32, #tpu.memory_space<vmem>> -> memref<1x125xi32, #tpu.memory_space<vmem>>
        %dma_start3A_338 = tpu.memref_squeeze %dma_start3A_337 : memref<1x125xi32, #tpu.memory_space<vmem>> -> memref<125xi32, #tpu.memory_space<vmem>>
        %dma_start3A_339 = arith.constant 0 : i32
        %dma_start3A_340 = arith.constant 0 : i32
        %dma_start3A_341 = tpu.memref_slice %arg17[%dma_start3A_339, %dma_start3A_340] : memref<10240x128xf32, #tpu.memory_space<vmem_shared>> -> memref<10240x128xf32, #tpu.memory_space<vmem_shared>>
        tpu.enqueue_indirect_dma source(%arg11 : memref<125x128xf32, #tpu.memory_space<vmem>>) target(%dma_start3A_341 : memref<10240x128xf32, #tpu.memory_space<vmem_shared>>) offsets(%dma_start3A_338 : memref<125xi32, #tpu.memory_space<vmem>>) semaphore(%run_scoped3A_335 : memref<!tpu.dma_semaphore, #tpu.memory_space<semaphore_mem>>) {add = true}
        %dma_wait3A_342 = arith.constant 0 : i32
        %dma_wait3A_343 = tpu.memref_slice %arg10[%run_scoped3A_266, %dma_wait3A_342] : memref<5x125xi32, #tpu.memory_space<vmem>> -> memref<1x125xi32, #tpu.memory_space<vmem>>
        %dma_wait3A_344 = tpu.memref_squeeze %dma_wait3A_343 : memref<1x125xi32, #tpu.memory_space<vmem>> -> memref<125xi32, #tpu.memory_space<vmem>>
        %dma_wait3A_345 = arith.constant 0 : i32
        %dma_wait3A_346 = arith.constant 0 : i32
        %dma_wait3A_347 = tpu.memref_slice %arg17[%dma_wait3A_345, %dma_wait3A_346] : memref<10240x128xf32, #tpu.memory_space<vmem_shared>> -> memref<10240x128xf32, #tpu.memory_space<vmem_shared>>
        tpu.wait_indirect_dma semaphore(%run_scoped3A_335 : memref<!tpu.dma_semaphore, #tpu.memory_space<semaphore_mem>>) src(%arg11 : memref<125x128xf32, #tpu.memory_space<vmem>>) dst(%dma_wait3A_347 : memref<10240x128xf32, #tpu.memory_space<vmem_shared>>)
        tpu.yield
      }) : () -> ()
      %run_scoped3A_267 = arith.constant 1 : i32
      "tpu.region"() ({
        %run_scoped3A_335 = tpu.sem_alloc : memref<!tpu.dma_semaphore, #tpu.memory_space<semaphore_mem>>
        %dma_start3A_336 = arith.constant 0 : i32
        %dma_start3A_337 = tpu.memref_slice %arg18[%dma_start3A_336] : memref<128xf32, #tpu.memory_space<vmem>> -> memref<125xf32, #tpu.memory_space<vmem>>
        %dma_start3A_338 = arith.constant 0 : i32
        %dma_start3A_339 = tpu.memref_slice %arg10[%run_scoped3A_267, %dma_start3A_338] : memref<5x125xi32, #tpu.memory_space<vmem>> -> memref<1x125xi32, #tpu.memory_space<vmem>>
        %dma_start3A_340 = tpu.memref_squeeze %dma_start3A_339 : memref<1x125xi32, #tpu.memory_space<vmem>> -> memref<125xi32, #tpu.memory_space<vmem>>
        %dma_start3A_341 = arith.constant 0 : i32
        %dma_start3A_342 = tpu.memref_slice %arg19[%dma_start3A_341] : memref<10240xf32, #tpu.memory_space<vmem_shared>> -> memref<10240xf32, #tpu.memory_space<vmem_shared>>
        tpu.enqueue_indirect_dma source(%dma_start3A_337 : memref<125xf32, #tpu.memory_space<vmem>>) target(%dma_start3A_342 : memref<10240xf32, #tpu.memory_space<vmem_shared>>) offsets(%dma_start3A_340 : memref<125xi32, #tpu.memory_space<vmem>>) semaphore(%run_scoped3A_335 : memref<!tpu.dma_semaphore, #tpu.memory_space<semaphore_mem>>) {add = true}
        %dma_wait3A_343 = arith.constant 0 : i32
        %dma_wait3A_344 = tpu.memref_slice %arg18[%dma_wait3A_343] : memref<128xf32, #tpu.memory_space<vmem>> -> memref<125xf32, #tpu.memory_space<vmem>>
        %dma_wait3A_345 = arith.constant 0 : i32
        %dma_wait3A_346 = tpu.memref_slice %arg10[%run_scoped3A_267, %dma_wait3A_345] : memref<5x125xi32, #tpu.memory_space<vmem>> -> memref<1x125xi32, #tpu.memory_space<vmem>>
        %dma_wait3A_347 = tpu.memref_squeeze %dma_wait3A_346 : memref<1x125xi32, #tpu.memory_space<vmem>> -> memref<125xi32, #tpu.memory_space<vmem>>
        %dma_wait3A_348 = arith.constant 0 : i32
        %dma_wait3A_349 = tpu.memref_slice %arg19[%dma_wait3A_348] : memref<10240xf32, #tpu.memory_space<vmem_shared>> -> memref<10240xf32, #tpu.memory_space<vmem_shared>>
        tpu.wait_indirect_dma semaphore(%run_scoped3A_335 : memref<!tpu.dma_semaphore, #tpu.memory_space<semaphore_mem>>) src(%dma_wait3A_344 : memref<125xf32, #tpu.memory_space<vmem>>) dst(%dma_wait3A_349 : memref<10240xf32, #tpu.memory_space<vmem_shared>>)
        tpu.yield
      }) : () -> ()
      %mul3A_268 = arith.constant 5 : i32
      %mul3A_269 = arith.muli %add3A_220, %mul3A_268 : i32
      %add3A_270 = arith.constant 2 : i32
      %add3A_271 = arith.addi %mul3A_269, %add3A_270 : i32
      %add3A_272 = arith.constant 1 : i32
      %add3A_273 = arith.addi %add3A_271, %add3A_272 : i32
      %lt3A_274 = arith.constant 80 : i32
      %lt3A_275 = arith.cmpi slt, %add3A_273, %lt3A_274 : i32
      %convert_element_type3A_276 = arith.extui %lt3A_275 : i1 to i32
      %cond3A_277 = arith.constant 0 : i32
      %cond3A_278 = arith.cmpi ne, %convert_element_type3A_276, %cond3A_277 : i32
      scf.if %cond3A_278 {
        %dma_start3A_335 = arith.constant 3 : i32
        %dma_start3A_336 = arith.constant 0 : i32
        %dma_start3A_337 = tpu.memref_slice %arg8[%dma_start3A_335, %dma_start3A_336] : memref<5x125xi32, #tpu.memory_space<vmem>> -> memref<1x125xi32, #tpu.memory_space<vmem>>
        %dma_start3A_338 = tpu.memref_squeeze %dma_start3A_337 : memref<1x125xi32, #tpu.memory_space<vmem>> -> memref<125xi32, #tpu.memory_space<vmem>>
        %dma_start3A_339 = arith.constant 0 : i32
        %dma_start3A_340 = arith.constant 0 : i32
        %dma_start3A_341 = tpu.memref_slice %arg2[%dma_start3A_339, %dma_start3A_340] : memref<10240x128xf32, #tpu.memory_space<hbm>> -> memref<10240x128xf32, #tpu.memory_space<hbm>>
        tpu.enqueue_indirect_dma source(%dma_start3A_341 : memref<10240x128xf32, #tpu.memory_space<hbm>>) target(%arg11 : memref<125x128xf32, #tpu.memory_space<vmem>>) offsets(%dma_start3A_338 : memref<125xi32, #tpu.memory_space<vmem>>) semaphore(%arg13 : memref<!tpu.dma_semaphore, #tpu.memory_space<semaphore_mem>>)
      } else {
      }
      %dma_wait3A_279 = arith.constant 2 : i32
      %dma_wait3A_280 = arith.constant 0 : i32
      %dma_wait3A_281 = tpu.memref_slice %arg8[%dma_wait3A_279, %dma_wait3A_280] : memref<5x125xi32, #tpu.memory_space<vmem>> -> memref<1x125xi32, #tpu.memory_space<vmem>>
      %dma_wait3A_282 = tpu.memref_squeeze %dma_wait3A_281 : memref<1x125xi32, #tpu.memory_space<vmem>> -> memref<125xi32, #tpu.memory_space<vmem>>
      %dma_wait3A_283 = arith.constant 0 : i32
      %dma_wait3A_284 = arith.constant 0 : i32
      %dma_wait3A_285 = tpu.memref_slice %arg2[%dma_wait3A_283, %dma_wait3A_284] : memref<10240x128xf32, #tpu.memory_space<hbm>> -> memref<10240x128xf32, #tpu.memory_space<hbm>>
      tpu.wait_indirect_dma semaphore(%arg14 : memref<!tpu.dma_semaphore, #tpu.memory_space<semaphore_mem>>) src(%dma_wait3A_285 : memref<10240x128xf32, #tpu.memory_space<hbm>>) dst(%arg12 : memref<125x128xf32, #tpu.memory_space<vmem>>)
      %run_scoped3A_286 = arith.constant 2 : i32
      "tpu.region"() ({
        %run_scoped3A_335 = tpu.sem_alloc : memref<!tpu.dma_semaphore, #tpu.memory_space<semaphore_mem>>
        %dma_start3A_336 = arith.constant 0 : i32
        %dma_start3A_337 = tpu.memref_slice %arg10[%run_scoped3A_286, %dma_start3A_336] : memref<5x125xi32, #tpu.memory_space<vmem>> -> memref<1x125xi32, #tpu.memory_space<vmem>>
        %dma_start3A_338 = tpu.memref_squeeze %dma_start3A_337 : memref<1x125xi32, #tpu.memory_space<vmem>> -> memref<125xi32, #tpu.memory_space<vmem>>
        %dma_start3A_339 = arith.constant 0 : i32
        %dma_start3A_340 = arith.constant 0 : i32
        %dma_start3A_341 = tpu.memref_slice %arg17[%dma_start3A_339, %dma_start3A_340] : memref<10240x128xf32, #tpu.memory_space<vmem_shared>> -> memref<10240x128xf32, #tpu.memory_space<vmem_shared>>
        tpu.enqueue_indirect_dma source(%arg12 : memref<125x128xf32, #tpu.memory_space<vmem>>) target(%dma_start3A_341 : memref<10240x128xf32, #tpu.memory_space<vmem_shared>>) offsets(%dma_start3A_338 : memref<125xi32, #tpu.memory_space<vmem>>) semaphore(%run_scoped3A_335 : memref<!tpu.dma_semaphore, #tpu.memory_space<semaphore_mem>>) {add = true}
        %dma_wait3A_342 = arith.constant 0 : i32
        %dma_wait3A_343 = tpu.memref_slice %arg10[%run_scoped3A_286, %dma_wait3A_342] : memref<5x125xi32, #tpu.memory_space<vmem>> -> memref<1x125xi32, #tpu.memory_space<vmem>>
        %dma_wait3A_344 = tpu.memref_squeeze %dma_wait3A_343 : memref<1x125xi32, #tpu.memory_space<vmem>> -> memref<125xi32, #tpu.memory_space<vmem>>
        %dma_wait3A_345 = arith.constant 0 : i32
        %dma_wait3A_346 = arith.constant 0 : i32
        %dma_wait3A_347 = tpu.memref_slice %arg17[%dma_wait3A_345, %dma_wait3A_346] : memref<10240x128xf32, #tpu.memory_space<vmem_shared>> -> memref<10240x128xf32, #tpu.memory_space<vmem_shared>>
        tpu.wait_indirect_dma semaphore(%run_scoped3A_335 : memref<!tpu.dma_semaphore, #tpu.memory_space<semaphore_mem>>) src(%arg12 : memref<125x128xf32, #tpu.memory_space<vmem>>) dst(%dma_wait3A_347 : memref<10240x128xf32, #tpu.memory_space<vmem_shared>>)
        tpu.yield
      }) : () -> ()
      %run_scoped3A_287 = arith.constant 2 : i32
      "tpu.region"() ({
        %run_scoped3A_335 = tpu.sem_alloc : memref<!tpu.dma_semaphore, #tpu.memory_space<semaphore_mem>>
        %dma_start3A_336 = arith.constant 0 : i32
        %dma_start3A_337 = tpu.memref_slice %arg18[%dma_start3A_336] : memref<128xf32, #tpu.memory_space<vmem>> -> memref<125xf32, #tpu.memory_space<vmem>>
        %dma_start3A_338 = arith.constant 0 : i32
        %dma_start3A_339 = tpu.memref_slice %arg10[%run_scoped3A_287, %dma_start3A_338] : memref<5x125xi32, #tpu.memory_space<vmem>> -> memref<1x125xi32, #tpu.memory_space<vmem>>
        %dma_start3A_340 = tpu.memref_squeeze %dma_start3A_339 : memref<1x125xi32, #tpu.memory_space<vmem>> -> memref<125xi32, #tpu.memory_space<vmem>>
        %dma_start3A_341 = arith.constant 0 : i32
        %dma_start3A_342 = tpu.memref_slice %arg19[%dma_start3A_341] : memref<10240xf32, #tpu.memory_space<vmem_shared>> -> memref<10240xf32, #tpu.memory_space<vmem_shared>>
        tpu.enqueue_indirect_dma source(%dma_start3A_337 : memref<125xf32, #tpu.memory_space<vmem>>) target(%dma_start3A_342 : memref<10240xf32, #tpu.memory_space<vmem_shared>>) offsets(%dma_start3A_340 : memref<125xi32, #tpu.memory_space<vmem>>) semaphore(%run_scoped3A_335 : memref<!tpu.dma_semaphore, #tpu.memory_space<semaphore_mem>>) {add = true}
        %dma_wait3A_343 = arith.constant 0 : i32
        %dma_wait3A_344 = tpu.memref_slice %arg18[%dma_wait3A_343] : memref<128xf32, #tpu.memory_space<vmem>> -> memref<125xf32, #tpu.memory_space<vmem>>
        %dma_wait3A_345 = arith.constant 0 : i32
        %dma_wait3A_346 = tpu.memref_slice %arg10[%run_scoped3A_287, %dma_wait3A_345] : memref<5x125xi32, #tpu.memory_space<vmem>> -> memref<1x125xi32, #tpu.memory_space<vmem>>
        %dma_wait3A_347 = tpu.memref_squeeze %dma_wait3A_346 : memref<1x125xi32, #tpu.memory_space<vmem>> -> memref<125xi32, #tpu.memory_space<vmem>>
        %dma_wait3A_348 = arith.constant 0 : i32
        %dma_wait3A_349 = tpu.memref_slice %arg19[%dma_wait3A_348] : memref<10240xf32, #tpu.memory_space<vmem_shared>> -> memref<10240xf32, #tpu.memory_space<vmem_shared>>
        tpu.wait_indirect_dma semaphore(%run_scoped3A_335 : memref<!tpu.dma_semaphore, #tpu.memory_space<semaphore_mem>>) src(%dma_wait3A_344 : memref<125xf32, #tpu.memory_space<vmem>>) dst(%dma_wait3A_349 : memref<10240xf32, #tpu.memory_space<vmem_shared>>)
        tpu.yield
      }) : () -> ()
      %mul3A_288 = arith.constant 5 : i32
      %mul3A_289 = arith.muli %add3A_220, %mul3A_288 : i32
      %add3A_290 = arith.constant 3 : i32
      %add3A_291 = arith.addi %mul3A_289, %add3A_290 : i32
      %add3A_292 = arith.constant 1 : i32
      %add3A_293 = arith.addi %add3A_291, %add3A_292 : i32
      %lt3A_294 = arith.constant 80 : i32
      %lt3A_295 = arith.cmpi slt, %add3A_293, %lt3A_294 : i32
      %convert_element_type3A_296 = arith.extui %lt3A_295 : i1 to i32
      %cond3A_297 = arith.constant 0 : i32
      %cond3A_298 = arith.cmpi ne, %convert_element_type3A_296, %cond3A_297 : i32
      scf.if %cond3A_298 {
        %dma_start3A_335 = arith.constant 4 : i32
        %dma_start3A_336 = arith.constant 0 : i32
        %dma_start3A_337 = tpu.memref_slice %arg8[%dma_start3A_335, %dma_start3A_336] : memref<5x125xi32, #tpu.memory_space<vmem>> -> memref<1x125xi32, #tpu.memory_space<vmem>>
        %dma_start3A_338 = tpu.memref_squeeze %dma_start3A_337 : memref<1x125xi32, #tpu.memory_space<vmem>> -> memref<125xi32, #tpu.memory_space<vmem>>
        %dma_start3A_339 = arith.constant 0 : i32
        %dma_start3A_340 = arith.constant 0 : i32
        %dma_start3A_341 = tpu.memref_slice %arg2[%dma_start3A_339, %dma_start3A_340] : memref<10240x128xf32, #tpu.memory_space<hbm>> -> memref<10240x128xf32, #tpu.memory_space<hbm>>
        tpu.enqueue_indirect_dma source(%dma_start3A_341 : memref<10240x128xf32, #tpu.memory_space<hbm>>) target(%arg12 : memref<125x128xf32, #tpu.memory_space<vmem>>) offsets(%dma_start3A_338 : memref<125xi32, #tpu.memory_space<vmem>>) semaphore(%arg14 : memref<!tpu.dma_semaphore, #tpu.memory_space<semaphore_mem>>)
      } else {
      }
      %dma_wait3A_299 = arith.constant 3 : i32
      %dma_wait3A_300 = arith.constant 0 : i32
      %dma_wait3A_301 = tpu.memref_slice %arg8[%dma_wait3A_299, %dma_wait3A_300] : memref<5x125xi32, #tpu.memory_space<vmem>> -> memref<1x125xi32, #tpu.memory_space<vmem>>
      %dma_wait3A_302 = tpu.memref_squeeze %dma_wait3A_301 : memref<1x125xi32, #tpu.memory_space<vmem>> -> memref<125xi32, #tpu.memory_space<vmem>>
      %dma_wait3A_303 = arith.constant 0 : i32
      %dma_wait3A_304 = arith.constant 0 : i32
      %dma_wait3A_305 = tpu.memref_slice %arg2[%dma_wait3A_303, %dma_wait3A_304] : memref<10240x128xf32, #tpu.memory_space<hbm>> -> memref<10240x128xf32, #tpu.memory_space<hbm>>
      tpu.wait_indirect_dma semaphore(%arg13 : memref<!tpu.dma_semaphore, #tpu.memory_space<semaphore_mem>>) src(%dma_wait3A_305 : memref<10240x128xf32, #tpu.memory_space<hbm>>) dst(%arg11 : memref<125x128xf32, #tpu.memory_space<vmem>>)
      %run_scoped3A_306 = arith.constant 3 : i32
      "tpu.region"() ({
        %run_scoped3A_335 = tpu.sem_alloc : memref<!tpu.dma_semaphore, #tpu.memory_space<semaphore_mem>>
        %dma_start3A_336 = arith.constant 0 : i32
        %dma_start3A_337 = tpu.memref_slice %arg10[%run_scoped3A_306, %dma_start3A_336] : memref<5x125xi32, #tpu.memory_space<vmem>> -> memref<1x125xi32, #tpu.memory_space<vmem>>
        %dma_start3A_338 = tpu.memref_squeeze %dma_start3A_337 : memref<1x125xi32, #tpu.memory_space<vmem>> -> memref<125xi32, #tpu.memory_space<vmem>>
        %dma_start3A_339 = arith.constant 0 : i32
        %dma_start3A_340 = arith.constant 0 : i32
        %dma_start3A_341 = tpu.memref_slice %arg17[%dma_start3A_339, %dma_start3A_340] : memref<10240x128xf32, #tpu.memory_space<vmem_shared>> -> memref<10240x128xf32, #tpu.memory_space<vmem_shared>>
        tpu.enqueue_indirect_dma source(%arg11 : memref<125x128xf32, #tpu.memory_space<vmem>>) target(%dma_start3A_341 : memref<10240x128xf32, #tpu.memory_space<vmem_shared>>) offsets(%dma_start3A_338 : memref<125xi32, #tpu.memory_space<vmem>>) semaphore(%run_scoped3A_335 : memref<!tpu.dma_semaphore, #tpu.memory_space<semaphore_mem>>) {add = true}
        %dma_wait3A_342 = arith.constant 0 : i32
        %dma_wait3A_343 = tpu.memref_slice %arg10[%run_scoped3A_306, %dma_wait3A_342] : memref<5x125xi32, #tpu.memory_space<vmem>> -> memref<1x125xi32, #tpu.memory_space<vmem>>
        %dma_wait3A_344 = tpu.memref_squeeze %dma_wait3A_343 : memref<1x125xi32, #tpu.memory_space<vmem>> -> memref<125xi32, #tpu.memory_space<vmem>>
        %dma_wait3A_345 = arith.constant 0 : i32
        %dma_wait3A_346 = arith.constant 0 : i32
        %dma_wait3A_347 = tpu.memref_slice %arg17[%dma_wait3A_345, %dma_wait3A_346] : memref<10240x128xf32, #tpu.memory_space<vmem_shared>> -> memref<10240x128xf32, #tpu.memory_space<vmem_shared>>
        tpu.wait_indirect_dma semaphore(%run_scoped3A_335 : memref<!tpu.dma_semaphore, #tpu.memory_space<semaphore_mem>>) src(%arg11 : memref<125x128xf32, #tpu.memory_space<vmem>>) dst(%dma_wait3A_347 : memref<10240x128xf32, #tpu.memory_space<vmem_shared>>)
        tpu.yield
      }) : () -> ()
      %run_scoped3A_307 = arith.constant 3 : i32
      "tpu.region"() ({
        %run_scoped3A_335 = tpu.sem_alloc : memref<!tpu.dma_semaphore, #tpu.memory_space<semaphore_mem>>
        %dma_start3A_336 = arith.constant 0 : i32
        %dma_start3A_337 = tpu.memref_slice %arg18[%dma_start3A_336] : memref<128xf32, #tpu.memory_space<vmem>> -> memref<125xf32, #tpu.memory_space<vmem>>
        %dma_start3A_338 = arith.constant 0 : i32
        %dma_start3A_339 = tpu.memref_slice %arg10[%run_scoped3A_307, %dma_start3A_338] : memref<5x125xi32, #tpu.memory_space<vmem>> -> memref<1x125xi32, #tpu.memory_space<vmem>>
        %dma_start3A_340 = tpu.memref_squeeze %dma_start3A_339 : memref<1x125xi32, #tpu.memory_space<vmem>> -> memref<125xi32, #tpu.memory_space<vmem>>
        %dma_start3A_341 = arith.constant 0 : i32
        %dma_start3A_342 = tpu.memref_slice %arg19[%dma_start3A_341] : memref<10240xf32, #tpu.memory_space<vmem_shared>> -> memref<10240xf32, #tpu.memory_space<vmem_shared>>
        tpu.enqueue_indirect_dma source(%dma_start3A_337 : memref<125xf32, #tpu.memory_space<vmem>>) target(%dma_start3A_342 : memref<10240xf32, #tpu.memory_space<vmem_shared>>) offsets(%dma_start3A_340 : memref<125xi32, #tpu.memory_space<vmem>>) semaphore(%run_scoped3A_335 : memref<!tpu.dma_semaphore, #tpu.memory_space<semaphore_mem>>) {add = true}
        %dma_wait3A_343 = arith.constant 0 : i32
        %dma_wait3A_344 = tpu.memref_slice %arg18[%dma_wait3A_343] : memref<128xf32, #tpu.memory_space<vmem>> -> memref<125xf32, #tpu.memory_space<vmem>>
        %dma_wait3A_345 = arith.constant 0 : i32
        %dma_wait3A_346 = tpu.memref_slice %arg10[%run_scoped3A_307, %dma_wait3A_345] : memref<5x125xi32, #tpu.memory_space<vmem>> -> memref<1x125xi32, #tpu.memory_space<vmem>>
        %dma_wait3A_347 = tpu.memref_squeeze %dma_wait3A_346 : memref<1x125xi32, #tpu.memory_space<vmem>> -> memref<125xi32, #tpu.memory_space<vmem>>
        %dma_wait3A_348 = arith.constant 0 : i32
        %dma_wait3A_349 = tpu.memref_slice %arg19[%dma_wait3A_348] : memref<10240xf32, #tpu.memory_space<vmem_shared>> -> memref<10240xf32, #tpu.memory_space<vmem_shared>>
        tpu.wait_indirect_dma semaphore(%run_scoped3A_335 : memref<!tpu.dma_semaphore, #tpu.memory_space<semaphore_mem>>) src(%dma_wait3A_344 : memref<125xf32, #tpu.memory_space<vmem>>) dst(%dma_wait3A_349 : memref<10240xf32, #tpu.memory_space<vmem_shared>>)
        tpu.yield
      }) : () -> ()
      %mul3A_308 = arith.constant 5 : i32
      %mul3A_309 = arith.muli %add3A_220, %mul3A_308 : i32
      %add3A_310 = arith.constant 4 : i32
      %add3A_311 = arith.addi %mul3A_309, %add3A_310 : i32
      %add3A_312 = arith.constant 1 : i32
      %add3A_313 = arith.addi %add3A_311, %add3A_312 : i32
      %lt3A_314 = arith.constant 80 : i32
      %lt3A_315 = arith.cmpi slt, %add3A_313, %lt3A_314 : i32
      %convert_element_type3A_316 = arith.extui %lt3A_315 : i1 to i32
      %cond3A_317 = arith.constant 0 : i32
      %cond3A_318 = arith.cmpi ne, %convert_element_type3A_316, %cond3A_317 : i32
      scf.if %cond3A_318 {
        %dma_start3A_335 = arith.constant 0 : i32
        %dma_start3A_336 = arith.constant 0 : i32
        %dma_start3A_337 = tpu.memref_slice %arg7[%dma_start3A_335, %dma_start3A_336] : memref<5x125xi32, #tpu.memory_space<vmem>> -> memref<1x125xi32, #tpu.memory_space<vmem>>
        %dma_start3A_338 = tpu.memref_squeeze %dma_start3A_337 : memref<1x125xi32, #tpu.memory_space<vmem>> -> memref<125xi32, #tpu.memory_space<vmem>>
        %dma_start3A_339 = arith.constant 0 : i32
        %dma_start3A_340 = arith.constant 0 : i32
        %dma_start3A_341 = tpu.memref_slice %arg2[%dma_start3A_339, %dma_start3A_340] : memref<10240x128xf32, #tpu.memory_space<hbm>> -> memref<10240x128xf32, #tpu.memory_space<hbm>>
        tpu.enqueue_indirect_dma source(%dma_start3A_341 : memref<10240x128xf32, #tpu.memory_space<hbm>>) target(%arg11 : memref<125x128xf32, #tpu.memory_space<vmem>>) offsets(%dma_start3A_338 : memref<125xi32, #tpu.memory_space<vmem>>) semaphore(%arg13 : memref<!tpu.dma_semaphore, #tpu.memory_space<semaphore_mem>>)
      } else {
      }
      %dma_wait3A_319 = arith.constant 4 : i32
      %dma_wait3A_320 = arith.constant 0 : i32
      %dma_wait3A_321 = tpu.memref_slice %arg8[%dma_wait3A_319, %dma_wait3A_320] : memref<5x125xi32, #tpu.memory_space<vmem>> -> memref<1x125xi32, #tpu.memory_space<vmem>>
      %dma_wait3A_322 = tpu.memref_squeeze %dma_wait3A_321 : memref<1x125xi32, #tpu.memory_space<vmem>> -> memref<125xi32, #tpu.memory_space<vmem>>
      %dma_wait3A_323 = arith.constant 0 : i32
      %dma_wait3A_324 = arith.constant 0 : i32
      %dma_wait3A_325 = tpu.memref_slice %arg2[%dma_wait3A_323, %dma_wait3A_324] : memref<10240x128xf32, #tpu.memory_space<hbm>> -> memref<10240x128xf32, #tpu.memory_space<hbm>>
      tpu.wait_indirect_dma semaphore(%arg14 : memref<!tpu.dma_semaphore, #tpu.memory_space<semaphore_mem>>) src(%dma_wait3A_325 : memref<10240x128xf32, #tpu.memory_space<hbm>>) dst(%arg12 : memref<125x128xf32, #tpu.memory_space<vmem>>)
      %run_scoped3A_326 = arith.constant 4 : i32
      "tpu.region"() ({
        %run_scoped3A_335 = tpu.sem_alloc : memref<!tpu.dma_semaphore, #tpu.memory_space<semaphore_mem>>
        %dma_start3A_336 = arith.constant 0 : i32
        %dma_start3A_337 = tpu.memref_slice %arg10[%run_scoped3A_326, %dma_start3A_336] : memref<5x125xi32, #tpu.memory_space<vmem>> -> memref<1x125xi32, #tpu.memory_space<vmem>>
        %dma_start3A_338 = tpu.memref_squeeze %dma_start3A_337 : memref<1x125xi32, #tpu.memory_space<vmem>> -> memref<125xi32, #tpu.memory_space<vmem>>
        %dma_start3A_339 = arith.constant 0 : i32
        %dma_start3A_340 = arith.constant 0 : i32
        %dma_start3A_341 = tpu.memref_slice %arg17[%dma_start3A_339, %dma_start3A_340] : memref<10240x128xf32, #tpu.memory_space<vmem_shared>> -> memref<10240x128xf32, #tpu.memory_space<vmem_shared>>
        tpu.enqueue_indirect_dma source(%arg12 : memref<125x128xf32, #tpu.memory_space<vmem>>) target(%dma_start3A_341 : memref<10240x128xf32, #tpu.memory_space<vmem_shared>>) offsets(%dma_start3A_338 : memref<125xi32, #tpu.memory_space<vmem>>) semaphore(%run_scoped3A_335 : memref<!tpu.dma_semaphore, #tpu.memory_space<semaphore_mem>>) {add = true}
        %dma_wait3A_342 = arith.constant 0 : i32
        %dma_wait3A_343 = tpu.memref_slice %arg10[%run_scoped3A_326, %dma_wait3A_342] : memref<5x125xi32, #tpu.memory_space<vmem>> -> memref<1x125xi32, #tpu.memory_space<vmem>>
        %dma_wait3A_344 = tpu.memref_squeeze %dma_wait3A_343 : memref<1x125xi32, #tpu.memory_space<vmem>> -> memref<125xi32, #tpu.memory_space<vmem>>
        %dma_wait3A_345 = arith.constant 0 : i32
        %dma_wait3A_346 = arith.constant 0 : i32
        %dma_wait3A_347 = tpu.memref_slice %arg17[%dma_wait3A_345, %dma_wait3A_346] : memref<10240x128xf32, #tpu.memory_space<vmem_shared>> -> memref<10240x128xf32, #tpu.memory_space<vmem_shared>>
        tpu.wait_indirect_dma semaphore(%run_scoped3A_335 : memref<!tpu.dma_semaphore, #tpu.memory_space<semaphore_mem>>) src(%arg12 : memref<125x128xf32, #tpu.memory_space<vmem>>) dst(%dma_wait3A_347 : memref<10240x128xf32, #tpu.memory_space<vmem_shared>>)
        tpu.yield
      }) : () -> ()
      %run_scoped3A_327 = arith.constant 4 : i32
      "tpu.region"() ({
        %run_scoped3A_335 = tpu.sem_alloc : memref<!tpu.dma_semaphore, #tpu.memory_space<semaphore_mem>>
        %dma_start3A_336 = arith.constant 0 : i32
        %dma_start3A_337 = tpu.memref_slice %arg18[%dma_start3A_336] : memref<128xf32, #tpu.memory_space<vmem>> -> memref<125xf32, #tpu.memory_space<vmem>>
        %dma_start3A_338 = arith.constant 0 : i32
        %dma_start3A_339 = tpu.memref_slice %arg10[%run_scoped3A_327, %dma_start3A_338] : memref<5x125xi32, #tpu.memory_space<vmem>> -> memref<1x125xi32, #tpu.memory_space<vmem>>
        %dma_start3A_340 = tpu.memref_squeeze %dma_start3A_339 : memref<1x125xi32, #tpu.memory_space<vmem>> -> memref<125xi32, #tpu.memory_space<vmem>>
        %dma_start3A_341 = arith.constant 0 : i32
        %dma_start3A_342 = tpu.memref_slice %arg19[%dma_start3A_341] : memref<10240xf32, #tpu.memory_space<vmem_shared>> -> memref<10240xf32, #tpu.memory_space<vmem_shared>>
        tpu.enqueue_indirect_dma source(%dma_start3A_337 : memref<125xf32, #tpu.memory_space<vmem>>) target(%dma_start3A_342 : memref<10240xf32, #tpu.memory_space<vmem_shared>>) offsets(%dma_start3A_340 : memref<125xi32, #tpu.memory_space<vmem>>) semaphore(%run_scoped3A_335 : memref<!tpu.dma_semaphore, #tpu.memory_space<semaphore_mem>>) {add = true}
        %dma_wait3A_343 = arith.constant 0 : i32
        %dma_wait3A_344 = tpu.memref_slice %arg18[%dma_wait3A_343] : memref<128xf32, #tpu.memory_space<vmem>> -> memref<125xf32, #tpu.memory_space<vmem>>
        %dma_wait3A_345 = arith.constant 0 : i32
        %dma_wait3A_346 = tpu.memref_slice %arg10[%run_scoped3A_327, %dma_wait3A_345] : memref<5x125xi32, #tpu.memory_space<vmem>> -> memref<1x125xi32, #tpu.memory_space<vmem>>
        %dma_wait3A_347 = tpu.memref_squeeze %dma_wait3A_346 : memref<1x125xi32, #tpu.memory_space<vmem>> -> memref<125xi32, #tpu.memory_space<vmem>>
        %dma_wait3A_348 = arith.constant 0 : i32
        %dma_wait3A_349 = tpu.memref_slice %arg19[%dma_wait3A_348] : memref<10240xf32, #tpu.memory_space<vmem_shared>> -> memref<10240xf32, #tpu.memory_space<vmem_shared>>
        tpu.wait_indirect_dma semaphore(%run_scoped3A_335 : memref<!tpu.dma_semaphore, #tpu.memory_space<semaphore_mem>>) src(%dma_wait3A_344 : memref<125xf32, #tpu.memory_space<vmem>>) dst(%dma_wait3A_349 : memref<10240xf32, #tpu.memory_space<vmem_shared>>)
        tpu.yield
      }) : () -> ()
      %add3A_328 = arith.constant 2 : i32
      %add3A_329 = arith.addi %add3A_220, %add3A_328 : i32
      %lt3A_330 = arith.constant 16 : i32
      %lt3A_331 = arith.cmpi slt, %add3A_329, %lt3A_330 : i32
      %convert_element_type3A_332 = arith.extui %lt3A_331 : i1 to i32
      %cond3A_333 = arith.constant 0 : i32
      %cond3A_334 = arith.cmpi ne, %convert_element_type3A_332, %cond3A_333 : i32
      scf.if %cond3A_334 {
        %add3A_335 = arith.constant 2 : i32
        %add3A_336 = arith.addi %add3A_220, %add3A_335 : i32
        %dma_start3A_337 = arith.constant 0 : i32
        %dma_start3A_338 = arith.constant 0 : i32
        %dma_start3A_339 = tpu.memref_slice %arg3[%add3A, %add3A_336, %dma_start3A_337, %dma_start3A_338] : memref<32x16x5x125xi32, #tpu.memory_space<hbm>> -> memref<1x1x5x125xi32, #tpu.memory_space<hbm>>
        %dma_start3A_340 = tpu.memref_squeeze %dma_start3A_339 : memref<1x1x5x125xi32, #tpu.memory_space<hbm>> -> memref<5x125xi32, #tpu.memory_space<hbm>>
        %dma_start3A_341 = arith.constant 0 : i32
        %dma_start3A_342 = arith.constant 0 : i32
        %dma_start3A_343 = tpu.memref_slice %arg3[%add3A, %add3A_336, %dma_start3A_341, %dma_start3A_342] : memref<32x16x5x125xi32, #tpu.memory_space<hbm>> -> memref<1x1x5x125xi32, #tpu.memory_space<hbm>>
        %dma_start3A_344 = tpu.memref_squeeze %dma_start3A_343 : memref<1x1x5x125xi32, #tpu.memory_space<hbm>> -> memref<5x125xi32, #tpu.memory_space<hbm>>
        tpu.enqueue_dma source(%dma_start3A_344 : memref<5x125xi32, #tpu.memory_space<hbm>>) target(%arg8 : memref<5x125xi32, #tpu.memory_space<vmem>>) target_semaphore(%arg16 : memref<!tpu.dma_semaphore, #tpu.memory_space<semaphore_mem>>)
        %dma_start3A_345 = arith.constant 0 : i32
        %dma_start3A_346 = arith.constant 0 : i32
        %dma_start3A_347 = tpu.memref_slice %arg4[%add3A, %add3A_336, %dma_start3A_345, %dma_start3A_346] : memref<32x16x5x125xi32, #tpu.memory_space<hbm>> -> memref<1x1x5x125xi32, #tpu.memory_space<hbm>>
        %dma_start3A_348 = tpu.memref_squeeze %dma_start3A_347 : memref<1x1x5x125xi32, #tpu.memory_space<hbm>> -> memref<5x125xi32, #tpu.memory_space<hbm>>
        %dma_start3A_349 = arith.constant 0 : i32
        %dma_start3A_350 = arith.constant 0 : i32
        %dma_start3A_351 = tpu.memref_slice %arg4[%add3A, %add3A_336, %dma_start3A_349, %dma_start3A_350] : memref<32x16x5x125xi32, #tpu.memory_space<hbm>> -> memref<1x1x5x125xi32, #tpu.memory_space<hbm>>
        %dma_start3A_352 = tpu.memref_squeeze %dma_start3A_351 : memref<1x1x5x125xi32, #tpu.memory_space<hbm>> -> memref<5x125xi32, #tpu.memory_space<hbm>>
        tpu.enqueue_dma source(%dma_start3A_352 : memref<5x125xi32, #tpu.memory_space<hbm>>) target(%arg10 : memref<5x125xi32, #tpu.memory_space<vmem>>) target_semaphore(%arg16 : memref<!tpu.dma_semaphore, #tpu.memory_space<semaphore_mem>>)
      } else {
      }
    }
    %scan3A_100 = arith.constant 8 : i32
    %barrier3A_101 = arith.constant 0 : index
    tpu.barrier barrier_id(%barrier3A_101)
    "tpu.region"() ({
      %run_scoped3A_102 = tpu.sem_alloc : memref<!tpu.dma_semaphore, #tpu.memory_space<semaphore_mem>>
      %dma_start3A_103 = arith.constant 0 : i32
      %dma_start3A_104 = tpu.memref_slice %arg5[%arg0, %mul3A_8, %dma_start3A_103] : memref<2x10240x128xf32, #tpu.memory_space<hbm>> -> memref<1x640x128xf32, #tpu.memory_space<hbm>>
      %dma_start3A_105 = tpu.memref_squeeze %dma_start3A_104 : memref<1x640x128xf32, #tpu.memory_space<hbm>> -> memref<640x128xf32, #tpu.memory_space<hbm>>
      %dma_start3A_106 = arith.constant 0 : i32
      %dma_start3A_107 = tpu.memref_slice %arg17[%mul3A_8, %dma_start3A_106] : memref<10240x128xf32, #tpu.memory_space<vmem_shared>> -> memref<640x128xf32, #tpu.memory_space<vmem_shared>>
      tpu.enqueue_dma source(%dma_start3A_107 : memref<640x128xf32, #tpu.memory_space<vmem_shared>>) target(%dma_start3A_105 : memref<640x128xf32, #tpu.memory_space<hbm>>) target_semaphore(%run_scoped3A_102 : memref<!tpu.dma_semaphore, #tpu.memory_space<semaphore_mem>>)
      %dma_wait3A = arith.constant 0 : i32
      %dma_wait3A_108 = tpu.memref_slice %arg5[%arg0, %mul3A_8, %dma_wait3A] : memref<2x10240x128xf32, #tpu.memory_space<hbm>> -> memref<1x640x128xf32, #tpu.memory_space<hbm>>
      %dma_wait3A_109 = tpu.memref_squeeze %dma_wait3A_108 : memref<1x640x128xf32, #tpu.memory_space<hbm>> -> memref<640x128xf32, #tpu.memory_space<hbm>>
      %dma_wait3A_110 = arith.constant 0 : i32
      %dma_wait3A_111 = tpu.memref_slice %arg17[%mul3A_8, %dma_wait3A_110] : memref<10240x128xf32, #tpu.memory_space<vmem_shared>> -> memref<640x128xf32, #tpu.memory_space<vmem_shared>>
      tpu.wait_dma2 semaphore(%run_scoped3A_102 : memref<!tpu.dma_semaphore, #tpu.memory_space<semaphore_mem>>) src(%dma_wait3A_111 : memref<640x128xf32, #tpu.memory_space<vmem_shared>>) dst(%dma_wait3A_109 : memref<640x128xf32, #tpu.memory_space<hbm>>)
      tpu.yield
    }) : () -> ()
    "tpu.region"() ({
      %run_scoped3A_102 = tpu.sem_alloc : memref<!tpu.dma_semaphore, #tpu.memory_space<semaphore_mem>>
      %dma_start3A_103 = tpu.memref_slice %arg6[%arg0, %mul3A_8] : memref<2x10240xf32, #tpu.memory_space<hbm>> -> memref<1x640xf32, #tpu.memory_space<hbm>>
      %dma_start3A_104 = tpu.memref_squeeze %dma_start3A_103 : memref<1x640xf32, #tpu.memory_space<hbm>> -> memref<640xf32, #tpu.memory_space<hbm>>
      %dma_start3A_105 = tpu.memref_slice %arg19[%mul3A_8] : memref<10240xf32, #tpu.memory_space<vmem_shared>> -> memref<640xf32, #tpu.memory_space<vmem_shared>>
      tpu.enqueue_dma source(%dma_start3A_105 : memref<640xf32, #tpu.memory_space<vmem_shared>>) target(%dma_start3A_104 : memref<640xf32, #tpu.memory_space<hbm>>) target_semaphore(%run_scoped3A_102 : memref<!tpu.dma_semaphore, #tpu.memory_space<semaphore_mem>>)
      %dma_wait3A = tpu.memref_slice %arg6[%arg0, %mul3A_8] : memref<2x10240xf32, #tpu.memory_space<hbm>> -> memref<1x640xf32, #tpu.memory_space<hbm>>
      %dma_wait3A_106 = tpu.memref_squeeze %dma_wait3A : memref<1x640xf32, #tpu.memory_space<hbm>> -> memref<640xf32, #tpu.memory_space<hbm>>
      %dma_wait3A_107 = tpu.memref_slice %arg19[%mul3A_8] : memref<10240xf32, #tpu.memory_space<vmem_shared>> -> memref<640xf32, #tpu.memory_space<vmem_shared>>
      tpu.wait_dma2 semaphore(%run_scoped3A_102 : memref<!tpu.dma_semaphore, #tpu.memory_space<semaphore_mem>>) src(%dma_wait3A_107 : memref<640xf32, #tpu.memory_space<vmem_shared>>) dst(%dma_wait3A_106 : memref<640xf32, #tpu.memory_space<hbm>>)
      tpu.yield
    }) : () -> ()
    return
  }
}

#map = affine_map<(d0, d1) -> (0, 0)>
#map1 = affine_map<(d0, d1) -> (0, 0, 0, 0)>
#map2 = affine_map<(d0, d1) -> (0, 0, 0)>
module attributes {stable_mosaic.version = 14 : i64} {
  func.func @body(%arg0: i32, %arg1: i32, %arg2: memref<10240x128xf32, #tpu.memory_space<hbm>>, %arg3: memref<32x16x5x125xi32, #tpu.memory_space<hbm>>, %arg4: memref<32x16x5x125xi32, #tpu.memory_space<hbm>>, %arg5: memref<2x10240x128xf32, #tpu.memory_space<hbm>>, %arg6: memref<5x125xi32, #tpu.memory_space<vmem>>, %arg7: memref<5x125xi32, #tpu.memory_space<vmem>>, %arg8: memref<5x125xi32, #tpu.memory_space<vmem>>, %arg9: memref<5x125xi32, #tpu.memory_space<vmem>>, %arg10: memref<125x128xf32, #tpu.memory_space<vmem>>, %arg11: memref<125x128xf32, #tpu.memory_space<vmem>>, %arg12: memref<!tpu.dma_semaphore, #tpu.memory_space<semaphore_mem>>, %arg13: memref<!tpu.dma_semaphore, #tpu.memory_space<semaphore_mem>>, %arg14: memref<!tpu.dma_semaphore, #tpu.memory_space<semaphore_mem>>, %arg15: memref<!tpu.dma_semaphore, #tpu.memory_space<semaphore_mem>>, %arg16: memref<10240x128xf32, #tpu.memory_space<vmem_shared>>) attributes {dimension_semantics = [#tpu.dimension_semantics<core_parallel>, #tpu.dimension_semantics<subcore_parallel>], iteration_bounds = array<i64: 2, 16>, scalar_prefetch = 0 : i64, scratch_operands = 11 : i64, tpu.core_type = #tpu.core_type<sc_vector_subcore>, window_params = [{transform_indices = #map}, {transform_indices = #map1}, {transform_indices = #map1}, {transform_indices = #map2}]} {
    %mul3A = arith.constant 2 : i32
    %mul3A_0 = arith.muli %arg1, %mul3A : i32
    %add3A = arith.addi %mul3A_0, %arg0 : i32
    %broadcast_in_dim3A = arith.constant 0.000000e+00 : f32
    %broadcast_in_dim3A_1 = vector.broadcast %broadcast_in_dim3A : f32 to vector<16xf32>
    %scan3A = arith.constant 0 : i32
    %scan3A_2 = arith.constant 0 : i32
    %scan3A_3 = arith.constant 125 : i32
    %scan3A_4 = arith.addi %scan3A_2, %scan3A_3 : i32
    %scan3A_5 = arith.constant 1 : i32
    scf.for %scan3A_54 = %scan3A_2 to %scan3A_4 step %scan3A_5  : i32 {
      %swap3A = arith.index_cast %scan3A_54 : i32 to index
      %swap3A_55 = arith.constant 0 : index
      %swap3A_56 = tpu.vector_load %arg10[%swap3A, %swap3A_55] {strides = array<i32>} : memref<125x128xf32, #tpu.memory_space<vmem>>, vector<1x16xf32>,
      %swap3A_57 = vector.shape_cast %swap3A_56 : vector<1x16xf32> to vector<16xf32>
      %swap3A_58 = vector.shape_cast %broadcast_in_dim3A_1 : vector<16xf32> to vector<1x16xf32>
      tpu.vector_store %arg10[%swap3A, %swap3A_55], %swap3A_58 {strides = array<i32>} : memref<125x128xf32, #tpu.memory_space<vmem>>, vector<1x16xf32>,
      %swap3A_59 = arith.index_cast %scan3A_54 : i32 to index
      %swap3A_60 = arith.constant 16 : index
      %swap3A_61 = tpu.vector_load %arg10[%swap3A_59, %swap3A_60] {strides = array<i32>} : memref<125x128xf32, #tpu.memory_space<vmem>>, vector<1x16xf32>,
      %swap3A_62 = vector.shape_cast %swap3A_61 : vector<1x16xf32> to vector<16xf32>
      %swap3A_63 = vector.shape_cast %broadcast_in_dim3A_1 : vector<16xf32> to vector<1x16xf32>
      tpu.vector_store %arg10[%swap3A_59, %swap3A_60], %swap3A_63 {strides = array<i32>} : memref<125x128xf32, #tpu.memory_space<vmem>>, vector<1x16xf32>,
      %swap3A_64 = arith.index_cast %scan3A_54 : i32 to index
      %swap3A_65 = arith.constant 32 : index
      %swap3A_66 = tpu.vector_load %arg10[%swap3A_64, %swap3A_65] {strides = array<i32>} : memref<125x128xf32, #tpu.memory_space<vmem>>, vector<1x16xf32>,
      %swap3A_67 = vector.shape_cast %swap3A_66 : vector<1x16xf32> to vector<16xf32>
      %swap3A_68 = vector.shape_cast %broadcast_in_dim3A_1 : vector<16xf32> to vector<1x16xf32>
      tpu.vector_store %arg10[%swap3A_64, %swap3A_65], %swap3A_68 {strides = array<i32>} : memref<125x128xf32, #tpu.memory_space<vmem>>, vector<1x16xf32>,
      %swap3A_69 = arith.index_cast %scan3A_54 : i32 to index
      %swap3A_70 = arith.constant 48 : index
      %swap3A_71 = tpu.vector_load %arg10[%swap3A_69, %swap3A_70] {strides = array<i32>} : memref<125x128xf32, #tpu.memory_space<vmem>>, vector<1x16xf32>,
      %swap3A_72 = vector.shape_cast %swap3A_71 : vector<1x16xf32> to vector<16xf32>
      %swap3A_73 = vector.shape_cast %broadcast_in_dim3A_1 : vector<16xf32> to vector<1x16xf32>
      tpu.vector_store %arg10[%swap3A_69, %swap3A_70], %swap3A_73 {strides = array<i32>} : memref<125x128xf32, #tpu.memory_space<vmem>>, vector<1x16xf32>,
      %swap3A_74 = arith.index_cast %scan3A_54 : i32 to index
      %swap3A_75 = arith.constant 64 : index
      %swap3A_76 = tpu.vector_load %arg10[%swap3A_74, %swap3A_75] {strides = array<i32>} : memref<125x128xf32, #tpu.memory_space<vmem>>, vector<1x16xf32>,
      %swap3A_77 = vector.shape_cast %swap3A_76 : vector<1x16xf32> to vector<16xf32>
      %swap3A_78 = vector.shape_cast %broadcast_in_dim3A_1 : vector<16xf32> to vector<1x16xf32>
      tpu.vector_store %arg10[%swap3A_74, %swap3A_75], %swap3A_78 {strides = array<i32>} : memref<125x128xf32, #tpu.memory_space<vmem>>, vector<1x16xf32>,
      %swap3A_79 = arith.index_cast %scan3A_54 : i32 to index
      %swap3A_80 = arith.constant 80 : index
      %swap3A_81 = tpu.vector_load %arg10[%swap3A_79, %swap3A_80] {strides = array<i32>} : memref<125x128xf32, #tpu.memory_space<vmem>>, vector<1x16xf32>,
      %swap3A_82 = vector.shape_cast %swap3A_81 : vector<1x16xf32> to vector<16xf32>
      %swap3A_83 = vector.shape_cast %broadcast_in_dim3A_1 : vector<16xf32> to vector<1x16xf32>
      tpu.vector_store %arg10[%swap3A_79, %swap3A_80], %swap3A_83 {strides = array<i32>} : memref<125x128xf32, #tpu.memory_space<vmem>>, vector<1x16xf32>,
      %swap3A_84 = arith.index_cast %scan3A_54 : i32 to index
      %swap3A_85 = arith.constant 96 : index
      %swap3A_86 = tpu.vector_load %arg10[%swap3A_84, %swap3A_85] {strides = array<i32>} : memref<125x128xf32, #tpu.memory_space<vmem>>, vector<1x16xf32>,
      %swap3A_87 = vector.shape_cast %swap3A_86 : vector<1x16xf32> to vector<16xf32>
      %swap3A_88 = vector.shape_cast %broadcast_in_dim3A_1 : vector<16xf32> to vector<1x16xf32>
      tpu.vector_store %arg10[%swap3A_84, %swap3A_85], %swap3A_88 {strides = array<i32>} : memref<125x128xf32, #tpu.memory_space<vmem>>, vector<1x16xf32>,
      %swap3A_89 = arith.index_cast %scan3A_54 : i32 to index
      %swap3A_90 = arith.constant 112 : index
      %swap3A_91 = tpu.vector_load %arg10[%swap3A_89, %swap3A_90] {strides = array<i32>} : memref<125x128xf32, #tpu.memory_space<vmem>>, vector<1x16xf32>,
      %swap3A_92 = vector.shape_cast %swap3A_91 : vector<1x16xf32> to vector<16xf32>
      %swap3A_93 = vector.shape_cast %broadcast_in_dim3A_1 : vector<16xf32> to vector<1x16xf32>
      tpu.vector_store %arg10[%swap3A_89, %swap3A_90], %swap3A_93 {strides = array<i32>} : memref<125x128xf32, #tpu.memory_space<vmem>>, vector<1x16xf32>,
    }
    %scan3A_6 = arith.constant 125 : i32
    %mul3A_7 = arith.constant 640 : i32
    %mul3A_8 = arith.muli %arg1, %mul3A_7 : i32
    %add3A_9 = arith.constant 0 : i32
    %add3A_10 = arith.addi %mul3A_8, %add3A_9 : i32
    "tpu.region"() ({
      %run_scoped3A_54 = tpu.sem_alloc : memref<!tpu.dma_semaphore, #tpu.memory_space<semaphore_mem>>
      %dma_start3A_55 = arith.constant 0 : i32
      %dma_start3A_56 = tpu.memref_slice %arg16[%add3A_10, %dma_start3A_55] : memref<10240x128xf32, #tpu.memory_space<vmem_shared>> -> memref<125x128xf32, #tpu.memory_space<vmem_shared>>
      %dma_start3A_57 = arith.constant 0 : i32
      %dma_start3A_58 = tpu.memref_slice %arg16[%add3A_10, %dma_start3A_57] : memref<10240x128xf32, #tpu.memory_space<vmem_shared>> -> memref<125x128xf32, #tpu.memory_space<vmem_shared>>
      tpu.enqueue_dma source(%arg10 : memref<125x128xf32, #tpu.memory_space<vmem>>) target(%dma_start3A_58 : memref<125x128xf32, #tpu.memory_space<vmem_shared>>) target_semaphore(%run_scoped3A_54 : memref<!tpu.dma_semaphore, #tpu.memory_space<semaphore_mem>>)
      %dma_wait3A = arith.constant 0 : i32
      %dma_wait3A_59 = tpu.memref_slice %arg16[%add3A_10, %dma_wait3A] : memref<10240x128xf32, #tpu.memory_space<vmem_shared>> -> memref<125x128xf32, #tpu.memory_space<vmem_shared>>
      %dma_wait3A_60 = arith.constant 0 : i32
      %dma_wait3A_61 = tpu.memref_slice %arg16[%add3A_10, %dma_wait3A_60] : memref<10240x128xf32, #tpu.memory_space<vmem_shared>> -> memref<125x128xf32, #tpu.memory_space<vmem_shared>>
      tpu.wait_dma2 semaphore(%run_scoped3A_54 : memref<!tpu.dma_semaphore, #tpu.memory_space<semaphore_mem>>) src(%arg10 : memref<125x128xf32, #tpu.memory_space<vmem>>) dst(%dma_wait3A_61 : memref<125x128xf32, #tpu.memory_space<vmem_shared>>)
      tpu.yield
    }) : () -> ()
    %add3A_11 = arith.constant 125 : i32
    %add3A_12 = arith.addi %mul3A_8, %add3A_11 : i32
    "tpu.region"() ({
      %run_scoped3A_54 = tpu.sem_alloc : memref<!tpu.dma_semaphore, #tpu.memory_space<semaphore_mem>>
      %dma_start3A_55 = arith.constant 0 : i32
      %dma_start3A_56 = tpu.memref_slice %arg16[%add3A_12, %dma_start3A_55] : memref<10240x128xf32, #tpu.memory_space<vmem_shared>> -> memref<125x128xf32, #tpu.memory_space<vmem_shared>>
      %dma_start3A_57 = arith.constant 0 : i32
      %dma_start3A_58 = tpu.memref_slice %arg16[%add3A_12, %dma_start3A_57] : memref<10240x128xf32, #tpu.memory_space<vmem_shared>> -> memref<125x128xf32, #tpu.memory_space<vmem_shared>>
      tpu.enqueue_dma source(%arg10 : memref<125x128xf32, #tpu.memory_space<vmem>>) target(%dma_start3A_58 : memref<125x128xf32, #tpu.memory_space<vmem_shared>>) target_semaphore(%run_scoped3A_54 : memref<!tpu.dma_semaphore, #tpu.memory_space<semaphore_mem>>)
      %dma_wait3A = arith.constant 0 : i32
      %dma_wait3A_59 = tpu.memref_slice %arg16[%add3A_12, %dma_wait3A] : memref<10240x128xf32, #tpu.memory_space<vmem_shared>> -> memref<125x128xf32, #tpu.memory_space<vmem_shared>>
      %dma_wait3A_60 = arith.constant 0 : i32
      %dma_wait3A_61 = tpu.memref_slice %arg16[%add3A_12, %dma_wait3A_60] : memref<10240x128xf32, #tpu.memory_space<vmem_shared>> -> memref<125x128xf32, #tpu.memory_space<vmem_shared>>
      tpu.wait_dma2 semaphore(%run_scoped3A_54 : memref<!tpu.dma_semaphore, #tpu.memory_space<semaphore_mem>>) src(%arg10 : memref<125x128xf32, #tpu.memory_space<vmem>>) dst(%dma_wait3A_61 : memref<125x128xf32, #tpu.memory_space<vmem_shared>>)
      tpu.yield
    }) : () -> ()
    %add3A_13 = arith.constant 250 : i32
    %add3A_14 = arith.addi %mul3A_8, %add3A_13 : i32
    "tpu.region"() ({
      %run_scoped3A_54 = tpu.sem_alloc : memref<!tpu.dma_semaphore, #tpu.memory_space<semaphore_mem>>
      %dma_start3A_55 = arith.constant 0 : i32
      %dma_start3A_56 = tpu.memref_slice %arg16[%add3A_14, %dma_start3A_55] : memref<10240x128xf32, #tpu.memory_space<vmem_shared>> -> memref<125x128xf32, #tpu.memory_space<vmem_shared>>
      %dma_start3A_57 = arith.constant 0 : i32
      %dma_start3A_58 = tpu.memref_slice %arg16[%add3A_14, %dma_start3A_57] : memref<10240x128xf32, #tpu.memory_space<vmem_shared>> -> memref<125x128xf32, #tpu.memory_space<vmem_shared>>
      tpu.enqueue_dma source(%arg10 : memref<125x128xf32, #tpu.memory_space<vmem>>) target(%dma_start3A_58 : memref<125x128xf32, #tpu.memory_space<vmem_shared>>) target_semaphore(%run_scoped3A_54 : memref<!tpu.dma_semaphore, #tpu.memory_space<semaphore_mem>>)
      %dma_wait3A = arith.constant 0 : i32
      %dma_wait3A_59 = tpu.memref_slice %arg16[%add3A_14, %dma_wait3A] : memref<10240x128xf32, #tpu.memory_space<vmem_shared>> -> memref<125x128xf32, #tpu.memory_space<vmem_shared>>
      %dma_wait3A_60 = arith.constant 0 : i32
      %dma_wait3A_61 = tpu.memref_slice %arg16[%add3A_14, %dma_wait3A_60] : memref<10240x128xf32, #tpu.memory_space<vmem_shared>> -> memref<125x128xf32, #tpu.memory_space<vmem_shared>>
      tpu.wait_dma2 semaphore(%run_scoped3A_54 : memref<!tpu.dma_semaphore, #tpu.memory_space<semaphore_mem>>) src(%arg10 : memref<125x128xf32, #tpu.memory_space<vmem>>) dst(%dma_wait3A_61 : memref<125x128xf32, #tpu.memory_space<vmem_shared>>)
      tpu.yield
    }) : () -> ()
    %add3A_15 = arith.constant 375 : i32
    %add3A_16 = arith.addi %mul3A_8, %add3A_15 : i32
    "tpu.region"() ({
      %run_scoped3A_54 = tpu.sem_alloc : memref<!tpu.dma_semaphore, #tpu.memory_space<semaphore_mem>>
      %dma_start3A_55 = arith.constant 0 : i32
      %dma_start3A_56 = tpu.memref_slice %arg16[%add3A_16, %dma_start3A_55] : memref<10240x128xf32, #tpu.memory_space<vmem_shared>> -> memref<125x128xf32, #tpu.memory_space<vmem_shared>>
      %dma_start3A_57 = arith.constant 0 : i32
      %dma_start3A_58 = tpu.memref_slice %arg16[%add3A_16, %dma_start3A_57] : memref<10240x128xf32, #tpu.memory_space<vmem_shared>> -> memref<125x128xf32, #tpu.memory_space<vmem_shared>>
      tpu.enqueue_dma source(%arg10 : memref<125x128xf32, #tpu.memory_space<vmem>>) target(%dma_start3A_58 : memref<125x128xf32, #tpu.memory_space<vmem_shared>>) target_semaphore(%run_scoped3A_54 : memref<!tpu.dma_semaphore, #tpu.memory_space<semaphore_mem>>)
      %dma_wait3A = arith.constant 0 : i32
      %dma_wait3A_59 = tpu.memref_slice %arg16[%add3A_16, %dma_wait3A] : memref<10240x128xf32, #tpu.memory_space<vmem_shared>> -> memref<125x128xf32, #tpu.memory_space<vmem_shared>>
      %dma_wait3A_60 = arith.constant 0 : i32
      %dma_wait3A_61 = tpu.memref_slice %arg16[%add3A_16, %dma_wait3A_60] : memref<10240x128xf32, #tpu.memory_space<vmem_shared>> -> memref<125x128xf32, #tpu.memory_space<vmem_shared>>
      tpu.wait_dma2 semaphore(%run_scoped3A_54 : memref<!tpu.dma_semaphore, #tpu.memory_space<semaphore_mem>>) src(%arg10 : memref<125x128xf32, #tpu.memory_space<vmem>>) dst(%dma_wait3A_61 : memref<125x128xf32, #tpu.memory_space<vmem_shared>>)
      tpu.yield
    }) : () -> ()
    %add3A_17 = arith.constant 500 : i32
    %add3A_18 = arith.addi %mul3A_8, %add3A_17 : i32
    "tpu.region"() ({
      %run_scoped3A_54 = tpu.sem_alloc : memref<!tpu.dma_semaphore, #tpu.memory_space<semaphore_mem>>
      %dma_start3A_55 = arith.constant 0 : i32
      %dma_start3A_56 = tpu.memref_slice %arg16[%add3A_18, %dma_start3A_55] : memref<10240x128xf32, #tpu.memory_space<vmem_shared>> -> memref<125x128xf32, #tpu.memory_space<vmem_shared>>
      %dma_start3A_57 = arith.constant 0 : i32
      %dma_start3A_58 = tpu.memref_slice %arg16[%add3A_18, %dma_start3A_57] : memref<10240x128xf32, #tpu.memory_space<vmem_shared>> -> memref<125x128xf32, #tpu.memory_space<vmem_shared>>
      tpu.enqueue_dma source(%arg10 : memref<125x128xf32, #tpu.memory_space<vmem>>) target(%dma_start3A_58 : memref<125x128xf32, #tpu.memory_space<vmem_shared>>) target_semaphore(%run_scoped3A_54 : memref<!tpu.dma_semaphore, #tpu.memory_space<semaphore_mem>>)
      %dma_wait3A = arith.constant 0 : i32
      %dma_wait3A_59 = tpu.memref_slice %arg16[%add3A_18, %dma_wait3A] : memref<10240x128xf32, #tpu.memory_space<vmem_shared>> -> memref<125x128xf32, #tpu.memory_space<vmem_shared>>
      %dma_wait3A_60 = arith.constant 0 : i32
      %dma_wait3A_61 = tpu.memref_slice %arg16[%add3A_18, %dma_wait3A_60] : memref<10240x128xf32, #tpu.memory_space<vmem_shared>> -> memref<125x128xf32, #tpu.memory_space<vmem_shared>>
      tpu.wait_dma2 semaphore(%run_scoped3A_54 : memref<!tpu.dma_semaphore, #tpu.memory_space<semaphore_mem>>) src(%arg10 : memref<125x128xf32, #tpu.memory_space<vmem>>) dst(%dma_wait3A_61 : memref<125x128xf32, #tpu.memory_space<vmem_shared>>)
      tpu.yield
    }) : () -> ()
    %add3A_19 = arith.constant 640 : i32
    %add3A_20 = arith.addi %mul3A_8, %add3A_19 : i32
    %sub3A = arith.constant 15 : i32
    %sub3A_21 = arith.subi %add3A_20, %sub3A : i32
    "tpu.region"() ({
      %run_scoped3A_54 = tpu.sem_alloc : memref<!tpu.dma_semaphore, #tpu.memory_space<semaphore_mem>>
      %dma_start3A_55 = arith.constant 0 : i32
      %dma_start3A_56 = arith.constant 0 : i32
      %dma_start3A_57 = tpu.memref_slice %arg10[%dma_start3A_55, %dma_start3A_56] : memref<125x128xf32, #tpu.memory_space<vmem>> -> memref<15x128xf32, #tpu.memory_space<vmem>>
      %dma_start3A_58 = arith.constant 0 : i32
      %dma_start3A_59 = tpu.memref_slice %arg16[%sub3A_21, %dma_start3A_58] : memref<10240x128xf32, #tpu.memory_space<vmem_shared>> -> memref<15x128xf32, #tpu.memory_space<vmem_shared>>
      %dma_start3A_60 = arith.constant 0 : i32
      %dma_start3A_61 = tpu.memref_slice %arg16[%sub3A_21, %dma_start3A_60] : memref<10240x128xf32, #tpu.memory_space<vmem_shared>> -> memref<15x128xf32, #tpu.memory_space<vmem_shared>>
      %dma_start3A_62 = arith.constant 0 : i32
      %dma_start3A_63 = arith.constant 0 : i32
      %dma_start3A_64 = tpu.memref_slice %arg10[%dma_start3A_62, %dma_start3A_63] : memref<125x128xf32, #tpu.memory_space<vmem>> -> memref<15x128xf32, #tpu.memory_space<vmem>>
      tpu.enqueue_dma source(%dma_start3A_64 : memref<15x128xf32, #tpu.memory_space<vmem>>) target(%dma_start3A_61 : memref<15x128xf32, #tpu.memory_space<vmem_shared>>) target_semaphore(%run_scoped3A_54 : memref<!tpu.dma_semaphore, #tpu.memory_space<semaphore_mem>>)
      %dma_wait3A = arith.constant 0 : i32
      %dma_wait3A_65 = arith.constant 0 : i32
      %dma_wait3A_66 = tpu.memref_slice %arg10[%dma_wait3A, %dma_wait3A_65] : memref<125x128xf32, #tpu.memory_space<vmem>> -> memref<15x128xf32, #tpu.memory_space<vmem>>
      %dma_wait3A_67 = arith.constant 0 : i32
      %dma_wait3A_68 = tpu.memref_slice %arg16[%sub3A_21, %dma_wait3A_67] : memref<10240x128xf32, #tpu.memory_space<vmem_shared>> -> memref<15x128xf32, #tpu.memory_space<vmem_shared>>
      %dma_wait3A_69 = arith.constant 0 : i32
      %dma_wait3A_70 = tpu.memref_slice %arg16[%sub3A_21, %dma_wait3A_69] : memref<10240x128xf32, #tpu.memory_space<vmem_shared>> -> memref<15x128xf32, #tpu.memory_space<vmem_shared>>
      %dma_wait3A_71 = arith.constant 0 : i32
      %dma_wait3A_72 = arith.constant 0 : i32
      %dma_wait3A_73 = tpu.memref_slice %arg10[%dma_wait3A_71, %dma_wait3A_72] : memref<125x128xf32, #tpu.memory_space<vmem>> -> memref<15x128xf32, #tpu.memory_space<vmem>>
      tpu.wait_dma2 semaphore(%run_scoped3A_54 : memref<!tpu.dma_semaphore, #tpu.memory_space<semaphore_mem>>) src(%dma_wait3A_73 : memref<15x128xf32, #tpu.memory_space<vmem>>) dst(%dma_wait3A_70 : memref<15x128xf32, #tpu.memory_space<vmem_shared>>)
      tpu.yield
    }) : () -> ()
    %run_scoped3A = arith.constant 0 : i32
    "tpu.region"() ({
      %run_scoped3A_54 = tpu.sem_alloc : memref<!tpu.dma_semaphore, #tpu.memory_space<semaphore_mem>>
      %dma_start3A_55 = arith.constant 0 : i32
      %dma_start3A_56 = arith.constant 0 : i32
      %dma_start3A_57 = tpu.memref_slice %arg3[%add3A, %run_scoped3A, %dma_start3A_55, %dma_start3A_56] : memref<32x16x5x125xi32, #tpu.memory_space<hbm>> -> memref<1x1x5x125xi32, #tpu.memory_space<hbm>>
      %dma_start3A_58 = tpu.memref_squeeze %dma_start3A_57 : memref<1x1x5x125xi32, #tpu.memory_space<hbm>> -> memref<5x125xi32, #tpu.memory_space<hbm>>
      %dma_start3A_59 = arith.constant 0 : i32
      %dma_start3A_60 = arith.constant 0 : i32
      %dma_start3A_61 = tpu.memref_slice %arg3[%add3A, %run_scoped3A, %dma_start3A_59, %dma_start3A_60] : memref<32x16x5x125xi32, #tpu.memory_space<hbm>> -> memref<1x1x5x125xi32, #tpu.memory_space<hbm>>
      %dma_start3A_62 = tpu.memref_squeeze %dma_start3A_61 : memref<1x1x5x125xi32, #tpu.memory_space<hbm>> -> memref<5x125xi32, #tpu.memory_space<hbm>>
      tpu.enqueue_dma source(%dma_start3A_62 : memref<5x125xi32, #tpu.memory_space<hbm>>) target(%arg6 : memref<5x125xi32, #tpu.memory_space<vmem>>) target_semaphore(%run_scoped3A_54 : memref<!tpu.dma_semaphore, #tpu.memory_space<semaphore_mem>>)
      %dma_wait3A = arith.constant 0 : i32
      %dma_wait3A_63 = arith.constant 0 : i32
      %dma_wait3A_64 = tpu.memref_slice %arg3[%add3A, %run_scoped3A, %dma_wait3A, %dma_wait3A_63] : memref<32x16x5x125xi32, #tpu.memory_space<hbm>> -> memref<1x1x5x125xi32, #tpu.memory_space<hbm>>
      %dma_wait3A_65 = tpu.memref_squeeze %dma_wait3A_64 : memref<1x1x5x125xi32, #tpu.memory_space<hbm>> -> memref<5x125xi32, #tpu.memory_space<hbm>>
      %dma_wait3A_66 = arith.constant 0 : i32
      %dma_wait3A_67 = arith.constant 0 : i32
      %dma_wait3A_68 = tpu.memref_slice %arg3[%add3A, %run_scoped3A, %dma_wait3A_66, %dma_wait3A_67] : memref<32x16x5x125xi32, #tpu.memory_space<hbm>> -> memref<1x1x5x125xi32, #tpu.memory_space<hbm>>
      %dma_wait3A_69 = tpu.memref_squeeze %dma_wait3A_68 : memref<1x1x5x125xi32, #tpu.memory_space<hbm>> -> memref<5x125xi32, #tpu.memory_space<hbm>>
      tpu.wait_dma2 semaphore(%run_scoped3A_54 : memref<!tpu.dma_semaphore, #tpu.memory_space<semaphore_mem>>) src(%dma_wait3A_69 : memref<5x125xi32, #tpu.memory_space<hbm>>) dst(%arg6 : memref<5x125xi32, #tpu.memory_space<vmem>>)
      tpu.yield
    }) : () -> ()
    %run_scoped3A_22 = arith.constant 0 : i32
    "tpu.region"() ({
      %run_scoped3A_54 = tpu.sem_alloc : memref<!tpu.dma_semaphore, #tpu.memory_space<semaphore_mem>>
      %dma_start3A_55 = arith.constant 0 : i32
      %dma_start3A_56 = arith.constant 0 : i32
      %dma_start3A_57 = tpu.memref_slice %arg4[%add3A, %run_scoped3A_22, %dma_start3A_55, %dma_start3A_56] : memref<32x16x5x125xi32, #tpu.memory_space<hbm>> -> memref<1x1x5x125xi32, #tpu.memory_space<hbm>>
      %dma_start3A_58 = tpu.memref_squeeze %dma_start3A_57 : memref<1x1x5x125xi32, #tpu.memory_space<hbm>> -> memref<5x125xi32, #tpu.memory_space<hbm>>
      %dma_start3A_59 = arith.constant 0 : i32
      %dma_start3A_60 = arith.constant 0 : i32
      %dma_start3A_61 = tpu.memref_slice %arg4[%add3A, %run_scoped3A_22, %dma_start3A_59, %dma_start3A_60] : memref<32x16x5x125xi32, #tpu.memory_space<hbm>> -> memref<1x1x5x125xi32, #tpu.memory_space<hbm>>
      %dma_start3A_62 = tpu.memref_squeeze %dma_start3A_61 : memref<1x1x5x125xi32, #tpu.memory_space<hbm>> -> memref<5x125xi32, #tpu.memory_space<hbm>>
      tpu.enqueue_dma source(%dma_start3A_62 : memref<5x125xi32, #tpu.memory_space<hbm>>) target(%arg8 : memref<5x125xi32, #tpu.memory_space<vmem>>) target_semaphore(%run_scoped3A_54 : memref<!tpu.dma_semaphore, #tpu.memory_space<semaphore_mem>>)
      %dma_wait3A = arith.constant 0 : i32
      %dma_wait3A_63 = arith.constant 0 : i32
      %dma_wait3A_64 = tpu.memref_slice %arg4[%add3A, %run_scoped3A_22, %dma_wait3A, %dma_wait3A_63] : memref<32x16x5x125xi32, #tpu.memory_space<hbm>> -> memref<1x1x5x125xi32, #tpu.memory_space<hbm>>
      %dma_wait3A_65 = tpu.memref_squeeze %dma_wait3A_64 : memref<1x1x5x125xi32, #tpu.memory_space<hbm>> -> memref<5x125xi32, #tpu.memory_space<hbm>>
      %dma_wait3A_66 = arith.constant 0 : i32
      %dma_wait3A_67 = arith.constant 0 : i32
      %dma_wait3A_68 = tpu.memref_slice %arg4[%add3A, %run_scoped3A_22, %dma_wait3A_66, %dma_wait3A_67] : memref<32x16x5x125xi32, #tpu.memory_space<hbm>> -> memref<1x1x5x125xi32, #tpu.memory_space<hbm>>
      %dma_wait3A_69 = tpu.memref_squeeze %dma_wait3A_68 : memref<1x1x5x125xi32, #tpu.memory_space<hbm>> -> memref<5x125xi32, #tpu.memory_space<hbm>>
      tpu.wait_dma2 semaphore(%run_scoped3A_54 : memref<!tpu.dma_semaphore, #tpu.memory_space<semaphore_mem>>) src(%dma_wait3A_69 : memref<5x125xi32, #tpu.memory_space<hbm>>) dst(%arg8 : memref<5x125xi32, #tpu.memory_space<vmem>>)
      tpu.yield
    }) : () -> ()
    %dma_start3A = arith.constant 1 : i32
    %dma_start3A_23 = arith.constant 0 : i32
    %dma_start3A_24 = arith.constant 0 : i32
    %dma_start3A_25 = tpu.memref_slice %arg3[%add3A, %dma_start3A, %dma_start3A_23, %dma_start3A_24] : memref<32x16x5x125xi32, #tpu.memory_space<hbm>> -> memref<1x1x5x125xi32, #tpu.memory_space<hbm>>
    %dma_start3A_26 = tpu.memref_squeeze %dma_start3A_25 : memref<1x1x5x125xi32, #tpu.memory_space<hbm>> -> memref<5x125xi32, #tpu.memory_space<hbm>>
    %dma_start3A_27 = arith.constant 0 : i32
    %dma_start3A_28 = arith.constant 0 : i32
    %dma_start3A_29 = tpu.memref_slice %arg3[%add3A, %dma_start3A, %dma_start3A_27, %dma_start3A_28] : memref<32x16x5x125xi32, #tpu.memory_space<hbm>> -> memref<1x1x5x125xi32, #tpu.memory_space<hbm>>
    %dma_start3A_30 = tpu.memref_squeeze %dma_start3A_29 : memref<1x1x5x125xi32, #tpu.memory_space<hbm>> -> memref<5x125xi32, #tpu.memory_space<hbm>>
    tpu.enqueue_dma source(%dma_start3A_30 : memref<5x125xi32, #tpu.memory_space<hbm>>) target(%arg7 : memref<5x125xi32, #tpu.memory_space<vmem>>) target_semaphore(%arg15 : memref<!tpu.dma_semaphore, #tpu.memory_space<semaphore_mem>>)
    %dma_start3A_31 = arith.constant 1 : i32
    %dma_start3A_32 = arith.constant 0 : i32
    %dma_start3A_33 = arith.constant 0 : i32
    %dma_start3A_34 = tpu.memref_slice %arg4[%add3A, %dma_start3A_31, %dma_start3A_32, %dma_start3A_33] : memref<32x16x5x125xi32, #tpu.memory_space<hbm>> -> memref<1x1x5x125xi32, #tpu.memory_space<hbm>>
    %dma_start3A_35 = tpu.memref_squeeze %dma_start3A_34 : memref<1x1x5x125xi32, #tpu.memory_space<hbm>> -> memref<5x125xi32, #tpu.memory_space<hbm>>
    %dma_start3A_36 = arith.constant 0 : i32
    %dma_start3A_37 = arith.constant 0 : i32
    %dma_start3A_38 = tpu.memref_slice %arg4[%add3A, %dma_start3A_31, %dma_start3A_36, %dma_start3A_37] : memref<32x16x5x125xi32, #tpu.memory_space<hbm>> -> memref<1x1x5x125xi32, #tpu.memory_space<hbm>>
    %dma_start3A_39 = tpu.memref_squeeze %dma_start3A_38 : memref<1x1x5x125xi32, #tpu.memory_space<hbm>> -> memref<5x125xi32, #tpu.memory_space<hbm>>
    tpu.enqueue_dma source(%dma_start3A_39 : memref<5x125xi32, #tpu.memory_space<hbm>>) target(%arg9 : memref<5x125xi32, #tpu.memory_space<vmem>>) target_semaphore(%arg15 : memref<!tpu.dma_semaphore, #tpu.memory_space<semaphore_mem>>)
    %dma_start3A_40 = arith.constant 0 : i32
    %dma_start3A_41 = arith.constant 0 : i32
    %dma_start3A_42 = tpu.memref_slice %arg6[%dma_start3A_40, %dma_start3A_41] : memref<5x125xi32, #tpu.memory_space<vmem>> -> memref<1x125xi32, #tpu.memory_space<vmem>>
    %dma_start3A_43 = tpu.memref_squeeze %dma_start3A_42 : memref<1x125xi32, #tpu.memory_space<vmem>> -> memref<125xi32, #tpu.memory_space<vmem>>
    %dma_start3A_44 = arith.constant 0 : i32
    %dma_start3A_45 = arith.constant 0 : i32
    %dma_start3A_46 = tpu.memref_slice %arg2[%dma_start3A_44, %dma_start3A_45] : memref<10240x128xf32, #tpu.memory_space<hbm>> -> memref<10240x128xf32, #tpu.memory_space<hbm>>
    tpu.enqueue_indirect_dma source(%dma_start3A_46 : memref<10240x128xf32, #tpu.memory_space<hbm>>) target(%arg10 : memref<125x128xf32, #tpu.memory_space<vmem>>) offsets(%dma_start3A_43 : memref<125xi32, #tpu.memory_space<vmem>>) semaphore(%arg12 : memref<!tpu.dma_semaphore, #tpu.memory_space<semaphore_mem>>)
    %barrier3A = arith.constant 0 : index
    tpu.barrier barrier_id(%barrier3A)
    %scan3A_47 = arith.constant 0 : i32
    %scan3A_48 = arith.constant 0 : i32
    %scan3A_49 = arith.constant 8 : i32
    %scan3A_50 = arith.addi %scan3A_48, %scan3A_49 : i32
    %scan3A_51 = arith.constant 1 : i32
    scf.for %scan3A_54 = %scan3A_48 to %scan3A_50 step %scan3A_51  : i32 {
      %mul3A_55 = arith.constant 2 : i32
      %mul3A_56 = arith.muli %scan3A_54, %mul3A_55 : i32
      %add3A_57 = arith.constant 0 : i32
      %add3A_58 = arith.addi %mul3A_56, %add3A_57 : i32
      %add3A_59 = arith.constant 1 : i32
      %add3A_60 = arith.addi %add3A_58, %add3A_59 : i32
      %lt3A = arith.constant 16 : i32
      %lt3A_61 = arith.cmpi slt, %add3A_60, %lt3A : i32
      %convert_element_type3A = arith.extui %lt3A_61 : i1 to i32
      %cond3A = arith.constant 0 : i32
      %cond3A_62 = arith.cmpi ne, %convert_element_type3A, %cond3A : i32
      scf.if %cond3A_62 {
        %add3A_277 = arith.constant 1 : i32
        %add3A_278 = arith.addi %add3A_58, %add3A_277 : i32
        %dma_wait3A_279 = arith.constant 0 : i32
        %dma_wait3A_280 = arith.constant 0 : i32
        %dma_wait3A_281 = tpu.memref_slice %arg3[%add3A, %add3A_278, %dma_wait3A_279, %dma_wait3A_280] : memref<32x16x5x125xi32, #tpu.memory_space<hbm>> -> memref<1x1x5x125xi32, #tpu.memory_space<hbm>>
        %dma_wait3A_282 = tpu.memref_squeeze %dma_wait3A_281 : memref<1x1x5x125xi32, #tpu.memory_space<hbm>> -> memref<5x125xi32, #tpu.memory_space<hbm>>
        %dma_wait3A_283 = arith.constant 0 : i32
        %dma_wait3A_284 = arith.constant 0 : i32
        %dma_wait3A_285 = tpu.memref_slice %arg3[%add3A, %add3A_278, %dma_wait3A_283, %dma_wait3A_284] : memref<32x16x5x125xi32, #tpu.memory_space<hbm>> -> memref<1x1x5x125xi32, #tpu.memory_space<hbm>>
        %dma_wait3A_286 = tpu.memref_squeeze %dma_wait3A_285 : memref<1x1x5x125xi32, #tpu.memory_space<hbm>> -> memref<5x125xi32, #tpu.memory_space<hbm>>
        tpu.wait_dma2 semaphore(%arg15 : memref<!tpu.dma_semaphore, #tpu.memory_space<semaphore_mem>>) src(%dma_wait3A_286 : memref<5x125xi32, #tpu.memory_space<hbm>>) dst(%arg7 : memref<5x125xi32, #tpu.memory_space<vmem>>)
        %dma_wait3A_287 = arith.constant 0 : i32
        %dma_wait3A_288 = arith.constant 0 : i32
        %dma_wait3A_289 = tpu.memref_slice %arg4[%add3A, %add3A_278, %dma_wait3A_287, %dma_wait3A_288] : memref<32x16x5x125xi32, #tpu.memory_space<hbm>> -> memref<1x1x5x125xi32, #tpu.memory_space<hbm>>
        %dma_wait3A_290 = tpu.memref_squeeze %dma_wait3A_289 : memref<1x1x5x125xi32, #tpu.memory_space<hbm>> -> memref<5x125xi32, #tpu.memory_space<hbm>>
        %dma_wait3A_291 = arith.constant 0 : i32
        %dma_wait3A_292 = arith.constant 0 : i32
        %dma_wait3A_293 = tpu.memref_slice %arg4[%add3A, %add3A_278, %dma_wait3A_291, %dma_wait3A_292] : memref<32x16x5x125xi32, #tpu.memory_space<hbm>> -> memref<1x1x5x125xi32, #tpu.memory_space<hbm>>
        %dma_wait3A_294 = tpu.memref_squeeze %dma_wait3A_293 : memref<1x1x5x125xi32, #tpu.memory_space<hbm>> -> memref<5x125xi32, #tpu.memory_space<hbm>>
        tpu.wait_dma2 semaphore(%arg15 : memref<!tpu.dma_semaphore, #tpu.memory_space<semaphore_mem>>) src(%dma_wait3A_294 : memref<5x125xi32, #tpu.memory_space<hbm>>) dst(%arg9 : memref<5x125xi32, #tpu.memory_space<vmem>>)
      } else {
      }
      %mul3A_63 = arith.constant 5 : i32
      %mul3A_64 = arith.muli %add3A_58, %mul3A_63 : i32
      %add3A_65 = arith.constant 0 : i32
      %add3A_66 = arith.addi %mul3A_64, %add3A_65 : i32
      %add3A_67 = arith.constant 1 : i32
      %add3A_68 = arith.addi %add3A_66, %add3A_67 : i32
      %lt3A_69 = arith.constant 80 : i32
      %lt3A_70 = arith.cmpi slt, %add3A_68, %lt3A_69 : i32
      %convert_element_type3A_71 = arith.extui %lt3A_70 : i1 to i32
      %cond3A_72 = arith.constant 0 : i32
      %cond3A_73 = arith.cmpi ne, %convert_element_type3A_71, %cond3A_72 : i32
      scf.if %cond3A_73 {
        %dma_start3A_277 = arith.constant 1 : i32
        %dma_start3A_278 = arith.constant 0 : i32
        %dma_start3A_279 = tpu.memref_slice %arg6[%dma_start3A_277, %dma_start3A_278] : memref<5x125xi32, #tpu.memory_space<vmem>> -> memref<1x125xi32, #tpu.memory_space<vmem>>
        %dma_start3A_280 = tpu.memref_squeeze %dma_start3A_279 : memref<1x125xi32, #tpu.memory_space<vmem>> -> memref<125xi32, #tpu.memory_space<vmem>>
        %dma_start3A_281 = arith.constant 0 : i32
        %dma_start3A_282 = arith.constant 0 : i32
        %dma_start3A_283 = tpu.memref_slice %arg2[%dma_start3A_281, %dma_start3A_282] : memref<10240x128xf32, #tpu.memory_space<hbm>> -> memref<10240x128xf32, #tpu.memory_space<hbm>>
        tpu.enqueue_indirect_dma source(%dma_start3A_283 : memref<10240x128xf32, #tpu.memory_space<hbm>>) target(%arg11 : memref<125x128xf32, #tpu.memory_space<vmem>>) offsets(%dma_start3A_280 : memref<125xi32, #tpu.memory_space<vmem>>) semaphore(%arg13 : memref<!tpu.dma_semaphore, #tpu.memory_space<semaphore_mem>>)
      } else {
      }
      %dma_wait3A = arith.constant 0 : i32
      %dma_wait3A_74 = arith.constant 0 : i32
      %dma_wait3A_75 = tpu.memref_slice %arg6[%dma_wait3A, %dma_wait3A_74] : memref<5x125xi32, #tpu.memory_space<vmem>> -> memref<1x125xi32, #tpu.memory_space<vmem>>
      %dma_wait3A_76 = tpu.memref_squeeze %dma_wait3A_75 : memref<1x125xi32, #tpu.memory_space<vmem>> -> memref<125xi32, #tpu.memory_space<vmem>>
      %dma_wait3A_77 = arith.constant 0 : i32
      %dma_wait3A_78 = arith.constant 0 : i32
      %dma_wait3A_79 = tpu.memref_slice %arg2[%dma_wait3A_77, %dma_wait3A_78] : memref<10240x128xf32, #tpu.memory_space<hbm>> -> memref<10240x128xf32, #tpu.memory_space<hbm>>
      tpu.wait_indirect_dma semaphore(%arg12 : memref<!tpu.dma_semaphore, #tpu.memory_space<semaphore_mem>>) src(%dma_wait3A_79 : memref<10240x128xf32, #tpu.memory_space<hbm>>) dst(%arg10 : memref<125x128xf32, #tpu.memory_space<vmem>>)
      %run_scoped3A_80 = arith.constant 0 : i32
      "tpu.region"() ({
        %run_scoped3A_277 = tpu.sem_alloc : memref<!tpu.dma_semaphore, #tpu.memory_space<semaphore_mem>>
        %dma_start3A_278 = arith.constant 0 : i32
        %dma_start3A_279 = tpu.memref_slice %arg8[%run_scoped3A_80, %dma_start3A_278] : memref<5x125xi32, #tpu.memory_space<vmem>> -> memref<1x125xi32, #tpu.memory_space<vmem>>
        %dma_start3A_280 = tpu.memref_squeeze %dma_start3A_279 : memref<1x125xi32, #tpu.memory_space<vmem>> -> memref<125xi32, #tpu.memory_space<vmem>>
        %dma_start3A_281 = arith.constant 0 : i32
        %dma_start3A_282 = arith.constant 0 : i32
        %dma_start3A_283 = tpu.memref_slice %arg16[%dma_start3A_281, %dma_start3A_282] : memref<10240x128xf32, #tpu.memory_space<vmem_shared>> -> memref<10240x128xf32, #tpu.memory_space<vmem_shared>>
        tpu.enqueue_indirect_dma source(%arg10 : memref<125x128xf32, #tpu.memory_space<vmem>>) target(%dma_start3A_283 : memref<10240x128xf32, #tpu.memory_space<vmem_shared>>) offsets(%dma_start3A_280 : memref<125xi32, #tpu.memory_space<vmem>>) semaphore(%run_scoped3A_277 : memref<!tpu.dma_semaphore, #tpu.memory_space<semaphore_mem>>) {add = true}
        %dma_wait3A_284 = arith.constant 0 : i32
        %dma_wait3A_285 = tpu.memref_slice %arg8[%run_scoped3A_80, %dma_wait3A_284] : memref<5x125xi32, #tpu.memory_space<vmem>> -> memref<1x125xi32, #tpu.memory_space<vmem>>
        %dma_wait3A_286 = tpu.memref_squeeze %dma_wait3A_285 : memref<1x125xi32, #tpu.memory_space<vmem>> -> memref<125xi32, #tpu.memory_space<vmem>>
        %dma_wait3A_287 = arith.constant 0 : i32
        %dma_wait3A_288 = arith.constant 0 : i32
        %dma_wait3A_289 = tpu.memref_slice %arg16[%dma_wait3A_287, %dma_wait3A_288] : memref<10240x128xf32, #tpu.memory_space<vmem_shared>> -> memref<10240x128xf32, #tpu.memory_space<vmem_shared>>
        tpu.wait_indirect_dma semaphore(%run_scoped3A_277 : memref<!tpu.dma_semaphore, #tpu.memory_space<semaphore_mem>>) src(%arg10 : memref<125x128xf32, #tpu.memory_space<vmem>>) dst(%dma_wait3A_289 : memref<10240x128xf32, #tpu.memory_space<vmem_shared>>)
        tpu.yield
      }) : () -> ()
      %mul3A_81 = arith.constant 5 : i32
      %mul3A_82 = arith.muli %add3A_58, %mul3A_81 : i32
      %add3A_83 = arith.constant 1 : i32
      %add3A_84 = arith.addi %mul3A_82, %add3A_83 : i32
      %add3A_85 = arith.constant 1 : i32
      %add3A_86 = arith.addi %add3A_84, %add3A_85 : i32
      %lt3A_87 = arith.constant 80 : i32
      %lt3A_88 = arith.cmpi slt, %add3A_86, %lt3A_87 : i32
      %convert_element_type3A_89 = arith.extui %lt3A_88 : i1 to i32
      %cond3A_90 = arith.constant 0 : i32
      %cond3A_91 = arith.cmpi ne, %convert_element_type3A_89, %cond3A_90 : i32
      scf.if %cond3A_91 {
        %dma_start3A_277 = arith.constant 2 : i32
        %dma_start3A_278 = arith.constant 0 : i32
        %dma_start3A_279 = tpu.memref_slice %arg6[%dma_start3A_277, %dma_start3A_278] : memref<5x125xi32, #tpu.memory_space<vmem>> -> memref<1x125xi32, #tpu.memory_space<vmem>>
        %dma_start3A_280 = tpu.memref_squeeze %dma_start3A_279 : memref<1x125xi32, #tpu.memory_space<vmem>> -> memref<125xi32, #tpu.memory_space<vmem>>
        %dma_start3A_281 = arith.constant 0 : i32
        %dma_start3A_282 = arith.constant 0 : i32
        %dma_start3A_283 = tpu.memref_slice %arg2[%dma_start3A_281, %dma_start3A_282] : memref<10240x128xf32, #tpu.memory_space<hbm>> -> memref<10240x128xf32, #tpu.memory_space<hbm>>
        tpu.enqueue_indirect_dma source(%dma_start3A_283 : memref<10240x128xf32, #tpu.memory_space<hbm>>) target(%arg10 : memref<125x128xf32, #tpu.memory_space<vmem>>) offsets(%dma_start3A_280 : memref<125xi32, #tpu.memory_space<vmem>>) semaphore(%arg12 : memref<!tpu.dma_semaphore, #tpu.memory_space<semaphore_mem>>)
      } else {
      }
      %dma_wait3A_92 = arith.constant 1 : i32
      %dma_wait3A_93 = arith.constant 0 : i32
      %dma_wait3A_94 = tpu.memref_slice %arg6[%dma_wait3A_92, %dma_wait3A_93] : memref<5x125xi32, #tpu.memory_space<vmem>> -> memref<1x125xi32, #tpu.memory_space<vmem>>
      %dma_wait3A_95 = tpu.memref_squeeze %dma_wait3A_94 : memref<1x125xi32, #tpu.memory_space<vmem>> -> memref<125xi32, #tpu.memory_space<vmem>>
      %dma_wait3A_96 = arith.constant 0 : i32
      %dma_wait3A_97 = arith.constant 0 : i32
      %dma_wait3A_98 = tpu.memref_slice %arg2[%dma_wait3A_96, %dma_wait3A_97] : memref<10240x128xf32, #tpu.memory_space<hbm>> -> memref<10240x128xf32, #tpu.memory_space<hbm>>
      tpu.wait_indirect_dma semaphore(%arg13 : memref<!tpu.dma_semaphore, #tpu.memory_space<semaphore_mem>>) src(%dma_wait3A_98 : memref<10240x128xf32, #tpu.memory_space<hbm>>) dst(%arg11 : memref<125x128xf32, #tpu.memory_space<vmem>>)
      %run_scoped3A_99 = arith.constant 1 : i32
      "tpu.region"() ({
        %run_scoped3A_277 = tpu.sem_alloc : memref<!tpu.dma_semaphore, #tpu.memory_space<semaphore_mem>>
        %dma_start3A_278 = arith.constant 0 : i32
        %dma_start3A_279 = tpu.memref_slice %arg8[%run_scoped3A_99, %dma_start3A_278] : memref<5x125xi32, #tpu.memory_space<vmem>> -> memref<1x125xi32, #tpu.memory_space<vmem>>
        %dma_start3A_280 = tpu.memref_squeeze %dma_start3A_279 : memref<1x125xi32, #tpu.memory_space<vmem>> -> memref<125xi32, #tpu.memory_space<vmem>>
        %dma_start3A_281 = arith.constant 0 : i32
        %dma_start3A_282 = arith.constant 0 : i32
        %dma_start3A_283 = tpu.memref_slice %arg16[%dma_start3A_281, %dma_start3A_282] : memref<10240x128xf32, #tpu.memory_space<vmem_shared>> -> memref<10240x128xf32, #tpu.memory_space<vmem_shared>>
        tpu.enqueue_indirect_dma source(%arg11 : memref<125x128xf32, #tpu.memory_space<vmem>>) target(%dma_start3A_283 : memref<10240x128xf32, #tpu.memory_space<vmem_shared>>) offsets(%dma_start3A_280 : memref<125xi32, #tpu.memory_space<vmem>>) semaphore(%run_scoped3A_277 : memref<!tpu.dma_semaphore, #tpu.memory_space<semaphore_mem>>) {add = true}
        %dma_wait3A_284 = arith.constant 0 : i32
        %dma_wait3A_285 = tpu.memref_slice %arg8[%run_scoped3A_99, %dma_wait3A_284] : memref<5x125xi32, #tpu.memory_space<vmem>> -> memref<1x125xi32, #tpu.memory_space<vmem>>
        %dma_wait3A_286 = tpu.memref_squeeze %dma_wait3A_285 : memref<1x125xi32, #tpu.memory_space<vmem>> -> memref<125xi32, #tpu.memory_space<vmem>>
        %dma_wait3A_287 = arith.constant 0 : i32
        %dma_wait3A_288 = arith.constant 0 : i32
        %dma_wait3A_289 = tpu.memref_slice %arg16[%dma_wait3A_287, %dma_wait3A_288] : memref<10240x128xf32, #tpu.memory_space<vmem_shared>> -> memref<10240x128xf32, #tpu.memory_space<vmem_shared>>
        tpu.wait_indirect_dma semaphore(%run_scoped3A_277 : memref<!tpu.dma_semaphore, #tpu.memory_space<semaphore_mem>>) src(%arg11 : memref<125x128xf32, #tpu.memory_space<vmem>>) dst(%dma_wait3A_289 : memref<10240x128xf32, #tpu.memory_space<vmem_shared>>)
        tpu.yield
      }) : () -> ()
      %mul3A_100 = arith.constant 5 : i32
      %mul3A_101 = arith.muli %add3A_58, %mul3A_100 : i32
      %add3A_102 = arith.constant 2 : i32
      %add3A_103 = arith.addi %mul3A_101, %add3A_102 : i32
      %add3A_104 = arith.constant 1 : i32
      %add3A_105 = arith.addi %add3A_103, %add3A_104 : i32
      %lt3A_106 = arith.constant 80 : i32
      %lt3A_107 = arith.cmpi slt, %add3A_105, %lt3A_106 : i32
      %convert_element_type3A_108 = arith.extui %lt3A_107 : i1 to i32
      %cond3A_109 = arith.constant 0 : i32
      %cond3A_110 = arith.cmpi ne, %convert_element_type3A_108, %cond3A_109 : i32
      scf.if %cond3A_110 {
        %dma_start3A_277 = arith.constant 3 : i32
        %dma_start3A_278 = arith.constant 0 : i32
        %dma_start3A_279 = tpu.memref_slice %arg6[%dma_start3A_277, %dma_start3A_278] : memref<5x125xi32, #tpu.memory_space<vmem>> -> memref<1x125xi32, #tpu.memory_space<vmem>>
        %dma_start3A_280 = tpu.memref_squeeze %dma_start3A_279 : memref<1x125xi32, #tpu.memory_space<vmem>> -> memref<125xi32, #tpu.memory_space<vmem>>
        %dma_start3A_281 = arith.constant 0 : i32
        %dma_start3A_282 = arith.constant 0 : i32
        %dma_start3A_283 = tpu.memref_slice %arg2[%dma_start3A_281, %dma_start3A_282] : memref<10240x128xf32, #tpu.memory_space<hbm>> -> memref<10240x128xf32, #tpu.memory_space<hbm>>
        tpu.enqueue_indirect_dma source(%dma_start3A_283 : memref<10240x128xf32, #tpu.memory_space<hbm>>) target(%arg11 : memref<125x128xf32, #tpu.memory_space<vmem>>) offsets(%dma_start3A_280 : memref<125xi32, #tpu.memory_space<vmem>>) semaphore(%arg13 : memref<!tpu.dma_semaphore, #tpu.memory_space<semaphore_mem>>)
      } else {
      }
      %dma_wait3A_111 = arith.constant 2 : i32
      %dma_wait3A_112 = arith.constant 0 : i32
      %dma_wait3A_113 = tpu.memref_slice %arg6[%dma_wait3A_111, %dma_wait3A_112] : memref<5x125xi32, #tpu.memory_space<vmem>> -> memref<1x125xi32, #tpu.memory_space<vmem>>
      %dma_wait3A_114 = tpu.memref_squeeze %dma_wait3A_113 : memref<1x125xi32, #tpu.memory_space<vmem>> -> memref<125xi32, #tpu.memory_space<vmem>>
      %dma_wait3A_115 = arith.constant 0 : i32
      %dma_wait3A_116 = arith.constant 0 : i32
      %dma_wait3A_117 = tpu.memref_slice %arg2[%dma_wait3A_115, %dma_wait3A_116] : memref<10240x128xf32, #tpu.memory_space<hbm>> -> memref<10240x128xf32, #tpu.memory_space<hbm>>
      tpu.wait_indirect_dma semaphore(%arg12 : memref<!tpu.dma_semaphore, #tpu.memory_space<semaphore_mem>>) src(%dma_wait3A_117 : memref<10240x128xf32, #tpu.memory_space<hbm>>) dst(%arg10 : memref<125x128xf32, #tpu.memory_space<vmem>>)
      %run_scoped3A_118 = arith.constant 2 : i32
      "tpu.region"() ({
        %run_scoped3A_277 = tpu.sem_alloc : memref<!tpu.dma_semaphore, #tpu.memory_space<semaphore_mem>>
        %dma_start3A_278 = arith.constant 0 : i32
        %dma_start3A_279 = tpu.memref_slice %arg8[%run_scoped3A_118, %dma_start3A_278] : memref<5x125xi32, #tpu.memory_space<vmem>> -> memref<1x125xi32, #tpu.memory_space<vmem>>
        %dma_start3A_280 = tpu.memref_squeeze %dma_start3A_279 : memref<1x125xi32, #tpu.memory_space<vmem>> -> memref<125xi32, #tpu.memory_space<vmem>>
        %dma_start3A_281 = arith.constant 0 : i32
        %dma_start3A_282 = arith.constant 0 : i32
        %dma_start3A_283 = tpu.memref_slice %arg16[%dma_start3A_281, %dma_start3A_282] : memref<10240x128xf32, #tpu.memory_space<vmem_shared>> -> memref<10240x128xf32, #tpu.memory_space<vmem_shared>>
        tpu.enqueue_indirect_dma source(%arg10 : memref<125x128xf32, #tpu.memory_space<vmem>>) target(%dma_start3A_283 : memref<10240x128xf32, #tpu.memory_space<vmem_shared>>) offsets(%dma_start3A_280 : memref<125xi32, #tpu.memory_space<vmem>>) semaphore(%run_scoped3A_277 : memref<!tpu.dma_semaphore, #tpu.memory_space<semaphore_mem>>) {add = true}
        %dma_wait3A_284 = arith.constant 0 : i32
        %dma_wait3A_285 = tpu.memref_slice %arg8[%run_scoped3A_118, %dma_wait3A_284] : memref<5x125xi32, #tpu.memory_space<vmem>> -> memref<1x125xi32, #tpu.memory_space<vmem>>
        %dma_wait3A_286 = tpu.memref_squeeze %dma_wait3A_285 : memref<1x125xi32, #tpu.memory_space<vmem>> -> memref<125xi32, #tpu.memory_space<vmem>>
        %dma_wait3A_287 = arith.constant 0 : i32
        %dma_wait3A_288 = arith.constant 0 : i32
        %dma_wait3A_289 = tpu.memref_slice %arg16[%dma_wait3A_287, %dma_wait3A_288] : memref<10240x128xf32, #tpu.memory_space<vmem_shared>> -> memref<10240x128xf32, #tpu.memory_space<vmem_shared>>
        tpu.wait_indirect_dma semaphore(%run_scoped3A_277 : memref<!tpu.dma_semaphore, #tpu.memory_space<semaphore_mem>>) src(%arg10 : memref<125x128xf32, #tpu.memory_space<vmem>>) dst(%dma_wait3A_289 : memref<10240x128xf32, #tpu.memory_space<vmem_shared>>)
        tpu.yield
      }) : () -> ()
      %mul3A_119 = arith.constant 5 : i32
      %mul3A_120 = arith.muli %add3A_58, %mul3A_119 : i32
      %add3A_121 = arith.constant 3 : i32
      %add3A_122 = arith.addi %mul3A_120, %add3A_121 : i32
      %add3A_123 = arith.constant 1 : i32
      %add3A_124 = arith.addi %add3A_122, %add3A_123 : i32
      %lt3A_125 = arith.constant 80 : i32
      %lt3A_126 = arith.cmpi slt, %add3A_124, %lt3A_125 : i32
      %convert_element_type3A_127 = arith.extui %lt3A_126 : i1 to i32
      %cond3A_128 = arith.constant 0 : i32
      %cond3A_129 = arith.cmpi ne, %convert_element_type3A_127, %cond3A_128 : i32
      scf.if %cond3A_129 {
        %dma_start3A_277 = arith.constant 4 : i32
        %dma_start3A_278 = arith.constant 0 : i32
        %dma_start3A_279 = tpu.memref_slice %arg6[%dma_start3A_277, %dma_start3A_278] : memref<5x125xi32, #tpu.memory_space<vmem>> -> memref<1x125xi32, #tpu.memory_space<vmem>>
        %dma_start3A_280 = tpu.memref_squeeze %dma_start3A_279 : memref<1x125xi32, #tpu.memory_space<vmem>> -> memref<125xi32, #tpu.memory_space<vmem>>
        %dma_start3A_281 = arith.constant 0 : i32
        %dma_start3A_282 = arith.constant 0 : i32
        %dma_start3A_283 = tpu.memref_slice %arg2[%dma_start3A_281, %dma_start3A_282] : memref<10240x128xf32, #tpu.memory_space<hbm>> -> memref<10240x128xf32, #tpu.memory_space<hbm>>
        tpu.enqueue_indirect_dma source(%dma_start3A_283 : memref<10240x128xf32, #tpu.memory_space<hbm>>) target(%arg10 : memref<125x128xf32, #tpu.memory_space<vmem>>) offsets(%dma_start3A_280 : memref<125xi32, #tpu.memory_space<vmem>>) semaphore(%arg12 : memref<!tpu.dma_semaphore, #tpu.memory_space<semaphore_mem>>)
      } else {
      }
      %dma_wait3A_130 = arith.constant 3 : i32
      %dma_wait3A_131 = arith.constant 0 : i32
      %dma_wait3A_132 = tpu.memref_slice %arg6[%dma_wait3A_130, %dma_wait3A_131] : memref<5x125xi32, #tpu.memory_space<vmem>> -> memref<1x125xi32, #tpu.memory_space<vmem>>
      %dma_wait3A_133 = tpu.memref_squeeze %dma_wait3A_132 : memref<1x125xi32, #tpu.memory_space<vmem>> -> memref<125xi32, #tpu.memory_space<vmem>>
      %dma_wait3A_134 = arith.constant 0 : i32
      %dma_wait3A_135 = arith.constant 0 : i32
      %dma_wait3A_136 = tpu.memref_slice %arg2[%dma_wait3A_134, %dma_wait3A_135] : memref<10240x128xf32, #tpu.memory_space<hbm>> -> memref<10240x128xf32, #tpu.memory_space<hbm>>
      tpu.wait_indirect_dma semaphore(%arg13 : memref<!tpu.dma_semaphore, #tpu.memory_space<semaphore_mem>>) src(%dma_wait3A_136 : memref<10240x128xf32, #tpu.memory_space<hbm>>) dst(%arg11 : memref<125x128xf32, #tpu.memory_space<vmem>>)
      %run_scoped3A_137 = arith.constant 3 : i32
      "tpu.region"() ({
        %run_scoped3A_277 = tpu.sem_alloc : memref<!tpu.dma_semaphore, #tpu.memory_space<semaphore_mem>>
        %dma_start3A_278 = arith.constant 0 : i32
        %dma_start3A_279 = tpu.memref_slice %arg8[%run_scoped3A_137, %dma_start3A_278] : memref<5x125xi32, #tpu.memory_space<vmem>> -> memref<1x125xi32, #tpu.memory_space<vmem>>
        %dma_start3A_280 = tpu.memref_squeeze %dma_start3A_279 : memref<1x125xi32, #tpu.memory_space<vmem>> -> memref<125xi32, #tpu.memory_space<vmem>>
        %dma_start3A_281 = arith.constant 0 : i32
        %dma_start3A_282 = arith.constant 0 : i32
        %dma_start3A_283 = tpu.memref_slice %arg16[%dma_start3A_281, %dma_start3A_282] : memref<10240x128xf32, #tpu.memory_space<vmem_shared>> -> memref<10240x128xf32, #tpu.memory_space<vmem_shared>>
        tpu.enqueue_indirect_dma source(%arg11 : memref<125x128xf32, #tpu.memory_space<vmem>>) target(%dma_start3A_283 : memref<10240x128xf32, #tpu.memory_space<vmem_shared>>) offsets(%dma_start3A_280 : memref<125xi32, #tpu.memory_space<vmem>>) semaphore(%run_scoped3A_277 : memref<!tpu.dma_semaphore, #tpu.memory_space<semaphore_mem>>) {add = true}
        %dma_wait3A_284 = arith.constant 0 : i32
        %dma_wait3A_285 = tpu.memref_slice %arg8[%run_scoped3A_137, %dma_wait3A_284] : memref<5x125xi32, #tpu.memory_space<vmem>> -> memref<1x125xi32, #tpu.memory_space<vmem>>
        %dma_wait3A_286 = tpu.memref_squeeze %dma_wait3A_285 : memref<1x125xi32, #tpu.memory_space<vmem>> -> memref<125xi32, #tpu.memory_space<vmem>>
        %dma_wait3A_287 = arith.constant 0 : i32
        %dma_wait3A_288 = arith.constant 0 : i32
        %dma_wait3A_289 = tpu.memref_slice %arg16[%dma_wait3A_287, %dma_wait3A_288] : memref<10240x128xf32, #tpu.memory_space<vmem_shared>> -> memref<10240x128xf32, #tpu.memory_space<vmem_shared>>
        tpu.wait_indirect_dma semaphore(%run_scoped3A_277 : memref<!tpu.dma_semaphore, #tpu.memory_space<semaphore_mem>>) src(%arg11 : memref<125x128xf32, #tpu.memory_space<vmem>>) dst(%dma_wait3A_289 : memref<10240x128xf32, #tpu.memory_space<vmem_shared>>)
        tpu.yield
      }) : () -> ()
      %mul3A_138 = arith.constant 5 : i32
      %mul3A_139 = arith.muli %add3A_58, %mul3A_138 : i32
      %add3A_140 = arith.constant 4 : i32
      %add3A_141 = arith.addi %mul3A_139, %add3A_140 : i32
      %add3A_142 = arith.constant 1 : i32
      %add3A_143 = arith.addi %add3A_141, %add3A_142 : i32
      %lt3A_144 = arith.constant 80 : i32
      %lt3A_145 = arith.cmpi slt, %add3A_143, %lt3A_144 : i32
      %convert_element_type3A_146 = arith.extui %lt3A_145 : i1 to i32
      %cond3A_147 = arith.constant 0 : i32
      %cond3A_148 = arith.cmpi ne, %convert_element_type3A_146, %cond3A_147 : i32
      scf.if %cond3A_148 {
        %dma_start3A_277 = arith.constant 0 : i32
        %dma_start3A_278 = arith.constant 0 : i32
        %dma_start3A_279 = tpu.memref_slice %arg7[%dma_start3A_277, %dma_start3A_278] : memref<5x125xi32, #tpu.memory_space<vmem>> -> memref<1x125xi32, #tpu.memory_space<vmem>>
        %dma_start3A_280 = tpu.memref_squeeze %dma_start3A_279 : memref<1x125xi32, #tpu.memory_space<vmem>> -> memref<125xi32, #tpu.memory_space<vmem>>
        %dma_start3A_281 = arith.constant 0 : i32
        %dma_start3A_282 = arith.constant 0 : i32
        %dma_start3A_283 = tpu.memref_slice %arg2[%dma_start3A_281, %dma_start3A_282] : memref<10240x128xf32, #tpu.memory_space<hbm>> -> memref<10240x128xf32, #tpu.memory_space<hbm>>
        tpu.enqueue_indirect_dma source(%dma_start3A_283 : memref<10240x128xf32, #tpu.memory_space<hbm>>) target(%arg11 : memref<125x128xf32, #tpu.memory_space<vmem>>) offsets(%dma_start3A_280 : memref<125xi32, #tpu.memory_space<vmem>>) semaphore(%arg13 : memref<!tpu.dma_semaphore, #tpu.memory_space<semaphore_mem>>)
      } else {
      }
      %dma_wait3A_149 = arith.constant 4 : i32
      %dma_wait3A_150 = arith.constant 0 : i32
      %dma_wait3A_151 = tpu.memref_slice %arg6[%dma_wait3A_149, %dma_wait3A_150] : memref<5x125xi32, #tpu.memory_space<vmem>> -> memref<1x125xi32, #tpu.memory_space<vmem>>
      %dma_wait3A_152 = tpu.memref_squeeze %dma_wait3A_151 : memref<1x125xi32, #tpu.memory_space<vmem>> -> memref<125xi32, #tpu.memory_space<vmem>>
      %dma_wait3A_153 = arith.constant 0 : i32
      %dma_wait3A_154 = arith.constant 0 : i32
      %dma_wait3A_155 = tpu.memref_slice %arg2[%dma_wait3A_153, %dma_wait3A_154] : memref<10240x128xf32, #tpu.memory_space<hbm>> -> memref<10240x128xf32, #tpu.memory_space<hbm>>
      tpu.wait_indirect_dma semaphore(%arg12 : memref<!tpu.dma_semaphore, #tpu.memory_space<semaphore_mem>>) src(%dma_wait3A_155 : memref<10240x128xf32, #tpu.memory_space<hbm>>) dst(%arg10 : memref<125x128xf32, #tpu.memory_space<vmem>>)
      %run_scoped3A_156 = arith.constant 4 : i32
      "tpu.region"() ({
        %run_scoped3A_277 = tpu.sem_alloc : memref<!tpu.dma_semaphore, #tpu.memory_space<semaphore_mem>>
        %dma_start3A_278 = arith.constant 0 : i32
        %dma_start3A_279 = tpu.memref_slice %arg8[%run_scoped3A_156, %dma_start3A_278] : memref<5x125xi32, #tpu.memory_space<vmem>> -> memref<1x125xi32, #tpu.memory_space<vmem>>
        %dma_start3A_280 = tpu.memref_squeeze %dma_start3A_279 : memref<1x125xi32, #tpu.memory_space<vmem>> -> memref<125xi32, #tpu.memory_space<vmem>>
        %dma_start3A_281 = arith.constant 0 : i32
        %dma_start3A_282 = arith.constant 0 : i32
        %dma_start3A_283 = tpu.memref_slice %arg16[%dma_start3A_281, %dma_start3A_282] : memref<10240x128xf32, #tpu.memory_space<vmem_shared>> -> memref<10240x128xf32, #tpu.memory_space<vmem_shared>>
        tpu.enqueue_indirect_dma source(%arg10 : memref<125x128xf32, #tpu.memory_space<vmem>>) target(%dma_start3A_283 : memref<10240x128xf32, #tpu.memory_space<vmem_shared>>) offsets(%dma_start3A_280 : memref<125xi32, #tpu.memory_space<vmem>>) semaphore(%run_scoped3A_277 : memref<!tpu.dma_semaphore, #tpu.memory_space<semaphore_mem>>) {add = true}
        %dma_wait3A_284 = arith.constant 0 : i32
        %dma_wait3A_285 = tpu.memref_slice %arg8[%run_scoped3A_156, %dma_wait3A_284] : memref<5x125xi32, #tpu.memory_space<vmem>> -> memref<1x125xi32, #tpu.memory_space<vmem>>
        %dma_wait3A_286 = tpu.memref_squeeze %dma_wait3A_285 : memref<1x125xi32, #tpu.memory_space<vmem>> -> memref<125xi32, #tpu.memory_space<vmem>>
        %dma_wait3A_287 = arith.constant 0 : i32
        %dma_wait3A_288 = arith.constant 0 : i32
        %dma_wait3A_289 = tpu.memref_slice %arg16[%dma_wait3A_287, %dma_wait3A_288] : memref<10240x128xf32, #tpu.memory_space<vmem_shared>> -> memref<10240x128xf32, #tpu.memory_space<vmem_shared>>
        tpu.wait_indirect_dma semaphore(%run_scoped3A_277 : memref<!tpu.dma_semaphore, #tpu.memory_space<semaphore_mem>>) src(%arg10 : memref<125x128xf32, #tpu.memory_space<vmem>>) dst(%dma_wait3A_289 : memref<10240x128xf32, #tpu.memory_space<vmem_shared>>)
        tpu.yield
      }) : () -> ()
      %add3A_157 = arith.constant 2 : i32
      %add3A_158 = arith.addi %add3A_58, %add3A_157 : i32
      %lt3A_159 = arith.constant 16 : i32
      %lt3A_160 = arith.cmpi slt, %add3A_158, %lt3A_159 : i32
      %convert_element_type3A_161 = arith.extui %lt3A_160 : i1 to i32
      %cond3A_162 = arith.constant 0 : i32
      %cond3A_163 = arith.cmpi ne, %convert_element_type3A_161, %cond3A_162 : i32
      scf.if %cond3A_163 {
        %add3A_277 = arith.constant 2 : i32
        %add3A_278 = arith.addi %add3A_58, %add3A_277 : i32
        %dma_start3A_279 = arith.constant 0 : i32
        %dma_start3A_280 = arith.constant 0 : i32
        %dma_start3A_281 = tpu.memref_slice %arg3[%add3A, %add3A_278, %dma_start3A_279, %dma_start3A_280] : memref<32x16x5x125xi32, #tpu.memory_space<hbm>> -> memref<1x1x5x125xi32, #tpu.memory_space<hbm>>
        %dma_start3A_282 = tpu.memref_squeeze %dma_start3A_281 : memref<1x1x5x125xi32, #tpu.memory_space<hbm>> -> memref<5x125xi32, #tpu.memory_space<hbm>>
        %dma_start3A_283 = arith.constant 0 : i32
        %dma_start3A_284 = arith.constant 0 : i32
        %dma_start3A_285 = tpu.memref_slice %arg3[%add3A, %add3A_278, %dma_start3A_283, %dma_start3A_284] : memref<32x16x5x125xi32, #tpu.memory_space<hbm>> -> memref<1x1x5x125xi32, #tpu.memory_space<hbm>>
        %dma_start3A_286 = tpu.memref_squeeze %dma_start3A_285 : memref<1x1x5x125xi32, #tpu.memory_space<hbm>> -> memref<5x125xi32, #tpu.memory_space<hbm>>
        tpu.enqueue_dma source(%dma_start3A_286 : memref<5x125xi32, #tpu.memory_space<hbm>>) target(%arg6 : memref<5x125xi32, #tpu.memory_space<vmem>>) target_semaphore(%arg14 : memref<!tpu.dma_semaphore, #tpu.memory_space<semaphore_mem>>)
        %dma_start3A_287 = arith.constant 0 : i32
        %dma_start3A_288 = arith.constant 0 : i32
        %dma_start3A_289 = tpu.memref_slice %arg4[%add3A, %add3A_278, %dma_start3A_287, %dma_start3A_288] : memref<32x16x5x125xi32, #tpu.memory_space<hbm>> -> memref<1x1x5x125xi32, #tpu.memory_space<hbm>>
        %dma_start3A_290 = tpu.memref_squeeze %dma_start3A_289 : memref<1x1x5x125xi32, #tpu.memory_space<hbm>> -> memref<5x125xi32, #tpu.memory_space<hbm>>
        %dma_start3A_291 = arith.constant 0 : i32
        %dma_start3A_292 = arith.constant 0 : i32
        %dma_start3A_293 = tpu.memref_slice %arg4[%add3A, %add3A_278, %dma_start3A_291, %dma_start3A_292] : memref<32x16x5x125xi32, #tpu.memory_space<hbm>> -> memref<1x1x5x125xi32, #tpu.memory_space<hbm>>
        %dma_start3A_294 = tpu.memref_squeeze %dma_start3A_293 : memref<1x1x5x125xi32, #tpu.memory_space<hbm>> -> memref<5x125xi32, #tpu.memory_space<hbm>>
        tpu.enqueue_dma source(%dma_start3A_294 : memref<5x125xi32, #tpu.memory_space<hbm>>) target(%arg8 : memref<5x125xi32, #tpu.memory_space<vmem>>) target_semaphore(%arg14 : memref<!tpu.dma_semaphore, #tpu.memory_space<semaphore_mem>>)
      } else {
      }
      %mul3A_164 = arith.constant 2 : i32
      %mul3A_165 = arith.muli %scan3A_54, %mul3A_164 : i32
      %add3A_166 = arith.constant 1 : i32
      %add3A_167 = arith.addi %mul3A_165, %add3A_166 : i32
      %add3A_168 = arith.constant 1 : i32
      %add3A_169 = arith.addi %add3A_167, %add3A_168 : i32
      %lt3A_170 = arith.constant 16 : i32
      %lt3A_171 = arith.cmpi slt, %add3A_169, %lt3A_170 : i32
      %convert_element_type3A_172 = arith.extui %lt3A_171 : i1 to i32
      %cond3A_173 = arith.constant 0 : i32
      %cond3A_174 = arith.cmpi ne, %convert_element_type3A_172, %cond3A_173 : i32
      scf.if %cond3A_174 {
        %add3A_277 = arith.constant 1 : i32
        %add3A_278 = arith.addi %add3A_167, %add3A_277 : i32
        %dma_wait3A_279 = arith.constant 0 : i32
        %dma_wait3A_280 = arith.constant 0 : i32
        %dma_wait3A_281 = tpu.memref_slice %arg3[%add3A, %add3A_278, %dma_wait3A_279, %dma_wait3A_280] : memref<32x16x5x125xi32, #tpu.memory_space<hbm>> -> memref<1x1x5x125xi32, #tpu.memory_space<hbm>>
        %dma_wait3A_282 = tpu.memref_squeeze %dma_wait3A_281 : memref<1x1x5x125xi32, #tpu.memory_space<hbm>> -> memref<5x125xi32, #tpu.memory_space<hbm>>
        %dma_wait3A_283 = arith.constant 0 : i32
        %dma_wait3A_284 = arith.constant 0 : i32
        %dma_wait3A_285 = tpu.memref_slice %arg3[%add3A, %add3A_278, %dma_wait3A_283, %dma_wait3A_284] : memref<32x16x5x125xi32, #tpu.memory_space<hbm>> -> memref<1x1x5x125xi32, #tpu.memory_space<hbm>>
        %dma_wait3A_286 = tpu.memref_squeeze %dma_wait3A_285 : memref<1x1x5x125xi32, #tpu.memory_space<hbm>> -> memref<5x125xi32, #tpu.memory_space<hbm>>
        tpu.wait_dma2 semaphore(%arg14 : memref<!tpu.dma_semaphore, #tpu.memory_space<semaphore_mem>>) src(%dma_wait3A_286 : memref<5x125xi32, #tpu.memory_space<hbm>>) dst(%arg6 : memref<5x125xi32, #tpu.memory_space<vmem>>)
        %dma_wait3A_287 = arith.constant 0 : i32
        %dma_wait3A_288 = arith.constant 0 : i32
        %dma_wait3A_289 = tpu.memref_slice %arg4[%add3A, %add3A_278, %dma_wait3A_287, %dma_wait3A_288] : memref<32x16x5x125xi32, #tpu.memory_space<hbm>> -> memref<1x1x5x125xi32, #tpu.memory_space<hbm>>
        %dma_wait3A_290 = tpu.memref_squeeze %dma_wait3A_289 : memref<1x1x5x125xi32, #tpu.memory_space<hbm>> -> memref<5x125xi32, #tpu.memory_space<hbm>>
        %dma_wait3A_291 = arith.constant 0 : i32
        %dma_wait3A_292 = arith.constant 0 : i32
        %dma_wait3A_293 = tpu.memref_slice %arg4[%add3A, %add3A_278, %dma_wait3A_291, %dma_wait3A_292] : memref<32x16x5x125xi32, #tpu.memory_space<hbm>> -> memref<1x1x5x125xi32, #tpu.memory_space<hbm>>
        %dma_wait3A_294 = tpu.memref_squeeze %dma_wait3A_293 : memref<1x1x5x125xi32, #tpu.memory_space<hbm>> -> memref<5x125xi32, #tpu.memory_space<hbm>>
        tpu.wait_dma2 semaphore(%arg14 : memref<!tpu.dma_semaphore, #tpu.memory_space<semaphore_mem>>) src(%dma_wait3A_294 : memref<5x125xi32, #tpu.memory_space<hbm>>) dst(%arg8 : memref<5x125xi32, #tpu.memory_space<vmem>>)
      } else {
      }
      %mul3A_175 = arith.constant 5 : i32
      %mul3A_176 = arith.muli %add3A_167, %mul3A_175 : i32
      %add3A_177 = arith.constant 0 : i32
      %add3A_178 = arith.addi %mul3A_176, %add3A_177 : i32
      %add3A_179 = arith.constant 1 : i32
      %add3A_180 = arith.addi %add3A_178, %add3A_179 : i32
      %lt3A_181 = arith.constant 80 : i32
      %lt3A_182 = arith.cmpi slt, %add3A_180, %lt3A_181 : i32
      %convert_element_type3A_183 = arith.extui %lt3A_182 : i1 to i32
      %cond3A_184 = arith.constant 0 : i32
      %cond3A_185 = arith.cmpi ne, %convert_element_type3A_183, %cond3A_184 : i32
      scf.if %cond3A_185 {
        %dma_start3A_277 = arith.constant 1 : i32
        %dma_start3A_278 = arith.constant 0 : i32
        %dma_start3A_279 = tpu.memref_slice %arg7[%dma_start3A_277, %dma_start3A_278] : memref<5x125xi32, #tpu.memory_space<vmem>> -> memref<1x125xi32, #tpu.memory_space<vmem>>
        %dma_start3A_280 = tpu.memref_squeeze %dma_start3A_279 : memref<1x125xi32, #tpu.memory_space<vmem>> -> memref<125xi32, #tpu.memory_space<vmem>>
        %dma_start3A_281 = arith.constant 0 : i32
        %dma_start3A_282 = arith.constant 0 : i32
        %dma_start3A_283 = tpu.memref_slice %arg2[%dma_start3A_281, %dma_start3A_282] : memref<10240x128xf32, #tpu.memory_space<hbm>> -> memref<10240x128xf32, #tpu.memory_space<hbm>>
        tpu.enqueue_indirect_dma source(%dma_start3A_283 : memref<10240x128xf32, #tpu.memory_space<hbm>>) target(%arg10 : memref<125x128xf32, #tpu.memory_space<vmem>>) offsets(%dma_start3A_280 : memref<125xi32, #tpu.memory_space<vmem>>) semaphore(%arg12 : memref<!tpu.dma_semaphore, #tpu.memory_space<semaphore_mem>>)
      } else {
      }
      %dma_wait3A_186 = arith.constant 0 : i32
      %dma_wait3A_187 = arith.constant 0 : i32
      %dma_wait3A_188 = tpu.memref_slice %arg7[%dma_wait3A_186, %dma_wait3A_187] : memref<5x125xi32, #tpu.memory_space<vmem>> -> memref<1x125xi32, #tpu.memory_space<vmem>>
      %dma_wait3A_189 = tpu.memref_squeeze %dma_wait3A_188 : memref<1x125xi32, #tpu.memory_space<vmem>> -> memref<125xi32, #tpu.memory_space<vmem>>
      %dma_wait3A_190 = arith.constant 0 : i32
      %dma_wait3A_191 = arith.constant 0 : i32
      %dma_wait3A_192 = tpu.memref_slice %arg2[%dma_wait3A_190, %dma_wait3A_191] : memref<10240x128xf32, #tpu.memory_space<hbm>> -> memref<10240x128xf32, #tpu.memory_space<hbm>>
      tpu.wait_indirect_dma semaphore(%arg13 : memref<!tpu.dma_semaphore, #tpu.memory_space<semaphore_mem>>) src(%dma_wait3A_192 : memref<10240x128xf32, #tpu.memory_space<hbm>>) dst(%arg11 : memref<125x128xf32, #tpu.memory_space<vmem>>)
      %run_scoped3A_193 = arith.constant 0 : i32
      "tpu.region"() ({
        %run_scoped3A_277 = tpu.sem_alloc : memref<!tpu.dma_semaphore, #tpu.memory_space<semaphore_mem>>
        %dma_start3A_278 = arith.constant 0 : i32
        %dma_start3A_279 = tpu.memref_slice %arg9[%run_scoped3A_193, %dma_start3A_278] : memref<5x125xi32, #tpu.memory_space<vmem>> -> memref<1x125xi32, #tpu.memory_space<vmem>>
        %dma_start3A_280 = tpu.memref_squeeze %dma_start3A_279 : memref<1x125xi32, #tpu.memory_space<vmem>> -> memref<125xi32, #tpu.memory_space<vmem>>
        %dma_start3A_281 = arith.constant 0 : i32
        %dma_start3A_282 = arith.constant 0 : i32
        %dma_start3A_283 = tpu.memref_slice %arg16[%dma_start3A_281, %dma_start3A_282] : memref<10240x128xf32, #tpu.memory_space<vmem_shared>> -> memref<10240x128xf32, #tpu.memory_space<vmem_shared>>
        tpu.enqueue_indirect_dma source(%arg11 : memref<125x128xf32, #tpu.memory_space<vmem>>) target(%dma_start3A_283 : memref<10240x128xf32, #tpu.memory_space<vmem_shared>>) offsets(%dma_start3A_280 : memref<125xi32, #tpu.memory_space<vmem>>) semaphore(%run_scoped3A_277 : memref<!tpu.dma_semaphore, #tpu.memory_space<semaphore_mem>>) {add = true}
        %dma_wait3A_284 = arith.constant 0 : i32
        %dma_wait3A_285 = tpu.memref_slice %arg9[%run_scoped3A_193, %dma_wait3A_284] : memref<5x125xi32, #tpu.memory_space<vmem>> -> memref<1x125xi32, #tpu.memory_space<vmem>>
        %dma_wait3A_286 = tpu.memref_squeeze %dma_wait3A_285 : memref<1x125xi32, #tpu.memory_space<vmem>> -> memref<125xi32, #tpu.memory_space<vmem>>
        %dma_wait3A_287 = arith.constant 0 : i32
        %dma_wait3A_288 = arith.constant 0 : i32
        %dma_wait3A_289 = tpu.memref_slice %arg16[%dma_wait3A_287, %dma_wait3A_288] : memref<10240x128xf32, #tpu.memory_space<vmem_shared>> -> memref<10240x128xf32, #tpu.memory_space<vmem_shared>>
        tpu.wait_indirect_dma semaphore(%run_scoped3A_277 : memref<!tpu.dma_semaphore, #tpu.memory_space<semaphore_mem>>) src(%arg11 : memref<125x128xf32, #tpu.memory_space<vmem>>) dst(%dma_wait3A_289 : memref<10240x128xf32, #tpu.memory_space<vmem_shared>>)
        tpu.yield
      }) : () -> ()
      %mul3A_194 = arith.constant 5 : i32
      %mul3A_195 = arith.muli %add3A_167, %mul3A_194 : i32
      %add3A_196 = arith.constant 1 : i32
      %add3A_197 = arith.addi %mul3A_195, %add3A_196 : i32
      %add3A_198 = arith.constant 1 : i32
      %add3A_199 = arith.addi %add3A_197, %add3A_198 : i32
      %lt3A_200 = arith.constant 80 : i32
      %lt3A_201 = arith.cmpi slt, %add3A_199, %lt3A_200 : i32
      %convert_element_type3A_202 = arith.extui %lt3A_201 : i1 to i32
      %cond3A_203 = arith.constant 0 : i32
      %cond3A_204 = arith.cmpi ne, %convert_element_type3A_202, %cond3A_203 : i32
      scf.if %cond3A_204 {
        %dma_start3A_277 = arith.constant 2 : i32
        %dma_start3A_278 = arith.constant 0 : i32
        %dma_start3A_279 = tpu.memref_slice %arg7[%dma_start3A_277, %dma_start3A_278] : memref<5x125xi32, #tpu.memory_space<vmem>> -> memref<1x125xi32, #tpu.memory_space<vmem>>
        %dma_start3A_280 = tpu.memref_squeeze %dma_start3A_279 : memref<1x125xi32, #tpu.memory_space<vmem>> -> memref<125xi32, #tpu.memory_space<vmem>>
        %dma_start3A_281 = arith.constant 0 : i32
        %dma_start3A_282 = arith.constant 0 : i32
        %dma_start3A_283 = tpu.memref_slice %arg2[%dma_start3A_281, %dma_start3A_282] : memref<10240x128xf32, #tpu.memory_space<hbm>> -> memref<10240x128xf32, #tpu.memory_space<hbm>>
        tpu.enqueue_indirect_dma source(%dma_start3A_283 : memref<10240x128xf32, #tpu.memory_space<hbm>>) target(%arg11 : memref<125x128xf32, #tpu.memory_space<vmem>>) offsets(%dma_start3A_280 : memref<125xi32, #tpu.memory_space<vmem>>) semaphore(%arg13 : memref<!tpu.dma_semaphore, #tpu.memory_space<semaphore_mem>>)
      } else {
      }
      %dma_wait3A_205 = arith.constant 1 : i32
      %dma_wait3A_206 = arith.constant 0 : i32
      %dma_wait3A_207 = tpu.memref_slice %arg7[%dma_wait3A_205, %dma_wait3A_206] : memref<5x125xi32, #tpu.memory_space<vmem>> -> memref<1x125xi32, #tpu.memory_space<vmem>>
      %dma_wait3A_208 = tpu.memref_squeeze %dma_wait3A_207 : memref<1x125xi32, #tpu.memory_space<vmem>> -> memref<125xi32, #tpu.memory_space<vmem>>
      %dma_wait3A_209 = arith.constant 0 : i32
      %dma_wait3A_210 = arith.constant 0 : i32
      %dma_wait3A_211 = tpu.memref_slice %arg2[%dma_wait3A_209, %dma_wait3A_210] : memref<10240x128xf32, #tpu.memory_space<hbm>> -> memref<10240x128xf32, #tpu.memory_space<hbm>>
      tpu.wait_indirect_dma semaphore(%arg12 : memref<!tpu.dma_semaphore, #tpu.memory_space<semaphore_mem>>) src(%dma_wait3A_211 : memref<10240x128xf32, #tpu.memory_space<hbm>>) dst(%arg10 : memref<125x128xf32, #tpu.memory_space<vmem>>)
      %run_scoped3A_212 = arith.constant 1 : i32
      "tpu.region"() ({
        %run_scoped3A_277 = tpu.sem_alloc : memref<!tpu.dma_semaphore, #tpu.memory_space<semaphore_mem>>
        %dma_start3A_278 = arith.constant 0 : i32
        %dma_start3A_279 = tpu.memref_slice %arg9[%run_scoped3A_212, %dma_start3A_278] : memref<5x125xi32, #tpu.memory_space<vmem>> -> memref<1x125xi32, #tpu.memory_space<vmem>>
        %dma_start3A_280 = tpu.memref_squeeze %dma_start3A_279 : memref<1x125xi32, #tpu.memory_space<vmem>> -> memref<125xi32, #tpu.memory_space<vmem>>
        %dma_start3A_281 = arith.constant 0 : i32
        %dma_start3A_282 = arith.constant 0 : i32
        %dma_start3A_283 = tpu.memref_slice %arg16[%dma_start3A_281, %dma_start3A_282] : memref<10240x128xf32, #tpu.memory_space<vmem_shared>> -> memref<10240x128xf32, #tpu.memory_space<vmem_shared>>
        tpu.enqueue_indirect_dma source(%arg10 : memref<125x128xf32, #tpu.memory_space<vmem>>) target(%dma_start3A_283 : memref<10240x128xf32, #tpu.memory_space<vmem_shared>>) offsets(%dma_start3A_280 : memref<125xi32, #tpu.memory_space<vmem>>) semaphore(%run_scoped3A_277 : memref<!tpu.dma_semaphore, #tpu.memory_space<semaphore_mem>>) {add = true}
        %dma_wait3A_284 = arith.constant 0 : i32
        %dma_wait3A_285 = tpu.memref_slice %arg9[%run_scoped3A_212, %dma_wait3A_284] : memref<5x125xi32, #tpu.memory_space<vmem>> -> memref<1x125xi32, #tpu.memory_space<vmem>>
        %dma_wait3A_286 = tpu.memref_squeeze %dma_wait3A_285 : memref<1x125xi32, #tpu.memory_space<vmem>> -> memref<125xi32, #tpu.memory_space<vmem>>
        %dma_wait3A_287 = arith.constant 0 : i32
        %dma_wait3A_288 = arith.constant 0 : i32
        %dma_wait3A_289 = tpu.memref_slice %arg16[%dma_wait3A_287, %dma_wait3A_288] : memref<10240x128xf32, #tpu.memory_space<vmem_shared>> -> memref<10240x128xf32, #tpu.memory_space<vmem_shared>>
        tpu.wait_indirect_dma semaphore(%run_scoped3A_277 : memref<!tpu.dma_semaphore, #tpu.memory_space<semaphore_mem>>) src(%arg10 : memref<125x128xf32, #tpu.memory_space<vmem>>) dst(%dma_wait3A_289 : memref<10240x128xf32, #tpu.memory_space<vmem_shared>>)
        tpu.yield
      }) : () -> ()
      %mul3A_213 = arith.constant 5 : i32
      %mul3A_214 = arith.muli %add3A_167, %mul3A_213 : i32
      %add3A_215 = arith.constant 2 : i32
      %add3A_216 = arith.addi %mul3A_214, %add3A_215 : i32
      %add3A_217 = arith.constant 1 : i32
      %add3A_218 = arith.addi %add3A_216, %add3A_217 : i32
      %lt3A_219 = arith.constant 80 : i32
      %lt3A_220 = arith.cmpi slt, %add3A_218, %lt3A_219 : i32
      %convert_element_type3A_221 = arith.extui %lt3A_220 : i1 to i32
      %cond3A_222 = arith.constant 0 : i32
      %cond3A_223 = arith.cmpi ne, %convert_element_type3A_221, %cond3A_222 : i32
      scf.if %cond3A_223 {
        %dma_start3A_277 = arith.constant 3 : i32
        %dma_start3A_278 = arith.constant 0 : i32
        %dma_start3A_279 = tpu.memref_slice %arg7[%dma_start3A_277, %dma_start3A_278] : memref<5x125xi32, #tpu.memory_space<vmem>> -> memref<1x125xi32, #tpu.memory_space<vmem>>
        %dma_start3A_280 = tpu.memref_squeeze %dma_start3A_279 : memref<1x125xi32, #tpu.memory_space<vmem>> -> memref<125xi32, #tpu.memory_space<vmem>>
        %dma_start3A_281 = arith.constant 0 : i32
        %dma_start3A_282 = arith.constant 0 : i32
        %dma_start3A_283 = tpu.memref_slice %arg2[%dma_start3A_281, %dma_start3A_282] : memref<10240x128xf32, #tpu.memory_space<hbm>> -> memref<10240x128xf32, #tpu.memory_space<hbm>>
        tpu.enqueue_indirect_dma source(%dma_start3A_283 : memref<10240x128xf32, #tpu.memory_space<hbm>>) target(%arg10 : memref<125x128xf32, #tpu.memory_space<vmem>>) offsets(%dma_start3A_280 : memref<125xi32, #tpu.memory_space<vmem>>) semaphore(%arg12 : memref<!tpu.dma_semaphore, #tpu.memory_space<semaphore_mem>>)
      } else {
      }
      %dma_wait3A_224 = arith.constant 2 : i32
      %dma_wait3A_225 = arith.constant 0 : i32
      %dma_wait3A_226 = tpu.memref_slice %arg7[%dma_wait3A_224, %dma_wait3A_225] : memref<5x125xi32, #tpu.memory_space<vmem>> -> memref<1x125xi32, #tpu.memory_space<vmem>>
      %dma_wait3A_227 = tpu.memref_squeeze %dma_wait3A_226 : memref<1x125xi32, #tpu.memory_space<vmem>> -> memref<125xi32, #tpu.memory_space<vmem>>
      %dma_wait3A_228 = arith.constant 0 : i32
      %dma_wait3A_229 = arith.constant 0 : i32
      %dma_wait3A_230 = tpu.memref_slice %arg2[%dma_wait3A_228, %dma_wait3A_229] : memref<10240x128xf32, #tpu.memory_space<hbm>> -> memref<10240x128xf32, #tpu.memory_space<hbm>>
      tpu.wait_indirect_dma semaphore(%arg13 : memref<!tpu.dma_semaphore, #tpu.memory_space<semaphore_mem>>) src(%dma_wait3A_230 : memref<10240x128xf32, #tpu.memory_space<hbm>>) dst(%arg11 : memref<125x128xf32, #tpu.memory_space<vmem>>)
      %run_scoped3A_231 = arith.constant 2 : i32
      "tpu.region"() ({
        %run_scoped3A_277 = tpu.sem_alloc : memref<!tpu.dma_semaphore, #tpu.memory_space<semaphore_mem>>
        %dma_start3A_278 = arith.constant 0 : i32
        %dma_start3A_279 = tpu.memref_slice %arg9[%run_scoped3A_231, %dma_start3A_278] : memref<5x125xi32, #tpu.memory_space<vmem>> -> memref<1x125xi32, #tpu.memory_space<vmem>>
        %dma_start3A_280 = tpu.memref_squeeze %dma_start3A_279 : memref<1x125xi32, #tpu.memory_space<vmem>> -> memref<125xi32, #tpu.memory_space<vmem>>
        %dma_start3A_281 = arith.constant 0 : i32
        %dma_start3A_282 = arith.constant 0 : i32
        %dma_start3A_283 = tpu.memref_slice %arg16[%dma_start3A_281, %dma_start3A_282] : memref<10240x128xf32, #tpu.memory_space<vmem_shared>> -> memref<10240x128xf32, #tpu.memory_space<vmem_shared>>
        tpu.enqueue_indirect_dma source(%arg11 : memref<125x128xf32, #tpu.memory_space<vmem>>) target(%dma_start3A_283 : memref<10240x128xf32, #tpu.memory_space<vmem_shared>>) offsets(%dma_start3A_280 : memref<125xi32, #tpu.memory_space<vmem>>) semaphore(%run_scoped3A_277 : memref<!tpu.dma_semaphore, #tpu.memory_space<semaphore_mem>>) {add = true}
        %dma_wait3A_284 = arith.constant 0 : i32
        %dma_wait3A_285 = tpu.memref_slice %arg9[%run_scoped3A_231, %dma_wait3A_284] : memref<5x125xi32, #tpu.memory_space<vmem>> -> memref<1x125xi32, #tpu.memory_space<vmem>>
        %dma_wait3A_286 = tpu.memref_squeeze %dma_wait3A_285 : memref<1x125xi32, #tpu.memory_space<vmem>> -> memref<125xi32, #tpu.memory_space<vmem>>
        %dma_wait3A_287 = arith.constant 0 : i32
        %dma_wait3A_288 = arith.constant 0 : i32
        %dma_wait3A_289 = tpu.memref_slice %arg16[%dma_wait3A_287, %dma_wait3A_288] : memref<10240x128xf32, #tpu.memory_space<vmem_shared>> -> memref<10240x128xf32, #tpu.memory_space<vmem_shared>>
        tpu.wait_indirect_dma semaphore(%run_scoped3A_277 : memref<!tpu.dma_semaphore, #tpu.memory_space<semaphore_mem>>) src(%arg11 : memref<125x128xf32, #tpu.memory_space<vmem>>) dst(%dma_wait3A_289 : memref<10240x128xf32, #tpu.memory_space<vmem_shared>>)
        tpu.yield
      }) : () -> ()
      %mul3A_232 = arith.constant 5 : i32
      %mul3A_233 = arith.muli %add3A_167, %mul3A_232 : i32
      %add3A_234 = arith.constant 3 : i32
      %add3A_235 = arith.addi %mul3A_233, %add3A_234 : i32
      %add3A_236 = arith.constant 1 : i32
      %add3A_237 = arith.addi %add3A_235, %add3A_236 : i32
      %lt3A_238 = arith.constant 80 : i32
      %lt3A_239 = arith.cmpi slt, %add3A_237, %lt3A_238 : i32
      %convert_element_type3A_240 = arith.extui %lt3A_239 : i1 to i32
      %cond3A_241 = arith.constant 0 : i32
      %cond3A_242 = arith.cmpi ne, %convert_element_type3A_240, %cond3A_241 : i32
      scf.if %cond3A_242 {
        %dma_start3A_277 = arith.constant 4 : i32
        %dma_start3A_278 = arith.constant 0 : i32
        %dma_start3A_279 = tpu.memref_slice %arg7[%dma_start3A_277, %dma_start3A_278] : memref<5x125xi32, #tpu.memory_space<vmem>> -> memref<1x125xi32, #tpu.memory_space<vmem>>
        %dma_start3A_280 = tpu.memref_squeeze %dma_start3A_279 : memref<1x125xi32, #tpu.memory_space<vmem>> -> memref<125xi32, #tpu.memory_space<vmem>>
        %dma_start3A_281 = arith.constant 0 : i32
        %dma_start3A_282 = arith.constant 0 : i32
        %dma_start3A_283 = tpu.memref_slice %arg2[%dma_start3A_281, %dma_start3A_282] : memref<10240x128xf32, #tpu.memory_space<hbm>> -> memref<10240x128xf32, #tpu.memory_space<hbm>>
        tpu.enqueue_indirect_dma source(%dma_start3A_283 : memref<10240x128xf32, #tpu.memory_space<hbm>>) target(%arg11 : memref<125x128xf32, #tpu.memory_space<vmem>>) offsets(%dma_start3A_280 : memref<125xi32, #tpu.memory_space<vmem>>) semaphore(%arg13 : memref<!tpu.dma_semaphore, #tpu.memory_space<semaphore_mem>>)
      } else {
      }
      %dma_wait3A_243 = arith.constant 3 : i32
      %dma_wait3A_244 = arith.constant 0 : i32
      %dma_wait3A_245 = tpu.memref_slice %arg7[%dma_wait3A_243, %dma_wait3A_244] : memref<5x125xi32, #tpu.memory_space<vmem>> -> memref<1x125xi32, #tpu.memory_space<vmem>>
      %dma_wait3A_246 = tpu.memref_squeeze %dma_wait3A_245 : memref<1x125xi32, #tpu.memory_space<vmem>> -> memref<125xi32, #tpu.memory_space<vmem>>
      %dma_wait3A_247 = arith.constant 0 : i32
      %dma_wait3A_248 = arith.constant 0 : i32
      %dma_wait3A_249 = tpu.memref_slice %arg2[%dma_wait3A_247, %dma_wait3A_248] : memref<10240x128xf32, #tpu.memory_space<hbm>> -> memref<10240x128xf32, #tpu.memory_space<hbm>>
      tpu.wait_indirect_dma semaphore(%arg12 : memref<!tpu.dma_semaphore, #tpu.memory_space<semaphore_mem>>) src(%dma_wait3A_249 : memref<10240x128xf32, #tpu.memory_space<hbm>>) dst(%arg10 : memref<125x128xf32, #tpu.memory_space<vmem>>)
      %run_scoped3A_250 = arith.constant 3 : i32
      "tpu.region"() ({
        %run_scoped3A_277 = tpu.sem_alloc : memref<!tpu.dma_semaphore, #tpu.memory_space<semaphore_mem>>
        %dma_start3A_278 = arith.constant 0 : i32
        %dma_start3A_279 = tpu.memref_slice %arg9[%run_scoped3A_250, %dma_start3A_278] : memref<5x125xi32, #tpu.memory_space<vmem>> -> memref<1x125xi32, #tpu.memory_space<vmem>>
        %dma_start3A_280 = tpu.memref_squeeze %dma_start3A_279 : memref<1x125xi32, #tpu.memory_space<vmem>> -> memref<125xi32, #tpu.memory_space<vmem>>
        %dma_start3A_281 = arith.constant 0 : i32
        %dma_start3A_282 = arith.constant 0 : i32
        %dma_start3A_283 = tpu.memref_slice %arg16[%dma_start3A_281, %dma_start3A_282] : memref<10240x128xf32, #tpu.memory_space<vmem_shared>> -> memref<10240x128xf32, #tpu.memory_space<vmem_shared>>
        tpu.enqueue_indirect_dma source(%arg10 : memref<125x128xf32, #tpu.memory_space<vmem>>) target(%dma_start3A_283 : memref<10240x128xf32, #tpu.memory_space<vmem_shared>>) offsets(%dma_start3A_280 : memref<125xi32, #tpu.memory_space<vmem>>) semaphore(%run_scoped3A_277 : memref<!tpu.dma_semaphore, #tpu.memory_space<semaphore_mem>>) {add = true}
        %dma_wait3A_284 = arith.constant 0 : i32
        %dma_wait3A_285 = tpu.memref_slice %arg9[%run_scoped3A_250, %dma_wait3A_284] : memref<5x125xi32, #tpu.memory_space<vmem>> -> memref<1x125xi32, #tpu.memory_space<vmem>>
        %dma_wait3A_286 = tpu.memref_squeeze %dma_wait3A_285 : memref<1x125xi32, #tpu.memory_space<vmem>> -> memref<125xi32, #tpu.memory_space<vmem>>
        %dma_wait3A_287 = arith.constant 0 : i32
        %dma_wait3A_288 = arith.constant 0 : i32
        %dma_wait3A_289 = tpu.memref_slice %arg16[%dma_wait3A_287, %dma_wait3A_288] : memref<10240x128xf32, #tpu.memory_space<vmem_shared>> -> memref<10240x128xf32, #tpu.memory_space<vmem_shared>>
        tpu.wait_indirect_dma semaphore(%run_scoped3A_277 : memref<!tpu.dma_semaphore, #tpu.memory_space<semaphore_mem>>) src(%arg10 : memref<125x128xf32, #tpu.memory_space<vmem>>) dst(%dma_wait3A_289 : memref<10240x128xf32, #tpu.memory_space<vmem_shared>>)
        tpu.yield
      }) : () -> ()
      %mul3A_251 = arith.constant 5 : i32
      %mul3A_252 = arith.muli %add3A_167, %mul3A_251 : i32
      %add3A_253 = arith.constant 4 : i32
      %add3A_254 = arith.addi %mul3A_252, %add3A_253 : i32
      %add3A_255 = arith.constant 1 : i32
      %add3A_256 = arith.addi %add3A_254, %add3A_255 : i32
      %lt3A_257 = arith.constant 80 : i32
      %lt3A_258 = arith.cmpi slt, %add3A_256, %lt3A_257 : i32
      %convert_element_type3A_259 = arith.extui %lt3A_258 : i1 to i32
      %cond3A_260 = arith.constant 0 : i32
      %cond3A_261 = arith.cmpi ne, %convert_element_type3A_259, %cond3A_260 : i32
      scf.if %cond3A_261 {
        %dma_start3A_277 = arith.constant 0 : i32
        %dma_start3A_278 = arith.constant 0 : i32
        %dma_start3A_279 = tpu.memref_slice %arg6[%dma_start3A_277, %dma_start3A_278] : memref<5x125xi32, #tpu.memory_space<vmem>> -> memref<1x125xi32, #tpu.memory_space<vmem>>
        %dma_start3A_280 = tpu.memref_squeeze %dma_start3A_279 : memref<1x125xi32, #tpu.memory_space<vmem>> -> memref<125xi32, #tpu.memory_space<vmem>>
        %dma_start3A_281 = arith.constant 0 : i32
        %dma_start3A_282 = arith.constant 0 : i32
        %dma_start3A_283 = tpu.memref_slice %arg2[%dma_start3A_281, %dma_start3A_282] : memref<10240x128xf32, #tpu.memory_space<hbm>> -> memref<10240x128xf32, #tpu.memory_space<hbm>>
        tpu.enqueue_indirect_dma source(%dma_start3A_283 : memref<10240x128xf32, #tpu.memory_space<hbm>>) target(%arg10 : memref<125x128xf32, #tpu.memory_space<vmem>>) offsets(%dma_start3A_280 : memref<125xi32, #tpu.memory_space<vmem>>) semaphore(%arg12 : memref<!tpu.dma_semaphore, #tpu.memory_space<semaphore_mem>>)
      } else {
      }
      %dma_wait3A_262 = arith.constant 4 : i32
      %dma_wait3A_263 = arith.constant 0 : i32
      %dma_wait3A_264 = tpu.memref_slice %arg7[%dma_wait3A_262, %dma_wait3A_263] : memref<5x125xi32, #tpu.memory_space<vmem>> -> memref<1x125xi32, #tpu.memory_space<vmem>>
      %dma_wait3A_265 = tpu.memref_squeeze %dma_wait3A_264 : memref<1x125xi32, #tpu.memory_space<vmem>> -> memref<125xi32, #tpu.memory_space<vmem>>
      %dma_wait3A_266 = arith.constant 0 : i32
      %dma_wait3A_267 = arith.constant 0 : i32
      %dma_wait3A_268 = tpu.memref_slice %arg2[%dma_wait3A_266, %dma_wait3A_267] : memref<10240x128xf32, #tpu.memory_space<hbm>> -> memref<10240x128xf32, #tpu.memory_space<hbm>>
      tpu.wait_indirect_dma semaphore(%arg13 : memref<!tpu.dma_semaphore, #tpu.memory_space<semaphore_mem>>) src(%dma_wait3A_268 : memref<10240x128xf32, #tpu.memory_space<hbm>>) dst(%arg11 : memref<125x128xf32, #tpu.memory_space<vmem>>)
      %run_scoped3A_269 = arith.constant 4 : i32
      "tpu.region"() ({
        %run_scoped3A_277 = tpu.sem_alloc : memref<!tpu.dma_semaphore, #tpu.memory_space<semaphore_mem>>
        %dma_start3A_278 = arith.constant 0 : i32
        %dma_start3A_279 = tpu.memref_slice %arg9[%run_scoped3A_269, %dma_start3A_278] : memref<5x125xi32, #tpu.memory_space<vmem>> -> memref<1x125xi32, #tpu.memory_space<vmem>>
        %dma_start3A_280 = tpu.memref_squeeze %dma_start3A_279 : memref<1x125xi32, #tpu.memory_space<vmem>> -> memref<125xi32, #tpu.memory_space<vmem>>
        %dma_start3A_281 = arith.constant 0 : i32
        %dma_start3A_282 = arith.constant 0 : i32
        %dma_start3A_283 = tpu.memref_slice %arg16[%dma_start3A_281, %dma_start3A_282] : memref<10240x128xf32, #tpu.memory_space<vmem_shared>> -> memref<10240x128xf32, #tpu.memory_space<vmem_shared>>
        tpu.enqueue_indirect_dma source(%arg11 : memref<125x128xf32, #tpu.memory_space<vmem>>) target(%dma_start3A_283 : memref<10240x128xf32, #tpu.memory_space<vmem_shared>>) offsets(%dma_start3A_280 : memref<125xi32, #tpu.memory_space<vmem>>) semaphore(%run_scoped3A_277 : memref<!tpu.dma_semaphore, #tpu.memory_space<semaphore_mem>>) {add = true}
        %dma_wait3A_284 = arith.constant 0 : i32
        %dma_wait3A_285 = tpu.memref_slice %arg9[%run_scoped3A_269, %dma_wait3A_284] : memref<5x125xi32, #tpu.memory_space<vmem>> -> memref<1x125xi32, #tpu.memory_space<vmem>>
        %dma_wait3A_286 = tpu.memref_squeeze %dma_wait3A_285 : memref<1x125xi32, #tpu.memory_space<vmem>> -> memref<125xi32, #tpu.memory_space<vmem>>
        %dma_wait3A_287 = arith.constant 0 : i32
        %dma_wait3A_288 = arith.constant 0 : i32
        %dma_wait3A_289 = tpu.memref_slice %arg16[%dma_wait3A_287, %dma_wait3A_288] : memref<10240x128xf32, #tpu.memory_space<vmem_shared>> -> memref<10240x128xf32, #tpu.memory_space<vmem_shared>>
        tpu.wait_indirect_dma semaphore(%run_scoped3A_277 : memref<!tpu.dma_semaphore, #tpu.memory_space<semaphore_mem>>) src(%arg11 : memref<125x128xf32, #tpu.memory_space<vmem>>) dst(%dma_wait3A_289 : memref<10240x128xf32, #tpu.memory_space<vmem_shared>>)
        tpu.yield
      }) : () -> ()
      %add3A_270 = arith.constant 2 : i32
      %add3A_271 = arith.addi %add3A_167, %add3A_270 : i32
      %lt3A_272 = arith.constant 16 : i32
      %lt3A_273 = arith.cmpi slt, %add3A_271, %lt3A_272 : i32
      %convert_element_type3A_274 = arith.extui %lt3A_273 : i1 to i32
      %cond3A_275 = arith.constant 0 : i32
      %cond3A_276 = arith.cmpi ne, %convert_element_type3A_274, %cond3A_275 : i32
      scf.if %cond3A_276 {
        %add3A_277 = arith.constant 2 : i32
        %add3A_278 = arith.addi %add3A_167, %add3A_277 : i32
        %dma_start3A_279 = arith.constant 0 : i32
        %dma_start3A_280 = arith.constant 0 : i32
        %dma_start3A_281 = tpu.memref_slice %arg3[%add3A, %add3A_278, %dma_start3A_279, %dma_start3A_280] : memref<32x16x5x125xi32, #tpu.memory_space<hbm>> -> memref<1x1x5x125xi32, #tpu.memory_space<hbm>>
        %dma_start3A_282 = tpu.memref_squeeze %dma_start3A_281 : memref<1x1x5x125xi32, #tpu.memory_space<hbm>> -> memref<5x125xi32, #tpu.memory_space<hbm>>
        %dma_start3A_283 = arith.constant 0 : i32
        %dma_start3A_284 = arith.constant 0 : i32
        %dma_start3A_285 = tpu.memref_slice %arg3[%add3A, %add3A_278, %dma_start3A_283, %dma_start3A_284] : memref<32x16x5x125xi32, #tpu.memory_space<hbm>> -> memref<1x1x5x125xi32, #tpu.memory_space<hbm>>
        %dma_start3A_286 = tpu.memref_squeeze %dma_start3A_285 : memref<1x1x5x125xi32, #tpu.memory_space<hbm>> -> memref<5x125xi32, #tpu.memory_space<hbm>>
        tpu.enqueue_dma source(%dma_start3A_286 : memref<5x125xi32, #tpu.memory_space<hbm>>) target(%arg7 : memref<5x125xi32, #tpu.memory_space<vmem>>) target_semaphore(%arg15 : memref<!tpu.dma_semaphore, #tpu.memory_space<semaphore_mem>>)
        %dma_start3A_287 = arith.constant 0 : i32
        %dma_start3A_288 = arith.constant 0 : i32
        %dma_start3A_289 = tpu.memref_slice %arg4[%add3A, %add3A_278, %dma_start3A_287, %dma_start3A_288] : memref<32x16x5x125xi32, #tpu.memory_space<hbm>> -> memref<1x1x5x125xi32, #tpu.memory_space<hbm>>
        %dma_start3A_290 = tpu.memref_squeeze %dma_start3A_289 : memref<1x1x5x125xi32, #tpu.memory_space<hbm>> -> memref<5x125xi32, #tpu.memory_space<hbm>>
        %dma_start3A_291 = arith.constant 0 : i32
        %dma_start3A_292 = arith.constant 0 : i32
        %dma_start3A_293 = tpu.memref_slice %arg4[%add3A, %add3A_278, %dma_start3A_291, %dma_start3A_292] : memref<32x16x5x125xi32, #tpu.memory_space<hbm>> -> memref<1x1x5x125xi32, #tpu.memory_space<hbm>>
        %dma_start3A_294 = tpu.memref_squeeze %dma_start3A_293 : memref<1x1x5x125xi32, #tpu.memory_space<hbm>> -> memref<5x125xi32, #tpu.memory_space<hbm>>
        tpu.enqueue_dma source(%dma_start3A_294 : memref<5x125xi32, #tpu.memory_space<hbm>>) target(%arg9 : memref<5x125xi32, #tpu.memory_space<vmem>>) target_semaphore(%arg15 : memref<!tpu.dma_semaphore, #tpu.memory_space<semaphore_mem>>)
      } else {
      }
    }
    %scan3A_52 = arith.constant 8 : i32
    %barrier3A_53 = arith.constant 0 : index
    tpu.barrier barrier_id(%barrier3A_53)
    "tpu.region"() ({
      %run_scoped3A_54 = tpu.sem_alloc : memref<!tpu.dma_semaphore, #tpu.memory_space<semaphore_mem>>
      %dma_start3A_55 = arith.constant 0 : i32
      %dma_start3A_56 = tpu.memref_slice %arg5[%arg0, %mul3A_8, %dma_start3A_55] : memref<2x10240x128xf32, #tpu.memory_space<hbm>> -> memref<1x640x128xf32, #tpu.memory_space<hbm>>
      %dma_start3A_57 = tpu.memref_squeeze %dma_start3A_56 : memref<1x640x128xf32, #tpu.memory_space<hbm>> -> memref<640x128xf32, #tpu.memory_space<hbm>>
      %dma_start3A_58 = arith.constant 0 : i32
      %dma_start3A_59 = tpu.memref_slice %arg16[%mul3A_8, %dma_start3A_58] : memref<10240x128xf32, #tpu.memory_space<vmem_shared>> -> memref<640x128xf32, #tpu.memory_space<vmem_shared>>
      tpu.enqueue_dma source(%dma_start3A_59 : memref<640x128xf32, #tpu.memory_space<vmem_shared>>) target(%dma_start3A_57 : memref<640x128xf32, #tpu.memory_space<hbm>>) target_semaphore(%run_scoped3A_54 : memref<!tpu.dma_semaphore, #tpu.memory_space<semaphore_mem>>)
      %dma_wait3A = arith.constant 0 : i32
      %dma_wait3A_60 = tpu.memref_slice %arg5[%arg0, %mul3A_8, %dma_wait3A] : memref<2x10240x128xf32, #tpu.memory_space<hbm>> -> memref<1x640x128xf32, #tpu.memory_space<hbm>>
      %dma_wait3A_61 = tpu.memref_squeeze %dma_wait3A_60 : memref<1x640x128xf32, #tpu.memory_space<hbm>> -> memref<640x128xf32, #tpu.memory_space<hbm>>
      %dma_wait3A_62 = arith.constant 0 : i32
      %dma_wait3A_63 = tpu.memref_slice %arg16[%mul3A_8, %dma_wait3A_62] : memref<10240x128xf32, #tpu.memory_space<vmem_shared>> -> memref<640x128xf32, #tpu.memory_space<vmem_shared>>
      tpu.wait_dma2 semaphore(%run_scoped3A_54 : memref<!tpu.dma_semaphore, #tpu.memory_space<semaphore_mem>>) src(%dma_wait3A_63 : memref<640x128xf32, #tpu.memory_space<vmem_shared>>) dst(%dma_wait3A_61 : memref<640x128xf32, #tpu.memory_space<hbm>>)
      tpu.yield
    }) : () -> ()
    return
  }
}

#map = affine_map<(d0, d1) -> (0, 0)>
#map1 = affine_map<(d0, d1) -> (0, 0, 0, 0)>
#map2 = affine_map<(d0, d1) -> (0, 0, 0)>
module attributes {stable_mosaic.version = 14 : i64} {
  func.func @body(%arg0: i32, %arg1: i32, %arg2: memref<10240x128xf32, #tpu.memory_space<hbm>>, %arg3: memref<32x16x5x125xi32, #tpu.memory_space<hbm>>, %arg4: memref<32x16x5x125xi32, #tpu.memory_space<hbm>>, %arg5: memref<2x10240x128xf32, #tpu.memory_space<hbm>>, %arg6: memref<5x125xi32, #tpu.memory_space<vmem>>, %arg7: memref<5x125xi32, #tpu.memory_space<vmem>>, %arg8: memref<5x125xi32, #tpu.memory_space<vmem>>, %arg9: memref<5x125xi32, #tpu.memory_space<vmem>>, %arg10: memref<125x128xf32, #tpu.memory_space<vmem>>, %arg11: memref<125x128xf32, #tpu.memory_space<vmem>>, %arg12: memref<!tpu.dma_semaphore, #tpu.memory_space<semaphore_mem>>, %arg13: memref<!tpu.dma_semaphore, #tpu.memory_space<semaphore_mem>>, %arg14: memref<!tpu.dma_semaphore, #tpu.memory_space<semaphore_mem>>, %arg15: memref<!tpu.dma_semaphore, #tpu.memory_space<semaphore_mem>>, %arg16: memref<10240x128xf32, #tpu.memory_space<vmem_shared>>) attributes {dimension_semantics = [#tpu.dimension_semantics<core_parallel>, #tpu.dimension_semantics<subcore_parallel>], iteration_bounds = array<i64: 2, 16>, scalar_prefetch = 0 : i64, scratch_operands = 11 : i64, tpu.core_type = #tpu.core_type<sc_vector_subcore>, window_params = [{transform_indices = #map}, {transform_indices = #map1}, {transform_indices = #map1}, {transform_indices = #map2}]} {
    %mul3A = arith.constant 2 : i32
    %mul3A_0 = arith.muli %arg1, %mul3A : i32
    %add3A = arith.addi %mul3A_0, %arg0 : i32
    %broadcast_in_dim3A = arith.constant 0.000000e+00 : f32
    %broadcast_in_dim3A_1 = vector.broadcast %broadcast_in_dim3A : f32 to vector<16xf32>
    %scan3A = arith.constant 0 : i32
    %scan3A_2 = arith.constant 0 : i32
    %scan3A_3 = arith.constant 125 : i32
    %scan3A_4 = arith.addi %scan3A_2, %scan3A_3 : i32
    %scan3A_5 = arith.constant 1 : i32
    scf.for %scan3A_54 = %scan3A_2 to %scan3A_4 step %scan3A_5  : i32 {
      %swap3A = arith.index_cast %scan3A_54 : i32 to index
      %swap3A_55 = arith.constant 0 : index
      %swap3A_56 = tpu.vector_load %arg10[%swap3A, %swap3A_55] {strides = array<i32>} : memref<125x128xf32, #tpu.memory_space<vmem>>, vector<1x16xf32>,
      %swap3A_57 = vector.shape_cast %swap3A_56 : vector<1x16xf32> to vector<16xf32>
      %swap3A_58 = vector.shape_cast %broadcast_in_dim3A_1 : vector<16xf32> to vector<1x16xf32>
      tpu.vector_store %arg10[%swap3A, %swap3A_55], %swap3A_58 {strides = array<i32>} : memref<125x128xf32, #tpu.memory_space<vmem>>, vector<1x16xf32>,
      %swap3A_59 = arith.index_cast %scan3A_54 : i32 to index
      %swap3A_60 = arith.constant 16 : index
      %swap3A_61 = tpu.vector_load %arg10[%swap3A_59, %swap3A_60] {strides = array<i32>} : memref<125x128xf32, #tpu.memory_space<vmem>>, vector<1x16xf32>,
      %swap3A_62 = vector.shape_cast %swap3A_61 : vector<1x16xf32> to vector<16xf32>
      %swap3A_63 = vector.shape_cast %broadcast_in_dim3A_1 : vector<16xf32> to vector<1x16xf32>
      tpu.vector_store %arg10[%swap3A_59, %swap3A_60], %swap3A_63 {strides = array<i32>} : memref<125x128xf32, #tpu.memory_space<vmem>>, vector<1x16xf32>,
      %swap3A_64 = arith.index_cast %scan3A_54 : i32 to index
      %swap3A_65 = arith.constant 32 : index
      %swap3A_66 = tpu.vector_load %arg10[%swap3A_64, %swap3A_65] {strides = array<i32>} : memref<125x128xf32, #tpu.memory_space<vmem>>, vector<1x16xf32>,
      %swap3A_67 = vector.shape_cast %swap3A_66 : vector<1x16xf32> to vector<16xf32>
      %swap3A_68 = vector.shape_cast %broadcast_in_dim3A_1 : vector<16xf32> to vector<1x16xf32>
      tpu.vector_store %arg10[%swap3A_64, %swap3A_65], %swap3A_68 {strides = array<i32>} : memref<125x128xf32, #tpu.memory_space<vmem>>, vector<1x16xf32>,
      %swap3A_69 = arith.index_cast %scan3A_54 : i32 to index
      %swap3A_70 = arith.constant 48 : index
      %swap3A_71 = tpu.vector_load %arg10[%swap3A_69, %swap3A_70] {strides = array<i32>} : memref<125x128xf32, #tpu.memory_space<vmem>>, vector<1x16xf32>,
      %swap3A_72 = vector.shape_cast %swap3A_71 : vector<1x16xf32> to vector<16xf32>
      %swap3A_73 = vector.shape_cast %broadcast_in_dim3A_1 : vector<16xf32> to vector<1x16xf32>
      tpu.vector_store %arg10[%swap3A_69, %swap3A_70], %swap3A_73 {strides = array<i32>} : memref<125x128xf32, #tpu.memory_space<vmem>>, vector<1x16xf32>,
      %swap3A_74 = arith.index_cast %scan3A_54 : i32 to index
      %swap3A_75 = arith.constant 64 : index
      %swap3A_76 = tpu.vector_load %arg10[%swap3A_74, %swap3A_75] {strides = array<i32>} : memref<125x128xf32, #tpu.memory_space<vmem>>, vector<1x16xf32>,
      %swap3A_77 = vector.shape_cast %swap3A_76 : vector<1x16xf32> to vector<16xf32>
      %swap3A_78 = vector.shape_cast %broadcast_in_dim3A_1 : vector<16xf32> to vector<1x16xf32>
      tpu.vector_store %arg10[%swap3A_74, %swap3A_75], %swap3A_78 {strides = array<i32>} : memref<125x128xf32, #tpu.memory_space<vmem>>, vector<1x16xf32>,
      %swap3A_79 = arith.index_cast %scan3A_54 : i32 to index
      %swap3A_80 = arith.constant 80 : index
      %swap3A_81 = tpu.vector_load %arg10[%swap3A_79, %swap3A_80] {strides = array<i32>} : memref<125x128xf32, #tpu.memory_space<vmem>>, vector<1x16xf32>,
      %swap3A_82 = vector.shape_cast %swap3A_81 : vector<1x16xf32> to vector<16xf32>
      %swap3A_83 = vector.shape_cast %broadcast_in_dim3A_1 : vector<16xf32> to vector<1x16xf32>
      tpu.vector_store %arg10[%swap3A_79, %swap3A_80], %swap3A_83 {strides = array<i32>} : memref<125x128xf32, #tpu.memory_space<vmem>>, vector<1x16xf32>,
      %swap3A_84 = arith.index_cast %scan3A_54 : i32 to index
      %swap3A_85 = arith.constant 96 : index
      %swap3A_86 = tpu.vector_load %arg10[%swap3A_84, %swap3A_85] {strides = array<i32>} : memref<125x128xf32, #tpu.memory_space<vmem>>, vector<1x16xf32>,
      %swap3A_87 = vector.shape_cast %swap3A_86 : vector<1x16xf32> to vector<16xf32>
      %swap3A_88 = vector.shape_cast %broadcast_in_dim3A_1 : vector<16xf32> to vector<1x16xf32>
      tpu.vector_store %arg10[%swap3A_84, %swap3A_85], %swap3A_88 {strides = array<i32>} : memref<125x128xf32, #tpu.memory_space<vmem>>, vector<1x16xf32>,
      %swap3A_89 = arith.index_cast %scan3A_54 : i32 to index
      %swap3A_90 = arith.constant 112 : index
      %swap3A_91 = tpu.vector_load %arg10[%swap3A_89, %swap3A_90] {strides = array<i32>} : memref<125x128xf32, #tpu.memory_space<vmem>>, vector<1x16xf32>,
      %swap3A_92 = vector.shape_cast %swap3A_91 : vector<1x16xf32> to vector<16xf32>
      %swap3A_93 = vector.shape_cast %broadcast_in_dim3A_1 : vector<16xf32> to vector<1x16xf32>
      tpu.vector_store %arg10[%swap3A_89, %swap3A_90], %swap3A_93 {strides = array<i32>} : memref<125x128xf32, #tpu.memory_space<vmem>>, vector<1x16xf32>,
    }
    %scan3A_6 = arith.constant 125 : i32
    %mul3A_7 = arith.constant 640 : i32
    %mul3A_8 = arith.muli %arg1, %mul3A_7 : i32
    %add3A_9 = arith.constant 0 : i32
    %add3A_10 = arith.addi %mul3A_8, %add3A_9 : i32
    "tpu.region"() ({
      %run_scoped3A_54 = tpu.sem_alloc : memref<!tpu.dma_semaphore, #tpu.memory_space<semaphore_mem>>
      %dma_start3A_55 = arith.constant 0 : i32
      %dma_start3A_56 = tpu.memref_slice %arg16[%add3A_10, %dma_start3A_55] : memref<10240x128xf32, #tpu.memory_space<vmem_shared>> -> memref<125x128xf32, #tpu.memory_space<vmem_shared>>
      %dma_start3A_57 = arith.constant 0 : i32
      %dma_start3A_58 = tpu.memref_slice %arg16[%add3A_10, %dma_start3A_57] : memref<10240x128xf32, #tpu.memory_space<vmem_shared>> -> memref<125x128xf32, #tpu.memory_space<vmem_shared>>
      tpu.enqueue_dma source(%arg10 : memref<125x128xf32, #tpu.memory_space<vmem>>) target(%dma_start3A_58 : memref<125x128xf32, #tpu.memory_space<vmem_shared>>) target_semaphore(%run_scoped3A_54 : memref<!tpu.dma_semaphore, #tpu.memory_space<semaphore_mem>>)
      %dma_wait3A = arith.constant 0 : i32
      %dma_wait3A_59 = tpu.memref_slice %arg16[%add3A_10, %dma_wait3A] : memref<10240x128xf32, #tpu.memory_space<vmem_shared>> -> memref<125x128xf32, #tpu.memory_space<vmem_shared>>
      %dma_wait3A_60 = arith.constant 0 : i32
      %dma_wait3A_61 = tpu.memref_slice %arg16[%add3A_10, %dma_wait3A_60] : memref<10240x128xf32, #tpu.memory_space<vmem_shared>> -> memref<125x128xf32, #tpu.memory_space<vmem_shared>>
      tpu.wait_dma2 semaphore(%run_scoped3A_54 : memref<!tpu.dma_semaphore, #tpu.memory_space<semaphore_mem>>) src(%arg10 : memref<125x128xf32, #tpu.memory_space<vmem>>) dst(%dma_wait3A_61 : memref<125x128xf32, #tpu.memory_space<vmem_shared>>)
      tpu.yield
    }) : () -> ()
    %add3A_11 = arith.constant 125 : i32
    %add3A_12 = arith.addi %mul3A_8, %add3A_11 : i32
    "tpu.region"() ({
      %run_scoped3A_54 = tpu.sem_alloc : memref<!tpu.dma_semaphore, #tpu.memory_space<semaphore_mem>>
      %dma_start3A_55 = arith.constant 0 : i32
      %dma_start3A_56 = tpu.memref_slice %arg16[%add3A_12, %dma_start3A_55] : memref<10240x128xf32, #tpu.memory_space<vmem_shared>> -> memref<125x128xf32, #tpu.memory_space<vmem_shared>>
      %dma_start3A_57 = arith.constant 0 : i32
      %dma_start3A_58 = tpu.memref_slice %arg16[%add3A_12, %dma_start3A_57] : memref<10240x128xf32, #tpu.memory_space<vmem_shared>> -> memref<125x128xf32, #tpu.memory_space<vmem_shared>>
      tpu.enqueue_dma source(%arg10 : memref<125x128xf32, #tpu.memory_space<vmem>>) target(%dma_start3A_58 : memref<125x128xf32, #tpu.memory_space<vmem_shared>>) target_semaphore(%run_scoped3A_54 : memref<!tpu.dma_semaphore, #tpu.memory_space<semaphore_mem>>)
      %dma_wait3A = arith.constant 0 : i32
      %dma_wait3A_59 = tpu.memref_slice %arg16[%add3A_12, %dma_wait3A] : memref<10240x128xf32, #tpu.memory_space<vmem_shared>> -> memref<125x128xf32, #tpu.memory_space<vmem_shared>>
      %dma_wait3A_60 = arith.constant 0 : i32
      %dma_wait3A_61 = tpu.memref_slice %arg16[%add3A_12, %dma_wait3A_60] : memref<10240x128xf32, #tpu.memory_space<vmem_shared>> -> memref<125x128xf32, #tpu.memory_space<vmem_shared>>
      tpu.wait_dma2 semaphore(%run_scoped3A_54 : memref<!tpu.dma_semaphore, #tpu.memory_space<semaphore_mem>>) src(%arg10 : memref<125x128xf32, #tpu.memory_space<vmem>>) dst(%dma_wait3A_61 : memref<125x128xf32, #tpu.memory_space<vmem_shared>>)
      tpu.yield
    }) : () -> ()
    %add3A_13 = arith.constant 250 : i32
    %add3A_14 = arith.addi %mul3A_8, %add3A_13 : i32
    "tpu.region"() ({
      %run_scoped3A_54 = tpu.sem_alloc : memref<!tpu.dma_semaphore, #tpu.memory_space<semaphore_mem>>
      %dma_start3A_55 = arith.constant 0 : i32
      %dma_start3A_56 = tpu.memref_slice %arg16[%add3A_14, %dma_start3A_55] : memref<10240x128xf32, #tpu.memory_space<vmem_shared>> -> memref<125x128xf32, #tpu.memory_space<vmem_shared>>
      %dma_start3A_57 = arith.constant 0 : i32
      %dma_start3A_58 = tpu.memref_slice %arg16[%add3A_14, %dma_start3A_57] : memref<10240x128xf32, #tpu.memory_space<vmem_shared>> -> memref<125x128xf32, #tpu.memory_space<vmem_shared>>
      tpu.enqueue_dma source(%arg10 : memref<125x128xf32, #tpu.memory_space<vmem>>) target(%dma_start3A_58 : memref<125x128xf32, #tpu.memory_space<vmem_shared>>) target_semaphore(%run_scoped3A_54 : memref<!tpu.dma_semaphore, #tpu.memory_space<semaphore_mem>>)
      %dma_wait3A = arith.constant 0 : i32
      %dma_wait3A_59 = tpu.memref_slice %arg16[%add3A_14, %dma_wait3A] : memref<10240x128xf32, #tpu.memory_space<vmem_shared>> -> memref<125x128xf32, #tpu.memory_space<vmem_shared>>
      %dma_wait3A_60 = arith.constant 0 : i32
      %dma_wait3A_61 = tpu.memref_slice %arg16[%add3A_14, %dma_wait3A_60] : memref<10240x128xf32, #tpu.memory_space<vmem_shared>> -> memref<125x128xf32, #tpu.memory_space<vmem_shared>>
      tpu.wait_dma2 semaphore(%run_scoped3A_54 : memref<!tpu.dma_semaphore, #tpu.memory_space<semaphore_mem>>) src(%arg10 : memref<125x128xf32, #tpu.memory_space<vmem>>) dst(%dma_wait3A_61 : memref<125x128xf32, #tpu.memory_space<vmem_shared>>)
      tpu.yield
    }) : () -> ()
    %add3A_15 = arith.constant 375 : i32
    %add3A_16 = arith.addi %mul3A_8, %add3A_15 : i32
    "tpu.region"() ({
      %run_scoped3A_54 = tpu.sem_alloc : memref<!tpu.dma_semaphore, #tpu.memory_space<semaphore_mem>>
      %dma_start3A_55 = arith.constant 0 : i32
      %dma_start3A_56 = tpu.memref_slice %arg16[%add3A_16, %dma_start3A_55] : memref<10240x128xf32, #tpu.memory_space<vmem_shared>> -> memref<125x128xf32, #tpu.memory_space<vmem_shared>>
      %dma_start3A_57 = arith.constant 0 : i32
      %dma_start3A_58 = tpu.memref_slice %arg16[%add3A_16, %dma_start3A_57] : memref<10240x128xf32, #tpu.memory_space<vmem_shared>> -> memref<125x128xf32, #tpu.memory_space<vmem_shared>>
      tpu.enqueue_dma source(%arg10 : memref<125x128xf32, #tpu.memory_space<vmem>>) target(%dma_start3A_58 : memref<125x128xf32, #tpu.memory_space<vmem_shared>>) target_semaphore(%run_scoped3A_54 : memref<!tpu.dma_semaphore, #tpu.memory_space<semaphore_mem>>)
      %dma_wait3A = arith.constant 0 : i32
      %dma_wait3A_59 = tpu.memref_slice %arg16[%add3A_16, %dma_wait3A] : memref<10240x128xf32, #tpu.memory_space<vmem_shared>> -> memref<125x128xf32, #tpu.memory_space<vmem_shared>>
      %dma_wait3A_60 = arith.constant 0 : i32
      %dma_wait3A_61 = tpu.memref_slice %arg16[%add3A_16, %dma_wait3A_60] : memref<10240x128xf32, #tpu.memory_space<vmem_shared>> -> memref<125x128xf32, #tpu.memory_space<vmem_shared>>
      tpu.wait_dma2 semaphore(%run_scoped3A_54 : memref<!tpu.dma_semaphore, #tpu.memory_space<semaphore_mem>>) src(%arg10 : memref<125x128xf32, #tpu.memory_space<vmem>>) dst(%dma_wait3A_61 : memref<125x128xf32, #tpu.memory_space<vmem_shared>>)
      tpu.yield
    }) : () -> ()
    %add3A_17 = arith.constant 500 : i32
    %add3A_18 = arith.addi %mul3A_8, %add3A_17 : i32
    "tpu.region"() ({
      %run_scoped3A_54 = tpu.sem_alloc : memref<!tpu.dma_semaphore, #tpu.memory_space<semaphore_mem>>
      %dma_start3A_55 = arith.constant 0 : i32
      %dma_start3A_56 = tpu.memref_slice %arg16[%add3A_18, %dma_start3A_55] : memref<10240x128xf32, #tpu.memory_space<vmem_shared>> -> memref<125x128xf32, #tpu.memory_space<vmem_shared>>
      %dma_start3A_57 = arith.constant 0 : i32
      %dma_start3A_58 = tpu.memref_slice %arg16[%add3A_18, %dma_start3A_57] : memref<10240x128xf32, #tpu.memory_space<vmem_shared>> -> memref<125x128xf32, #tpu.memory_space<vmem_shared>>
      tpu.enqueue_dma source(%arg10 : memref<125x128xf32, #tpu.memory_space<vmem>>) target(%dma_start3A_58 : memref<125x128xf32, #tpu.memory_space<vmem_shared>>) target_semaphore(%run_scoped3A_54 : memref<!tpu.dma_semaphore, #tpu.memory_space<semaphore_mem>>)
      %dma_wait3A = arith.constant 0 : i32
      %dma_wait3A_59 = tpu.memref_slice %arg16[%add3A_18, %dma_wait3A] : memref<10240x128xf32, #tpu.memory_space<vmem_shared>> -> memref<125x128xf32, #tpu.memory_space<vmem_shared>>
      %dma_wait3A_60 = arith.constant 0 : i32
      %dma_wait3A_61 = tpu.memref_slice %arg16[%add3A_18, %dma_wait3A_60] : memref<10240x128xf32, #tpu.memory_space<vmem_shared>> -> memref<125x128xf32, #tpu.memory_space<vmem_shared>>
      tpu.wait_dma2 semaphore(%run_scoped3A_54 : memref<!tpu.dma_semaphore, #tpu.memory_space<semaphore_mem>>) src(%arg10 : memref<125x128xf32, #tpu.memory_space<vmem>>) dst(%dma_wait3A_61 : memref<125x128xf32, #tpu.memory_space<vmem_shared>>)
      tpu.yield
    }) : () -> ()
    %add3A_19 = arith.constant 640 : i32
    %add3A_20 = arith.addi %mul3A_8, %add3A_19 : i32
    %sub3A = arith.constant 15 : i32
    %sub3A_21 = arith.subi %add3A_20, %sub3A : i32
    "tpu.region"() ({
      %run_scoped3A_54 = tpu.sem_alloc : memref<!tpu.dma_semaphore, #tpu.memory_space<semaphore_mem>>
      %dma_start3A_55 = arith.constant 0 : i32
      %dma_start3A_56 = arith.constant 0 : i32
      %dma_start3A_57 = tpu.memref_slice %arg10[%dma_start3A_55, %dma_start3A_56] : memref<125x128xf32, #tpu.memory_space<vmem>> -> memref<15x128xf32, #tpu.memory_space<vmem>>
      %dma_start3A_58 = arith.constant 0 : i32
      %dma_start3A_59 = tpu.memref_slice %arg16[%sub3A_21, %dma_start3A_58] : memref<10240x128xf32, #tpu.memory_space<vmem_shared>> -> memref<15x128xf32, #tpu.memory_space<vmem_shared>>
      %dma_start3A_60 = arith.constant 0 : i32
      %dma_start3A_61 = tpu.memref_slice %arg16[%sub3A_21, %dma_start3A_60] : memref<10240x128xf32, #tpu.memory_space<vmem_shared>> -> memref<15x128xf32, #tpu.memory_space<vmem_shared>>
      %dma_start3A_62 = arith.constant 0 : i32
      %dma_start3A_63 = arith.constant 0 : i32
      %dma_start3A_64 = tpu.memref_slice %arg10[%dma_start3A_62, %dma_start3A_63] : memref<125x128xf32, #tpu.memory_space<vmem>> -> memref<15x128xf32, #tpu.memory_space<vmem>>
      tpu.enqueue_dma source(%dma_start3A_64 : memref<15x128xf32, #tpu.memory_space<vmem>>) target(%dma_start3A_61 : memref<15x128xf32, #tpu.memory_space<vmem_shared>>) target_semaphore(%run_scoped3A_54 : memref<!tpu.dma_semaphore, #tpu.memory_space<semaphore_mem>>)
      %dma_wait3A = arith.constant 0 : i32
      %dma_wait3A_65 = arith.constant 0 : i32
      %dma_wait3A_66 = tpu.memref_slice %arg10[%dma_wait3A, %dma_wait3A_65] : memref<125x128xf32, #tpu.memory_space<vmem>> -> memref<15x128xf32, #tpu.memory_space<vmem>>
      %dma_wait3A_67 = arith.constant 0 : i32
      %dma_wait3A_68 = tpu.memref_slice %arg16[%sub3A_21, %dma_wait3A_67] : memref<10240x128xf32, #tpu.memory_space<vmem_shared>> -> memref<15x128xf32, #tpu.memory_space<vmem_shared>>
      %dma_wait3A_69 = arith.constant 0 : i32
      %dma_wait3A_70 = tpu.memref_slice %arg16[%sub3A_21, %dma_wait3A_69] : memref<10240x128xf32, #tpu.memory_space<vmem_shared>> -> memref<15x128xf32, #tpu.memory_space<vmem_shared>>
      %dma_wait3A_71 = arith.constant 0 : i32
      %dma_wait3A_72 = arith.constant 0 : i32
      %dma_wait3A_73 = tpu.memref_slice %arg10[%dma_wait3A_71, %dma_wait3A_72] : memref<125x128xf32, #tpu.memory_space<vmem>> -> memref<15x128xf32, #tpu.memory_space<vmem>>
      tpu.wait_dma2 semaphore(%run_scoped3A_54 : memref<!tpu.dma_semaphore, #tpu.memory_space<semaphore_mem>>) src(%dma_wait3A_73 : memref<15x128xf32, #tpu.memory_space<vmem>>) dst(%dma_wait3A_70 : memref<15x128xf32, #tpu.memory_space<vmem_shared>>)
      tpu.yield
    }) : () -> ()
    %run_scoped3A = arith.constant 0 : i32
    "tpu.region"() ({
      %run_scoped3A_54 = tpu.sem_alloc : memref<!tpu.dma_semaphore, #tpu.memory_space<semaphore_mem>>
      %dma_start3A_55 = arith.constant 0 : i32
      %dma_start3A_56 = arith.constant 0 : i32
      %dma_start3A_57 = tpu.memref_slice %arg3[%add3A, %run_scoped3A, %dma_start3A_55, %dma_start3A_56] : memref<32x16x5x125xi32, #tpu.memory_space<hbm>> -> memref<1x1x5x125xi32, #tpu.memory_space<hbm>>
      %dma_start3A_58 = tpu.memref_squeeze %dma_start3A_57 : memref<1x1x5x125xi32, #tpu.memory_space<hbm>> -> memref<5x125xi32, #tpu.memory_space<hbm>>
      %dma_start3A_59 = arith.constant 0 : i32
      %dma_start3A_60 = arith.constant 0 : i32
      %dma_start3A_61 = tpu.memref_slice %arg3[%add3A, %run_scoped3A, %dma_start3A_59, %dma_start3A_60] : memref<32x16x5x125xi32, #tpu.memory_space<hbm>> -> memref<1x1x5x125xi32, #tpu.memory_space<hbm>>
      %dma_start3A_62 = tpu.memref_squeeze %dma_start3A_61 : memref<1x1x5x125xi32, #tpu.memory_space<hbm>> -> memref<5x125xi32, #tpu.memory_space<hbm>>
      tpu.enqueue_dma source(%dma_start3A_62 : memref<5x125xi32, #tpu.memory_space<hbm>>) target(%arg6 : memref<5x125xi32, #tpu.memory_space<vmem>>) target_semaphore(%run_scoped3A_54 : memref<!tpu.dma_semaphore, #tpu.memory_space<semaphore_mem>>)
      %dma_wait3A = arith.constant 0 : i32
      %dma_wait3A_63 = arith.constant 0 : i32
      %dma_wait3A_64 = tpu.memref_slice %arg3[%add3A, %run_scoped3A, %dma_wait3A, %dma_wait3A_63] : memref<32x16x5x125xi32, #tpu.memory_space<hbm>> -> memref<1x1x5x125xi32, #tpu.memory_space<hbm>>
      %dma_wait3A_65 = tpu.memref_squeeze %dma_wait3A_64 : memref<1x1x5x125xi32, #tpu.memory_space<hbm>> -> memref<5x125xi32, #tpu.memory_space<hbm>>
      %dma_wait3A_66 = arith.constant 0 : i32
      %dma_wait3A_67 = arith.constant 0 : i32
      %dma_wait3A_68 = tpu.memref_slice %arg3[%add3A, %run_scoped3A, %dma_wait3A_66, %dma_wait3A_67] : memref<32x16x5x125xi32, #tpu.memory_space<hbm>> -> memref<1x1x5x125xi32, #tpu.memory_space<hbm>>
      %dma_wait3A_69 = tpu.memref_squeeze %dma_wait3A_68 : memref<1x1x5x125xi32, #tpu.memory_space<hbm>> -> memref<5x125xi32, #tpu.memory_space<hbm>>
      tpu.wait_dma2 semaphore(%run_scoped3A_54 : memref<!tpu.dma_semaphore, #tpu.memory_space<semaphore_mem>>) src(%dma_wait3A_69 : memref<5x125xi32, #tpu.memory_space<hbm>>) dst(%arg6 : memref<5x125xi32, #tpu.memory_space<vmem>>)
      tpu.yield
    }) : () -> ()
    %run_scoped3A_22 = arith.constant 0 : i32
    "tpu.region"() ({
      %run_scoped3A_54 = tpu.sem_alloc : memref<!tpu.dma_semaphore, #tpu.memory_space<semaphore_mem>>
      %dma_start3A_55 = arith.constant 0 : i32
      %dma_start3A_56 = arith.constant 0 : i32
      %dma_start3A_57 = tpu.memref_slice %arg4[%add3A, %run_scoped3A_22, %dma_start3A_55, %dma_start3A_56] : memref<32x16x5x125xi32, #tpu.memory_space<hbm>> -> memref<1x1x5x125xi32, #tpu.memory_space<hbm>>
      %dma_start3A_58 = tpu.memref_squeeze %dma_start3A_57 : memref<1x1x5x125xi32, #tpu.memory_space<hbm>> -> memref<5x125xi32, #tpu.memory_space<hbm>>
      %dma_start3A_59 = arith.constant 0 : i32
      %dma_start3A_60 = arith.constant 0 : i32
      %dma_start3A_61 = tpu.memref_slice %arg4[%add3A, %run_scoped3A_22, %dma_start3A_59, %dma_start3A_60] : memref<32x16x5x125xi32, #tpu.memory_space<hbm>> -> memref<1x1x5x125xi32, #tpu.memory_space<hbm>>
      %dma_start3A_62 = tpu.memref_squeeze %dma_start3A_61 : memref<1x1x5x125xi32, #tpu.memory_space<hbm>> -> memref<5x125xi32, #tpu.memory_space<hbm>>
      tpu.enqueue_dma source(%dma_start3A_62 : memref<5x125xi32, #tpu.memory_space<hbm>>) target(%arg8 : memref<5x125xi32, #tpu.memory_space<vmem>>) target_semaphore(%run_scoped3A_54 : memref<!tpu.dma_semaphore, #tpu.memory_space<semaphore_mem>>)
      %dma_wait3A = arith.constant 0 : i32
      %dma_wait3A_63 = arith.constant 0 : i32
      %dma_wait3A_64 = tpu.memref_slice %arg4[%add3A, %run_scoped3A_22, %dma_wait3A, %dma_wait3A_63] : memref<32x16x5x125xi32, #tpu.memory_space<hbm>> -> memref<1x1x5x125xi32, #tpu.memory_space<hbm>>
      %dma_wait3A_65 = tpu.memref_squeeze %dma_wait3A_64 : memref<1x1x5x125xi32, #tpu.memory_space<hbm>> -> memref<5x125xi32, #tpu.memory_space<hbm>>
      %dma_wait3A_66 = arith.constant 0 : i32
      %dma_wait3A_67 = arith.constant 0 : i32
      %dma_wait3A_68 = tpu.memref_slice %arg4[%add3A, %run_scoped3A_22, %dma_wait3A_66, %dma_wait3A_67] : memref<32x16x5x125xi32, #tpu.memory_space<hbm>> -> memref<1x1x5x125xi32, #tpu.memory_space<hbm>>
      %dma_wait3A_69 = tpu.memref_squeeze %dma_wait3A_68 : memref<1x1x5x125xi32, #tpu.memory_space<hbm>> -> memref<5x125xi32, #tpu.memory_space<hbm>>
      tpu.wait_dma2 semaphore(%run_scoped3A_54 : memref<!tpu.dma_semaphore, #tpu.memory_space<semaphore_mem>>) src(%dma_wait3A_69 : memref<5x125xi32, #tpu.memory_space<hbm>>) dst(%arg8 : memref<5x125xi32, #tpu.memory_space<vmem>>)
      tpu.yield
    }) : () -> ()
    %dma_start3A = arith.constant 1 : i32
    %dma_start3A_23 = arith.constant 0 : i32
    %dma_start3A_24 = arith.constant 0 : i32
    %dma_start3A_25 = tpu.memref_slice %arg3[%add3A, %dma_start3A, %dma_start3A_23, %dma_start3A_24] : memref<32x16x5x125xi32, #tpu.memory_space<hbm>> -> memref<1x1x5x125xi32, #tpu.memory_space<hbm>>
    %dma_start3A_26 = tpu.memref_squeeze %dma_start3A_25 : memref<1x1x5x125xi32, #tpu.memory_space<hbm>> -> memref<5x125xi32, #tpu.memory_space<hbm>>
    %dma_start3A_27 = arith.constant 0 : i32
    %dma_start3A_28 = arith.constant 0 : i32
    %dma_start3A_29 = tpu.memref_slice %arg3[%add3A, %dma_start3A, %dma_start3A_27, %dma_start3A_28] : memref<32x16x5x125xi32, #tpu.memory_space<hbm>> -> memref<1x1x5x125xi32, #tpu.memory_space<hbm>>
    %dma_start3A_30 = tpu.memref_squeeze %dma_start3A_29 : memref<1x1x5x125xi32, #tpu.memory_space<hbm>> -> memref<5x125xi32, #tpu.memory_space<hbm>>
    tpu.enqueue_dma source(%dma_start3A_30 : memref<5x125xi32, #tpu.memory_space<hbm>>) target(%arg7 : memref<5x125xi32, #tpu.memory_space<vmem>>) target_semaphore(%arg15 : memref<!tpu.dma_semaphore, #tpu.memory_space<semaphore_mem>>)
    %dma_start3A_31 = arith.constant 1 : i32
    %dma_start3A_32 = arith.constant 0 : i32
    %dma_start3A_33 = arith.constant 0 : i32
    %dma_start3A_34 = tpu.memref_slice %arg4[%add3A, %dma_start3A_31, %dma_start3A_32, %dma_start3A_33] : memref<32x16x5x125xi32, #tpu.memory_space<hbm>> -> memref<1x1x5x125xi32, #tpu.memory_space<hbm>>
    %dma_start3A_35 = tpu.memref_squeeze %dma_start3A_34 : memref<1x1x5x125xi32, #tpu.memory_space<hbm>> -> memref<5x125xi32, #tpu.memory_space<hbm>>
    %dma_start3A_36 = arith.constant 0 : i32
    %dma_start3A_37 = arith.constant 0 : i32
    %dma_start3A_38 = tpu.memref_slice %arg4[%add3A, %dma_start3A_31, %dma_start3A_36, %dma_start3A_37] : memref<32x16x5x125xi32, #tpu.memory_space<hbm>> -> memref<1x1x5x125xi32, #tpu.memory_space<hbm>>
    %dma_start3A_39 = tpu.memref_squeeze %dma_start3A_38 : memref<1x1x5x125xi32, #tpu.memory_space<hbm>> -> memref<5x125xi32, #tpu.memory_space<hbm>>
    tpu.enqueue_dma source(%dma_start3A_39 : memref<5x125xi32, #tpu.memory_space<hbm>>) target(%arg9 : memref<5x125xi32, #tpu.memory_space<vmem>>) target_semaphore(%arg15 : memref<!tpu.dma_semaphore, #tpu.memory_space<semaphore_mem>>)
    %dma_start3A_40 = arith.constant 0 : i32
    %dma_start3A_41 = arith.constant 0 : i32
    %dma_start3A_42 = tpu.memref_slice %arg6[%dma_start3A_40, %dma_start3A_41] : memref<5x125xi32, #tpu.memory_space<vmem>> -> memref<1x125xi32, #tpu.memory_space<vmem>>
    %dma_start3A_43 = tpu.memref_squeeze %dma_start3A_42 : memref<1x125xi32, #tpu.memory_space<vmem>> -> memref<125xi32, #tpu.memory_space<vmem>>
    %dma_start3A_44 = arith.constant 0 : i32
    %dma_start3A_45 = arith.constant 0 : i32
    %dma_start3A_46 = tpu.memref_slice %arg2[%dma_start3A_44, %dma_start3A_45] : memref<10240x128xf32, #tpu.memory_space<hbm>> -> memref<10240x128xf32, #tpu.memory_space<hbm>>
    tpu.enqueue_indirect_dma source(%dma_start3A_46 : memref<10240x128xf32, #tpu.memory_space<hbm>>) target(%arg10 : memref<125x128xf32, #tpu.memory_space<vmem>>) offsets(%dma_start3A_43 : memref<125xi32, #tpu.memory_space<vmem>>) semaphore(%arg12 : memref<!tpu.dma_semaphore, #tpu.memory_space<semaphore_mem>>)
    %barrier3A = arith.constant 0 : index
    tpu.barrier barrier_id(%barrier3A)
    %scan3A_47 = arith.constant 0 : i32
    %scan3A_48 = arith.constant 0 : i32
    %scan3A_49 = arith.constant 8 : i32
    %scan3A_50 = arith.addi %scan3A_48, %scan3A_49 : i32
    %scan3A_51 = arith.constant 1 : i32
    scf.for %scan3A_54 = %scan3A_48 to %scan3A_50 step %scan3A_51  : i32 {
      %mul3A_55 = arith.constant 2 : i32
      %mul3A_56 = arith.muli %scan3A_54, %mul3A_55 : i32
      %add3A_57 = arith.constant 0 : i32
      %add3A_58 = arith.addi %mul3A_56, %add3A_57 : i32
      %add3A_59 = arith.constant 1 : i32
      %add3A_60 = arith.addi %add3A_58, %add3A_59 : i32
      %lt3A = arith.constant 16 : i32
      %lt3A_61 = arith.cmpi slt, %add3A_60, %lt3A : i32
      %convert_element_type3A = arith.extui %lt3A_61 : i1 to i32
      %cond3A = arith.constant 0 : i32
      %cond3A_62 = arith.cmpi ne, %convert_element_type3A, %cond3A : i32
      scf.if %cond3A_62 {
        %add3A_277 = arith.constant 1 : i32
        %add3A_278 = arith.addi %add3A_58, %add3A_277 : i32
        %dma_wait3A_279 = arith.constant 0 : i32
        %dma_wait3A_280 = arith.constant 0 : i32
        %dma_wait3A_281 = tpu.memref_slice %arg3[%add3A, %add3A_278, %dma_wait3A_279, %dma_wait3A_280] : memref<32x16x5x125xi32, #tpu.memory_space<hbm>> -> memref<1x1x5x125xi32, #tpu.memory_space<hbm>>
        %dma_wait3A_282 = tpu.memref_squeeze %dma_wait3A_281 : memref<1x1x5x125xi32, #tpu.memory_space<hbm>> -> memref<5x125xi32, #tpu.memory_space<hbm>>
        %dma_wait3A_283 = arith.constant 0 : i32
        %dma_wait3A_284 = arith.constant 0 : i32
        %dma_wait3A_285 = tpu.memref_slice %arg3[%add3A, %add3A_278, %dma_wait3A_283, %dma_wait3A_284] : memref<32x16x5x125xi32, #tpu.memory_space<hbm>> -> memref<1x1x5x125xi32, #tpu.memory_space<hbm>>
        %dma_wait3A_286 = tpu.memref_squeeze %dma_wait3A_285 : memref<1x1x5x125xi32, #tpu.memory_space<hbm>> -> memref<5x125xi32, #tpu.memory_space<hbm>>
        tpu.wait_dma2 semaphore(%arg15 : memref<!tpu.dma_semaphore, #tpu.memory_space<semaphore_mem>>) src(%dma_wait3A_286 : memref<5x125xi32, #tpu.memory_space<hbm>>) dst(%arg7 : memref<5x125xi32, #tpu.memory_space<vmem>>)
        %dma_wait3A_287 = arith.constant 0 : i32
        %dma_wait3A_288 = arith.constant 0 : i32
        %dma_wait3A_289 = tpu.memref_slice %arg4[%add3A, %add3A_278, %dma_wait3A_287, %dma_wait3A_288] : memref<32x16x5x125xi32, #tpu.memory_space<hbm>> -> memref<1x1x5x125xi32, #tpu.memory_space<hbm>>
        %dma_wait3A_290 = tpu.memref_squeeze %dma_wait3A_289 : memref<1x1x5x125xi32, #tpu.memory_space<hbm>> -> memref<5x125xi32, #tpu.memory_space<hbm>>
        %dma_wait3A_291 = arith.constant 0 : i32
        %dma_wait3A_292 = arith.constant 0 : i32
        %dma_wait3A_293 = tpu.memref_slice %arg4[%add3A, %add3A_278, %dma_wait3A_291, %dma_wait3A_292] : memref<32x16x5x125xi32, #tpu.memory_space<hbm>> -> memref<1x1x5x125xi32, #tpu.memory_space<hbm>>
        %dma_wait3A_294 = tpu.memref_squeeze %dma_wait3A_293 : memref<1x1x5x125xi32, #tpu.memory_space<hbm>> -> memref<5x125xi32, #tpu.memory_space<hbm>>
        tpu.wait_dma2 semaphore(%arg15 : memref<!tpu.dma_semaphore, #tpu.memory_space<semaphore_mem>>) src(%dma_wait3A_294 : memref<5x125xi32, #tpu.memory_space<hbm>>) dst(%arg9 : memref<5x125xi32, #tpu.memory_space<vmem>>)
      } else {
      }
      %mul3A_63 = arith.constant 5 : i32
      %mul3A_64 = arith.muli %add3A_58, %mul3A_63 : i32
      %add3A_65 = arith.constant 0 : i32
      %add3A_66 = arith.addi %mul3A_64, %add3A_65 : i32
      %add3A_67 = arith.constant 1 : i32
      %add3A_68 = arith.addi %add3A_66, %add3A_67 : i32
      %lt3A_69 = arith.constant 80 : i32
      %lt3A_70 = arith.cmpi slt, %add3A_68, %lt3A_69 : i32
      %convert_element_type3A_71 = arith.extui %lt3A_70 : i1 to i32
      %cond3A_72 = arith.constant 0 : i32
      %cond3A_73 = arith.cmpi ne, %convert_element_type3A_71, %cond3A_72 : i32
      scf.if %cond3A_73 {
        %dma_start3A_277 = arith.constant 1 : i32
        %dma_start3A_278 = arith.constant 0 : i32
        %dma_start3A_279 = tpu.memref_slice %arg6[%dma_start3A_277, %dma_start3A_278] : memref<5x125xi32, #tpu.memory_space<vmem>> -> memref<1x125xi32, #tpu.memory_space<vmem>>
        %dma_start3A_280 = tpu.memref_squeeze %dma_start3A_279 : memref<1x125xi32, #tpu.memory_space<vmem>> -> memref<125xi32, #tpu.memory_space<vmem>>
        %dma_start3A_281 = arith.constant 0 : i32
        %dma_start3A_282 = arith.constant 0 : i32
        %dma_start3A_283 = tpu.memref_slice %arg2[%dma_start3A_281, %dma_start3A_282] : memref<10240x128xf32, #tpu.memory_space<hbm>> -> memref<10240x128xf32, #tpu.memory_space<hbm>>
        tpu.enqueue_indirect_dma source(%dma_start3A_283 : memref<10240x128xf32, #tpu.memory_space<hbm>>) target(%arg11 : memref<125x128xf32, #tpu.memory_space<vmem>>) offsets(%dma_start3A_280 : memref<125xi32, #tpu.memory_space<vmem>>) semaphore(%arg13 : memref<!tpu.dma_semaphore, #tpu.memory_space<semaphore_mem>>)
      } else {
      }
      %dma_wait3A = arith.constant 0 : i32
      %dma_wait3A_74 = arith.constant 0 : i32
      %dma_wait3A_75 = tpu.memref_slice %arg6[%dma_wait3A, %dma_wait3A_74] : memref<5x125xi32, #tpu.memory_space<vmem>> -> memref<1x125xi32, #tpu.memory_space<vmem>>
      %dma_wait3A_76 = tpu.memref_squeeze %dma_wait3A_75 : memref<1x125xi32, #tpu.memory_space<vmem>> -> memref<125xi32, #tpu.memory_space<vmem>>
      %dma_wait3A_77 = arith.constant 0 : i32
      %dma_wait3A_78 = arith.constant 0 : i32
      %dma_wait3A_79 = tpu.memref_slice %arg2[%dma_wait3A_77, %dma_wait3A_78] : memref<10240x128xf32, #tpu.memory_space<hbm>> -> memref<10240x128xf32, #tpu.memory_space<hbm>>
      tpu.wait_indirect_dma semaphore(%arg12 : memref<!tpu.dma_semaphore, #tpu.memory_space<semaphore_mem>>) src(%dma_wait3A_79 : memref<10240x128xf32, #tpu.memory_space<hbm>>) dst(%arg10 : memref<125x128xf32, #tpu.memory_space<vmem>>)
      %run_scoped3A_80 = arith.constant 0 : i32
      "tpu.region"() ({
        %run_scoped3A_277 = tpu.sem_alloc : memref<!tpu.dma_semaphore, #tpu.memory_space<semaphore_mem>>
        %dma_start3A_278 = arith.constant 0 : i32
        %dma_start3A_279 = tpu.memref_slice %arg8[%run_scoped3A_80, %dma_start3A_278] : memref<5x125xi32, #tpu.memory_space<vmem>> -> memref<1x125xi32, #tpu.memory_space<vmem>>
        %dma_start3A_280 = tpu.memref_squeeze %dma_start3A_279 : memref<1x125xi32, #tpu.memory_space<vmem>> -> memref<125xi32, #tpu.memory_space<vmem>>
        %dma_start3A_281 = arith.constant 0 : i32
        %dma_start3A_282 = arith.constant 0 : i32
        %dma_start3A_283 = tpu.memref_slice %arg16[%dma_start3A_281, %dma_start3A_282] : memref<10240x128xf32, #tpu.memory_space<vmem_shared>> -> memref<10240x128xf32, #tpu.memory_space<vmem_shared>>
        tpu.enqueue_indirect_dma source(%arg10 : memref<125x128xf32, #tpu.memory_space<vmem>>) target(%dma_start3A_283 : memref<10240x128xf32, #tpu.memory_space<vmem_shared>>) offsets(%dma_start3A_280 : memref<125xi32, #tpu.memory_space<vmem>>) semaphore(%run_scoped3A_277 : memref<!tpu.dma_semaphore, #tpu.memory_space<semaphore_mem>>) {add = true}
        %dma_wait3A_284 = arith.constant 0 : i32
        %dma_wait3A_285 = tpu.memref_slice %arg8[%run_scoped3A_80, %dma_wait3A_284] : memref<5x125xi32, #tpu.memory_space<vmem>> -> memref<1x125xi32, #tpu.memory_space<vmem>>
        %dma_wait3A_286 = tpu.memref_squeeze %dma_wait3A_285 : memref<1x125xi32, #tpu.memory_space<vmem>> -> memref<125xi32, #tpu.memory_space<vmem>>
        %dma_wait3A_287 = arith.constant 0 : i32
        %dma_wait3A_288 = arith.constant 0 : i32
        %dma_wait3A_289 = tpu.memref_slice %arg16[%dma_wait3A_287, %dma_wait3A_288] : memref<10240x128xf32, #tpu.memory_space<vmem_shared>> -> memref<10240x128xf32, #tpu.memory_space<vmem_shared>>
        tpu.wait_indirect_dma semaphore(%run_scoped3A_277 : memref<!tpu.dma_semaphore, #tpu.memory_space<semaphore_mem>>) src(%arg10 : memref<125x128xf32, #tpu.memory_space<vmem>>) dst(%dma_wait3A_289 : memref<10240x128xf32, #tpu.memory_space<vmem_shared>>)
        tpu.yield
      }) : () -> ()
      %mul3A_81 = arith.constant 5 : i32
      %mul3A_82 = arith.muli %add3A_58, %mul3A_81 : i32
      %add3A_83 = arith.constant 1 : i32
      %add3A_84 = arith.addi %mul3A_82, %add3A_83 : i32
      %add3A_85 = arith.constant 1 : i32
      %add3A_86 = arith.addi %add3A_84, %add3A_85 : i32
      %lt3A_87 = arith.constant 80 : i32
      %lt3A_88 = arith.cmpi slt, %add3A_86, %lt3A_87 : i32
      %convert_element_type3A_89 = arith.extui %lt3A_88 : i1 to i32
      %cond3A_90 = arith.constant 0 : i32
      %cond3A_91 = arith.cmpi ne, %convert_element_type3A_89, %cond3A_90 : i32
      scf.if %cond3A_91 {
        %dma_start3A_277 = arith.constant 2 : i32
        %dma_start3A_278 = arith.constant 0 : i32
        %dma_start3A_279 = tpu.memref_slice %arg6[%dma_start3A_277, %dma_start3A_278] : memref<5x125xi32, #tpu.memory_space<vmem>> -> memref<1x125xi32, #tpu.memory_space<vmem>>
        %dma_start3A_280 = tpu.memref_squeeze %dma_start3A_279 : memref<1x125xi32, #tpu.memory_space<vmem>> -> memref<125xi32, #tpu.memory_space<vmem>>
        %dma_start3A_281 = arith.constant 0 : i32
        %dma_start3A_282 = arith.constant 0 : i32
        %dma_start3A_283 = tpu.memref_slice %arg2[%dma_start3A_281, %dma_start3A_282] : memref<10240x128xf32, #tpu.memory_space<hbm>> -> memref<10240x128xf32, #tpu.memory_space<hbm>>
        tpu.enqueue_indirect_dma source(%dma_start3A_283 : memref<10240x128xf32, #tpu.memory_space<hbm>>) target(%arg10 : memref<125x128xf32, #tpu.memory_space<vmem>>) offsets(%dma_start3A_280 : memref<125xi32, #tpu.memory_space<vmem>>) semaphore(%arg12 : memref<!tpu.dma_semaphore, #tpu.memory_space<semaphore_mem>>)
      } else {
      }
      %dma_wait3A_92 = arith.constant 1 : i32
      %dma_wait3A_93 = arith.constant 0 : i32
      %dma_wait3A_94 = tpu.memref_slice %arg6[%dma_wait3A_92, %dma_wait3A_93] : memref<5x125xi32, #tpu.memory_space<vmem>> -> memref<1x125xi32, #tpu.memory_space<vmem>>
      %dma_wait3A_95 = tpu.memref_squeeze %dma_wait3A_94 : memref<1x125xi32, #tpu.memory_space<vmem>> -> memref<125xi32, #tpu.memory_space<vmem>>
      %dma_wait3A_96 = arith.constant 0 : i32
      %dma_wait3A_97 = arith.constant 0 : i32
      %dma_wait3A_98 = tpu.memref_slice %arg2[%dma_wait3A_96, %dma_wait3A_97] : memref<10240x128xf32, #tpu.memory_space<hbm>> -> memref<10240x128xf32, #tpu.memory_space<hbm>>
      tpu.wait_indirect_dma semaphore(%arg13 : memref<!tpu.dma_semaphore, #tpu.memory_space<semaphore_mem>>) src(%dma_wait3A_98 : memref<10240x128xf32, #tpu.memory_space<hbm>>) dst(%arg11 : memref<125x128xf32, #tpu.memory_space<vmem>>)
      %run_scoped3A_99 = arith.constant 1 : i32
      "tpu.region"() ({
        %run_scoped3A_277 = tpu.sem_alloc : memref<!tpu.dma_semaphore, #tpu.memory_space<semaphore_mem>>
        %dma_start3A_278 = arith.constant 0 : i32
        %dma_start3A_279 = tpu.memref_slice %arg8[%run_scoped3A_99, %dma_start3A_278] : memref<5x125xi32, #tpu.memory_space<vmem>> -> memref<1x125xi32, #tpu.memory_space<vmem>>
        %dma_start3A_280 = tpu.memref_squeeze %dma_start3A_279 : memref<1x125xi32, #tpu.memory_space<vmem>> -> memref<125xi32, #tpu.memory_space<vmem>>
        %dma_start3A_281 = arith.constant 0 : i32
        %dma_start3A_282 = arith.constant 0 : i32
        %dma_start3A_283 = tpu.memref_slice %arg16[%dma_start3A_281, %dma_start3A_282] : memref<10240x128xf32, #tpu.memory_space<vmem_shared>> -> memref<10240x128xf32, #tpu.memory_space<vmem_shared>>
        tpu.enqueue_indirect_dma source(%arg11 : memref<125x128xf32, #tpu.memory_space<vmem>>) target(%dma_start3A_283 : memref<10240x128xf32, #tpu.memory_space<vmem_shared>>) offsets(%dma_start3A_280 : memref<125xi32, #tpu.memory_space<vmem>>) semaphore(%run_scoped3A_277 : memref<!tpu.dma_semaphore, #tpu.memory_space<semaphore_mem>>) {add = true}
        %dma_wait3A_284 = arith.constant 0 : i32
        %dma_wait3A_285 = tpu.memref_slice %arg8[%run_scoped3A_99, %dma_wait3A_284] : memref<5x125xi32, #tpu.memory_space<vmem>> -> memref<1x125xi32, #tpu.memory_space<vmem>>
        %dma_wait3A_286 = tpu.memref_squeeze %dma_wait3A_285 : memref<1x125xi32, #tpu.memory_space<vmem>> -> memref<125xi32, #tpu.memory_space<vmem>>
        %dma_wait3A_287 = arith.constant 0 : i32
        %dma_wait3A_288 = arith.constant 0 : i32
        %dma_wait3A_289 = tpu.memref_slice %arg16[%dma_wait3A_287, %dma_wait3A_288] : memref<10240x128xf32, #tpu.memory_space<vmem_shared>> -> memref<10240x128xf32, #tpu.memory_space<vmem_shared>>
        tpu.wait_indirect_dma semaphore(%run_scoped3A_277 : memref<!tpu.dma_semaphore, #tpu.memory_space<semaphore_mem>>) src(%arg11 : memref<125x128xf32, #tpu.memory_space<vmem>>) dst(%dma_wait3A_289 : memref<10240x128xf32, #tpu.memory_space<vmem_shared>>)
        tpu.yield
      }) : () -> ()
      %mul3A_100 = arith.constant 5 : i32
      %mul3A_101 = arith.muli %add3A_58, %mul3A_100 : i32
      %add3A_102 = arith.constant 2 : i32
      %add3A_103 = arith.addi %mul3A_101, %add3A_102 : i32
      %add3A_104 = arith.constant 1 : i32
      %add3A_105 = arith.addi %add3A_103, %add3A_104 : i32
      %lt3A_106 = arith.constant 80 : i32
      %lt3A_107 = arith.cmpi slt, %add3A_105, %lt3A_106 : i32
      %convert_element_type3A_108 = arith.extui %lt3A_107 : i1 to i32
      %cond3A_109 = arith.constant 0 : i32
      %cond3A_110 = arith.cmpi ne, %convert_element_type3A_108, %cond3A_109 : i32
      scf.if %cond3A_110 {
        %dma_start3A_277 = arith.constant 3 : i32
        %dma_start3A_278 = arith.constant 0 : i32
        %dma_start3A_279 = tpu.memref_slice %arg6[%dma_start3A_277, %dma_start3A_278] : memref<5x125xi32, #tpu.memory_space<vmem>> -> memref<1x125xi32, #tpu.memory_space<vmem>>
        %dma_start3A_280 = tpu.memref_squeeze %dma_start3A_279 : memref<1x125xi32, #tpu.memory_space<vmem>> -> memref<125xi32, #tpu.memory_space<vmem>>
        %dma_start3A_281 = arith.constant 0 : i32
        %dma_start3A_282 = arith.constant 0 : i32
        %dma_start3A_283 = tpu.memref_slice %arg2[%dma_start3A_281, %dma_start3A_282] : memref<10240x128xf32, #tpu.memory_space<hbm>> -> memref<10240x128xf32, #tpu.memory_space<hbm>>
        tpu.enqueue_indirect_dma source(%dma_start3A_283 : memref<10240x128xf32, #tpu.memory_space<hbm>>) target(%arg11 : memref<125x128xf32, #tpu.memory_space<vmem>>) offsets(%dma_start3A_280 : memref<125xi32, #tpu.memory_space<vmem>>) semaphore(%arg13 : memref<!tpu.dma_semaphore, #tpu.memory_space<semaphore_mem>>)
      } else {
      }
      %dma_wait3A_111 = arith.constant 2 : i32
      %dma_wait3A_112 = arith.constant 0 : i32
      %dma_wait3A_113 = tpu.memref_slice %arg6[%dma_wait3A_111, %dma_wait3A_112] : memref<5x125xi32, #tpu.memory_space<vmem>> -> memref<1x125xi32, #tpu.memory_space<vmem>>
      %dma_wait3A_114 = tpu.memref_squeeze %dma_wait3A_113 : memref<1x125xi32, #tpu.memory_space<vmem>> -> memref<125xi32, #tpu.memory_space<vmem>>
      %dma_wait3A_115 = arith.constant 0 : i32
      %dma_wait3A_116 = arith.constant 0 : i32
      %dma_wait3A_117 = tpu.memref_slice %arg2[%dma_wait3A_115, %dma_wait3A_116] : memref<10240x128xf32, #tpu.memory_space<hbm>> -> memref<10240x128xf32, #tpu.memory_space<hbm>>
      tpu.wait_indirect_dma semaphore(%arg12 : memref<!tpu.dma_semaphore, #tpu.memory_space<semaphore_mem>>) src(%dma_wait3A_117 : memref<10240x128xf32, #tpu.memory_space<hbm>>) dst(%arg10 : memref<125x128xf32, #tpu.memory_space<vmem>>)
      %run_scoped3A_118 = arith.constant 2 : i32
      "tpu.region"() ({
        %run_scoped3A_277 = tpu.sem_alloc : memref<!tpu.dma_semaphore, #tpu.memory_space<semaphore_mem>>
        %dma_start3A_278 = arith.constant 0 : i32
        %dma_start3A_279 = tpu.memref_slice %arg8[%run_scoped3A_118, %dma_start3A_278] : memref<5x125xi32, #tpu.memory_space<vmem>> -> memref<1x125xi32, #tpu.memory_space<vmem>>
        %dma_start3A_280 = tpu.memref_squeeze %dma_start3A_279 : memref<1x125xi32, #tpu.memory_space<vmem>> -> memref<125xi32, #tpu.memory_space<vmem>>
        %dma_start3A_281 = arith.constant 0 : i32
        %dma_start3A_282 = arith.constant 0 : i32
        %dma_start3A_283 = tpu.memref_slice %arg16[%dma_start3A_281, %dma_start3A_282] : memref<10240x128xf32, #tpu.memory_space<vmem_shared>> -> memref<10240x128xf32, #tpu.memory_space<vmem_shared>>
        tpu.enqueue_indirect_dma source(%arg10 : memref<125x128xf32, #tpu.memory_space<vmem>>) target(%dma_start3A_283 : memref<10240x128xf32, #tpu.memory_space<vmem_shared>>) offsets(%dma_start3A_280 : memref<125xi32, #tpu.memory_space<vmem>>) semaphore(%run_scoped3A_277 : memref<!tpu.dma_semaphore, #tpu.memory_space<semaphore_mem>>) {add = true}
        %dma_wait3A_284 = arith.constant 0 : i32
        %dma_wait3A_285 = tpu.memref_slice %arg8[%run_scoped3A_118, %dma_wait3A_284] : memref<5x125xi32, #tpu.memory_space<vmem>> -> memref<1x125xi32, #tpu.memory_space<vmem>>
        %dma_wait3A_286 = tpu.memref_squeeze %dma_wait3A_285 : memref<1x125xi32, #tpu.memory_space<vmem>> -> memref<125xi32, #tpu.memory_space<vmem>>
        %dma_wait3A_287 = arith.constant 0 : i32
        %dma_wait3A_288 = arith.constant 0 : i32
        %dma_wait3A_289 = tpu.memref_slice %arg16[%dma_wait3A_287, %dma_wait3A_288] : memref<10240x128xf32, #tpu.memory_space<vmem_shared>> -> memref<10240x128xf32, #tpu.memory_space<vmem_shared>>
        tpu.wait_indirect_dma semaphore(%run_scoped3A_277 : memref<!tpu.dma_semaphore, #tpu.memory_space<semaphore_mem>>) src(%arg10 : memref<125x128xf32, #tpu.memory_space<vmem>>) dst(%dma_wait3A_289 : memref<10240x128xf32, #tpu.memory_space<vmem_shared>>)
        tpu.yield
      }) : () -> ()
      %mul3A_119 = arith.constant 5 : i32
      %mul3A_120 = arith.muli %add3A_58, %mul3A_119 : i32
      %add3A_121 = arith.constant 3 : i32
      %add3A_122 = arith.addi %mul3A_120, %add3A_121 : i32
      %add3A_123 = arith.constant 1 : i32
      %add3A_124 = arith.addi %add3A_122, %add3A_123 : i32
      %lt3A_125 = arith.constant 80 : i32
      %lt3A_126 = arith.cmpi slt, %add3A_124, %lt3A_125 : i32
      %convert_element_type3A_127 = arith.extui %lt3A_126 : i1 to i32
      %cond3A_128 = arith.constant 0 : i32
      %cond3A_129 = arith.cmpi ne, %convert_element_type3A_127, %cond3A_128 : i32
      scf.if %cond3A_129 {
        %dma_start3A_277 = arith.constant 4 : i32
        %dma_start3A_278 = arith.constant 0 : i32
        %dma_start3A_279 = tpu.memref_slice %arg6[%dma_start3A_277, %dma_start3A_278] : memref<5x125xi32, #tpu.memory_space<vmem>> -> memref<1x125xi32, #tpu.memory_space<vmem>>
        %dma_start3A_280 = tpu.memref_squeeze %dma_start3A_279 : memref<1x125xi32, #tpu.memory_space<vmem>> -> memref<125xi32, #tpu.memory_space<vmem>>
        %dma_start3A_281 = arith.constant 0 : i32
        %dma_start3A_282 = arith.constant 0 : i32
        %dma_start3A_283 = tpu.memref_slice %arg2[%dma_start3A_281, %dma_start3A_282] : memref<10240x128xf32, #tpu.memory_space<hbm>> -> memref<10240x128xf32, #tpu.memory_space<hbm>>
        tpu.enqueue_indirect_dma source(%dma_start3A_283 : memref<10240x128xf32, #tpu.memory_space<hbm>>) target(%arg10 : memref<125x128xf32, #tpu.memory_space<vmem>>) offsets(%dma_start3A_280 : memref<125xi32, #tpu.memory_space<vmem>>) semaphore(%arg12 : memref<!tpu.dma_semaphore, #tpu.memory_space<semaphore_mem>>)
      } else {
      }
      %dma_wait3A_130 = arith.constant 3 : i32
      %dma_wait3A_131 = arith.constant 0 : i32
      %dma_wait3A_132 = tpu.memref_slice %arg6[%dma_wait3A_130, %dma_wait3A_131] : memref<5x125xi32, #tpu.memory_space<vmem>> -> memref<1x125xi32, #tpu.memory_space<vmem>>
      %dma_wait3A_133 = tpu.memref_squeeze %dma_wait3A_132 : memref<1x125xi32, #tpu.memory_space<vmem>> -> memref<125xi32, #tpu.memory_space<vmem>>
      %dma_wait3A_134 = arith.constant 0 : i32
      %dma_wait3A_135 = arith.constant 0 : i32
      %dma_wait3A_136 = tpu.memref_slice %arg2[%dma_wait3A_134, %dma_wait3A_135] : memref<10240x128xf32, #tpu.memory_space<hbm>> -> memref<10240x128xf32, #tpu.memory_space<hbm>>
      tpu.wait_indirect_dma semaphore(%arg13 : memref<!tpu.dma_semaphore, #tpu.memory_space<semaphore_mem>>) src(%dma_wait3A_136 : memref<10240x128xf32, #tpu.memory_space<hbm>>) dst(%arg11 : memref<125x128xf32, #tpu.memory_space<vmem>>)
      %run_scoped3A_137 = arith.constant 3 : i32
      "tpu.region"() ({
        %run_scoped3A_277 = tpu.sem_alloc : memref<!tpu.dma_semaphore, #tpu.memory_space<semaphore_mem>>
        %dma_start3A_278 = arith.constant 0 : i32
        %dma_start3A_279 = tpu.memref_slice %arg8[%run_scoped3A_137, %dma_start3A_278] : memref<5x125xi32, #tpu.memory_space<vmem>> -> memref<1x125xi32, #tpu.memory_space<vmem>>
        %dma_start3A_280 = tpu.memref_squeeze %dma_start3A_279 : memref<1x125xi32, #tpu.memory_space<vmem>> -> memref<125xi32, #tpu.memory_space<vmem>>
        %dma_start3A_281 = arith.constant 0 : i32
        %dma_start3A_282 = arith.constant 0 : i32
        %dma_start3A_283 = tpu.memref_slice %arg16[%dma_start3A_281, %dma_start3A_282] : memref<10240x128xf32, #tpu.memory_space<vmem_shared>> -> memref<10240x128xf32, #tpu.memory_space<vmem_shared>>
        tpu.enqueue_indirect_dma source(%arg11 : memref<125x128xf32, #tpu.memory_space<vmem>>) target(%dma_start3A_283 : memref<10240x128xf32, #tpu.memory_space<vmem_shared>>) offsets(%dma_start3A_280 : memref<125xi32, #tpu.memory_space<vmem>>) semaphore(%run_scoped3A_277 : memref<!tpu.dma_semaphore, #tpu.memory_space<semaphore_mem>>) {add = true}
        %dma_wait3A_284 = arith.constant 0 : i32
        %dma_wait3A_285 = tpu.memref_slice %arg8[%run_scoped3A_137, %dma_wait3A_284] : memref<5x125xi32, #tpu.memory_space<vmem>> -> memref<1x125xi32, #tpu.memory_space<vmem>>
        %dma_wait3A_286 = tpu.memref_squeeze %dma_wait3A_285 : memref<1x125xi32, #tpu.memory_space<vmem>> -> memref<125xi32, #tpu.memory_space<vmem>>
        %dma_wait3A_287 = arith.constant 0 : i32
        %dma_wait3A_288 = arith.constant 0 : i32
        %dma_wait3A_289 = tpu.memref_slice %arg16[%dma_wait3A_287, %dma_wait3A_288] : memref<10240x128xf32, #tpu.memory_space<vmem_shared>> -> memref<10240x128xf32, #tpu.memory_space<vmem_shared>>
        tpu.wait_indirect_dma semaphore(%run_scoped3A_277 : memref<!tpu.dma_semaphore, #tpu.memory_space<semaphore_mem>>) src(%arg11 : memref<125x128xf32, #tpu.memory_space<vmem>>) dst(%dma_wait3A_289 : memref<10240x128xf32, #tpu.memory_space<vmem_shared>>)
        tpu.yield
      }) : () -> ()
      %mul3A_138 = arith.constant 5 : i32
      %mul3A_139 = arith.muli %add3A_58, %mul3A_138 : i32
      %add3A_140 = arith.constant 4 : i32
      %add3A_141 = arith.addi %mul3A_139, %add3A_140 : i32
      %add3A_142 = arith.constant 1 : i32
      %add3A_143 = arith.addi %add3A_141, %add3A_142 : i32
      %lt3A_144 = arith.constant 80 : i32
      %lt3A_145 = arith.cmpi slt, %add3A_143, %lt3A_144 : i32
      %convert_element_type3A_146 = arith.extui %lt3A_145 : i1 to i32
      %cond3A_147 = arith.constant 0 : i32
      %cond3A_148 = arith.cmpi ne, %convert_element_type3A_146, %cond3A_147 : i32
      scf.if %cond3A_148 {
        %dma_start3A_277 = arith.constant 0 : i32
        %dma_start3A_278 = arith.constant 0 : i32
        %dma_start3A_279 = tpu.memref_slice %arg7[%dma_start3A_277, %dma_start3A_278] : memref<5x125xi32, #tpu.memory_space<vmem>> -> memref<1x125xi32, #tpu.memory_space<vmem>>
        %dma_start3A_280 = tpu.memref_squeeze %dma_start3A_279 : memref<1x125xi32, #tpu.memory_space<vmem>> -> memref<125xi32, #tpu.memory_space<vmem>>
        %dma_start3A_281 = arith.constant 0 : i32
        %dma_start3A_282 = arith.constant 0 : i32
        %dma_start3A_283 = tpu.memref_slice %arg2[%dma_start3A_281, %dma_start3A_282] : memref<10240x128xf32, #tpu.memory_space<hbm>> -> memref<10240x128xf32, #tpu.memory_space<hbm>>
        tpu.enqueue_indirect_dma source(%dma_start3A_283 : memref<10240x128xf32, #tpu.memory_space<hbm>>) target(%arg11 : memref<125x128xf32, #tpu.memory_space<vmem>>) offsets(%dma_start3A_280 : memref<125xi32, #tpu.memory_space<vmem>>) semaphore(%arg13 : memref<!tpu.dma_semaphore, #tpu.memory_space<semaphore_mem>>)
      } else {
      }
      %dma_wait3A_149 = arith.constant 4 : i32
      %dma_wait3A_150 = arith.constant 0 : i32
      %dma_wait3A_151 = tpu.memref_slice %arg6[%dma_wait3A_149, %dma_wait3A_150] : memref<5x125xi32, #tpu.memory_space<vmem>> -> memref<1x125xi32, #tpu.memory_space<vmem>>
      %dma_wait3A_152 = tpu.memref_squeeze %dma_wait3A_151 : memref<1x125xi32, #tpu.memory_space<vmem>> -> memref<125xi32, #tpu.memory_space<vmem>>
      %dma_wait3A_153 = arith.constant 0 : i32
      %dma_wait3A_154 = arith.constant 0 : i32
      %dma_wait3A_155 = tpu.memref_slice %arg2[%dma_wait3A_153, %dma_wait3A_154] : memref<10240x128xf32, #tpu.memory_space<hbm>> -> memref<10240x128xf32, #tpu.memory_space<hbm>>
      tpu.wait_indirect_dma semaphore(%arg12 : memref<!tpu.dma_semaphore, #tpu.memory_space<semaphore_mem>>) src(%dma_wait3A_155 : memref<10240x128xf32, #tpu.memory_space<hbm>>) dst(%arg10 : memref<125x128xf32, #tpu.memory_space<vmem>>)
      %run_scoped3A_156 = arith.constant 4 : i32
      "tpu.region"() ({
        %run_scoped3A_277 = tpu.sem_alloc : memref<!tpu.dma_semaphore, #tpu.memory_space<semaphore_mem>>
        %dma_start3A_278 = arith.constant 0 : i32
        %dma_start3A_279 = tpu.memref_slice %arg8[%run_scoped3A_156, %dma_start3A_278] : memref<5x125xi32, #tpu.memory_space<vmem>> -> memref<1x125xi32, #tpu.memory_space<vmem>>
        %dma_start3A_280 = tpu.memref_squeeze %dma_start3A_279 : memref<1x125xi32, #tpu.memory_space<vmem>> -> memref<125xi32, #tpu.memory_space<vmem>>
        %dma_start3A_281 = arith.constant 0 : i32
        %dma_start3A_282 = arith.constant 0 : i32
        %dma_start3A_283 = tpu.memref_slice %arg16[%dma_start3A_281, %dma_start3A_282] : memref<10240x128xf32, #tpu.memory_space<vmem_shared>> -> memref<10240x128xf32, #tpu.memory_space<vmem_shared>>
        tpu.enqueue_indirect_dma source(%arg10 : memref<125x128xf32, #tpu.memory_space<vmem>>) target(%dma_start3A_283 : memref<10240x128xf32, #tpu.memory_space<vmem_shared>>) offsets(%dma_start3A_280 : memref<125xi32, #tpu.memory_space<vmem>>) semaphore(%run_scoped3A_277 : memref<!tpu.dma_semaphore, #tpu.memory_space<semaphore_mem>>) {add = true}
        %dma_wait3A_284 = arith.constant 0 : i32
        %dma_wait3A_285 = tpu.memref_slice %arg8[%run_scoped3A_156, %dma_wait3A_284] : memref<5x125xi32, #tpu.memory_space<vmem>> -> memref<1x125xi32, #tpu.memory_space<vmem>>
        %dma_wait3A_286 = tpu.memref_squeeze %dma_wait3A_285 : memref<1x125xi32, #tpu.memory_space<vmem>> -> memref<125xi32, #tpu.memory_space<vmem>>
        %dma_wait3A_287 = arith.constant 0 : i32
        %dma_wait3A_288 = arith.constant 0 : i32
        %dma_wait3A_289 = tpu.memref_slice %arg16[%dma_wait3A_287, %dma_wait3A_288] : memref<10240x128xf32, #tpu.memory_space<vmem_shared>> -> memref<10240x128xf32, #tpu.memory_space<vmem_shared>>
        tpu.wait_indirect_dma semaphore(%run_scoped3A_277 : memref<!tpu.dma_semaphore, #tpu.memory_space<semaphore_mem>>) src(%arg10 : memref<125x128xf32, #tpu.memory_space<vmem>>) dst(%dma_wait3A_289 : memref<10240x128xf32, #tpu.memory_space<vmem_shared>>)
        tpu.yield
      }) : () -> ()
      %add3A_157 = arith.constant 2 : i32
      %add3A_158 = arith.addi %add3A_58, %add3A_157 : i32
      %lt3A_159 = arith.constant 16 : i32
      %lt3A_160 = arith.cmpi slt, %add3A_158, %lt3A_159 : i32
      %convert_element_type3A_161 = arith.extui %lt3A_160 : i1 to i32
      %cond3A_162 = arith.constant 0 : i32
      %cond3A_163 = arith.cmpi ne, %convert_element_type3A_161, %cond3A_162 : i32
      scf.if %cond3A_163 {
        %add3A_277 = arith.constant 2 : i32
        %add3A_278 = arith.addi %add3A_58, %add3A_277 : i32
        %dma_start3A_279 = arith.constant 0 : i32
        %dma_start3A_280 = arith.constant 0 : i32
        %dma_start3A_281 = tpu.memref_slice %arg3[%add3A, %add3A_278, %dma_start3A_279, %dma_start3A_280] : memref<32x16x5x125xi32, #tpu.memory_space<hbm>> -> memref<1x1x5x125xi32, #tpu.memory_space<hbm>>
        %dma_start3A_282 = tpu.memref_squeeze %dma_start3A_281 : memref<1x1x5x125xi32, #tpu.memory_space<hbm>> -> memref<5x125xi32, #tpu.memory_space<hbm>>
        %dma_start3A_283 = arith.constant 0 : i32
        %dma_start3A_284 = arith.constant 0 : i32
        %dma_start3A_285 = tpu.memref_slice %arg3[%add3A, %add3A_278, %dma_start3A_283, %dma_start3A_284] : memref<32x16x5x125xi32, #tpu.memory_space<hbm>> -> memref<1x1x5x125xi32, #tpu.memory_space<hbm>>
        %dma_start3A_286 = tpu.memref_squeeze %dma_start3A_285 : memref<1x1x5x125xi32, #tpu.memory_space<hbm>> -> memref<5x125xi32, #tpu.memory_space<hbm>>
        tpu.enqueue_dma source(%dma_start3A_286 : memref<5x125xi32, #tpu.memory_space<hbm>>) target(%arg6 : memref<5x125xi32, #tpu.memory_space<vmem>>) target_semaphore(%arg14 : memref<!tpu.dma_semaphore, #tpu.memory_space<semaphore_mem>>)
        %dma_start3A_287 = arith.constant 0 : i32
        %dma_start3A_288 = arith.constant 0 : i32
        %dma_start3A_289 = tpu.memref_slice %arg4[%add3A, %add3A_278, %dma_start3A_287, %dma_start3A_288] : memref<32x16x5x125xi32, #tpu.memory_space<hbm>> -> memref<1x1x5x125xi32, #tpu.memory_space<hbm>>
        %dma_start3A_290 = tpu.memref_squeeze %dma_start3A_289 : memref<1x1x5x125xi32, #tpu.memory_space<hbm>> -> memref<5x125xi32, #tpu.memory_space<hbm>>
        %dma_start3A_291 = arith.constant 0 : i32
        %dma_start3A_292 = arith.constant 0 : i32
        %dma_start3A_293 = tpu.memref_slice %arg4[%add3A, %add3A_278, %dma_start3A_291, %dma_start3A_292] : memref<32x16x5x125xi32, #tpu.memory_space<hbm>> -> memref<1x1x5x125xi32, #tpu.memory_space<hbm>>
        %dma_start3A_294 = tpu.memref_squeeze %dma_start3A_293 : memref<1x1x5x125xi32, #tpu.memory_space<hbm>> -> memref<5x125xi32, #tpu.memory_space<hbm>>
        tpu.enqueue_dma source(%dma_start3A_294 : memref<5x125xi32, #tpu.memory_space<hbm>>) target(%arg8 : memref<5x125xi32, #tpu.memory_space<vmem>>) target_semaphore(%arg14 : memref<!tpu.dma_semaphore, #tpu.memory_space<semaphore_mem>>)
      } else {
      }
      %mul3A_164 = arith.constant 2 : i32
      %mul3A_165 = arith.muli %scan3A_54, %mul3A_164 : i32
      %add3A_166 = arith.constant 1 : i32
      %add3A_167 = arith.addi %mul3A_165, %add3A_166 : i32
      %add3A_168 = arith.constant 1 : i32
      %add3A_169 = arith.addi %add3A_167, %add3A_168 : i32
      %lt3A_170 = arith.constant 16 : i32
      %lt3A_171 = arith.cmpi slt, %add3A_169, %lt3A_170 : i32
      %convert_element_type3A_172 = arith.extui %lt3A_171 : i1 to i32
      %cond3A_173 = arith.constant 0 : i32
      %cond3A_174 = arith.cmpi ne, %convert_element_type3A_172, %cond3A_173 : i32
      scf.if %cond3A_174 {
        %add3A_277 = arith.constant 1 : i32
        %add3A_278 = arith.addi %add3A_167, %add3A_277 : i32
        %dma_wait3A_279 = arith.constant 0 : i32
        %dma_wait3A_280 = arith.constant 0 : i32
        %dma_wait3A_281 = tpu.memref_slice %arg3[%add3A, %add3A_278, %dma_wait3A_279, %dma_wait3A_280] : memref<32x16x5x125xi32, #tpu.memory_space<hbm>> -> memref<1x1x5x125xi32, #tpu.memory_space<hbm>>
        %dma_wait3A_282 = tpu.memref_squeeze %dma_wait3A_281 : memref<1x1x5x125xi32, #tpu.memory_space<hbm>> -> memref<5x125xi32, #tpu.memory_space<hbm>>
        %dma_wait3A_283 = arith.constant 0 : i32
        %dma_wait3A_284 = arith.constant 0 : i32
        %dma_wait3A_285 = tpu.memref_slice %arg3[%add3A, %add3A_278, %dma_wait3A_283, %dma_wait3A_284] : memref<32x16x5x125xi32, #tpu.memory_space<hbm>> -> memref<1x1x5x125xi32, #tpu.memory_space<hbm>>
        %dma_wait3A_286 = tpu.memref_squeeze %dma_wait3A_285 : memref<1x1x5x125xi32, #tpu.memory_space<hbm>> -> memref<5x125xi32, #tpu.memory_space<hbm>>
        tpu.wait_dma2 semaphore(%arg14 : memref<!tpu.dma_semaphore, #tpu.memory_space<semaphore_mem>>) src(%dma_wait3A_286 : memref<5x125xi32, #tpu.memory_space<hbm>>) dst(%arg6 : memref<5x125xi32, #tpu.memory_space<vmem>>)
        %dma_wait3A_287 = arith.constant 0 : i32
        %dma_wait3A_288 = arith.constant 0 : i32
        %dma_wait3A_289 = tpu.memref_slice %arg4[%add3A, %add3A_278, %dma_wait3A_287, %dma_wait3A_288] : memref<32x16x5x125xi32, #tpu.memory_space<hbm>> -> memref<1x1x5x125xi32, #tpu.memory_space<hbm>>
        %dma_wait3A_290 = tpu.memref_squeeze %dma_wait3A_289 : memref<1x1x5x125xi32, #tpu.memory_space<hbm>> -> memref<5x125xi32, #tpu.memory_space<hbm>>
        %dma_wait3A_291 = arith.constant 0 : i32
        %dma_wait3A_292 = arith.constant 0 : i32
        %dma_wait3A_293 = tpu.memref_slice %arg4[%add3A, %add3A_278, %dma_wait3A_291, %dma_wait3A_292] : memref<32x16x5x125xi32, #tpu.memory_space<hbm>> -> memref<1x1x5x125xi32, #tpu.memory_space<hbm>>
        %dma_wait3A_294 = tpu.memref_squeeze %dma_wait3A_293 : memref<1x1x5x125xi32, #tpu.memory_space<hbm>> -> memref<5x125xi32, #tpu.memory_space<hbm>>
        tpu.wait_dma2 semaphore(%arg14 : memref<!tpu.dma_semaphore, #tpu.memory_space<semaphore_mem>>) src(%dma_wait3A_294 : memref<5x125xi32, #tpu.memory_space<hbm>>) dst(%arg8 : memref<5x125xi32, #tpu.memory_space<vmem>>)
      } else {
      }
      %mul3A_175 = arith.constant 5 : i32
      %mul3A_176 = arith.muli %add3A_167, %mul3A_175 : i32
      %add3A_177 = arith.constant 0 : i32
      %add3A_178 = arith.addi %mul3A_176, %add3A_177 : i32
      %add3A_179 = arith.constant 1 : i32
      %add3A_180 = arith.addi %add3A_178, %add3A_179 : i32
      %lt3A_181 = arith.constant 80 : i32
      %lt3A_182 = arith.cmpi slt, %add3A_180, %lt3A_181 : i32
      %convert_element_type3A_183 = arith.extui %lt3A_182 : i1 to i32
      %cond3A_184 = arith.constant 0 : i32
      %cond3A_185 = arith.cmpi ne, %convert_element_type3A_183, %cond3A_184 : i32
      scf.if %cond3A_185 {
        %dma_start3A_277 = arith.constant 1 : i32
        %dma_start3A_278 = arith.constant 0 : i32
        %dma_start3A_279 = tpu.memref_slice %arg7[%dma_start3A_277, %dma_start3A_278] : memref<5x125xi32, #tpu.memory_space<vmem>> -> memref<1x125xi32, #tpu.memory_space<vmem>>
        %dma_start3A_280 = tpu.memref_squeeze %dma_start3A_279 : memref<1x125xi32, #tpu.memory_space<vmem>> -> memref<125xi32, #tpu.memory_space<vmem>>
        %dma_start3A_281 = arith.constant 0 : i32
        %dma_start3A_282 = arith.constant 0 : i32
        %dma_start3A_283 = tpu.memref_slice %arg2[%dma_start3A_281, %dma_start3A_282] : memref<10240x128xf32, #tpu.memory_space<hbm>> -> memref<10240x128xf32, #tpu.memory_space<hbm>>
        tpu.enqueue_indirect_dma source(%dma_start3A_283 : memref<10240x128xf32, #tpu.memory_space<hbm>>) target(%arg10 : memref<125x128xf32, #tpu.memory_space<vmem>>) offsets(%dma_start3A_280 : memref<125xi32, #tpu.memory_space<vmem>>) semaphore(%arg12 : memref<!tpu.dma_semaphore, #tpu.memory_space<semaphore_mem>>)
      } else {
      }
      %dma_wait3A_186 = arith.constant 0 : i32
      %dma_wait3A_187 = arith.constant 0 : i32
      %dma_wait3A_188 = tpu.memref_slice %arg7[%dma_wait3A_186, %dma_wait3A_187] : memref<5x125xi32, #tpu.memory_space<vmem>> -> memref<1x125xi32, #tpu.memory_space<vmem>>
      %dma_wait3A_189 = tpu.memref_squeeze %dma_wait3A_188 : memref<1x125xi32, #tpu.memory_space<vmem>> -> memref<125xi32, #tpu.memory_space<vmem>>
      %dma_wait3A_190 = arith.constant 0 : i32
      %dma_wait3A_191 = arith.constant 0 : i32
      %dma_wait3A_192 = tpu.memref_slice %arg2[%dma_wait3A_190, %dma_wait3A_191] : memref<10240x128xf32, #tpu.memory_space<hbm>> -> memref<10240x128xf32, #tpu.memory_space<hbm>>
      tpu.wait_indirect_dma semaphore(%arg13 : memref<!tpu.dma_semaphore, #tpu.memory_space<semaphore_mem>>) src(%dma_wait3A_192 : memref<10240x128xf32, #tpu.memory_space<hbm>>) dst(%arg11 : memref<125x128xf32, #tpu.memory_space<vmem>>)
      %run_scoped3A_193 = arith.constant 0 : i32
      "tpu.region"() ({
        %run_scoped3A_277 = tpu.sem_alloc : memref<!tpu.dma_semaphore, #tpu.memory_space<semaphore_mem>>
        %dma_start3A_278 = arith.constant 0 : i32
        %dma_start3A_279 = tpu.memref_slice %arg9[%run_scoped3A_193, %dma_start3A_278] : memref<5x125xi32, #tpu.memory_space<vmem>> -> memref<1x125xi32, #tpu.memory_space<vmem>>
        %dma_start3A_280 = tpu.memref_squeeze %dma_start3A_279 : memref<1x125xi32, #tpu.memory_space<vmem>> -> memref<125xi32, #tpu.memory_space<vmem>>
        %dma_start3A_281 = arith.constant 0 : i32
        %dma_start3A_282 = arith.constant 0 : i32
        %dma_start3A_283 = tpu.memref_slice %arg16[%dma_start3A_281, %dma_start3A_282] : memref<10240x128xf32, #tpu.memory_space<vmem_shared>> -> memref<10240x128xf32, #tpu.memory_space<vmem_shared>>
        tpu.enqueue_indirect_dma source(%arg11 : memref<125x128xf32, #tpu.memory_space<vmem>>) target(%dma_start3A_283 : memref<10240x128xf32, #tpu.memory_space<vmem_shared>>) offsets(%dma_start3A_280 : memref<125xi32, #tpu.memory_space<vmem>>) semaphore(%run_scoped3A_277 : memref<!tpu.dma_semaphore, #tpu.memory_space<semaphore_mem>>) {add = true}
        %dma_wait3A_284 = arith.constant 0 : i32
        %dma_wait3A_285 = tpu.memref_slice %arg9[%run_scoped3A_193, %dma_wait3A_284] : memref<5x125xi32, #tpu.memory_space<vmem>> -> memref<1x125xi32, #tpu.memory_space<vmem>>
        %dma_wait3A_286 = tpu.memref_squeeze %dma_wait3A_285 : memref<1x125xi32, #tpu.memory_space<vmem>> -> memref<125xi32, #tpu.memory_space<vmem>>
        %dma_wait3A_287 = arith.constant 0 : i32
        %dma_wait3A_288 = arith.constant 0 : i32
        %dma_wait3A_289 = tpu.memref_slice %arg16[%dma_wait3A_287, %dma_wait3A_288] : memref<10240x128xf32, #tpu.memory_space<vmem_shared>> -> memref<10240x128xf32, #tpu.memory_space<vmem_shared>>
        tpu.wait_indirect_dma semaphore(%run_scoped3A_277 : memref<!tpu.dma_semaphore, #tpu.memory_space<semaphore_mem>>) src(%arg11 : memref<125x128xf32, #tpu.memory_space<vmem>>) dst(%dma_wait3A_289 : memref<10240x128xf32, #tpu.memory_space<vmem_shared>>)
        tpu.yield
      }) : () -> ()
      %mul3A_194 = arith.constant 5 : i32
      %mul3A_195 = arith.muli %add3A_167, %mul3A_194 : i32
      %add3A_196 = arith.constant 1 : i32
      %add3A_197 = arith.addi %mul3A_195, %add3A_196 : i32
      %add3A_198 = arith.constant 1 : i32
      %add3A_199 = arith.addi %add3A_197, %add3A_198 : i32
      %lt3A_200 = arith.constant 80 : i32
      %lt3A_201 = arith.cmpi slt, %add3A_199, %lt3A_200 : i32
      %convert_element_type3A_202 = arith.extui %lt3A_201 : i1 to i32
      %cond3A_203 = arith.constant 0 : i32
      %cond3A_204 = arith.cmpi ne, %convert_element_type3A_202, %cond3A_203 : i32
      scf.if %cond3A_204 {
        %dma_start3A_277 = arith.constant 2 : i32
        %dma_start3A_278 = arith.constant 0 : i32
        %dma_start3A_279 = tpu.memref_slice %arg7[%dma_start3A_277, %dma_start3A_278] : memref<5x125xi32, #tpu.memory_space<vmem>> -> memref<1x125xi32, #tpu.memory_space<vmem>>
        %dma_start3A_280 = tpu.memref_squeeze %dma_start3A_279 : memref<1x125xi32, #tpu.memory_space<vmem>> -> memref<125xi32, #tpu.memory_space<vmem>>
        %dma_start3A_281 = arith.constant 0 : i32
        %dma_start3A_282 = arith.constant 0 : i32
        %dma_start3A_283 = tpu.memref_slice %arg2[%dma_start3A_281, %dma_start3A_282] : memref<10240x128xf32, #tpu.memory_space<hbm>> -> memref<10240x128xf32, #tpu.memory_space<hbm>>
        tpu.enqueue_indirect_dma source(%dma_start3A_283 : memref<10240x128xf32, #tpu.memory_space<hbm>>) target(%arg11 : memref<125x128xf32, #tpu.memory_space<vmem>>) offsets(%dma_start3A_280 : memref<125xi32, #tpu.memory_space<vmem>>) semaphore(%arg13 : memref<!tpu.dma_semaphore, #tpu.memory_space<semaphore_mem>>)
      } else {
      }
      %dma_wait3A_205 = arith.constant 1 : i32
      %dma_wait3A_206 = arith.constant 0 : i32
      %dma_wait3A_207 = tpu.memref_slice %arg7[%dma_wait3A_205, %dma_wait3A_206] : memref<5x125xi32, #tpu.memory_space<vmem>> -> memref<1x125xi32, #tpu.memory_space<vmem>>
      %dma_wait3A_208 = tpu.memref_squeeze %dma_wait3A_207 : memref<1x125xi32, #tpu.memory_space<vmem>> -> memref<125xi32, #tpu.memory_space<vmem>>
      %dma_wait3A_209 = arith.constant 0 : i32
      %dma_wait3A_210 = arith.constant 0 : i32
      %dma_wait3A_211 = tpu.memref_slice %arg2[%dma_wait3A_209, %dma_wait3A_210] : memref<10240x128xf32, #tpu.memory_space<hbm>> -> memref<10240x128xf32, #tpu.memory_space<hbm>>
      tpu.wait_indirect_dma semaphore(%arg12 : memref<!tpu.dma_semaphore, #tpu.memory_space<semaphore_mem>>) src(%dma_wait3A_211 : memref<10240x128xf32, #tpu.memory_space<hbm>>) dst(%arg10 : memref<125x128xf32, #tpu.memory_space<vmem>>)
      %run_scoped3A_212 = arith.constant 1 : i32
      "tpu.region"() ({
        %run_scoped3A_277 = tpu.sem_alloc : memref<!tpu.dma_semaphore, #tpu.memory_space<semaphore_mem>>
        %dma_start3A_278 = arith.constant 0 : i32
        %dma_start3A_279 = tpu.memref_slice %arg9[%run_scoped3A_212, %dma_start3A_278] : memref<5x125xi32, #tpu.memory_space<vmem>> -> memref<1x125xi32, #tpu.memory_space<vmem>>
        %dma_start3A_280 = tpu.memref_squeeze %dma_start3A_279 : memref<1x125xi32, #tpu.memory_space<vmem>> -> memref<125xi32, #tpu.memory_space<vmem>>
        %dma_start3A_281 = arith.constant 0 : i32
        %dma_start3A_282 = arith.constant 0 : i32
        %dma_start3A_283 = tpu.memref_slice %arg16[%dma_start3A_281, %dma_start3A_282] : memref<10240x128xf32, #tpu.memory_space<vmem_shared>> -> memref<10240x128xf32, #tpu.memory_space<vmem_shared>>
        tpu.enqueue_indirect_dma source(%arg10 : memref<125x128xf32, #tpu.memory_space<vmem>>) target(%dma_start3A_283 : memref<10240x128xf32, #tpu.memory_space<vmem_shared>>) offsets(%dma_start3A_280 : memref<125xi32, #tpu.memory_space<vmem>>) semaphore(%run_scoped3A_277 : memref<!tpu.dma_semaphore, #tpu.memory_space<semaphore_mem>>) {add = true}
        %dma_wait3A_284 = arith.constant 0 : i32
        %dma_wait3A_285 = tpu.memref_slice %arg9[%run_scoped3A_212, %dma_wait3A_284] : memref<5x125xi32, #tpu.memory_space<vmem>> -> memref<1x125xi32, #tpu.memory_space<vmem>>
        %dma_wait3A_286 = tpu.memref_squeeze %dma_wait3A_285 : memref<1x125xi32, #tpu.memory_space<vmem>> -> memref<125xi32, #tpu.memory_space<vmem>>
        %dma_wait3A_287 = arith.constant 0 : i32
        %dma_wait3A_288 = arith.constant 0 : i32
        %dma_wait3A_289 = tpu.memref_slice %arg16[%dma_wait3A_287, %dma_wait3A_288] : memref<10240x128xf32, #tpu.memory_space<vmem_shared>> -> memref<10240x128xf32, #tpu.memory_space<vmem_shared>>
        tpu.wait_indirect_dma semaphore(%run_scoped3A_277 : memref<!tpu.dma_semaphore, #tpu.memory_space<semaphore_mem>>) src(%arg10 : memref<125x128xf32, #tpu.memory_space<vmem>>) dst(%dma_wait3A_289 : memref<10240x128xf32, #tpu.memory_space<vmem_shared>>)
        tpu.yield
      }) : () -> ()
      %mul3A_213 = arith.constant 5 : i32
      %mul3A_214 = arith.muli %add3A_167, %mul3A_213 : i32
      %add3A_215 = arith.constant 2 : i32
      %add3A_216 = arith.addi %mul3A_214, %add3A_215 : i32
      %add3A_217 = arith.constant 1 : i32
      %add3A_218 = arith.addi %add3A_216, %add3A_217 : i32
      %lt3A_219 = arith.constant 80 : i32
      %lt3A_220 = arith.cmpi slt, %add3A_218, %lt3A_219 : i32
      %convert_element_type3A_221 = arith.extui %lt3A_220 : i1 to i32
      %cond3A_222 = arith.constant 0 : i32
      %cond3A_223 = arith.cmpi ne, %convert_element_type3A_221, %cond3A_222 : i32
      scf.if %cond3A_223 {
        %dma_start3A_277 = arith.constant 3 : i32
        %dma_start3A_278 = arith.constant 0 : i32
        %dma_start3A_279 = tpu.memref_slice %arg7[%dma_start3A_277, %dma_start3A_278] : memref<5x125xi32, #tpu.memory_space<vmem>> -> memref<1x125xi32, #tpu.memory_space<vmem>>
        %dma_start3A_280 = tpu.memref_squeeze %dma_start3A_279 : memref<1x125xi32, #tpu.memory_space<vmem>> -> memref<125xi32, #tpu.memory_space<vmem>>
        %dma_start3A_281 = arith.constant 0 : i32
        %dma_start3A_282 = arith.constant 0 : i32
        %dma_start3A_283 = tpu.memref_slice %arg2[%dma_start3A_281, %dma_start3A_282] : memref<10240x128xf32, #tpu.memory_space<hbm>> -> memref<10240x128xf32, #tpu.memory_space<hbm>>
        tpu.enqueue_indirect_dma source(%dma_start3A_283 : memref<10240x128xf32, #tpu.memory_space<hbm>>) target(%arg10 : memref<125x128xf32, #tpu.memory_space<vmem>>) offsets(%dma_start3A_280 : memref<125xi32, #tpu.memory_space<vmem>>) semaphore(%arg12 : memref<!tpu.dma_semaphore, #tpu.memory_space<semaphore_mem>>)
      } else {
      }
      %dma_wait3A_224 = arith.constant 2 : i32
      %dma_wait3A_225 = arith.constant 0 : i32
      %dma_wait3A_226 = tpu.memref_slice %arg7[%dma_wait3A_224, %dma_wait3A_225] : memref<5x125xi32, #tpu.memory_space<vmem>> -> memref<1x125xi32, #tpu.memory_space<vmem>>
      %dma_wait3A_227 = tpu.memref_squeeze %dma_wait3A_226 : memref<1x125xi32, #tpu.memory_space<vmem>> -> memref<125xi32, #tpu.memory_space<vmem>>
      %dma_wait3A_228 = arith.constant 0 : i32
      %dma_wait3A_229 = arith.constant 0 : i32
      %dma_wait3A_230 = tpu.memref_slice %arg2[%dma_wait3A_228, %dma_wait3A_229] : memref<10240x128xf32, #tpu.memory_space<hbm>> -> memref<10240x128xf32, #tpu.memory_space<hbm>>
      tpu.wait_indirect_dma semaphore(%arg13 : memref<!tpu.dma_semaphore, #tpu.memory_space<semaphore_mem>>) src(%dma_wait3A_230 : memref<10240x128xf32, #tpu.memory_space<hbm>>) dst(%arg11 : memref<125x128xf32, #tpu.memory_space<vmem>>)
      %run_scoped3A_231 = arith.constant 2 : i32
      "tpu.region"() ({
        %run_scoped3A_277 = tpu.sem_alloc : memref<!tpu.dma_semaphore, #tpu.memory_space<semaphore_mem>>
        %dma_start3A_278 = arith.constant 0 : i32
        %dma_start3A_279 = tpu.memref_slice %arg9[%run_scoped3A_231, %dma_start3A_278] : memref<5x125xi32, #tpu.memory_space<vmem>> -> memref<1x125xi32, #tpu.memory_space<vmem>>
        %dma_start3A_280 = tpu.memref_squeeze %dma_start3A_279 : memref<1x125xi32, #tpu.memory_space<vmem>> -> memref<125xi32, #tpu.memory_space<vmem>>
        %dma_start3A_281 = arith.constant 0 : i32
        %dma_start3A_282 = arith.constant 0 : i32
        %dma_start3A_283 = tpu.memref_slice %arg16[%dma_start3A_281, %dma_start3A_282] : memref<10240x128xf32, #tpu.memory_space<vmem_shared>> -> memref<10240x128xf32, #tpu.memory_space<vmem_shared>>
        tpu.enqueue_indirect_dma source(%arg11 : memref<125x128xf32, #tpu.memory_space<vmem>>) target(%dma_start3A_283 : memref<10240x128xf32, #tpu.memory_space<vmem_shared>>) offsets(%dma_start3A_280 : memref<125xi32, #tpu.memory_space<vmem>>) semaphore(%run_scoped3A_277 : memref<!tpu.dma_semaphore, #tpu.memory_space<semaphore_mem>>) {add = true}
        %dma_wait3A_284 = arith.constant 0 : i32
        %dma_wait3A_285 = tpu.memref_slice %arg9[%run_scoped3A_231, %dma_wait3A_284] : memref<5x125xi32, #tpu.memory_space<vmem>> -> memref<1x125xi32, #tpu.memory_space<vmem>>
        %dma_wait3A_286 = tpu.memref_squeeze %dma_wait3A_285 : memref<1x125xi32, #tpu.memory_space<vmem>> -> memref<125xi32, #tpu.memory_space<vmem>>
        %dma_wait3A_287 = arith.constant 0 : i32
        %dma_wait3A_288 = arith.constant 0 : i32
        %dma_wait3A_289 = tpu.memref_slice %arg16[%dma_wait3A_287, %dma_wait3A_288] : memref<10240x128xf32, #tpu.memory_space<vmem_shared>> -> memref<10240x128xf32, #tpu.memory_space<vmem_shared>>
        tpu.wait_indirect_dma semaphore(%run_scoped3A_277 : memref<!tpu.dma_semaphore, #tpu.memory_space<semaphore_mem>>) src(%arg11 : memref<125x128xf32, #tpu.memory_space<vmem>>) dst(%dma_wait3A_289 : memref<10240x128xf32, #tpu.memory_space<vmem_shared>>)
        tpu.yield
      }) : () -> ()
      %mul3A_232 = arith.constant 5 : i32
      %mul3A_233 = arith.muli %add3A_167, %mul3A_232 : i32
      %add3A_234 = arith.constant 3 : i32
      %add3A_235 = arith.addi %mul3A_233, %add3A_234 : i32
      %add3A_236 = arith.constant 1 : i32
      %add3A_237 = arith.addi %add3A_235, %add3A_236 : i32
      %lt3A_238 = arith.constant 80 : i32
      %lt3A_239 = arith.cmpi slt, %add3A_237, %lt3A_238 : i32
      %convert_element_type3A_240 = arith.extui %lt3A_239 : i1 to i32
      %cond3A_241 = arith.constant 0 : i32
      %cond3A_242 = arith.cmpi ne, %convert_element_type3A_240, %cond3A_241 : i32
      scf.if %cond3A_242 {
        %dma_start3A_277 = arith.constant 4 : i32
        %dma_start3A_278 = arith.constant 0 : i32
        %dma_start3A_279 = tpu.memref_slice %arg7[%dma_start3A_277, %dma_start3A_278] : memref<5x125xi32, #tpu.memory_space<vmem>> -> memref<1x125xi32, #tpu.memory_space<vmem>>
        %dma_start3A_280 = tpu.memref_squeeze %dma_start3A_279 : memref<1x125xi32, #tpu.memory_space<vmem>> -> memref<125xi32, #tpu.memory_space<vmem>>
        %dma_start3A_281 = arith.constant 0 : i32
        %dma_start3A_282 = arith.constant 0 : i32
        %dma_start3A_283 = tpu.memref_slice %arg2[%dma_start3A_281, %dma_start3A_282] : memref<10240x128xf32, #tpu.memory_space<hbm>> -> memref<10240x128xf32, #tpu.memory_space<hbm>>
        tpu.enqueue_indirect_dma source(%dma_start3A_283 : memref<10240x128xf32, #tpu.memory_space<hbm>>) target(%arg11 : memref<125x128xf32, #tpu.memory_space<vmem>>) offsets(%dma_start3A_280 : memref<125xi32, #tpu.memory_space<vmem>>) semaphore(%arg13 : memref<!tpu.dma_semaphore, #tpu.memory_space<semaphore_mem>>)
      } else {
      }
      %dma_wait3A_243 = arith.constant 3 : i32
      %dma_wait3A_244 = arith.constant 0 : i32
      %dma_wait3A_245 = tpu.memref_slice %arg7[%dma_wait3A_243, %dma_wait3A_244] : memref<5x125xi32, #tpu.memory_space<vmem>> -> memref<1x125xi32, #tpu.memory_space<vmem>>
      %dma_wait3A_246 = tpu.memref_squeeze %dma_wait3A_245 : memref<1x125xi32, #tpu.memory_space<vmem>> -> memref<125xi32, #tpu.memory_space<vmem>>
      %dma_wait3A_247 = arith.constant 0 : i32
      %dma_wait3A_248 = arith.constant 0 : i32
      %dma_wait3A_249 = tpu.memref_slice %arg2[%dma_wait3A_247, %dma_wait3A_248] : memref<10240x128xf32, #tpu.memory_space<hbm>> -> memref<10240x128xf32, #tpu.memory_space<hbm>>
      tpu.wait_indirect_dma semaphore(%arg12 : memref<!tpu.dma_semaphore, #tpu.memory_space<semaphore_mem>>) src(%dma_wait3A_249 : memref<10240x128xf32, #tpu.memory_space<hbm>>) dst(%arg10 : memref<125x128xf32, #tpu.memory_space<vmem>>)
      %run_scoped3A_250 = arith.constant 3 : i32
      "tpu.region"() ({
        %run_scoped3A_277 = tpu.sem_alloc : memref<!tpu.dma_semaphore, #tpu.memory_space<semaphore_mem>>
        %dma_start3A_278 = arith.constant 0 : i32
        %dma_start3A_279 = tpu.memref_slice %arg9[%run_scoped3A_250, %dma_start3A_278] : memref<5x125xi32, #tpu.memory_space<vmem>> -> memref<1x125xi32, #tpu.memory_space<vmem>>
        %dma_start3A_280 = tpu.memref_squeeze %dma_start3A_279 : memref<1x125xi32, #tpu.memory_space<vmem>> -> memref<125xi32, #tpu.memory_space<vmem>>
        %dma_start3A_281 = arith.constant 0 : i32
        %dma_start3A_282 = arith.constant 0 : i32
        %dma_start3A_283 = tpu.memref_slice %arg16[%dma_start3A_281, %dma_start3A_282] : memref<10240x128xf32, #tpu.memory_space<vmem_shared>> -> memref<10240x128xf32, #tpu.memory_space<vmem_shared>>
        tpu.enqueue_indirect_dma source(%arg10 : memref<125x128xf32, #tpu.memory_space<vmem>>) target(%dma_start3A_283 : memref<10240x128xf32, #tpu.memory_space<vmem_shared>>) offsets(%dma_start3A_280 : memref<125xi32, #tpu.memory_space<vmem>>) semaphore(%run_scoped3A_277 : memref<!tpu.dma_semaphore, #tpu.memory_space<semaphore_mem>>) {add = true}
        %dma_wait3A_284 = arith.constant 0 : i32
        %dma_wait3A_285 = tpu.memref_slice %arg9[%run_scoped3A_250, %dma_wait3A_284] : memref<5x125xi32, #tpu.memory_space<vmem>> -> memref<1x125xi32, #tpu.memory_space<vmem>>
        %dma_wait3A_286 = tpu.memref_squeeze %dma_wait3A_285 : memref<1x125xi32, #tpu.memory_space<vmem>> -> memref<125xi32, #tpu.memory_space<vmem>>
        %dma_wait3A_287 = arith.constant 0 : i32
        %dma_wait3A_288 = arith.constant 0 : i32
        %dma_wait3A_289 = tpu.memref_slice %arg16[%dma_wait3A_287, %dma_wait3A_288] : memref<10240x128xf32, #tpu.memory_space<vmem_shared>> -> memref<10240x128xf32, #tpu.memory_space<vmem_shared>>
        tpu.wait_indirect_dma semaphore(%run_scoped3A_277 : memref<!tpu.dma_semaphore, #tpu.memory_space<semaphore_mem>>) src(%arg10 : memref<125x128xf32, #tpu.memory_space<vmem>>) dst(%dma_wait3A_289 : memref<10240x128xf32, #tpu.memory_space<vmem_shared>>)
        tpu.yield
      }) : () -> ()
      %mul3A_251 = arith.constant 5 : i32
      %mul3A_252 = arith.muli %add3A_167, %mul3A_251 : i32
      %add3A_253 = arith.constant 4 : i32
      %add3A_254 = arith.addi %mul3A_252, %add3A_253 : i32
      %add3A_255 = arith.constant 1 : i32
      %add3A_256 = arith.addi %add3A_254, %add3A_255 : i32
      %lt3A_257 = arith.constant 80 : i32
      %lt3A_258 = arith.cmpi slt, %add3A_256, %lt3A_257 : i32
      %convert_element_type3A_259 = arith.extui %lt3A_258 : i1 to i32
      %cond3A_260 = arith.constant 0 : i32
      %cond3A_261 = arith.cmpi ne, %convert_element_type3A_259, %cond3A_260 : i32
      scf.if %cond3A_261 {
        %dma_start3A_277 = arith.constant 0 : i32
        %dma_start3A_278 = arith.constant 0 : i32
        %dma_start3A_279 = tpu.memref_slice %arg6[%dma_start3A_277, %dma_start3A_278] : memref<5x125xi32, #tpu.memory_space<vmem>> -> memref<1x125xi32, #tpu.memory_space<vmem>>
        %dma_start3A_280 = tpu.memref_squeeze %dma_start3A_279 : memref<1x125xi32, #tpu.memory_space<vmem>> -> memref<125xi32, #tpu.memory_space<vmem>>
        %dma_start3A_281 = arith.constant 0 : i32
        %dma_start3A_282 = arith.constant 0 : i32
        %dma_start3A_283 = tpu.memref_slice %arg2[%dma_start3A_281, %dma_start3A_282] : memref<10240x128xf32, #tpu.memory_space<hbm>> -> memref<10240x128xf32, #tpu.memory_space<hbm>>
        tpu.enqueue_indirect_dma source(%dma_start3A_283 : memref<10240x128xf32, #tpu.memory_space<hbm>>) target(%arg10 : memref<125x128xf32, #tpu.memory_space<vmem>>) offsets(%dma_start3A_280 : memref<125xi32, #tpu.memory_space<vmem>>) semaphore(%arg12 : memref<!tpu.dma_semaphore, #tpu.memory_space<semaphore_mem>>)
      } else {
      }
      %dma_wait3A_262 = arith.constant 4 : i32
      %dma_wait3A_263 = arith.constant 0 : i32
      %dma_wait3A_264 = tpu.memref_slice %arg7[%dma_wait3A_262, %dma_wait3A_263] : memref<5x125xi32, #tpu.memory_space<vmem>> -> memref<1x125xi32, #tpu.memory_space<vmem>>
      %dma_wait3A_265 = tpu.memref_squeeze %dma_wait3A_264 : memref<1x125xi32, #tpu.memory_space<vmem>> -> memref<125xi32, #tpu.memory_space<vmem>>
      %dma_wait3A_266 = arith.constant 0 : i32
      %dma_wait3A_267 = arith.constant 0 : i32
      %dma_wait3A_268 = tpu.memref_slice %arg2[%dma_wait3A_266, %dma_wait3A_267] : memref<10240x128xf32, #tpu.memory_space<hbm>> -> memref<10240x128xf32, #tpu.memory_space<hbm>>
      tpu.wait_indirect_dma semaphore(%arg13 : memref<!tpu.dma_semaphore, #tpu.memory_space<semaphore_mem>>) src(%dma_wait3A_268 : memref<10240x128xf32, #tpu.memory_space<hbm>>) dst(%arg11 : memref<125x128xf32, #tpu.memory_space<vmem>>)
      %run_scoped3A_269 = arith.constant 4 : i32
      "tpu.region"() ({
        %run_scoped3A_277 = tpu.sem_alloc : memref<!tpu.dma_semaphore, #tpu.memory_space<semaphore_mem>>
        %dma_start3A_278 = arith.constant 0 : i32
        %dma_start3A_279 = tpu.memref_slice %arg9[%run_scoped3A_269, %dma_start3A_278] : memref<5x125xi32, #tpu.memory_space<vmem>> -> memref<1x125xi32, #tpu.memory_space<vmem>>
        %dma_start3A_280 = tpu.memref_squeeze %dma_start3A_279 : memref<1x125xi32, #tpu.memory_space<vmem>> -> memref<125xi32, #tpu.memory_space<vmem>>
        %dma_start3A_281 = arith.constant 0 : i32
        %dma_start3A_282 = arith.constant 0 : i32
        %dma_start3A_283 = tpu.memref_slice %arg16[%dma_start3A_281, %dma_start3A_282] : memref<10240x128xf32, #tpu.memory_space<vmem_shared>> -> memref<10240x128xf32, #tpu.memory_space<vmem_shared>>
        tpu.enqueue_indirect_dma source(%arg11 : memref<125x128xf32, #tpu.memory_space<vmem>>) target(%dma_start3A_283 : memref<10240x128xf32, #tpu.memory_space<vmem_shared>>) offsets(%dma_start3A_280 : memref<125xi32, #tpu.memory_space<vmem>>) semaphore(%run_scoped3A_277 : memref<!tpu.dma_semaphore, #tpu.memory_space<semaphore_mem>>) {add = true}
        %dma_wait3A_284 = arith.constant 0 : i32
        %dma_wait3A_285 = tpu.memref_slice %arg9[%run_scoped3A_269, %dma_wait3A_284] : memref<5x125xi32, #tpu.memory_space<vmem>> -> memref<1x125xi32, #tpu.memory_space<vmem>>
        %dma_wait3A_286 = tpu.memref_squeeze %dma_wait3A_285 : memref<1x125xi32, #tpu.memory_space<vmem>> -> memref<125xi32, #tpu.memory_space<vmem>>
        %dma_wait3A_287 = arith.constant 0 : i32
        %dma_wait3A_288 = arith.constant 0 : i32
        %dma_wait3A_289 = tpu.memref_slice %arg16[%dma_wait3A_287, %dma_wait3A_288] : memref<10240x128xf32, #tpu.memory_space<vmem_shared>> -> memref<10240x128xf32, #tpu.memory_space<vmem_shared>>
        tpu.wait_indirect_dma semaphore(%run_scoped3A_277 : memref<!tpu.dma_semaphore, #tpu.memory_space<semaphore_mem>>) src(%arg11 : memref<125x128xf32, #tpu.memory_space<vmem>>) dst(%dma_wait3A_289 : memref<10240x128xf32, #tpu.memory_space<vmem_shared>>)
        tpu.yield
      }) : () -> ()
      %add3A_270 = arith.constant 2 : i32
      %add3A_271 = arith.addi %add3A_167, %add3A_270 : i32
      %lt3A_272 = arith.constant 16 : i32
      %lt3A_273 = arith.cmpi slt, %add3A_271, %lt3A_272 : i32
      %convert_element_type3A_274 = arith.extui %lt3A_273 : i1 to i32
      %cond3A_275 = arith.constant 0 : i32
      %cond3A_276 = arith.cmpi ne, %convert_element_type3A_274, %cond3A_275 : i32
      scf.if %cond3A_276 {
        %add3A_277 = arith.constant 2 : i32
        %add3A_278 = arith.addi %add3A_167, %add3A_277 : i32
        %dma_start3A_279 = arith.constant 0 : i32
        %dma_start3A_280 = arith.constant 0 : i32
        %dma_start3A_281 = tpu.memref_slice %arg3[%add3A, %add3A_278, %dma_start3A_279, %dma_start3A_280] : memref<32x16x5x125xi32, #tpu.memory_space<hbm>> -> memref<1x1x5x125xi32, #tpu.memory_space<hbm>>
        %dma_start3A_282 = tpu.memref_squeeze %dma_start3A_281 : memref<1x1x5x125xi32, #tpu.memory_space<hbm>> -> memref<5x125xi32, #tpu.memory_space<hbm>>
        %dma_start3A_283 = arith.constant 0 : i32
        %dma_start3A_284 = arith.constant 0 : i32
        %dma_start3A_285 = tpu.memref_slice %arg3[%add3A, %add3A_278, %dma_start3A_283, %dma_start3A_284] : memref<32x16x5x125xi32, #tpu.memory_space<hbm>> -> memref<1x1x5x125xi32, #tpu.memory_space<hbm>>
        %dma_start3A_286 = tpu.memref_squeeze %dma_start3A_285 : memref<1x1x5x125xi32, #tpu.memory_space<hbm>> -> memref<5x125xi32, #tpu.memory_space<hbm>>
        tpu.enqueue_dma source(%dma_start3A_286 : memref<5x125xi32, #tpu.memory_space<hbm>>) target(%arg7 : memref<5x125xi32, #tpu.memory_space<vmem>>) target_semaphore(%arg15 : memref<!tpu.dma_semaphore, #tpu.memory_space<semaphore_mem>>)
        %dma_start3A_287 = arith.constant 0 : i32
        %dma_start3A_288 = arith.constant 0 : i32
        %dma_start3A_289 = tpu.memref_slice %arg4[%add3A, %add3A_278, %dma_start3A_287, %dma_start3A_288] : memref<32x16x5x125xi32, #tpu.memory_space<hbm>> -> memref<1x1x5x125xi32, #tpu.memory_space<hbm>>
        %dma_start3A_290 = tpu.memref_squeeze %dma_start3A_289 : memref<1x1x5x125xi32, #tpu.memory_space<hbm>> -> memref<5x125xi32, #tpu.memory_space<hbm>>
        %dma_start3A_291 = arith.constant 0 : i32
        %dma_start3A_292 = arith.constant 0 : i32
        %dma_start3A_293 = tpu.memref_slice %arg4[%add3A, %add3A_278, %dma_start3A_291, %dma_start3A_292] : memref<32x16x5x125xi32, #tpu.memory_space<hbm>> -> memref<1x1x5x125xi32, #tpu.memory_space<hbm>>
        %dma_start3A_294 = tpu.memref_squeeze %dma_start3A_293 : memref<1x1x5x125xi32, #tpu.memory_space<hbm>> -> memref<5x125xi32, #tpu.memory_space<hbm>>
        tpu.enqueue_dma source(%dma_start3A_294 : memref<5x125xi32, #tpu.memory_space<hbm>>) target(%arg9 : memref<5x125xi32, #tpu.memory_space<vmem>>) target_semaphore(%arg15 : memref<!tpu.dma_semaphore, #tpu.memory_space<semaphore_mem>>)
      } else {
      }
    }
    %scan3A_52 = arith.constant 8 : i32
    %barrier3A_53 = arith.constant 0 : index
    tpu.barrier barrier_id(%barrier3A_53)
    "tpu.region"() ({
      %run_scoped3A_54 = tpu.sem_alloc : memref<!tpu.dma_semaphore, #tpu.memory_space<semaphore_mem>>
      %dma_start3A_55 = arith.constant 0 : i32
      %dma_start3A_56 = tpu.memref_slice %arg5[%arg0, %mul3A_8, %dma_start3A_55] : memref<2x10240x128xf32, #tpu.memory_space<hbm>> -> memref<1x640x128xf32, #tpu.memory_space<hbm>>
      %dma_start3A_57 = tpu.memref_squeeze %dma_start3A_56 : memref<1x640x128xf32, #tpu.memory_space<hbm>> -> memref<640x128xf32, #tpu.memory_space<hbm>>
      %dma_start3A_58 = arith.constant 0 : i32
      %dma_start3A_59 = tpu.memref_slice %arg16[%mul3A_8, %dma_start3A_58] : memref<10240x128xf32, #tpu.memory_space<vmem_shared>> -> memref<640x128xf32, #tpu.memory_space<vmem_shared>>
      tpu.enqueue_dma source(%dma_start3A_59 : memref<640x128xf32, #tpu.memory_space<vmem_shared>>) target(%dma_start3A_57 : memref<640x128xf32, #tpu.memory_space<hbm>>) target_semaphore(%run_scoped3A_54 : memref<!tpu.dma_semaphore, #tpu.memory_space<semaphore_mem>>)
      %dma_wait3A = arith.constant 0 : i32
      %dma_wait3A_60 = tpu.memref_slice %arg5[%arg0, %mul3A_8, %dma_wait3A] : memref<2x10240x128xf32, #tpu.memory_space<hbm>> -> memref<1x640x128xf32, #tpu.memory_space<hbm>>
      %dma_wait3A_61 = tpu.memref_squeeze %dma_wait3A_60 : memref<1x640x128xf32, #tpu.memory_space<hbm>> -> memref<640x128xf32, #tpu.memory_space<hbm>>
      %dma_wait3A_62 = arith.constant 0 : i32
      %dma_wait3A_63 = tpu.memref_slice %arg16[%mul3A_8, %dma_wait3A_62] : memref<10240x128xf32, #tpu.memory_space<vmem_shared>> -> memref<640x128xf32, #tpu.memory_space<vmem_shared>>
      tpu.wait_dma2 semaphore(%run_scoped3A_54 : memref<!tpu.dma_semaphore, #tpu.memory_space<semaphore_mem>>) src(%dma_wait3A_63 : memref<640x128xf32, #tpu.memory_space<vmem_shared>>) dst(%dma_wait3A_61 : memref<640x128xf32, #tpu.memory_space<hbm>>)
      tpu.yield
    }) : () -> ()
    return
  }
}

module attributes {stable_mosaic.version = 14 : i64} {
  func.func @_layer_body(%arg0: i32, %arg1: memref<2x1024x128xf32, #tpu.memory_space<vmem>>, %arg2: memref<2x1024xf32, #tpu.memory_space<vmem>>, %arg3: memref<1024x128xf32, #tpu.memory_space<vmem>>, %arg4: memref<128x128xf32, #tpu.memory_space<vmem>>, %arg5: memref<128x128xf32, #tpu.memory_space<vmem>>, %arg6: memref<1x128xf32, #tpu.memory_space<vmem>>, %arg7: memref<1024x128xf32, #tpu.memory_space<vmem>>) attributes {dimension_semantics = [#tpu.dimension_semantics<arbitrary>], iteration_bounds = array<i64: 10>, scalar_prefetch = 0 : i64, scratch_operands = 0 : i64, tpu.core_type = #tpu.core_type<tc>, window_params = [{transform_indices = @transform_0, window_bounds = array<i64: 2, 1024, 128>}, {transform_indices = @transform_1, window_bounds = array<i64: 2, 1024>}, {transform_indices = @transform_2, window_bounds = array<i64: 1024, 128>}, {pipeline_mode = #tpu.pipeline_mode<synchronous>, transform_indices = @transform_3, window_bounds = array<i64: 128, 128>}, {pipeline_mode = #tpu.pipeline_mode<synchronous>, transform_indices = @transform_4, window_bounds = array<i64: 128, 128>}, {pipeline_mode = #tpu.pipeline_mode<synchronous>, transform_indices = @transform_5, window_bounds = array<i64: 1, 128>}, {transform_indices = @transform_6, window_bounds = array<i64: 1024, 128>}]} {
    %get3A = arith.constant 0 : index
    %get3A_0 = arith.constant 0 : index
    %get3A_1 = vector.load %arg2[%get3A, %get3A_0] : memref<2x1024xf32, #tpu.memory_space<vmem>>, vector<2x1024xf32>
    %reduce_sum3A = arith.constant dense<0.000000e+00> : vector<1024xf32>
    %reduce_sum3A_2 = vector.multi_reduction <add>, %get3A_1, %reduce_sum3A [0] : vector<2x1024xf32> to vector<1024xf32>
    %max3A = arith.constant 1.000000e+00 : f32
    %max3A_3 = vector.broadcast %max3A : f32 to vector<1024xf32>
    %max3A_4 = arith.maximumf %reduce_sum3A_2, %max3A_3 : vector<1024xf32>
    %div3A = arith.constant 1.000000e+00 : f32
    %div3A_5 = vector.broadcast %div3A : f32 to vector<1024xf32>
    %div3A_6 = arith.divf %div3A_5, %max3A_4 : vector<1024xf32>
    %get3A_7 = arith.constant 0 : index
    %get3A_8 = arith.constant 0 : index
    %get3A_9 = arith.constant 0 : index
    %get3A_10 = vector.load %arg1[%get3A_7, %get3A_8, %get3A_9] : memref<2x1024x128xf32, #tpu.memory_space<vmem>>, vector<1x1024x128xf32>
    %get3A_11 = vector.shape_cast %get3A_10 : vector<1x1024x128xf32> to vector<1024x128xf32>
    %get3A_12 = arith.constant 1 : index
    %get3A_13 = arith.constant 0 : index
    %get3A_14 = arith.constant 0 : index
    %get3A_15 = vector.load %arg1[%get3A_12, %get3A_13, %get3A_14] : memref<2x1024x128xf32, #tpu.memory_space<vmem>>, vector<1x1024x128xf32>
    %get3A_16 = vector.shape_cast %get3A_15 : vector<1x1024x128xf32> to vector<1024x128xf32>
    %add3A = arith.addf %get3A_11, %get3A_16 : vector<1024x128xf32>
    %broadcast_in_dim3A = vector.shape_cast %div3A_6 : vector<1024xf32> to vector<1024x1xf32>
    %mul3A = vector.broadcast %broadcast_in_dim3A : vector<1024x1xf32> to vector<1024x128xf32>
    %mul3A_17 = arith.mulf %add3A, %mul3A : vector<1024x128xf32>
    %get3A_18 = arith.constant 0 : index
    %get3A_19 = arith.constant 0 : index
    %get3A_20 = vector.load %arg4[%get3A_18, %get3A_19] : memref<128x128xf32, #tpu.memory_space<vmem>>, vector<128x128xf32>
    %dot_general3A = arith.constant dense<0.000000e+00> : vector<1024x128xf32>
    %dot_general3A_21 = tpu.matmul %mul3A_17, %get3A_20, %dot_general3A {dimension_numbers = #tpu.dot_dimension_numbers<[1], [0], [0], [1], [0, 0, 1, 1], [], []>, transpose_lhs_hint = false} : vector<1024x128xf32>, vector<128x128xf32>, vector<1024x128xf32> -> vector<1024x128xf32>
    %get3A_22 = arith.constant 0 : index
    %get3A_23 = arith.constant 0 : index
    %get3A_24 = vector.load %arg3[%get3A_22, %get3A_23] : memref<1024x128xf32, #tpu.memory_space<vmem>>, vector<1024x128xf32>
    %get3A_25 = arith.constant 0 : index
    %get3A_26 = arith.constant 0 : index
    %get3A_27 = vector.load %arg5[%get3A_25, %get3A_26] : memref<128x128xf32, #tpu.memory_space<vmem>>, vector<128x128xf32>
    %dot_general3A_28 = arith.constant dense<0.000000e+00> : vector<1024x128xf32>
    %dot_general3A_29 = tpu.matmul %get3A_24, %get3A_27, %dot_general3A_28 {dimension_numbers = #tpu.dot_dimension_numbers<[1], [0], [0], [1], [0, 0, 1, 1], [], []>, transpose_lhs_hint = false} : vector<1024x128xf32>, vector<128x128xf32>, vector<1024x128xf32> -> vector<1024x128xf32>
    %add3A_30 = arith.addf %dot_general3A_21, %dot_general3A_29 : vector<1024x128xf32>
    %get3A_31 = arith.constant 0 : index
    %get3A_32 = arith.constant 0 : index
    %get3A_33 = vector.load %arg6[%get3A_31, %get3A_32] : memref<1x128xf32, #tpu.memory_space<vmem>>, vector<1x128xf32>
    %add3A_34 = vector.broadcast %get3A_33 : vector<1x128xf32> to vector<1024x128xf32>
    %add3A_35 = arith.addf %add3A_30, %add3A_34 : vector<1024x128xf32>
    %max3A_36 = arith.constant 0.000000e+00 : f32
    %max3A_37 = vector.broadcast %max3A_36 : f32 to vector<1024x128xf32>
    %max3A_38 = arith.maximumf %add3A_35, %max3A_37 : vector<1024x128xf32>
    %swap3A = arith.constant 0 : index
    %swap3A_39 = arith.constant 0 : index
    %swap3A_40 = vector.load %arg7[%swap3A, %swap3A_39] : memref<1024x128xf32, #tpu.memory_space<vmem>>, vector<1024x128xf32>
    tpu.vector_store %arg7[%swap3A, %swap3A_39], %max3A_38 {strides = array<i32>} : memref<1024x128xf32, #tpu.memory_space<vmem>>, vector<1024x128xf32>,
    return
  }
  func.func @transform_0(%arg0: i32) -> (i32, i32, i32) {
    %c0_i32 = arith.constant 0 : i32
    %c0_i32_0 = arith.constant 0 : i32
    %c0_i32_1 = arith.constant 0 : i32
    return %c0_i32, %arg0, %c0_i32_0 : i32, i32, i32
  }
  func.func @transform_1(%arg0: i32) -> (i32, i32) {
    %c0_i32 = arith.constant 0 : i32
    %c0_i32_0 = arith.constant 0 : i32
    return %c0_i32, %arg0 : i32, i32
  }
  func.func @transform_2(%arg0: i32) -> (i32, i32) {
    %c0_i32 = arith.constant 0 : i32
    %c0_i32_0 = arith.constant 0 : i32
    return %arg0, %c0_i32 : i32, i32
  }
  func.func @transform_3(%arg0: i32) -> (i32, i32) {
    %c0_i32 = arith.constant 0 : i32
    %c0_i32_0 = arith.constant 0 : i32
    %c0_i32_1 = arith.constant 0 : i32
    return %c0_i32, %c0_i32_0 : i32, i32
  }
  func.func @transform_4(%arg0: i32) -> (i32, i32) {
    %c0_i32 = arith.constant 0 : i32
    %c0_i32_0 = arith.constant 0 : i32
    %c0_i32_1 = arith.constant 0 : i32
    return %c0_i32, %c0_i32_0 : i32, i32
  }
  func.func @transform_5(%arg0: i32) -> (i32, i32) {
    %c0_i32 = arith.constant 0 : i32
    %c0_i32_0 = arith.constant 0 : i32
    %c0_i32_1 = arith.constant 0 : i32
    return %c0_i32, %c0_i32_0 : i32, i32
  }
  func.func @transform_6(%arg0: i32) -> (i32, i32) {
    %c0_i32 = arith.constant 0 : i32
    %c0_i32_0 = arith.constant 0 : i32
    return %arg0, %c0_i32 : i32, i32
  }
}

module attributes {stable_mosaic.version = 14 : i64} {
  func.func @_final_body(%arg0: i32, %arg1: memref<2x1024x128xf32, #tpu.memory_space<vmem>>, %arg2: memref<2x1024xf32, #tpu.memory_space<vmem>>, %arg3: memref<1024x128xf32, #tpu.memory_space<vmem>>, %arg4: memref<128x128xf32, #tpu.memory_space<vmem>>, %arg5: memref<128x128xf32, #tpu.memory_space<vmem>>, %arg6: memref<1x128xf32, #tpu.memory_space<vmem>>, %arg7: memref<1x1x1024xi32, #tpu.memory_space<vmem>>, %arg8: memref<128x128xf32, #tpu.memory_space<vmem>>, %arg9: memref<1x128xf32, #tpu.memory_space<vmem>>, %arg10: memref<128x64xf32, #tpu.memory_space<vmem>>, %arg11: memref<1x64xf32, #tpu.memory_space<vmem>>, %arg12: memref<64x64xf32, #tpu.memory_space<vmem>>, %arg13: memref<64x128xf32, #tpu.memory_space<vmem>>, %arg14: memref<1x64xf32, #tpu.memory_space<vmem>>) attributes {dimension_semantics = [#tpu.dimension_semantics<arbitrary>], iteration_bounds = array<i64: 10>, scalar_prefetch = 0 : i64, scratch_operands = 2 : i64, tpu.core_type = #tpu.core_type<tc>, window_params = [{transform_indices = @transform_0, window_bounds = array<i64: 2, 1024, 128>}, {transform_indices = @transform_1, window_bounds = array<i64: 2, 1024>}, {transform_indices = @transform_2, window_bounds = array<i64: 1024, 128>}, {pipeline_mode = #tpu.pipeline_mode<synchronous>, transform_indices = @transform_3, window_bounds = array<i64: 128, 128>}, {pipeline_mode = #tpu.pipeline_mode<synchronous>, transform_indices = @transform_4, window_bounds = array<i64: 128, 128>}, {pipeline_mode = #tpu.pipeline_mode<synchronous>, transform_indices = @transform_5, window_bounds = array<i64: 1, 128>}, {transform_indices = @transform_6, window_bounds = array<i64: 1, 1, 1024>}, {pipeline_mode = #tpu.pipeline_mode<synchronous>, transform_indices = @transform_7, window_bounds = array<i64: 128, 128>}, {pipeline_mode = #tpu.pipeline_mode<synchronous>, transform_indices = @transform_8, window_bounds = array<i64: 1, 128>}, {pipeline_mode = #tpu.pipeline_mode<synchronous>, transform_indices = @transform_9, window_bounds = array<i64: 128, 64>}, {pipeline_mode = #tpu.pipeline_mode<synchronous>, transform_indices = @transform_10, window_bounds = array<i64: 1, 64>}, {pipeline_mode = #tpu.pipeline_mode<synchronous>, transform_indices = @transform_11, window_bounds = array<i64: 64, 64>}]} {
    %get3A = arith.constant 0 : index
    %get3A_0 = arith.constant 0 : index
    %get3A_1 = vector.load %arg2[%get3A, %get3A_0] : memref<2x1024xf32, #tpu.memory_space<vmem>>, vector<2x1024xf32>
    %reduce_sum3A = arith.constant dense<0.000000e+00> : vector<1024xf32>
    %reduce_sum3A_2 = vector.multi_reduction <add>, %get3A_1, %reduce_sum3A [0] : vector<2x1024xf32> to vector<1024xf32>
    %max3A = arith.constant 1.000000e+00 : f32
    %max3A_3 = vector.broadcast %max3A : f32 to vector<1024xf32>
    %max3A_4 = arith.maximumf %reduce_sum3A_2, %max3A_3 : vector<1024xf32>
    %div3A = arith.constant 1.000000e+00 : f32
    %div3A_5 = vector.broadcast %div3A : f32 to vector<1024xf32>
    %div3A_6 = arith.divf %div3A_5, %max3A_4 : vector<1024xf32>
    %get3A_7 = arith.constant 0 : index
    %get3A_8 = arith.constant 0 : index
    %get3A_9 = arith.constant 0 : index
    %get3A_10 = vector.load %arg1[%get3A_7, %get3A_8, %get3A_9] : memref<2x1024x128xf32, #tpu.memory_space<vmem>>, vector<1x1024x128xf32>
    %get3A_11 = vector.shape_cast %get3A_10 : vector<1x1024x128xf32> to vector<1024x128xf32>
    %get3A_12 = arith.constant 1 : index
    %get3A_13 = arith.constant 0 : index
    %get3A_14 = arith.constant 0 : index
    %get3A_15 = vector.load %arg1[%get3A_12, %get3A_13, %get3A_14] : memref<2x1024x128xf32, #tpu.memory_space<vmem>>, vector<1x1024x128xf32>
    %get3A_16 = vector.shape_cast %get3A_15 : vector<1x1024x128xf32> to vector<1024x128xf32>
    %add3A = arith.addf %get3A_11, %get3A_16 : vector<1024x128xf32>
    %broadcast_in_dim3A = vector.shape_cast %div3A_6 : vector<1024xf32> to vector<1024x1xf32>
    %mul3A = vector.broadcast %broadcast_in_dim3A : vector<1024x1xf32> to vector<1024x128xf32>
    %mul3A_17 = arith.mulf %add3A, %mul3A : vector<1024x128xf32>
    %get3A_18 = arith.constant 0 : index
    %get3A_19 = arith.constant 0 : index
    %get3A_20 = vector.load %arg4[%get3A_18, %get3A_19] : memref<128x128xf32, #tpu.memory_space<vmem>>, vector<128x128xf32>
    %dot_general3A = arith.constant dense<0.000000e+00> : vector<1024x128xf32>
    %dot_general3A_21 = tpu.matmul %mul3A_17, %get3A_20, %dot_general3A {dimension_numbers = #tpu.dot_dimension_numbers<[1], [0], [0], [1], [0, 0, 1, 1], [], []>, transpose_lhs_hint = false} : vector<1024x128xf32>, vector<128x128xf32>, vector<1024x128xf32> -> vector<1024x128xf32>
    %get3A_22 = arith.constant 0 : index
    %get3A_23 = arith.constant 0 : index
    %get3A_24 = vector.load %arg3[%get3A_22, %get3A_23] : memref<1024x128xf32, #tpu.memory_space<vmem>>, vector<1024x128xf32>
    %get3A_25 = arith.constant 0 : index
    %get3A_26 = arith.constant 0 : index
    %get3A_27 = vector.load %arg5[%get3A_25, %get3A_26] : memref<128x128xf32, #tpu.memory_space<vmem>>, vector<128x128xf32>
    %dot_general3A_28 = arith.constant dense<0.000000e+00> : vector<1024x128xf32>
    %dot_general3A_29 = tpu.matmul %get3A_24, %get3A_27, %dot_general3A_28 {dimension_numbers = #tpu.dot_dimension_numbers<[1], [0], [0], [1], [0, 0, 1, 1], [], []>, transpose_lhs_hint = false} : vector<1024x128xf32>, vector<128x128xf32>, vector<1024x128xf32> -> vector<1024x128xf32>
    %add3A_30 = arith.addf %dot_general3A_21, %dot_general3A_29 : vector<1024x128xf32>
    %get3A_31 = arith.constant 0 : index
    %get3A_32 = arith.constant 0 : index
    %get3A_33 = vector.load %arg6[%get3A_31, %get3A_32] : memref<1x128xf32, #tpu.memory_space<vmem>>, vector<1x128xf32>
    %add3A_34 = vector.broadcast %get3A_33 : vector<1x128xf32> to vector<1024x128xf32>
    %add3A_35 = arith.addf %add3A_30, %add3A_34 : vector<1024x128xf32>
    %max3A_36 = arith.constant 0.000000e+00 : f32
    %max3A_37 = vector.broadcast %max3A_36 : f32 to vector<1024x128xf32>
    %max3A_38 = arith.maximumf %add3A_35, %max3A_37 : vector<1024x128xf32>
    %get3A_39 = arith.constant 0 : index
    %get3A_40 = arith.constant 0 : index
    %get3A_41 = arith.constant 0 : index
    %get3A_42 = vector.load %arg7[%get3A_39, %get3A_40, %get3A_41] : memref<1x1x1024xi32, #tpu.memory_space<vmem>>, vector<1x1x1024xi32>
    %get3A_43 = vector.shape_cast %get3A_42 : vector<1x1x1024xi32> to vector<1024xi32>
    %broadcast_in_dim3A_44 = vector.shape_cast %get3A_43 : vector<1024xi32> to vector<1x1024xi32>
    %iota3A = tpu.iota {dimensions = array<i32: 0>} : vector<64x1024xi32>
    %eq3A = vector.broadcast %broadcast_in_dim3A_44 : vector<1x1024xi32> to vector<64x1024xi32>
    %eq3A_45 = arith.cmpi eq, %eq3A, %iota3A : vector<64x1024xi32>
    %convert_element_type3A = arith.extui %eq3A_45 : vector<64x1024xi1> to vector<64x1024xi32>
    %convert_element_type3A_46 = arith.sitofp %convert_element_type3A : vector<64x1024xi32> to vector<64x1024xf32>
    %dot_general3A_47 = arith.constant dense<0.000000e+00> : vector<64x128xf32>
    %dot_general3A_48 = tpu.matmul %convert_element_type3A_46, %max3A_38, %dot_general3A_47 {dimension_numbers = #tpu.dot_dimension_numbers<[1], [0], [0], [1], [0, 0, 1, 1], [], []>, transpose_lhs_hint = false} : vector<64x1024xf32>, vector<1024x128xf32>, vector<64x128xf32> -> vector<64x128xf32>
    %reduce_sum3A_49 = arith.constant dense<0.000000e+00> : vector<64xf32>
    %reduce_sum3A_50 = vector.multi_reduction <add>, %convert_element_type3A_46, %reduce_sum3A_49 [1] : vector<64x1024xf32> to vector<64xf32>
    %broadcast_in_dim3A_51 = vector.shape_cast %reduce_sum3A_50 : vector<64xf32> to vector<1x64xf32>
    %eq3A_52 = arith.constant 0 : i32
    %eq3A_53 = arith.cmpi eq, %arg0, %eq3A_52 : i32
    %convert_element_type3A_54 = arith.extui %eq3A_53 : i1 to i32
    %cond3A = arith.constant 0 : i32
    %cond3A_55 = arith.cmpi ne, %convert_element_type3A_54, %cond3A : i32
    scf.if %cond3A_55 {
      %swap3A = arith.constant 0 : index
      %swap3A_65 = arith.constant 0 : index
      %swap3A_66 = vector.load %arg13[%swap3A, %swap3A_65] : memref<64x128xf32, #tpu.memory_space<vmem>>, vector<64x128xf32>
      tpu.vector_store %arg13[%swap3A, %swap3A_65], %dot_general3A_48 {strides = array<i32>} : memref<64x128xf32, #tpu.memory_space<vmem>>, vector<64x128xf32>,
      %swap3A_67 = arith.constant 0 : index
      %swap3A_68 = arith.constant 0 : index
      %swap3A_69 = vector.load %arg14[%swap3A_67, %swap3A_68] : memref<1x64xf32, #tpu.memory_space<vmem>>, vector<1x64xf32>
      tpu.vector_store %arg14[%swap3A_67, %swap3A_68], %broadcast_in_dim3A_51 {strides = array<i32>} : memref<1x64xf32, #tpu.memory_space<vmem>>, vector<1x64xf32>,
    } else {
    }
    %gt3A = arith.constant 0 : i32
    %gt3A_56 = arith.cmpi sgt, %arg0, %gt3A : i32
    %convert_element_type3A_57 = arith.extui %gt3A_56 : i1 to i32
    %cond3A_58 = arith.constant 0 : i32
    %cond3A_59 = arith.cmpi ne, %convert_element_type3A_57, %cond3A_58 : i32
    scf.if %cond3A_59 {
      %get3A_65 = arith.constant 0 : index
      %get3A_66 = arith.constant 0 : index
      %get3A_67 = vector.load %arg13[%get3A_65, %get3A_66] : memref<64x128xf32, #tpu.memory_space<vmem>>, vector<64x128xf32>
      %add3A_68 = arith.addf %get3A_67, %dot_general3A_48 : vector<64x128xf32>
      %swap3A = arith.constant 0 : index
      %swap3A_69 = arith.constant 0 : index
      %swap3A_70 = vector.load %arg13[%swap3A, %swap3A_69] : memref<64x128xf32, #tpu.memory_space<vmem>>, vector<64x128xf32>
      tpu.vector_store %arg13[%swap3A, %swap3A_69], %add3A_68 {strides = array<i32>} : memref<64x128xf32, #tpu.memory_space<vmem>>, vector<64x128xf32>,
      %get3A_71 = arith.constant 0 : index
      %get3A_72 = arith.constant 0 : index
      %get3A_73 = vector.load %arg14[%get3A_71, %get3A_72] : memref<1x64xf32, #tpu.memory_space<vmem>>, vector<1x64xf32>
      %add3A_74 = arith.addf %get3A_73, %broadcast_in_dim3A_51 : vector<1x64xf32>
      %swap3A_75 = arith.constant 0 : index
      %swap3A_76 = arith.constant 0 : index
      %swap3A_77 = vector.load %arg14[%swap3A_75, %swap3A_76] : memref<1x64xf32, #tpu.memory_space<vmem>>, vector<1x64xf32>
      tpu.vector_store %arg14[%swap3A_75, %swap3A_76], %add3A_74 {strides = array<i32>} : memref<1x64xf32, #tpu.memory_space<vmem>>, vector<1x64xf32>,
    } else {
    }
    %eq3A_60 = arith.constant 9 : i32
    %eq3A_61 = arith.cmpi eq, %arg0, %eq3A_60 : i32
    %convert_element_type3A_62 = arith.extui %eq3A_61 : i1 to i32
    %cond3A_63 = arith.constant 0 : i32
    %cond3A_64 = arith.cmpi ne, %convert_element_type3A_62, %cond3A_63 : i32
    scf.if %cond3A_64 {
      %get3A_65 = arith.constant 0 : index
      %get3A_66 = arith.constant 0 : index
      %get3A_67 = vector.load %arg13[%get3A_65, %get3A_66] : memref<64x128xf32, #tpu.memory_space<vmem>>, vector<64x128xf32>
      %get3A_68 = arith.constant 0 : index
      %get3A_69 = arith.constant 0 : index
      %get3A_70 = vector.load %arg14[%get3A_68, %get3A_69] : memref<1x64xf32, #tpu.memory_space<vmem>>, vector<1x64xf32>
      %get3A_71 = vector.shape_cast %get3A_70 : vector<1x64xf32> to vector<64xf32>
      %max3A_72 = arith.constant 1.000000e+00 : f32
      %max3A_73 = vector.broadcast %max3A_72 : f32 to vector<64xf32>
      %max3A_74 = arith.maximumf %get3A_71, %max3A_73 : vector<64xf32>
      %broadcast_in_dim3A_75 = vector.shape_cast %max3A_74 : vector<64xf32> to vector<64x1xf32>
      %div3A_76 = vector.broadcast %broadcast_in_dim3A_75 : vector<64x1xf32> to vector<64x128xf32>
      %div3A_77 = arith.divf %get3A_67, %div3A_76 : vector<64x128xf32>
      %get3A_78 = arith.constant 0 : index
      %get3A_79 = arith.constant 0 : index
      %get3A_80 = vector.load %arg8[%get3A_78, %get3A_79] : memref<128x128xf32, #tpu.memory_space<vmem>>, vector<128x128xf32>
      %dot_general3A_81 = arith.constant dense<0.000000e+00> : vector<64x128xf32>
      %dot_general3A_82 = tpu.matmul %div3A_77, %get3A_80, %dot_general3A_81 {dimension_numbers = #tpu.dot_dimension_numbers<[1], [0], [0], [1], [0, 0, 1, 1], [], []>, transpose_lhs_hint = false} : vector<64x128xf32>, vector<128x128xf32>, vector<64x128xf32> -> vector<64x128xf32>
      %get3A_83 = arith.constant 0 : index
      %get3A_84 = arith.constant 0 : index
      %get3A_85 = vector.load %arg9[%get3A_83, %get3A_84] : memref<1x128xf32, #tpu.memory_space<vmem>>, vector<1x128xf32>
      %add3A_86 = vector.broadcast %get3A_85 : vector<1x128xf32> to vector<64x128xf32>
      %add3A_87 = arith.addf %dot_general3A_82, %add3A_86 : vector<64x128xf32>
      %max3A_88 = arith.constant 0.000000e+00 : f32
      %max3A_89 = vector.broadcast %max3A_88 : f32 to vector<64x128xf32>
      %max3A_90 = arith.maximumf %add3A_87, %max3A_89 : vector<64x128xf32>
      %get3A_91 = arith.constant 0 : index
      %get3A_92 = arith.constant 0 : index
      %get3A_93 = vector.load %arg10[%get3A_91, %get3A_92] : memref<128x64xf32, #tpu.memory_space<vmem>>, vector<128x64xf32>
      %dot_general3A_94 = arith.constant dense<0.000000e+00> : vector<64x64xf32>
      %dot_general3A_95 = tpu.matmul %max3A_90, %get3A_93, %dot_general3A_94 {dimension_numbers = #tpu.dot_dimension_numbers<[1], [0], [0], [1], [0, 0, 1, 1], [], []>, transpose_lhs_hint = false} : vector<64x128xf32>, vector<128x64xf32>, vector<64x64xf32> -> vector<64x64xf32>
      %get3A_96 = arith.constant 0 : index
      %get3A_97 = arith.constant 0 : index
      %get3A_98 = vector.load %arg11[%get3A_96, %get3A_97] : memref<1x64xf32, #tpu.memory_space<vmem>>, vector<1x64xf32>
      %add3A_99 = vector.broadcast %get3A_98 : vector<1x64xf32> to vector<64x64xf32>
      %add3A_100 = arith.addf %dot_general3A_95, %add3A_99 : vector<64x64xf32>
      %reduce_max3A = arith.constant dense<0xFF800000> : vector<64xf32>
      %reduce_max3A_101 = vector.multi_reduction <maximumf>, %add3A_100, %reduce_max3A [1] : vector<64x64xf32> to vector<64xf32>
      %broadcast_in_dim3A_102 = vector.shape_cast %reduce_max3A_101 : vector<64xf32> to vector<64x1xf32>
      %sub3A = vector.broadcast %broadcast_in_dim3A_102 : vector<64x1xf32> to vector<64x64xf32>
      %sub3A_103 = arith.subf %add3A_100, %sub3A : vector<64x64xf32>
      %exp3A = math.exp %sub3A_103 : vector<64x64xf32>
      %reduce_sum3A_104 = arith.constant dense<0.000000e+00> : vector<64xf32>
      %reduce_sum3A_105 = vector.multi_reduction <add>, %exp3A, %reduce_sum3A_104 [1] : vector<64x64xf32> to vector<64xf32>
      %broadcast_in_dim3A_106 = vector.shape_cast %reduce_sum3A_105 : vector<64xf32> to vector<64x1xf32>
      %log3A = math.log %broadcast_in_dim3A_106 : vector<64x1xf32>
      %sub3A_107 = vector.broadcast %broadcast_in_dim3A_102 : vector<64x1xf32> to vector<64x64xf32>
      %sub3A_108 = arith.subf %add3A_100, %sub3A_107 : vector<64x64xf32>
      %sub3A_109 = vector.broadcast %log3A : vector<64x1xf32> to vector<64x64xf32>
      %sub3A_110 = arith.subf %sub3A_108, %sub3A_109 : vector<64x64xf32>
      %swap3A = arith.constant 0 : index
      %swap3A_111 = arith.constant 0 : index
      %swap3A_112 = vector.load %arg12[%swap3A, %swap3A_111] : memref<64x64xf32, #tpu.memory_space<vmem>>, vector<64x64xf32>
      tpu.vector_store %arg12[%swap3A, %swap3A_111], %sub3A_110 {strides = array<i32>} : memref<64x64xf32, #tpu.memory_space<vmem>>, vector<64x64xf32>,
    } else {
    }
    return
  }
  func.func @transform_0(%arg0: i32) -> (i32, i32, i32) {
    %c0_i32 = arith.constant 0 : i32
    %c0_i32_0 = arith.constant 0 : i32
    %c0_i32_1 = arith.constant 0 : i32
    return %c0_i32, %arg0, %c0_i32_0 : i32, i32, i32
  }
  func.func @transform_1(%arg0: i32) -> (i32, i32) {
    %c0_i32 = arith.constant 0 : i32
    %c0_i32_0 = arith.constant 0 : i32
    return %c0_i32, %arg0 : i32, i32
  }
  func.func @transform_2(%arg0: i32) -> (i32, i32) {
    %c0_i32 = arith.constant 0 : i32
    %c0_i32_0 = arith.constant 0 : i32
    return %arg0, %c0_i32 : i32, i32
  }
  func.func @transform_3(%arg0: i32) -> (i32, i32) {
    %c0_i32 = arith.constant 0 : i32
    %c0_i32_0 = arith.constant 0 : i32
    %c0_i32_1 = arith.constant 0 : i32
    return %c0_i32, %c0_i32_0 : i32, i32
  }
  func.func @transform_4(%arg0: i32) -> (i32, i32) {
    %c0_i32 = arith.constant 0 : i32
    %c0_i32_0 = arith.constant 0 : i32
    %c0_i32_1 = arith.constant 0 : i32
    return %c0_i32, %c0_i32_0 : i32, i32
  }
  func.func @transform_5(%arg0: i32) -> (i32, i32) {
    %c0_i32 = arith.constant 0 : i32
    %c0_i32_0 = arith.constant 0 : i32
    %c0_i32_1 = arith.constant 0 : i32
    return %c0_i32, %c0_i32_0 : i32, i32
  }
  func.func @transform_6(%arg0: i32) -> (i32, i32, i32) {
    %c0_i32 = arith.constant 0 : i32
    %c0_i32_0 = arith.constant 0 : i32
    %c0_i32_1 = arith.constant 0 : i32
    return %arg0, %c0_i32, %c0_i32_0 : i32, i32, i32
  }
  func.func @transform_7(%arg0: i32) -> (i32, i32) {
    %c0_i32 = arith.constant 0 : i32
    %c0_i32_0 = arith.constant 0 : i32
    %c0_i32_1 = arith.constant 0 : i32
    return %c0_i32, %c0_i32_0 : i32, i32
  }
  func.func @transform_8(%arg0: i32) -> (i32, i32) {
    %c0_i32 = arith.constant 0 : i32
    %c0_i32_0 = arith.constant 0 : i32
    %c0_i32_1 = arith.constant 0 : i32
    return %c0_i32, %c0_i32_0 : i32, i32
  }
  func.func @transform_9(%arg0: i32) -> (i32, i32) {
    %c0_i32 = arith.constant 0 : i32
    %c0_i32_0 = arith.constant 0 : i32
    %c0_i32_1 = arith.constant 0 : i32
    return %c0_i32, %c0_i32_0 : i32, i32
  }
  func.func @transform_10(%arg0: i32) -> (i32, i32) {
    %c0_i32 = arith.constant 0 : i32
    %c0_i32_0 = arith.constant 0 : i32
    %c0_i32_1 = arith.constant 0 : i32
    return %c0_i32, %c0_i32_0 : i32, i32
  }
  func.func @transform_11(%arg0: i32) -> (i32, i32) {
    %c0_i32 = arith.constant 0 : i32
    %c0_i32_0 = arith.constant 0 : i32
    %c0_i32_1 = arith.constant 0 : i32
    return %c0_i32, %c0_i32_0 : i32, i32
  }
}

</mosaic_0001>

<sc_bundles>
// kernel: kernel.11.cloned.1.call-start
scs
__scs_entry_jumppad:
0x0: {  	(pc) =	sbr.rel $0x88, $3  }
0x1: {  	(tag) =	ssettag $0x0;
	lr =	simm.s32 $0x1  }
0x2: {  	[smem:$0x3F91] =	sst lr;
	_ =	strace $0xD0000000  }
0x3: {  	_ = 	snop  }
0x4: {  	_ = 	snop  }
0x5: {  	_ = 	snop  }
0x6: {  	_ = 	snop  }
0x7: {  	_ = 	snop  }
__scs_overlays_trampoline_lowered:
0x8: {  	[smem:$0x3FA0] =	sst s0  }
0x9: {  	[smem:$0x3FA1] =	sst s1  }
0xa: {  	[smem:$0x3FA2] =	sst s2  }
0xb: {  	[smem:$0x3FA3] =	sst s3  }
0xc: {  	[smem:$0x3FA4] =	sst s4  }
0xd: {  	[smem:$0x3FA5] =	sst s5  }
0xe: {  	[smem:$0x3FA6] =	sst s6  }
0xf: {  	[smem:$0x3FA7] =	sst s7  }
0x10: {  	[smem:$0x3FA8] =	sst s8  }
0x11: {  	[smem:$0x3FA9] =	sst s9;
	s0 =	simm.s32 @!p0 $0x0  }
0x12: {  	s1 =	sld [smem:$0x3F8F];
	s0 =	simm.s32 @p0 $0x1  }
0x13: {  	[smem:$0x3FAA] =	sst s0;
	s0 =	simm.s32 @!p1 $0x0  }
0x14: {  	s2 =	sld [smem:$0x3F8E];
	s0 =	simm.s32 @p1 $0x1  }
0x15: {  	[smem:$0x3FAB] =	sst s0;
	s0 =	simm.s32 @!p2 $0x0  }
0x16: {  	s3 =	sld [smem:$0x3FDB];
	s0 =	simm.s32 @p2 $0x1  }
0x17: {  	s4 =	simm.s32 $0x1BF5;
	[smem:$0x3FAD] =	sst s0  }
0x18: {  	s0 =	sld [smem:$0x3F90];
	_ =	swait.ge [sflag:s4], $0x0  }
0x19: {  	s7 =	sld [smem:$0x3F91]  }
0x1a: {  	s8 =	sadd.s32 $0xFFFFE003, lr  }
0x1b: {  	s9 =	sadd.s32 $0xFFFFFEF7, lr;
	s5 =	simm.s32 $0xFFFFFFFF;
	p2 =	slt.u32 s8, $0xFFFFF086  }
0x1c: {  	p1 =	slt.u32 s9, $0xF7A;
	s5 =	simm.s32 @!p2 $0x0  }
0x1d: {  	s5 =	simm.s32 @p1 $0x1;
	p0 =	seq.s32 s7, s2  }
0x1e: {  	s7 =	smul.u32 @!p0 $0xF7A, s2;
	p2 =	seq.s32 @!p0 s5, $0x0  }
0x1f: {  	s9 =	smul.u32 $0xF7A, s1;
	s8 =	simm.s32 @!p0 $0x1BF5;
	p2 =	por !p2, p0  }
0x20: {  	[sflag:s8] =	ssyncset.s32 @!p0 $0xFFFFF086;
	s6 =	sadd.s32 @!p0 s3, s7;
	s7 =	simm.s32 @!p0 $0x108  }
0x21: {  	s3 =	sadd.s32 s3, s9;
	s6 =	sadd.s32 @!p0 $0x88, s6;
	s7 =	simm.s32 @p2 $0x1082  }
0x22: {  	[simem:s7], [sflag:s8] =	dma.local @!p0 [hbm:s6], $0xF7A  }
0x23: {  	s9 =	sor.u32 $0xD0000000, s2;
	s6 =	simm.s32 $0x108;
	_ =	swait.ge @!p0 [sflag:s8], $0x0  }
0x24: {  	s3 =	sadd.s32 $0x88, s3;
	s6 =	simm.s32 @!p1 $0x1082;
	[sflag:s4] =	ssyncset.s32 $0xFFFFF086  }
0x25: {  	[simem:s6], [sflag:s4] =	dma.local [hbm:s3], $0xF7A  }
0x26: {  	[smem:$0x3F91] =	sst s1;
	(tag) =	ssettag s2;
	_ =	strace s9  }
0x27: {  	s1 =	sld [smem:$0x3FA1]  }
0x28: {  	s2 =	sld [smem:$0x3FA2]  }
0x29: {  	s4 =	sld [smem:$0x3FA4]  }
0x2a: {  	p0 =	seq.s32 s5, $0x0;
	s5 =	sld [smem:$0x3FA5]  }
0x2b: {  	s6 =	sld [smem:$0x3FA6]  }
0x2c: {  	s7 =	sld [smem:$0x3FA7]  }
0x2d: {  	s3 =	simm.s32 $0x108;
	s8 =	sld [smem:$0x3FA8]  }
0x2e: {  	s3 =	simm.s32 @!p0 $0x1082;
	s9 =	sld [smem:$0x3FA9]  }
0x2f: {  	lr =	sadd.s32 s0, s3;
	s0 =	sld [smem:$0x3FA0]  }
0x30: {  	s3 =	sld [smem:$0x3FA3]  }
0x31: {  	[smem:$0x3FAC] =	sst s10  }
0x32: {  	s10 =	sld [smem:$0x3FAA];
	_ =	sdelay $0x3  }
0x33: {  	p0 =	seq.s32 s10, $0x1;
	s10 =	sld [smem:$0x3FAC];
	_ =	sdelay $0x3  }
0x34: {  	[smem:$0x3FAC] =	sst s10  }
0x35: {  	s10 =	sld [smem:$0x3FAB];
	_ =	sdelay $0x3  }
0x36: {  	p1 =	seq.s32 s10, $0x1;
	s10 =	sld [smem:$0x3FAC];
	_ =	sdelay $0x3  }
0x37: {  	[smem:$0x3FAC] =	sst s10  }
0x38: {  	s10 =	sld [smem:$0x3FAD]  }
0x39: {  	_ = 	snop;
	(pc) =	sbr.ind lr, $3  }
0x3a: {  	_ = 	snop  }
0x3b: {  	_ = 	snop  }
0x3c: {  	p2 =	seq.s32 s10, $0x1;
	s10 =	sld [smem:$0x3FAC]  }
0x3d: {  	_ =	shalt  }
0x3e: {  	_ =	shalt  }
0x3f: {  	_ =	shalt  }
0x40: {  	_ =	shalt  }
0x41: {  	_ =	shalt  }
0x42: {  	_ =	shalt  }
0x43: {  	_ =	shalt  }
0x44: {  	_ =	shalt  }
0x45: {  	_ =	shalt  }
0x46: {  	_ =	shalt  }
0x47: {  	_ =	shalt  }
0x48: {  	_ =	shalt  }
0x49: {  	_ =	shalt  }
0x4a: {  	_ =	shalt  }
0x4b: {  	_ =	shalt  }
0x4c: {  	_ =	shalt  }
0x4d: {  	_ =	shalt  }
0x4e: {  	_ =	shalt  }
0x4f: {  	_ =	shalt  }
0x50: {  	_ =	shalt  }
0x51: {  	_ =	shalt  }
0x52: {  	_ =	shalt  }
0x53: {  	_ =	shalt  }
0x54: {  	_ =	shalt  }
0x55: {  	_ =	shalt  }
0x56: {  	_ =	shalt  }
0x57: {  	_ =	shalt  }
0x58: {  	_ =	shalt  }
0x59: {  	_ =	shalt  }
0x5a: {  	_ =	shalt  }
0x5b: {  	_ =	shalt  }
0x5c: {  	_ =	shalt  }
0x5d: {  	_ =	shalt  }
0x5e: {  	_ =	shalt  }
0x5f: {  	_ =	shalt  }
0x60: {  	_ =	shalt  }
0x61: {  	_ =	shalt  }
0x62: {  	_ =	shalt  }
0x63: {  	_ =	shalt  }
0x64: {  	_ =	shalt  }
0x65: {  	_ =	shalt  }
0x66: {  	_ =	shalt  }
0x67: {  	_ =	shalt  }
0x68: {  	_ =	shalt  }
0x69: {  	_ =	shalt  }
0x6a: {  	_ =	shalt  }
0x6b: {  	_ =	shalt  }
0x6c: {  	_ =	shalt  }
0x6d: {  	_ =	shalt  }
0x6e: {  	_ =	shalt  }
0x6f: {  	_ =	shalt  }
0x70: {  	_ =	shalt  }
0x71: {  	_ =	shalt  }
0x72: {  	_ =	shalt  }
0x73: {  	_ =	shalt  }
0x74: {  	_ =	shalt  }
0x75: {  	_ =	shalt  }
0x76: {  	_ =	shalt  }
0x77: {  	_ =	shalt  }
0x78: {  	_ =	shalt  }
0x79: {  	_ =	shalt  }
0x7a: {  	_ =	shalt  }
0x7b: {  	_ =	shalt  }
0x7c: {  	_ =	shalt  }
0x7d: {  	_ =	shalt  }
0x7e: {  	_ =	shalt  }
0x7f: {  	_ =	shalt  }
0x80: {  	_ =	shalt  }
0x81: {  	_ =	shalt  }
0x82: {  	_ =	shalt  }
0x83: {  	_ =	shalt  }
0x84: {  	_ =	shalt  }
0x85: {  	_ =	shalt  }
0x86: {  	_ =	shalt  }
0x87: {  	_ =	shalt  }
.Lfunc_end0:
.L_simem_size_0:
called_computation.1_lowered:
.L_overlay_start_0:
0x88: {  	s2 =	sld [smem:$0x3FD9]  }
0x89: {  	s3 =	sld [smem:$0x3FFE];
	_ =	sdelay $0x1  }
0x8a: {  	s1 =	srdreg.scid  }
0x8b: {  	s0 =	sand.u32 $0x1, s1  }
0x8c: {  	s16 =	sshll.u32 s0, $0xA;
	s2 =	sadd.s32 s3, s2  }
0x8d: {  	s2 =	sadd.s32 s2, s16  }
0x8e: {  	[smem:$0x3FB8] =	sst s2  }
0x8f: {  	_ = 	snop  }
0x90: {  	(tm) =	ssettm $0x1  }
0x91: {  	s17 =	sld [smem:$0x3FFB];
	_ =	sdelay $0x3  }
0x92: {  	_ =	strace s17  }
0x93: {  	s2 =	sld [smem:$0x3FFC];
	_ =	sdelay $0x3  }
0x94: {  	_ =	strace s2  }
0x95: {  	s2 =	sld [smem:$0x3FFD];
	_ =	sdelay $0x3  }
0x96: {  	_ =	strace s2  }
0x97: {  	_ =	strace $0x8FFFFFFF  }
0x98: {  	s18 =	sld [smem:$0x3FDB];
	_ =	sdelay $0x1  }
0x99: {  	s19 =	simm.s32 $_scs_section_size  }
0x9a: {  	s4 =	simm.s32 $_size__tile_overlayer_lowered;
	s5 =	simm.s32 $_tile_overlayer_lowered  }
0x9b: {  	s22 =	simm.s32 $0x1BFF;
	s21 =	sshll.u32 s5, $0x1;
	s2 =	sadd.s32 s19, s18  }
0x9c: {  	s6 =	simm.s32 $0x0;
	s20 =	sshll.u32 s4, $0x1;
	s4 =	sadd.s32 s21, s2  }
0x9d: {  	[timem:s6], [sflag:s22] =	dma.local [hbm:s4], s20  }
0x9e: {  	_ =	swait.ge [sflag:s22], s20  }
0x9f: {  	s3 =	ssub.s32 $0x0, s20;
	[sflag:s22] =	ssyncset.done $0x0  }
0xa0: {  	[sflag:s22] =	ssyncadd.s32 s3;
	_ =	sdelay $0x1  }
0xa1: {  	s23 =	simm.s32 $0x1B8B  }
0xa2: {  	_ =	swait.ge [sflag:s23], $0x1  }
0xa3: {  	[sflag:s23] =	ssyncset.done $0x0  }
0xa4: {  	s25 =	simm.s32 $0x1B8E;
	s24 =	sld [smem:$0x3FFE];
	[sflag:s23] =	ssyncadd.s32 $0xFFFFFFFF  }
0xa5: {  	s26 =	simm.s32 $execute0_lowered;
	[smem:$0x3FD2] =	sst s25  }
0xa6: {  	s4 =	sshll.u32 s26, $0x1;
	_ =	strace $0x80000049;
	[dreg:$0x1] =	wrdreg $0xFFFFFFFF  }
0xa7: {  	s28 =	simm.s32 $_size_execute0_lowered;
	s2 =	sadd.s32 s2, s4;
	[dreg:$0x0] =	wrdreg $0x0  }
0xa8: {  	s4 =	sshll.u32 s28, $0x1;
	[dreg:$0x2] =	wrdreg s2  }
0xa9: {  	[dreg:$0x3] =	wrdreg s4  }
0xaa: {  	[dreg:$0x4] =	wrdreg $0xC0  }
0xab: {  	_ =	task [dreg:s6], $0x5FFFF  }
0xac: {  	[dreg:$0x1] =	wrdreg $0xFFFFFFFF  }
0xad: {  	[dreg:$0x0] =	wrdreg $0x60  }
0xae: {  	[dreg:$0x2] =	wrdreg s24  }
0xaf: {  	[dreg:$0x3] =	wrdreg $0x90000  }
0xb0: {  	[dreg:$0x4] =	wrdreg $0x9  }
0xb1: {  	_ =	task.clear_ibuf [dreg:s6], $0x5FFFF;
	_ =	strace $0x90000049  }
0xb2: {  	s29 =	simm.s32 $0x9;
	_ =	strace $0x8000004B  }
0xb3: {  	_ =	swait.ge [sflag:s29], $0x1  }
0xb4: {  	[sflag:s29] =	ssyncadd.s32 $0xFFFFFFFF  }
0xb5: {  	_ =	strace $0x9000004B  }
0xb6: {  	_ =	sfence  }
0xb7: {  	s30 =	sld [smem:$0x0];
	_ =	sdelay $0x2  }
0xb8: {  	s31 =	sshll.u32 s1, $0xD;
	s1 =	sshrl.u32 s1, $0x2  }
0xb9: {  	s3 =	sand.u32 $0x4000, s31;
	s1 =	sadd.s32 s1, s30  }
0xba: {  	s0 =	sor.u32 s3, s0;
	s1 =	sshll.u32 s1, $0x11  }
0xbb: {  	s0 =	sor.u32 s1, s0  }
0xbc: {  	s0 =	sadd.s32 $0x8F2B, s0  }
0xbd: {  	[sflag:s0] =	ssyncadd.remote.s32 $0x1  }
0xbe: {  	_ =	sfence.sel $0xFFFF  }
0xbf: {  	[dreg:$0x0] =	wrdreg $0xFFFFFFFF;
	(pc) =	sbr.abs _section_cstart, $3  }
0xc0: {  	[dreg:$0x1] =	wrdreg $0xFFFFFFFF  }
0xc1: {  	_ =	task.clear_ibuf [dreg:s6], $0x2FFFF;
	_ =	strace $0x9FFFFFFF  }
0xc2: {  	(tm) =	ssettm $0x7FFFFFFF  }
0xc3: {  	_ =	shalt  }
tec
execute0_lowered:
.L_overlay_start_1:
0x0: {  	(tag) =	ssettag $0x1  }
0x1: {  	s0 =	rddreg [dreg:$0x0]  }
0x2: {  	s1 =	rddreg [dreg:$0x1]  }
0x3: {  	s3 =	simm.s32 $0x0;
	s2 =	srdreg.scid;
	s11 =	stileid.u32  }
0x4: {  	s28 =	simm.s32 $0x4;
	s30 =	simm.s32 $0x5000;
	s31 =	simm.s32 $0x1  }
0x5: {  	s12 =	simm.s32 $0x480;
	s29 =	simm.s32 $0xD80;
	[smem:$0x7FF] =	sst s3  }
0x6: {  	s2 =	sand.u32 $0x1, s2;
	s6 =	smul.u32 $0x14000, s11;
	s4 =	sadd.s32 $0x24000, s0  }
0x7: {  	s7 =	sadd.s32 $0x4000, s0;
	s8 =	smul.u32 $0x50000, s11;
	s9 =	sadd.s32 $0x14000, s0  }
0x8: {  	s16 =	sshll.u32 s11, $0xF;
	s11 =	simm.s32 $0xA00;
	s5 =	smul.u32 $0x140000, s2  }
0x9: {  	_ =	strace $0x8000004A;
	s13 =	ssub.s32 $0x2, s2;
	s2 =	sshll.u32 s2, $0xE  }
0xa: {  	s10 =	sshrl.u32 s13, $0x1;
	s8 =	sshrl.u32 s8, $0x2;
	s2 =	sor.u32 s2, s16  }
0xb: {  	s16 =	simm.s32 $0xD00;
	s5 =	sadd.s32 s6, s5;
	s14 =	ssub.s32 s13, s10  }
0xc: {  	s8 =	sadd.s32 s8, s1;
	s21 =	sshrl.u32 s2, $0x3;
	s25 =	sor.u32 $0xC00, s2  }
0xd: {  	s2 =	sor.u32 $0x800, s2;
	s10 =	simm.s32 $0x980;
	s13 =	simm.s32 $0x500  }
0xe: {  	s5 =	sshrl.u32 s5, $0x3;
	s15 =	sadd.s32 $0x3E80, s8;
	[dreg:$0x3] =	wrdreg s8  }
0xf: {  	s17 =	sadd.s32 $0x7D00, s8;
	s18 =	sadd.s32 $0xBB80, s8;
	[dreg:$0x4] =	wrdreg s15  }
0x10: {  	s19 =	sadd.s32 $0xFA00, s8;
	s20 =	sadd.s32 $0x13880, s8;
	[dreg:$0x5] =	wrdreg s17  }
0x11: {  	s22 =	sadd.s32 s7, s21;
	s23 =	sadd.s32 s9, s21;
	[dreg:$0x6] =	wrdreg s18  }
0x12: {  	s6 =	sor.u32 $0x80, s21;
	s26 =	sshrl.u32 s25, $0x3;
	[dreg:$0x7] =	wrdreg s19  }
0x13: {  	s2 =	sshrl.u32 s2, $0x3;
	s21 =	simm.s32 $0x1000;
	[dreg:$0x8] =	wrdreg s20  }
0x14: {  	s25 =	simm.s32 $0xC00;
	s0 =	sadd.s32 s5, s0;
	[dreg:$0x9] =	wrdreg s22  }
0x15: {  	[dreg:$0xa] =	wrdreg s23;
	s24 =	sadd.s32 s7, s6;
	s6 =	sadd.s32 s9, s6  }
0x16: {  	s5 =	smax.u32 s14, $0x1;
	s17 =	sadd.s32 s26, s9;
	s18 =	sadd.s32 s26, s7  }
0x17: {  	s19 =	sadd.s32 s2, s9;
	s20 =	sadd.s32 s2, s7;
	s22 =	simm.s32 $0x5  }
.Ltmp0:
0x18: {  	s26 =	simm.s32 $0x7D;
	s2 =	simm.s32 $0x2;
	(pc) =	sbr.rel .LBB2_1-.Ltmp0, $4  }
0x19: {  	s9 =	simm.s32 $0x200;
	s14 =	simm.s32 $0xC80;
	[dreg:$0xb] =	wrdreg s24  }
0x1a: {  	s15 =	simm.s32 $0x580;
	s23 =	simm.s32 $0xE00;
	[dreg:$0xc] =	wrdreg s6  }
0x1b: {  	s0 =	sadd.s32 $0x4C000, s0;
	[dreg:$0xe] =	wrdreg s5;
	s24 =	simm.s32 $0x400  }
0x1c: {  	v0 =	vimm.f32 $0.0e+00;
	s5 =	simm.s32 $0x600;
	s6 =	simm.s32 $0x0;
	[dreg:$0xd] =	wrdreg s0  }
.LBB2_6:
0x1d: {  	_ =	swait.ge [sflag:s2], $0x3E80  }
0x1e: {  	[sflag:s2] =	ssyncset.done $0x0  }
0x1f: {  	[sflag:s2] =	ssyncadd.s32 $0xFFFFC180  }
0x20: {  	[spmem:s1] =	stream.indirect.scatter.add.f32 [tilespmem:s30], [sflag:$0x5], $0x80, s23, s26, $0xb8;
	[tilespmem:$0x1D000] =	vst v63  }
0x21: {  	_ =	swait.ge [sflag:s22], $0x3E80  }
0x22: {  	[sflag:s22] =	ssyncset.done $0x0  }
0x23: {  	[sflag:s22] =	ssyncadd.s32 $0xFFFFC180  }
0x24: {  	s0 =	stileid.u32;
	[bflag:$0x0] =	sbarrier.arrive $0xFFFF  }
0x25: {  	s0 =	sshll.u32 s0, $0x6;
	s8 =	rddreg [dreg:$0x3]  }
0x26: {  	s0 =	sor.u32 $0x1C05, s0;
	s7 =	rddreg [dreg:$0xd];
	s6 =	sshrl.u32 s8, $0x3  }
0x27: {  	[hbm:s7], [sflag:s0] =	dma.local [spmem:s6], $0x2800  }
0x28: {  	_ =	swait.ge [sflag:s22], $0x2800  }
0x29: {  	s0 =	rddreg [dreg:$0xf]  }
0x2a: {  	s7 =	rddreg [dreg:$0xe];
	s6 =	sadd.s32 $0x1, s0  }
0x2b: {  	p0 =	sne.s32 s6, s7  }
.Ltmp1:
0x2c: {  	_ = 	snop;
	(pc) =	sbr.rel @!p0 .LBB2_7-.Ltmp1, $3  }
0x2d: {  	_ =	sdelay $0x1  }
0x2e: {  	[sflag:s22] =	ssyncset.done $0x0  }
0x2f: {  	[sflag:s22] =	ssyncadd.s32 $0xFFFFD800  }
.LBB2_1:
0x30: {  	[dreg:$0xf] =	wrdreg s6;
	s0 =	simm.s32 $0x0;
	s6 =	simm.s32 $0x200  }
.LBB2_2:
0x31: {  	p0 =	sne.s32 s6, $0xF800;
	[tilespmem:s0+$0x1070] =	vst v0  }
0x32: {  	[tilespmem:s0+$0x1000] =	vst v0  }
0x33: {  	[tilespmem:s0+$0x1010] =	vst v0  }
.Ltmp2:
0x34: {  	[tilespmem:s0+$0x1020] =	vst v0;
	(pc) =	sbr.rel @p0 .LBB2_2-.Ltmp2, $4  }
0x35: {  	[tilespmem:s0+$0x1030] =	vst v0  }
0x36: {  	[tilespmem:s0+$0x1040] =	vst v0  }
0x37: {  	[tilespmem:s0+$0x1050] =	vst v0  }
0x38: {  	[tilespmem:s0+$0x1060] =	vst v0;
	s0 =	sshra.s32 s6, $0x2;
	s6 =	sadd.s32 $0x200, s6  }
0x39: {  	[tilespmem:s0+$0x1070] =	vst v0  }
0x3a: {  	[tilespmem:s0+$0x1000] =	vst v0  }
0x3b: {  	[tilespmem:s0+$0x1010] =	vst v0  }
0x3c: {  	[tilespmem:s0+$0x1020] =	vst v0  }
0x3d: {  	[tilespmem:s0+$0x1030] =	vst v0  }
0x3e: {  	[tilespmem:s0+$0x1040] =	vst v0  }
0x3f: {  	[tilespmem:s0+$0x1050] =	vst v0  }
0x40: {  	[tilespmem:s0+$0x1060] =	vst v0  }
0x41: {  	[spmem:s8] =	stream.linear.scatter [tilespmem:s21], [sflag:$0x5], $0x3E80, $0x38;
	[tilespmem:$0x1D000] =	vst v63  }
0x42: {  	_ =	swait.ge [sflag:s22], $0x3E80  }
0x43: {  	[sflag:s22] =	ssyncset.done $0x0  }
0x44: {  	s6 =	rddreg [dreg:$0x4];
	[sflag:s22] =	ssyncadd.s32 $0xFFFFC180  }
0x45: {  	[spmem:s6] =	stream.linear.scatter [tilespmem:s21], [sflag:$0x5], $0x3E80, $0x38;
	[tilespmem:$0x1D000] =	vst v63  }
0x46: {  	_ =	swait.ge [sflag:s22], $0x3E80  }
0x47: {  	[sflag:s22] =	ssyncset.done $0x0  }
0x48: {  	s7 =	rddreg [dreg:$0x5];
	[sflag:s22] =	ssyncadd.s32 $0xFFFFC180  }
0x49: {  	[spmem:s7] =	stream.linear.scatter [tilespmem:s21], [sflag:$0x5], $0x3E80, $0x38;
	[tilespmem:$0x1D000] =	vst v63  }
0x4a: {  	_ =	swait.ge [sflag:s22], $0x3E80  }
0x4b: {  	[sflag:s22] =	ssyncset.done $0x0  }
0x4c: {  	s8 =	rddreg [dreg:$0x6];
	[sflag:s22] =	ssyncadd.s32 $0xFFFFC180  }
0x4d: {  	[spmem:s8] =	stream.linear.scatter [tilespmem:s21], [sflag:$0x5], $0x3E80, $0x38;
	[tilespmem:$0x1D000] =	vst v63  }
0x4e: {  	_ =	swait.ge [sflag:s22], $0x3E80  }
0x4f: {  	[sflag:s22] =	ssyncset.done $0x0  }
0x50: {  	s6 =	rddreg [dreg:$0x7];
	[sflag:s22] =	ssyncadd.s32 $0xFFFFC180  }
0x51: {  	[spmem:s6] =	stream.linear.scatter [tilespmem:s21], [sflag:$0x5], $0x3E80, $0x38;
	[tilespmem:$0x1D000] =	vst v63  }
0x52: {  	_ =	swait.ge [sflag:s22], $0x3E80  }
0x53: {  	[sflag:s22] =	ssyncset.done $0x0  }
0x54: {  	s7 =	rddreg [dreg:$0x8];
	[sflag:s22] =	ssyncadd.s32 $0xFFFFC180  }
0x55: {  	[spmem:s7] =	stream.linear.scatter [tilespmem:s21], [sflag:$0x5], $0x780, $0x38;
	[tilespmem:$0x1D000] =	vst v63  }
0x56: {  	_ =	swait.ge [sflag:s22], $0x780  }
0x57: {  	[sflag:s22] =	ssyncset.done $0x0  }
0x58: {  	s0 =	simm.s32 $0x0;
	s6 =	rddreg [dreg:$0x9];
	[sflag:s22] =	ssyncadd.s32 $0xFFFFF880  }
0x59: {  	[tilespmem:s0], [sflag:$0x5] =	stream.linear.gather [hbm4b:s6+s0], $0x280, $0x38;
	[tilespmem:$0x1D000] =	vst v63  }
0x5a: {  	_ =	swait.ge [sflag:s22], $0x280  }
0x5b: {  	[sflag:s22] =	ssyncset.done $0x0  }
0x5c: {  	s7 =	simm.s32 $0x800;
	s8 =	rddreg [dreg:$0xa];
	[sflag:s22] =	ssyncadd.s32 $0xFFFFFD80  }
0x5d: {  	[tilespmem:s7], [sflag:$0x5] =	stream.linear.gather [hbm4b:s8+s0], $0x280, $0x38;
	[tilespmem:$0x1D000] =	vst v63  }
0x5e: {  	_ =	swait.ge [sflag:s22], $0x280  }
0x5f: {  	[sflag:s22] =	ssyncset.done $0x0  }
0x60: {  	s7 =	rddreg [dreg:$0xb];
	[sflag:s22] =	ssyncadd.s32 $0xFFFFFD80  }
0x61: {  	[tilespmem:s24], [sflag:$0x4] =	stream.linear.gather [hbm4b:s7+s0], $0x280, $0x38;
	[tilespmem:$0x1D000] =	vst v63  }
0x62: {  	s8 =	rddreg [dreg:$0xc]  }
0x63: {  	[tilespmem:s25], [sflag:$0x4] =	stream.linear.gather [hbm4b:s8+s0], $0x280, $0x38;
	[tilespmem:$0x1D000] =	vst v63  }
0x64: {  	_ = 	snop  }
0x65: {  	[tilespmem:s21], [sflag:$0x1] =	stream.indirect.gather [hbm4b:s4+s26], $0x80, s0, s26, $0xb8;
	[tilespmem:$0x1D000] =	vst v63  }
0x66: {  	[bflag:$0x0] =	sbarrier.arrive $0xFFFF  }
.LBB2_4:
0x67: {  	_ =	swait.ge [sflag:s28], $0x280  }
0x68: {  	[sflag:s28] =	ssyncset.done $0x0  }
0x69: {  	[sflag:s28] =	ssyncadd.s32 $0xFFFFFD80  }
0x6a: {  	_ =	swait.ge [sflag:s28], $0x280  }
0x6b: {  	[sflag:s28] =	ssyncset.done $0x0  }
0x6c: {  	s6 =	simm.s32 $0x80;
	[sflag:s28] =	ssyncadd.s32 $0xFFFFFD80  }
0x6d: {  	[tilespmem:s30], [sflag:$0x2] =	stream.indirect.gather [hbm4b:s4+s26], $0x80, s6, s26, $0xb8;
	[tilespmem:$0x1D000] =	vst v63  }
0x6e: {  	_ =	swait.ge [sflag:s31], $0x3E80  }
0x6f: {  	[sflag:s31] =	ssyncset.done $0x0  }
0x70: {  	s8 =	simm.s32 $0x800;
	[sflag:s31] =	ssyncadd.s32 $0xFFFFC180  }
0x71: {  	[spmem:s1] =	stream.indirect.scatter.add.f32 [tilespmem:s21], [sflag:$0x5], $0x80, s8, s26, $0xb8;
	[tilespmem:$0x1D000] =	vst v63  }
0x72: {  	_ =	swait.ge [sflag:s22], $0x3E80  }
0x73: {  	[sflag:s22] =	ssyncset.done $0x0  }
0x74: {  	s7 =	simm.s32 $0x100;
	[sflag:s22] =	ssyncadd.s32 $0xFFFFC180  }
0x75: {  	[tilespmem:s21], [sflag:$0x1] =	stream.indirect.gather [hbm4b:s4+s26], $0x80, s7, s26, $0xb8;
	[tilespmem:$0x1D000] =	vst v63  }
0x76: {  	_ =	swait.ge [sflag:s2], $0x3E80  }
0x77: {  	[sflag:s2] =	ssyncset.done $0x0  }
0x78: {  	s8 =	simm.s32 $0x880;
	[sflag:s2] =	ssyncadd.s32 $0xFFFFC180  }
0x79: {  	[spmem:s1] =	stream.indirect.scatter.add.f32 [tilespmem:s30], [sflag:$0x5], $0x80, s8, s26, $0xb8;
	[tilespmem:$0x1D000] =	vst v63  }
0x7a: {  	_ =	swait.ge [sflag:s22], $0x3E80  }
0x7b: {  	[sflag:s22] =	ssyncset.done $0x0  }
0x7c: {  	s7 =	simm.s32 $0x180;
	[sflag:s22] =	ssyncadd.s32 $0xFFFFC180  }
0x7d: {  	[tilespmem:s30], [sflag:$0x2] =	stream.indirect.gather [hbm4b:s4+s26], $0x80, s7, s26, $0xb8;
	[tilespmem:$0x1D000] =	vst v63  }
0x7e: {  	_ =	swait.ge [sflag:s31], $0x3E80  }
0x7f: {  	[sflag:s31] =	ssyncset.done $0x0  }
0x80: {  	s8 =	simm.s32 $0x900;
	[sflag:s31] =	ssyncadd.s32 $0xFFFFC180  }
0x81: {  	[spmem:s1] =	stream.indirect.scatter.add.f32 [tilespmem:s21], [sflag:$0x5], $0x80, s8, s26, $0xb8;
	[tilespmem:$0x1D000] =	vst v63  }
0x82: {  	_ =	swait.ge [sflag:s22], $0x3E80  }
0x83: {  	[sflag:s22] =	ssyncset.done $0x0  }
0x84: {  	[sflag:s22] =	ssyncadd.s32 $0xFFFFC180  }
0x85: {  	[tilespmem:s21], [sflag:$0x1] =	stream.indirect.gather [hbm4b:s4+s26], $0x80, s9, s26, $0xb8;
	[tilespmem:$0x1D000] =	vst v63  }
0x86: {  	_ =	swait.ge [sflag:s2], $0x3E80  }
0x87: {  	[sflag:s2] =	ssyncset.done $0x0  }
0x88: {  	[sflag:s2] =	ssyncadd.s32 $0xFFFFC180  }
0x89: {  	[spmem:s1] =	stream.indirect.scatter.add.f32 [tilespmem:s30], [sflag:$0x5], $0x80, s10, s26, $0xb8;
	[tilespmem:$0x1D000] =	vst v63  }
0x8a: {  	_ =	swait.ge [sflag:s22], $0x3E80  }
0x8b: {  	[sflag:s22] =	ssyncset.done $0x0  }
0x8c: {  	[sflag:s22] =	ssyncadd.s32 $0xFFFFC180  }
0x8d: {  	[tilespmem:s30], [sflag:$0x2] =	stream.indirect.gather [hbm4b:s4+s26], $0x80, s24, s26, $0xb8;
	[tilespmem:$0x1D000] =	vst v63  }
0x8e: {  	_ =	swait.ge [sflag:s31], $0x3E80  }
0x8f: {  	[sflag:s31] =	ssyncset.done $0x0  }
0x90: {  	[sflag:s31] =	ssyncadd.s32 $0xFFFFC180  }
0x91: {  	[spmem:s1] =	stream.indirect.scatter.add.f32 [tilespmem:s21], [sflag:$0x5], $0x80, s11, s26, $0xb8;
	[tilespmem:$0x1D000] =	vst v63  }
0x92: {  	_ =	swait.ge [sflag:s22], $0x3E80  }
0x93: {  	p0 =	seq.s32 s0, $0x700;
	[sflag:s22] =	ssyncset.done $0x0  }
0x94: {  	s6 =	sadd.s32 @!p0 s0, s20;
	s7 =	simm.s32 @!p0 $0x0;
	[sflag:s22] =	ssyncadd.s32 $0xFFFFC180  }
0x95: {  	[tilespmem:s7], [sflag:$0x3] =	stream.linear.gather @!p0 [hbm4b:s6+s7], $0x280, $0x38;
	[tilespmem:$0x1D000] =	vst v63  }
0x96: {  	s8 =	simm.s32 @!p0 $0x800;
	s6 =	sadd.s32 @!p0 s0, s19  }
0x97: {  	[tilespmem:s8], [sflag:$0x3] =	stream.linear.gather @!p0 [hbm4b:s6+s7], $0x280, $0x38;
	[tilespmem:$0x1D000] =	vst v63  }
0x98: {  	s6 =	simm.s32 @!p0 $0x3  }
0x99: {  	_ =	swait.ge @!p0 [sflag:s6], $0x280  }
0x9a: {  	[sflag:s6] =	ssyncset.done @!p0 $0x0  }
0x9b: {  	[sflag:s6] =	ssyncadd.s32 @!p0 $0xFFFFFD80  }
0x9c: {  	_ =	swait.ge @!p0 [sflag:s6], $0x280  }
0x9d: {  	[sflag:s6] =	ssyncset.done @!p0 $0x0  }
0x9e: {  	[sflag:s6] =	ssyncadd.s32 @!p0 $0xFFFFFD80  }
0x9f: {  	[tilespmem:s21], [sflag:$0x1] =	stream.indirect.gather [hbm4b:s4+s26], $0x80, s12, s26, $0xb8;
	[tilespmem:$0x1D000] =	vst v63  }
0xa0: {  	_ =	swait.ge [sflag:s2], $0x3E80  }
0xa1: {  	[sflag:s2] =	ssyncset.done $0x0  }
0xa2: {  	[sflag:s2] =	ssyncadd.s32 $0xFFFFC180  }
0xa3: {  	[spmem:s1] =	stream.indirect.scatter.add.f32 [tilespmem:s30], [sflag:$0x5], $0x80, s25, s26, $0xb8;
	[tilespmem:$0x1D000] =	vst v63  }
0xa4: {  	_ =	swait.ge [sflag:s22], $0x3E80  }
0xa5: {  	[sflag:s22] =	ssyncset.done $0x0  }
0xa6: {  	[sflag:s22] =	ssyncadd.s32 $0xFFFFC180  }
0xa7: {  	[tilespmem:s30], [sflag:$0x2] =	stream.indirect.gather [hbm4b:s4+s26], $0x80, s13, s26, $0xb8;
	[tilespmem:$0x1D000] =	vst v63  }
0xa8: {  	_ =	swait.ge [sflag:s31], $0x3E80  }
0xa9: {  	[sflag:s31] =	ssyncset.done $0x0  }
0xaa: {  	[sflag:s31] =	ssyncadd.s32 $0xFFFFC180  }
0xab: {  	[spmem:s1] =	stream.indirect.scatter.add.f32 [tilespmem:s21], [sflag:$0x5], $0x80, s14, s26, $0xb8;
	[tilespmem:$0x1D000] =	vst v63  }
0xac: {  	_ =	swait.ge [sflag:s22], $0x3E80  }
0xad: {  	[sflag:s22] =	ssyncset.done $0x0  }
0xae: {  	[sflag:s22] =	ssyncadd.s32 $0xFFFFC180  }
0xaf: {  	[tilespmem:s21], [sflag:$0x1] =	stream.indirect.gather [hbm4b:s4+s26], $0x80, s15, s26, $0xb8;
	[tilespmem:$0x1D000] =	vst v63  }
0xb0: {  	_ =	swait.ge [sflag:s2], $0x3E80  }
0xb1: {  	[sflag:s2] =	ssyncset.done $0x0  }
0xb2: {  	[sflag:s2] =	ssyncadd.s32 $0xFFFFC180  }
0xb3: {  	[spmem:s1] =	stream.indirect.scatter.add.f32 [tilespmem:s30], [sflag:$0x5], $0x80, s16, s26, $0xb8;
	[tilespmem:$0x1D000] =	vst v63  }
0xb4: {  	_ =	swait.ge [sflag:s22], $0x3E80  }
0xb5: {  	[sflag:s22] =	ssyncset.done $0x0  }
0xb6: {  	[sflag:s22] =	ssyncadd.s32 $0xFFFFC180  }
0xb7: {  	[tilespmem:s30], [sflag:$0x2] =	stream.indirect.gather [hbm4b:s4+s26], $0x80, s5, s26, $0xb8;
	[tilespmem:$0x1D000] =	vst v63  }
0xb8: {  	_ =	swait.ge [sflag:s31], $0x3E80  }
0xb9: {  	[sflag:s31] =	ssyncset.done $0x0  }
.Ltmp3:
0xba: {  	[sflag:s31] =	ssyncadd.s32 $0xFFFFC180;
	(pc) =	sbr.rel @p0 .LBB2_6-.Ltmp3, $4  }
0xbb: {  	[spmem:s1] =	stream.indirect.scatter.add.f32 [tilespmem:s21], [sflag:$0x5], $0x80, s29, s26, $0xb8;
	[tilespmem:$0x1D000] =	vst v63  }
0xbc: {  	_ =	swait.ge [sflag:s22], $0x3E80  }
0xbd: {  	[sflag:s22] =	ssyncset.done $0x0  }
0xbe: {  	[sflag:s22] =	ssyncadd.s32 $0xFFFFC180  }
0xbf: {  	[tilespmem:s21], [sflag:$0x1] =	stream.indirect.gather [hbm4b:s4+s26], $0x80, s3, s26, $0xb8;
	[tilespmem:$0x1D000] =	vst v63  }
0xc0: {  	_ =	swait.ge [sflag:s2], $0x3E80  }
0xc1: {  	[sflag:s2] =	ssyncset.done $0x0  }
0xc2: {  	[sflag:s2] =	ssyncadd.s32 $0xFFFFC180  }
0xc3: {  	[spmem:s1] =	stream.indirect.scatter.add.f32 [tilespmem:s30], [sflag:$0x5], $0x80, s23, s26, $0xb8;
	[tilespmem:$0x1D000] =	vst v63  }
0xc4: {  	_ =	swait.ge [sflag:s22], $0x3E80  }
.Ltmp4:
0xc5: {  	[sflag:s22] =	ssyncset.done $0x0;
	(pc) =	sbr.rel .LBB2_4-.Ltmp4, $4  }
0xc6: {  	s6 =	sadd.s32 s0, s18;
	[sflag:s22] =	ssyncadd.s32 $0xFFFFC180  }
0xc7: {  	[tilespmem:s24], [sflag:$0x4] =	stream.linear.gather [hbm4b:s6+s3], $0x280, $0x38;
	[tilespmem:$0x1D000] =	vst v63  }
0xc8: {  	s8 =	sadd.s32 s0, s17;
	s0 =	sadd.s32 $0x100, s0  }
0xc9: {  	[tilespmem:s25], [sflag:$0x4] =	stream.linear.gather [hbm4b:s8+s3], $0x280, $0x38;
	[tilespmem:$0x1D000] =	vst v63  }
.LBB2_7:
0xca: {  	_ =	sfence.sel $0x180000  }
0xcb: {  	[bflag:$0x0] =	sbarrier.arrive $0xFFFF  }
0xcc: {  	_ =	strace $0x9000004A  }
0xcd: {  	s0 =	stileid.u32;
	[bflag:$0x2] =	sbarrier.arrive $0xFFFF  }
0xce: {  	p0 =	sne.s32 s0, $0x0;
	s0 =	rddreg [dreg:$0x2]  }
0xcf: {  	s0 =	sadd.s32 @!p0 $0x100000, s0  }
0xd0: {  	[sflag:s0] =	ssyncadd.tile.s32 @!p0 $0x1;
	_ =	shalt  }
.Lfunc_end2:
_tile_overlayer_lowered:
.L_overlay_start_2:
0xd1: {  	(tag) =	ssettag $0x2  }
0xd2: {  	s0 =	rddreg [dreg:$0x0];
	s2 =	stileid.u32  }
0xd3: {  	s1 =	rddreg [dreg:$0x1];
	p0 =	sne.s32 s2, $0x0  }
0xd4: {  	s3 =	rddreg [dreg:$0x2];
	[bflag:$0x3] =	sbarrier.arrive $0xFFFF;
	s2 =	simm.s32 @!p0 $0x1C05  }
0xd5: {  	[timem:s3], [sflag:s2] =	dma.local @!p0 [hbm:s0], s1  }
0xd6: {  	s0 =	simm.s32 @!p0 $0x5  }
0xd7: {  	_ =	swait.ge @!p0 [sflag:s0], s1  }
0xd8: {  	s1 =	ssub.s32 @!p0 $0x0, s1;
	[sflag:s0] =	ssyncset.done @!p0 $0x0  }
0xd9: {  	[sflag:s0] =	ssyncadd.s32 @!p0 s1  }
0xda: {  	[bflag:$0x3] =	sbarrier.arrive $0xFFFF  }
0xdb: {  	_ =	shalt  }

// kernel: kernel.14.cloned.1.call-start
scs
__scs_entry_jumppad:
0x0: {  	(pc) =	sbr.rel $0x88, $3  }
0x1: {  	(tag) =	ssettag $0x0;
	lr =	simm.s32 $0x1  }
0x2: {  	[smem:$0x3F91] =	sst lr;
	_ =	strace $0xD0000000  }
0x3: {  	_ = 	snop  }
0x4: {  	_ = 	snop  }
0x5: {  	_ = 	snop  }
0x6: {  	_ = 	snop  }
0x7: {  	_ = 	snop  }
__scs_overlays_trampoline_lowered:
0x8: {  	[smem:$0x3FA0] =	sst s0  }
0x9: {  	[smem:$0x3FA1] =	sst s1  }
0xa: {  	[smem:$0x3FA2] =	sst s2  }
0xb: {  	[smem:$0x3FA3] =	sst s3  }
0xc: {  	[smem:$0x3FA4] =	sst s4  }
0xd: {  	[smem:$0x3FA5] =	sst s5  }
0xe: {  	[smem:$0x3FA6] =	sst s6  }
0xf: {  	[smem:$0x3FA7] =	sst s7  }
0x10: {  	[smem:$0x3FA8] =	sst s8  }
0x11: {  	[smem:$0x3FA9] =	sst s9;
	s0 =	simm.s32 @!p0 $0x0  }
0x12: {  	s1 =	sld [smem:$0x3F8F];
	s0 =	simm.s32 @p0 $0x1  }
0x13: {  	[smem:$0x3FAA] =	sst s0;
	s0 =	simm.s32 @!p1 $0x0  }
0x14: {  	s2 =	sld [smem:$0x3F8E];
	s0 =	simm.s32 @p1 $0x1  }
0x15: {  	[smem:$0x3FAB] =	sst s0;
	s0 =	simm.s32 @!p2 $0x0  }
0x16: {  	s3 =	sld [smem:$0x3FDB];
	s0 =	simm.s32 @p2 $0x1  }
0x17: {  	s4 =	simm.s32 $0x1BF5;
	[smem:$0x3FAD] =	sst s0  }
0x18: {  	s0 =	sld [smem:$0x3F90];
	_ =	swait.ge [sflag:s4], $0x0  }
0x19: {  	s7 =	sld [smem:$0x3F91]  }
0x1a: {  	s8 =	sadd.s32 $0xFFFFE003, lr  }
0x1b: {  	s9 =	sadd.s32 $0xFFFFFEF7, lr;
	s5 =	simm.s32 $0xFFFFFFFF;
	p2 =	slt.u32 s8, $0xFFFFF086  }
0x1c: {  	p1 =	slt.u32 s9, $0xF7A;
	s5 =	simm.s32 @!p2 $0x0  }
0x1d: {  	s5 =	simm.s32 @p1 $0x1;
	p0 =	seq.s32 s7, s2  }
0x1e: {  	s7 =	smul.u32 @!p0 $0xF7A, s2;
	p2 =	seq.s32 @!p0 s5, $0x0  }
0x1f: {  	s9 =	smul.u32 $0xF7A, s1;
	s8 =	simm.s32 @!p0 $0x1BF5;
	p2 =	por !p2, p0  }
0x20: {  	[sflag:s8] =	ssyncset.s32 @!p0 $0xFFFFF086;
	s6 =	sadd.s32 @!p0 s3, s7;
	s7 =	simm.s32 @!p0 $0x108  }
0x21: {  	s3 =	sadd.s32 s3, s9;
	s6 =	sadd.s32 @!p0 $0x88, s6;
	s7 =	simm.s32 @p2 $0x1082  }
0x22: {  	[simem:s7], [sflag:s8] =	dma.local @!p0 [hbm:s6], $0xF7A  }
0x23: {  	s9 =	sor.u32 $0xD0000000, s2;
	s6 =	simm.s32 $0x108;
	_ =	swait.ge @!p0 [sflag:s8], $0x0  }
0x24: {  	s3 =	sadd.s32 $0x88, s3;
	s6 =	simm.s32 @!p1 $0x1082;
	[sflag:s4] =	ssyncset.s32 $0xFFFFF086  }
0x25: {  	[simem:s6], [sflag:s4] =	dma.local [hbm:s3], $0xF7A  }
0x26: {  	[smem:$0x3F91] =	sst s1;
	(tag) =	ssettag s2;
	_ =	strace s9  }
0x27: {  	s1 =	sld [smem:$0x3FA1]  }
0x28: {  	s2 =	sld [smem:$0x3FA2]  }
0x29: {  	s4 =	sld [smem:$0x3FA4]  }
0x2a: {  	p0 =	seq.s32 s5, $0x0;
	s5 =	sld [smem:$0x3FA5]  }
0x2b: {  	s6 =	sld [smem:$0x3FA6]  }
0x2c: {  	s7 =	sld [smem:$0x3FA7]  }
0x2d: {  	s3 =	simm.s32 $0x108;
	s8 =	sld [smem:$0x3FA8]  }
0x2e: {  	s3 =	simm.s32 @!p0 $0x1082;
	s9 =	sld [smem:$0x3FA9]  }
0x2f: {  	lr =	sadd.s32 s0, s3;
	s0 =	sld [smem:$0x3FA0]  }
0x30: {  	s3 =	sld [smem:$0x3FA3]  }
0x31: {  	[smem:$0x3FAC] =	sst s10  }
0x32: {  	s10 =	sld [smem:$0x3FAA];
	_ =	sdelay $0x3  }
0x33: {  	p0 =	seq.s32 s10, $0x1;
	s10 =	sld [smem:$0x3FAC];
	_ =	sdelay $0x3  }
0x34: {  	[smem:$0x3FAC] =	sst s10  }
0x35: {  	s10 =	sld [smem:$0x3FAB];
	_ =	sdelay $0x3  }
0x36: {  	p1 =	seq.s32 s10, $0x1;
	s10 =	sld [smem:$0x3FAC];
	_ =	sdelay $0x3  }
0x37: {  	[smem:$0x3FAC] =	sst s10  }
0x38: {  	s10 =	sld [smem:$0x3FAD]  }
0x39: {  	_ = 	snop;
	(pc) =	sbr.ind lr, $3  }
0x3a: {  	_ = 	snop  }
0x3b: {  	_ = 	snop  }
0x3c: {  	p2 =	seq.s32 s10, $0x1;
	s10 =	sld [smem:$0x3FAC]  }
0x3d: {  	_ =	shalt  }
0x3e: {  	_ =	shalt  }
0x3f: {  	_ =	shalt  }
0x40: {  	_ =	shalt  }
0x41: {  	_ =	shalt  }
0x42: {  	_ =	shalt  }
0x43: {  	_ =	shalt  }
0x44: {  	_ =	shalt  }
0x45: {  	_ =	shalt  }
0x46: {  	_ =	shalt  }
0x47: {  	_ =	shalt  }
0x48: {  	_ =	shalt  }
0x49: {  	_ =	shalt  }
0x4a: {  	_ =	shalt  }
0x4b: {  	_ =	shalt  }
0x4c: {  	_ =	shalt  }
0x4d: {  	_ =	shalt  }
0x4e: {  	_ =	shalt  }
0x4f: {  	_ =	shalt  }
0x50: {  	_ =	shalt  }
0x51: {  	_ =	shalt  }
0x52: {  	_ =	shalt  }
0x53: {  	_ =	shalt  }
0x54: {  	_ =	shalt  }
0x55: {  	_ =	shalt  }
0x56: {  	_ =	shalt  }
0x57: {  	_ =	shalt  }
0x58: {  	_ =	shalt  }
0x59: {  	_ =	shalt  }
0x5a: {  	_ =	shalt  }
0x5b: {  	_ =	shalt  }
0x5c: {  	_ =	shalt  }
0x5d: {  	_ =	shalt  }
0x5e: {  	_ =	shalt  }
0x5f: {  	_ =	shalt  }
0x60: {  	_ =	shalt  }
0x61: {  	_ =	shalt  }
0x62: {  	_ =	shalt  }
0x63: {  	_ =	shalt  }
0x64: {  	_ =	shalt  }
0x65: {  	_ =	shalt  }
0x66: {  	_ =	shalt  }
0x67: {  	_ =	shalt  }
0x68: {  	_ =	shalt  }
0x69: {  	_ =	shalt  }
0x6a: {  	_ =	shalt  }
0x6b: {  	_ =	shalt  }
0x6c: {  	_ =	shalt  }
0x6d: {  	_ =	shalt  }
0x6e: {  	_ =	shalt  }
0x6f: {  	_ =	shalt  }
0x70: {  	_ =	shalt  }
0x71: {  	_ =	shalt  }
0x72: {  	_ =	shalt  }
0x73: {  	_ =	shalt  }
0x74: {  	_ =	shalt  }
0x75: {  	_ =	shalt  }
0x76: {  	_ =	shalt  }
0x77: {  	_ =	shalt  }
0x78: {  	_ =	shalt  }
0x79: {  	_ =	shalt  }
0x7a: {  	_ =	shalt  }
0x7b: {  	_ =	shalt  }
0x7c: {  	_ =	shalt  }
0x7d: {  	_ =	shalt  }
0x7e: {  	_ =	shalt  }
0x7f: {  	_ =	shalt  }
0x80: {  	_ =	shalt  }
0x81: {  	_ =	shalt  }
0x82: {  	_ =	shalt  }
0x83: {  	_ =	shalt  }
0x84: {  	_ =	shalt  }
0x85: {  	_ =	shalt  }
0x86: {  	_ =	shalt  }
0x87: {  	_ =	shalt  }
.Lfunc_end0:
.L_simem_size_0:
called_computation.2_lowered:
.L_overlay_start_0:
0x88: {  	s2 =	sld [smem:$0x3FD9]  }
0x89: {  	s3 =	sld [smem:$0x3FFE];
	_ =	sdelay $0x1  }
0x8a: {  	s1 =	srdreg.scid  }
0x8b: {  	s0 =	sand.u32 $0x1, s1  }
0x8c: {  	s16 =	sshll.u32 s0, $0xA;
	s2 =	sadd.s32 s3, s2  }
0x8d: {  	s2 =	sadd.s32 s2, s16  }
0x8e: {  	[smem:$0x3FB8] =	sst s2  }
0x8f: {  	_ = 	snop  }
0x90: {  	(tm) =	ssettm $0x1  }
0x91: {  	s17 =	sld [smem:$0x3FFB];
	_ =	sdelay $0x3  }
0x92: {  	_ =	strace s17  }
0x93: {  	s2 =	sld [smem:$0x3FFC];
	_ =	sdelay $0x3  }
0x94: {  	_ =	strace s2  }
0x95: {  	s2 =	sld [smem:$0x3FFD];
	_ =	sdelay $0x3  }
0x96: {  	_ =	strace s2  }
0x97: {  	_ =	strace $0x8FFFFFFF  }
0x98: {  	s18 =	sld [smem:$0x3FDB];
	_ =	sdelay $0x1  }
0x99: {  	s19 =	simm.s32 $_scs_section_size  }
0x9a: {  	s4 =	simm.s32 $_size__tile_overlayer_lowered;
	s5 =	simm.s32 $_tile_overlayer_lowered  }
0x9b: {  	s22 =	simm.s32 $0x1BFF;
	s21 =	sshll.u32 s5, $0x1;
	s2 =	sadd.s32 s19, s18  }
0x9c: {  	s6 =	simm.s32 $0x0;
	s20 =	sshll.u32 s4, $0x1;
	s4 =	sadd.s32 s21, s2  }
0x9d: {  	[timem:s6], [sflag:s22] =	dma.local [hbm:s4], s20  }
0x9e: {  	_ =	swait.ge [sflag:s22], s20  }
0x9f: {  	s3 =	ssub.s32 $0x0, s20;
	[sflag:s22] =	ssyncset.done $0x0  }
0xa0: {  	[sflag:s22] =	ssyncadd.s32 s3;
	_ =	sdelay $0x1  }
0xa1: {  	s23 =	simm.s32 $0x1B8B  }
0xa2: {  	_ =	swait.ge [sflag:s23], $0x1  }
0xa3: {  	[sflag:s23] =	ssyncset.done $0x0  }
0xa4: {  	s25 =	simm.s32 $0x1B8E;
	s24 =	sld [smem:$0x3FFE];
	[sflag:s23] =	ssyncadd.s32 $0xFFFFFFFF  }
0xa5: {  	s26 =	simm.s32 $execute0_lowered;
	[smem:$0x3FD2] =	sst s25  }
0xa6: {  	s4 =	sshll.u32 s26, $0x1;
	_ =	strace $0x8000004C;
	[dreg:$0x1] =	wrdreg $0xFFFFFFFF  }
0xa7: {  	s28 =	simm.s32 $_size_execute0_lowered;
	s2 =	sadd.s32 s2, s4;
	[dreg:$0x0] =	wrdreg $0x0  }
0xa8: {  	s4 =	sshll.u32 s28, $0x1;
	[dreg:$0x2] =	wrdreg s2  }
0xa9: {  	[dreg:$0x3] =	wrdreg s4  }
0xaa: {  	[dreg:$0x4] =	wrdreg $0xC0  }
0xab: {  	_ =	task [dreg:s6], $0x5FFFF  }
0xac: {  	[dreg:$0x1] =	wrdreg $0xFFFFFFFF  }
0xad: {  	[dreg:$0x0] =	wrdreg $0x60  }
0xae: {  	[dreg:$0x2] =	wrdreg s24  }
0xaf: {  	[dreg:$0x3] =	wrdreg $0x90000  }
0xb0: {  	[dreg:$0x4] =	wrdreg $0x9  }
0xb1: {  	_ =	task.clear_ibuf [dreg:s6], $0x5FFFF;
	_ =	strace $0x9000004C  }
0xb2: {  	s29 =	simm.s32 $0x9;
	_ =	strace $0x8000004E  }
0xb3: {  	_ =	swait.ge [sflag:s29], $0x1  }
0xb4: {  	[sflag:s29] =	ssyncadd.s32 $0xFFFFFFFF  }
0xb5: {  	_ =	strace $0x9000004E  }
0xb6: {  	_ =	sfence  }
0xb7: {  	s30 =	sld [smem:$0x0];
	_ =	sdelay $0x2  }
0xb8: {  	s31 =	sshll.u32 s1, $0xD;
	s1 =	sshrl.u32 s1, $0x2  }
0xb9: {  	s3 =	sand.u32 $0x4000, s31;
	s1 =	sadd.s32 s1, s30  }
0xba: {  	s0 =	sor.u32 s3, s0;
	s1 =	sshll.u32 s1, $0x11  }
0xbb: {  	s0 =	sor.u32 s1, s0  }
0xbc: {  	s0 =	sadd.s32 $0x8F2B, s0  }
0xbd: {  	[sflag:s0] =	ssyncadd.remote.s32 $0x1  }
0xbe: {  	_ =	sfence.sel $0xFFFF  }
0xbf: {  	[dreg:$0x0] =	wrdreg $0xFFFFFFFF;
	(pc) =	sbr.abs _section_cstart, $3  }
0xc0: {  	[dreg:$0x1] =	wrdreg $0xFFFFFFFF  }
0xc1: {  	_ =	task.clear_ibuf [dreg:s6], $0x2FFFF;
	_ =	strace $0x9FFFFFFF  }
0xc2: {  	(tm) =	ssettm $0x7FFFFFFF  }
0xc3: {  	_ =	shalt  }
tec
execute0_lowered:
.L_overlay_start_1:
0x0: {  	(tag) =	ssettag $0x1  }
0x1: {  	s0 =	rddreg [dreg:$0x0]  }
0x2: {  	s1 =	rddreg [dreg:$0x1]  }
0x3: {  	s3 =	simm.s32 $0x0;
	s2 =	srdreg.scid;
	s11 =	stileid.u32  }
0x4: {  	s28 =	simm.s32 $0x4;
	s30 =	simm.s32 $0x5000;
	s31 =	simm.s32 $0x1  }
0x5: {  	s12 =	simm.s32 $0x480;
	s29 =	simm.s32 $0xD80;
	[smem:$0x7FF] =	sst s3  }
0x6: {  	s2 =	sand.u32 $0x1, s2;
	s6 =	smul.u32 $0x14000, s11;
	s4 =	sadd.s32 $0x24000, s0  }
0x7: {  	s7 =	sadd.s32 $0x4000, s0;
	s8 =	smul.u32 $0x50000, s11;
	s9 =	sadd.s32 $0x14000, s0  }
0x8: {  	s16 =	sshll.u32 s11, $0xF;
	s11 =	simm.s32 $0xA00;
	s5 =	smul.u32 $0x140000, s2  }
0x9: {  	_ =	strace $0x8000004D;
	s13 =	ssub.s32 $0x2, s2;
	s2 =	sshll.u32 s2, $0xE  }
0xa: {  	s10 =	sshrl.u32 s13, $0x1;
	s8 =	sshrl.u32 s8, $0x2;
	s2 =	sor.u32 s2, s16  }
0xb: {  	s16 =	simm.s32 $0xD00;
	s5 =	sadd.s32 s6, s5;
	s14 =	ssub.s32 s13, s10  }
0xc: {  	s8 =	sadd.s32 s8, s1;
	s21 =	sshrl.u32 s2, $0x3;
	s25 =	sor.u32 $0xC00, s2  }
0xd: {  	s2 =	sor.u32 $0x800, s2;
	s10 =	simm.s32 $0x980;
	s13 =	simm.s32 $0x500  }
0xe: {  	s5 =	sshrl.u32 s5, $0x3;
	s15 =	sadd.s32 $0x3E80, s8;
	[dreg:$0x3] =	wrdreg s8  }
0xf: {  	s17 =	sadd.s32 $0x7D00, s8;
	s18 =	sadd.s32 $0xBB80, s8;
	[dreg:$0x4] =	wrdreg s15  }
0x10: {  	s19 =	sadd.s32 $0xFA00, s8;
	s20 =	sadd.s32 $0x13880, s8;
	[dreg:$0x5] =	wrdreg s17  }
0x11: {  	s22 =	sadd.s32 s7, s21;
	s23 =	sadd.s32 s9, s21;
	[dreg:$0x6] =	wrdreg s18  }
0x12: {  	s6 =	sor.u32 $0x80, s21;
	s26 =	sshrl.u32 s25, $0x3;
	[dreg:$0x7] =	wrdreg s19  }
0x13: {  	s2 =	sshrl.u32 s2, $0x3;
	s21 =	simm.s32 $0x1000;
	[dreg:$0x8] =	wrdreg s20  }
0x14: {  	s25 =	simm.s32 $0xC00;
	s0 =	sadd.s32 s5, s0;
	[dreg:$0x9] =	wrdreg s22  }
0x15: {  	[dreg:$0xa] =	wrdreg s23;
	s24 =	sadd.s32 s7, s6;
	s6 =	sadd.s32 s9, s6  }
0x16: {  	s5 =	smax.u32 s14, $0x1;
	s17 =	sadd.s32 s26, s9;
	s18 =	sadd.s32 s26, s7  }
0x17: {  	s19 =	sadd.s32 s2, s9;
	s20 =	sadd.s32 s2, s7;
	s22 =	simm.s32 $0x5  }
.Ltmp0:
0x18: {  	s26 =	simm.s32 $0x7D;
	s2 =	simm.s32 $0x2;
	(pc) =	sbr.rel .LBB2_1-.Ltmp0, $4  }
0x19: {  	s9 =	simm.s32 $0x200;
	s14 =	simm.s32 $0xC80;
	[dreg:$0xb] =	wrdreg s24  }
0x1a: {  	s15 =	simm.s32 $0x580;
	s23 =	simm.s32 $0xE00;
	[dreg:$0xc] =	wrdreg s6  }
0x1b: {  	s0 =	sadd.s32 $0x4C000, s0;
	[dreg:$0xe] =	wrdreg s5;
	s24 =	simm.s32 $0x400  }
0x1c: {  	v0 =	vimm.f32 $0.0e+00;
	s5 =	simm.s32 $0x600;
	s6 =	simm.s32 $0x0;
	[dreg:$0xd] =	wrdreg s0  }
.LBB2_6:
0x1d: {  	_ =	swait.ge [sflag:s2], $0x3E80  }
0x1e: {  	[sflag:s2] =	ssyncset.done $0x0  }
0x1f: {  	[sflag:s2] =	ssyncadd.s32 $0xFFFFC180  }
0x20: {  	[spmem:s1] =	stream.indirect.scatter.add.f32 [tilespmem:s30], [sflag:$0x5], $0x80, s23, s26, $0xb8;
	[tilespmem:$0x1D000] =	vst v63  }
0x21: {  	_ =	swait.ge [sflag:s22], $0x3E80  }
0x22: {  	[sflag:s22] =	ssyncset.done $0x0  }
0x23: {  	[sflag:s22] =	ssyncadd.s32 $0xFFFFC180  }
0x24: {  	s0 =	stileid.u32;
	[bflag:$0x0] =	sbarrier.arrive $0xFFFF  }
0x25: {  	s0 =	sshll.u32 s0, $0x6;
	s8 =	rddreg [dreg:$0x3]  }
0x26: {  	s0 =	sor.u32 $0x1C05, s0;
	s7 =	rddreg [dreg:$0xd];
	s6 =	sshrl.u32 s8, $0x3  }
0x27: {  	[hbm:s7], [sflag:s0] =	dma.local [spmem:s6], $0x2800  }
0x28: {  	_ =	swait.ge [sflag:s22], $0x2800  }
0x29: {  	s0 =	rddreg [dreg:$0xf]  }
0x2a: {  	s7 =	rddreg [dreg:$0xe];
	s6 =	sadd.s32 $0x1, s0  }
0x2b: {  	p0 =	sne.s32 s6, s7  }
.Ltmp1:
0x2c: {  	_ = 	snop;
	(pc) =	sbr.rel @!p0 .LBB2_7-.Ltmp1, $3  }
0x2d: {  	_ =	sdelay $0x1  }
0x2e: {  	[sflag:s22] =	ssyncset.done $0x0  }
0x2f: {  	[sflag:s22] =	ssyncadd.s32 $0xFFFFD800  }
.LBB2_1:
0x30: {  	[dreg:$0xf] =	wrdreg s6;
	s0 =	simm.s32 $0x0;
	s6 =	simm.s32 $0x200  }
.LBB2_2:
0x31: {  	p0 =	sne.s32 s6, $0xF800;
	[tilespmem:s0+$0x1070] =	vst v0  }
0x32: {  	[tilespmem:s0+$0x1000] =	vst v0  }
0x33: {  	[tilespmem:s0+$0x1010] =	vst v0  }
.Ltmp2:
0x34: {  	[tilespmem:s0+$0x1020] =	vst v0;
	(pc) =	sbr.rel @p0 .LBB2_2-.Ltmp2, $4  }
0x35: {  	[tilespmem:s0+$0x1030] =	vst v0  }
0x36: {  	[tilespmem:s0+$0x1040] =	vst v0  }
0x37: {  	[tilespmem:s0+$0x1050] =	vst v0  }
0x38: {  	[tilespmem:s0+$0x1060] =	vst v0;
	s0 =	sshra.s32 s6, $0x2;
	s6 =	sadd.s32 $0x200, s6  }
0x39: {  	[tilespmem:s0+$0x1070] =	vst v0  }
0x3a: {  	[tilespmem:s0+$0x1000] =	vst v0  }
0x3b: {  	[tilespmem:s0+$0x1010] =	vst v0  }
0x3c: {  	[tilespmem:s0+$0x1020] =	vst v0  }
0x3d: {  	[tilespmem:s0+$0x1030] =	vst v0  }
0x3e: {  	[tilespmem:s0+$0x1040] =	vst v0  }
0x3f: {  	[tilespmem:s0+$0x1050] =	vst v0  }
0x40: {  	[tilespmem:s0+$0x1060] =	vst v0  }
0x41: {  	[spmem:s8] =	stream.linear.scatter [tilespmem:s21], [sflag:$0x5], $0x3E80, $0x38;
	[tilespmem:$0x1D000] =	vst v63  }
0x42: {  	_ =	swait.ge [sflag:s22], $0x3E80  }
0x43: {  	[sflag:s22] =	ssyncset.done $0x0  }
0x44: {  	s6 =	rddreg [dreg:$0x4];
	[sflag:s22] =	ssyncadd.s32 $0xFFFFC180  }
0x45: {  	[spmem:s6] =	stream.linear.scatter [tilespmem:s21], [sflag:$0x5], $0x3E80, $0x38;
	[tilespmem:$0x1D000] =	vst v63  }
0x46: {  	_ =	swait.ge [sflag:s22], $0x3E80  }
0x47: {  	[sflag:s22] =	ssyncset.done $0x0  }
0x48: {  	s7 =	rddreg [dreg:$0x5];
	[sflag:s22] =	ssyncadd.s32 $0xFFFFC180  }
0x49: {  	[spmem:s7] =	stream.linear.scatter [tilespmem:s21], [sflag:$0x5], $0x3E80, $0x38;
	[tilespmem:$0x1D000] =	vst v63  }
0x4a: {  	_ =	swait.ge [sflag:s22], $0x3E80  }
0x4b: {  	[sflag:s22] =	ssyncset.done $0x0  }
0x4c: {  	s8 =	rddreg [dreg:$0x6];
	[sflag:s22] =	ssyncadd.s32 $0xFFFFC180  }
0x4d: {  	[spmem:s8] =	stream.linear.scatter [tilespmem:s21], [sflag:$0x5], $0x3E80, $0x38;
	[tilespmem:$0x1D000] =	vst v63  }
0x4e: {  	_ =	swait.ge [sflag:s22], $0x3E80  }
0x4f: {  	[sflag:s22] =	ssyncset.done $0x0  }
0x50: {  	s6 =	rddreg [dreg:$0x7];
	[sflag:s22] =	ssyncadd.s32 $0xFFFFC180  }
0x51: {  	[spmem:s6] =	stream.linear.scatter [tilespmem:s21], [sflag:$0x5], $0x3E80, $0x38;
	[tilespmem:$0x1D000] =	vst v63  }
0x52: {  	_ =	swait.ge [sflag:s22], $0x3E80  }
0x53: {  	[sflag:s22] =	ssyncset.done $0x0  }
0x54: {  	s7 =	rddreg [dreg:$0x8];
	[sflag:s22] =	ssyncadd.s32 $0xFFFFC180  }
0x55: {  	[spmem:s7] =	stream.linear.scatter [tilespmem:s21], [sflag:$0x5], $0x780, $0x38;
	[tilespmem:$0x1D000] =	vst v63  }
0x56: {  	_ =	swait.ge [sflag:s22], $0x780  }
0x57: {  	[sflag:s22] =	ssyncset.done $0x0  }
0x58: {  	s0 =	simm.s32 $0x0;
	s6 =	rddreg [dreg:$0x9];
	[sflag:s22] =	ssyncadd.s32 $0xFFFFF880  }
0x59: {  	[tilespmem:s0], [sflag:$0x5] =	stream.linear.gather [hbm4b:s6+s0], $0x280, $0x38;
	[tilespmem:$0x1D000] =	vst v63  }
0x5a: {  	_ =	swait.ge [sflag:s22], $0x280  }
0x5b: {  	[sflag:s22] =	ssyncset.done $0x0  }
0x5c: {  	s7 =	simm.s32 $0x800;
	s8 =	rddreg [dreg:$0xa];
	[sflag:s22] =	ssyncadd.s32 $0xFFFFFD80  }
0x5d: {  	[tilespmem:s7], [sflag:$0x5] =	stream.linear.gather [hbm4b:s8+s0], $0x280, $0x38;
	[tilespmem:$0x1D000] =	vst v63  }
0x5e: {  	_ =	swait.ge [sflag:s22], $0x280  }
0x5f: {  	[sflag:s22] =	ssyncset.done $0x0  }
0x60: {  	s7 =	rddreg [dreg:$0xb];
	[sflag:s22] =	ssyncadd.s32 $0xFFFFFD80  }
0x61: {  	[tilespmem:s24], [sflag:$0x4] =	stream.linear.gather [hbm4b:s7+s0], $0x280, $0x38;
	[tilespmem:$0x1D000] =	vst v63  }
0x62: {  	s8 =	rddreg [dreg:$0xc]  }
0x63: {  	[tilespmem:s25], [sflag:$0x4] =	stream.linear.gather [hbm4b:s8+s0], $0x280, $0x38;
	[tilespmem:$0x1D000] =	vst v63  }
0x64: {  	_ = 	snop  }
0x65: {  	[tilespmem:s21], [sflag:$0x1] =	stream.indirect.gather [hbm4b:s4+s26], $0x80, s0, s26, $0xb8;
	[tilespmem:$0x1D000] =	vst v63  }
0x66: {  	[bflag:$0x0] =	sbarrier.arrive $0xFFFF  }
.LBB2_4:
0x67: {  	_ =	swait.ge [sflag:s28], $0x280  }
0x68: {  	[sflag:s28] =	ssyncset.done $0x0  }
0x69: {  	[sflag:s28] =	ssyncadd.s32 $0xFFFFFD80  }
0x6a: {  	_ =	swait.ge [sflag:s28], $0x280  }
0x6b: {  	[sflag:s28] =	ssyncset.done $0x0  }
0x6c: {  	s6 =	simm.s32 $0x80;
	[sflag:s28] =	ssyncadd.s32 $0xFFFFFD80  }
0x6d: {  	[tilespmem:s30], [sflag:$0x2] =	stream.indirect.gather [hbm4b:s4+s26], $0x80, s6, s26, $0xb8;
	[tilespmem:$0x1D000] =	vst v63  }
0x6e: {  	_ =	swait.ge [sflag:s31], $0x3E80  }
0x6f: {  	[sflag:s31] =	ssyncset.done $0x0  }
0x70: {  	s8 =	simm.s32 $0x800;
	[sflag:s31] =	ssyncadd.s32 $0xFFFFC180  }
0x71: {  	[spmem:s1] =	stream.indirect.scatter.add.f32 [tilespmem:s21], [sflag:$0x5], $0x80, s8, s26, $0xb8;
	[tilespmem:$0x1D000] =	vst v63  }
0x72: {  	_ =	swait.ge [sflag:s22], $0x3E80  }
0x73: {  	[sflag:s22] =	ssyncset.done $0x0  }
0x74: {  	s7 =	simm.s32 $0x100;
	[sflag:s22] =	ssyncadd.s32 $0xFFFFC180  }
0x75: {  	[tilespmem:s21], [sflag:$0x1] =	stream.indirect.gather [hbm4b:s4+s26], $0x80, s7, s26, $0xb8;
	[tilespmem:$0x1D000] =	vst v63  }
0x76: {  	_ =	swait.ge [sflag:s2], $0x3E80  }
0x77: {  	[sflag:s2] =	ssyncset.done $0x0  }
0x78: {  	s8 =	simm.s32 $0x880;
	[sflag:s2] =	ssyncadd.s32 $0xFFFFC180  }
0x79: {  	[spmem:s1] =	stream.indirect.scatter.add.f32 [tilespmem:s30], [sflag:$0x5], $0x80, s8, s26, $0xb8;
	[tilespmem:$0x1D000] =	vst v63  }
0x7a: {  	_ =	swait.ge [sflag:s22], $0x3E80  }
0x7b: {  	[sflag:s22] =	ssyncset.done $0x0  }
0x7c: {  	s7 =	simm.s32 $0x180;
	[sflag:s22] =	ssyncadd.s32 $0xFFFFC180  }
0x7d: {  	[tilespmem:s30], [sflag:$0x2] =	stream.indirect.gather [hbm4b:s4+s26], $0x80, s7, s26, $0xb8;
	[tilespmem:$0x1D000] =	vst v63  }
0x7e: {  	_ =	swait.ge [sflag:s31], $0x3E80  }
0x7f: {  	[sflag:s31] =	ssyncset.done $0x0  }
0x80: {  	s8 =	simm.s32 $0x900;
	[sflag:s31] =	ssyncadd.s32 $0xFFFFC180  }
0x81: {  	[spmem:s1] =	stream.indirect.scatter.add.f32 [tilespmem:s21], [sflag:$0x5], $0x80, s8, s26, $0xb8;
	[tilespmem:$0x1D000] =	vst v63  }
0x82: {  	_ =	swait.ge [sflag:s22], $0x3E80  }
0x83: {  	[sflag:s22] =	ssyncset.done $0x0  }
0x84: {  	[sflag:s22] =	ssyncadd.s32 $0xFFFFC180  }
0x85: {  	[tilespmem:s21], [sflag:$0x1] =	stream.indirect.gather [hbm4b:s4+s26], $0x80, s9, s26, $0xb8;
	[tilespmem:$0x1D000] =	vst v63  }
0x86: {  	_ =	swait.ge [sflag:s2], $0x3E80  }
0x87: {  	[sflag:s2] =	ssyncset.done $0x0  }
0x88: {  	[sflag:s2] =	ssyncadd.s32 $0xFFFFC180  }
0x89: {  	[spmem:s1] =	stream.indirect.scatter.add.f32 [tilespmem:s30], [sflag:$0x5], $0x80, s10, s26, $0xb8;
	[tilespmem:$0x1D000] =	vst v63  }
0x8a: {  	_ =	swait.ge [sflag:s22], $0x3E80  }
0x8b: {  	[sflag:s22] =	ssyncset.done $0x0  }
0x8c: {  	[sflag:s22] =	ssyncadd.s32 $0xFFFFC180  }
0x8d: {  	[tilespmem:s30], [sflag:$0x2] =	stream.indirect.gather [hbm4b:s4+s26], $0x80, s24, s26, $0xb8;
	[tilespmem:$0x1D000] =	vst v63  }
0x8e: {  	_ =	swait.ge [sflag:s31], $0x3E80  }
0x8f: {  	[sflag:s31] =	ssyncset.done $0x0  }
0x90: {  	[sflag:s31] =	ssyncadd.s32 $0xFFFFC180  }
0x91: {  	[spmem:s1] =	stream.indirect.scatter.add.f32 [tilespmem:s21], [sflag:$0x5], $0x80, s11, s26, $0xb8;
	[tilespmem:$0x1D000] =	vst v63  }
0x92: {  	_ =	swait.ge [sflag:s22], $0x3E80  }
0x93: {  	p0 =	seq.s32 s0, $0x700;
	[sflag:s22] =	ssyncset.done $0x0  }
0x94: {  	s6 =	sadd.s32 @!p0 s0, s20;
	s7 =	simm.s32 @!p0 $0x0;
	[sflag:s22] =	ssyncadd.s32 $0xFFFFC180  }
0x95: {  	[tilespmem:s7], [sflag:$0x3] =	stream.linear.gather @!p0 [hbm4b:s6+s7], $0x280, $0x38;
	[tilespmem:$0x1D000] =	vst v63  }
0x96: {  	s8 =	simm.s32 @!p0 $0x800;
	s6 =	sadd.s32 @!p0 s0, s19  }
0x97: {  	[tilespmem:s8], [sflag:$0x3] =	stream.linear.gather @!p0 [hbm4b:s6+s7], $0x280, $0x38;
	[tilespmem:$0x1D000] =	vst v63  }
0x98: {  	s6 =	simm.s32 @!p0 $0x3  }
0x99: {  	_ =	swait.ge @!p0 [sflag:s6], $0x280  }
0x9a: {  	[sflag:s6] =	ssyncset.done @!p0 $0x0  }
0x9b: {  	[sflag:s6] =	ssyncadd.s32 @!p0 $0xFFFFFD80  }
0x9c: {  	_ =	swait.ge @!p0 [sflag:s6], $0x280  }
0x9d: {  	[sflag:s6] =	ssyncset.done @!p0 $0x0  }
0x9e: {  	[sflag:s6] =	ssyncadd.s32 @!p0 $0xFFFFFD80  }
0x9f: {  	[tilespmem:s21], [sflag:$0x1] =	stream.indirect.gather [hbm4b:s4+s26], $0x80, s12, s26, $0xb8;
	[tilespmem:$0x1D000] =	vst v63  }
0xa0: {  	_ =	swait.ge [sflag:s2], $0x3E80  }
0xa1: {  	[sflag:s2] =	ssyncset.done $0x0  }
0xa2: {  	[sflag:s2] =	ssyncadd.s32 $0xFFFFC180  }
0xa3: {  	[spmem:s1] =	stream.indirect.scatter.add.f32 [tilespmem:s30], [sflag:$0x5], $0x80, s25, s26, $0xb8;
	[tilespmem:$0x1D000] =	vst v63  }
0xa4: {  	_ =	swait.ge [sflag:s22], $0x3E80  }
0xa5: {  	[sflag:s22] =	ssyncset.done $0x0  }
0xa6: {  	[sflag:s22] =	ssyncadd.s32 $0xFFFFC180  }
0xa7: {  	[tilespmem:s30], [sflag:$0x2] =	stream.indirect.gather [hbm4b:s4+s26], $0x80, s13, s26, $0xb8;
	[tilespmem:$0x1D000] =	vst v63  }
0xa8: {  	_ =	swait.ge [sflag:s31], $0x3E80  }
0xa9: {  	[sflag:s31] =	ssyncset.done $0x0  }
0xaa: {  	[sflag:s31] =	ssyncadd.s32 $0xFFFFC180  }
0xab: {  	[spmem:s1] =	stream.indirect.scatter.add.f32 [tilespmem:s21], [sflag:$0x5], $0x80, s14, s26, $0xb8;
	[tilespmem:$0x1D000] =	vst v63  }
0xac: {  	_ =	swait.ge [sflag:s22], $0x3E80  }
0xad: {  	[sflag:s22] =	ssyncset.done $0x0  }
0xae: {  	[sflag:s22] =	ssyncadd.s32 $0xFFFFC180  }
0xaf: {  	[tilespmem:s21], [sflag:$0x1] =	stream.indirect.gather [hbm4b:s4+s26], $0x80, s15, s26, $0xb8;
	[tilespmem:$0x1D000] =	vst v63  }
0xb0: {  	_ =	swait.ge [sflag:s2], $0x3E80  }
0xb1: {  	[sflag:s2] =	ssyncset.done $0x0  }
0xb2: {  	[sflag:s2] =	ssyncadd.s32 $0xFFFFC180  }
0xb3: {  	[spmem:s1] =	stream.indirect.scatter.add.f32 [tilespmem:s30], [sflag:$0x5], $0x80, s16, s26, $0xb8;
	[tilespmem:$0x1D000] =	vst v63  }
0xb4: {  	_ =	swait.ge [sflag:s22], $0x3E80  }
0xb5: {  	[sflag:s22] =	ssyncset.done $0x0  }
0xb6: {  	[sflag:s22] =	ssyncadd.s32 $0xFFFFC180  }
0xb7: {  	[tilespmem:s30], [sflag:$0x2] =	stream.indirect.gather [hbm4b:s4+s26], $0x80, s5, s26, $0xb8;
	[tilespmem:$0x1D000] =	vst v63  }
0xb8: {  	_ =	swait.ge [sflag:s31], $0x3E80  }
0xb9: {  	[sflag:s31] =	ssyncset.done $0x0  }
.Ltmp3:
0xba: {  	[sflag:s31] =	ssyncadd.s32 $0xFFFFC180;
	(pc) =	sbr.rel @p0 .LBB2_6-.Ltmp3, $4  }
0xbb: {  	[spmem:s1] =	stream.indirect.scatter.add.f32 [tilespmem:s21], [sflag:$0x5], $0x80, s29, s26, $0xb8;
	[tilespmem:$0x1D000] =	vst v63  }
0xbc: {  	_ =	swait.ge [sflag:s22], $0x3E80  }
0xbd: {  	[sflag:s22] =	ssyncset.done $0x0  }
0xbe: {  	[sflag:s22] =	ssyncadd.s32 $0xFFFFC180  }
0xbf: {  	[tilespmem:s21], [sflag:$0x1] =	stream.indirect.gather [hbm4b:s4+s26], $0x80, s3, s26, $0xb8;
	[tilespmem:$0x1D000] =	vst v63  }
0xc0: {  	_ =	swait.ge [sflag:s2], $0x3E80  }
0xc1: {  	[sflag:s2] =	ssyncset.done $0x0  }
0xc2: {  	[sflag:s2] =	ssyncadd.s32 $0xFFFFC180  }
0xc3: {  	[spmem:s1] =	stream.indirect.scatter.add.f32 [tilespmem:s30], [sflag:$0x5], $0x80, s23, s26, $0xb8;
	[tilespmem:$0x1D000] =	vst v63  }
0xc4: {  	_ =	swait.ge [sflag:s22], $0x3E80  }
.Ltmp4:
0xc5: {  	[sflag:s22] =	ssyncset.done $0x0;
	(pc) =	sbr.rel .LBB2_4-.Ltmp4, $4  }
0xc6: {  	s6 =	sadd.s32 s0, s18;
	[sflag:s22] =	ssyncadd.s32 $0xFFFFC180  }
0xc7: {  	[tilespmem:s24], [sflag:$0x4] =	stream.linear.gather [hbm4b:s6+s3], $0x280, $0x38;
	[tilespmem:$0x1D000] =	vst v63  }
0xc8: {  	s8 =	sadd.s32 s0, s17;
	s0 =	sadd.s32 $0x100, s0  }
0xc9: {  	[tilespmem:s25], [sflag:$0x4] =	stream.linear.gather [hbm4b:s8+s3], $0x280, $0x38;
	[tilespmem:$0x1D000] =	vst v63  }
.LBB2_7:
0xca: {  	_ =	sfence.sel $0x180000  }
0xcb: {  	[bflag:$0x0] =	sbarrier.arrive $0xFFFF  }
0xcc: {  	_ =	strace $0x9000004D  }
0xcd: {  	s0 =	stileid.u32;
	[bflag:$0x2] =	sbarrier.arrive $0xFFFF  }
0xce: {  	p0 =	sne.s32 s0, $0x0;
	s0 =	rddreg [dreg:$0x2]  }
0xcf: {  	s0 =	sadd.s32 @!p0 $0x100000, s0  }
0xd0: {  	[sflag:s0] =	ssyncadd.tile.s32 @!p0 $0x1;
	_ =	shalt  }
.Lfunc_end2:
_tile_overlayer_lowered:
.L_overlay_start_2:
0xd1: {  	(tag) =	ssettag $0x2  }
0xd2: {  	s0 =	rddreg [dreg:$0x0];
	s2 =	stileid.u32  }
0xd3: {  	s1 =	rddreg [dreg:$0x1];
	p0 =	sne.s32 s2, $0x0  }
0xd4: {  	s3 =	rddreg [dreg:$0x2];
	[bflag:$0x3] =	sbarrier.arrive $0xFFFF;
	s2 =	simm.s32 @!p0 $0x1C05  }
0xd5: {  	[timem:s3], [sflag:s2] =	dma.local @!p0 [hbm:s0], s1  }
0xd6: {  	s0 =	simm.s32 @!p0 $0x5  }
0xd7: {  	_ =	swait.ge @!p0 [sflag:s0], s1  }
0xd8: {  	s1 =	ssub.s32 @!p0 $0x0, s1;
	[sflag:s0] =	ssyncset.done @!p0 $0x0  }
0xd9: {  	[sflag:s0] =	ssyncadd.s32 @!p0 s1  }
0xda: {  	[bflag:$0x3] =	sbarrier.arrive $0xFFFF  }
0xdb: {  	_ =	shalt  }

// kernel: kernel.8.cloned.1.call-start
scs
__scs_entry_jumppad:
0x0: {  	(pc) =	sbr.rel $0x88, $3  }
0x1: {  	(tag) =	ssettag $0x0;
	lr =	simm.s32 $0x1  }
0x2: {  	[smem:$0x3F91] =	sst lr;
	_ =	strace $0xD0000000  }
0x3: {  	_ = 	snop  }
0x4: {  	_ = 	snop  }
0x5: {  	_ = 	snop  }
0x6: {  	_ = 	snop  }
0x7: {  	_ = 	snop  }
__scs_overlays_trampoline_lowered:
0x8: {  	[smem:$0x3FA0] =	sst s0  }
0x9: {  	[smem:$0x3FA1] =	sst s1  }
0xa: {  	[smem:$0x3FA2] =	sst s2  }
0xb: {  	[smem:$0x3FA3] =	sst s3  }
0xc: {  	[smem:$0x3FA4] =	sst s4  }
0xd: {  	[smem:$0x3FA5] =	sst s5  }
0xe: {  	[smem:$0x3FA6] =	sst s6  }
0xf: {  	[smem:$0x3FA7] =	sst s7  }
0x10: {  	[smem:$0x3FA8] =	sst s8  }
0x11: {  	[smem:$0x3FA9] =	sst s9;
	s0 =	simm.s32 @!p0 $0x0  }
0x12: {  	s1 =	sld [smem:$0x3F8F];
	s0 =	simm.s32 @p0 $0x1  }
0x13: {  	[smem:$0x3FAA] =	sst s0;
	s0 =	simm.s32 @!p1 $0x0  }
0x14: {  	s2 =	sld [smem:$0x3F8E];
	s0 =	simm.s32 @p1 $0x1  }
0x15: {  	[smem:$0x3FAB] =	sst s0;
	s0 =	simm.s32 @!p2 $0x0  }
0x16: {  	s3 =	sld [smem:$0x3FDB];
	s0 =	simm.s32 @p2 $0x1  }
0x17: {  	s4 =	simm.s32 $0x1BF5;
	[smem:$0x3FAD] =	sst s0  }
0x18: {  	s0 =	sld [smem:$0x3F90];
	_ =	swait.ge [sflag:s4], $0x0  }
0x19: {  	s7 =	sld [smem:$0x3F91]  }
0x1a: {  	s8 =	sadd.s32 $0xFFFFE003, lr  }
0x1b: {  	s9 =	sadd.s32 $0xFFFFFEF7, lr;
	s5 =	simm.s32 $0xFFFFFFFF;
	p2 =	slt.u32 s8, $0xFFFFF086  }
0x1c: {  	p1 =	slt.u32 s9, $0xF7A;
	s5 =	simm.s32 @!p2 $0x0  }
0x1d: {  	s5 =	simm.s32 @p1 $0x1;
	p0 =	seq.s32 s7, s2  }
0x1e: {  	s7 =	smul.u32 @!p0 $0xF7A, s2;
	p2 =	seq.s32 @!p0 s5, $0x0  }
0x1f: {  	s9 =	smul.u32 $0xF7A, s1;
	s8 =	simm.s32 @!p0 $0x1BF5;
	p2 =	por !p2, p0  }
0x20: {  	[sflag:s8] =	ssyncset.s32 @!p0 $0xFFFFF086;
	s6 =	sadd.s32 @!p0 s3, s7;
	s7 =	simm.s32 @!p0 $0x108  }
0x21: {  	s3 =	sadd.s32 s3, s9;
	s6 =	sadd.s32 @!p0 $0x88, s6;
	s7 =	simm.s32 @p2 $0x1082  }
0x22: {  	[simem:s7], [sflag:s8] =	dma.local @!p0 [hbm:s6], $0xF7A  }
0x23: {  	s9 =	sor.u32 $0xD0000000, s2;
	s6 =	simm.s32 $0x108;
	_ =	swait.ge @!p0 [sflag:s8], $0x0  }
0x24: {  	s3 =	sadd.s32 $0x88, s3;
	s6 =	simm.s32 @!p1 $0x1082;
	[sflag:s4] =	ssyncset.s32 $0xFFFFF086  }
0x25: {  	[simem:s6], [sflag:s4] =	dma.local [hbm:s3], $0xF7A  }
0x26: {  	[smem:$0x3F91] =	sst s1;
	(tag) =	ssettag s2;
	_ =	strace s9  }
0x27: {  	s1 =	sld [smem:$0x3FA1]  }
0x28: {  	s2 =	sld [smem:$0x3FA2]  }
0x29: {  	s4 =	sld [smem:$0x3FA4]  }
0x2a: {  	p0 =	seq.s32 s5, $0x0;
	s5 =	sld [smem:$0x3FA5]  }
0x2b: {  	s6 =	sld [smem:$0x3FA6]  }
0x2c: {  	s7 =	sld [smem:$0x3FA7]  }
0x2d: {  	s3 =	simm.s32 $0x108;
	s8 =	sld [smem:$0x3FA8]  }
0x2e: {  	s3 =	simm.s32 @!p0 $0x1082;
	s9 =	sld [smem:$0x3FA9]  }
0x2f: {  	lr =	sadd.s32 s0, s3;
	s0 =	sld [smem:$0x3FA0]  }
0x30: {  	s3 =	sld [smem:$0x3FA3]  }
0x31: {  	[smem:$0x3FAC] =	sst s10  }
0x32: {  	s10 =	sld [smem:$0x3FAA];
	_ =	sdelay $0x3  }
0x33: {  	p0 =	seq.s32 s10, $0x1;
	s10 =	sld [smem:$0x3FAC];
	_ =	sdelay $0x3  }
0x34: {  	[smem:$0x3FAC] =	sst s10  }
0x35: {  	s10 =	sld [smem:$0x3FAB];
	_ =	sdelay $0x3  }
0x36: {  	p1 =	seq.s32 s10, $0x1;
	s10 =	sld [smem:$0x3FAC];
	_ =	sdelay $0x3  }
0x37: {  	[smem:$0x3FAC] =	sst s10  }
0x38: {  	s10 =	sld [smem:$0x3FAD]  }
0x39: {  	_ = 	snop;
	(pc) =	sbr.ind lr, $3  }
0x3a: {  	_ = 	snop  }
0x3b: {  	_ = 	snop  }
0x3c: {  	p2 =	seq.s32 s10, $0x1;
	s10 =	sld [smem:$0x3FAC]  }
0x3d: {  	_ =	shalt  }
0x3e: {  	_ =	shalt  }
0x3f: {  	_ =	shalt  }
0x40: {  	_ =	shalt  }
0x41: {  	_ =	shalt  }
0x42: {  	_ =	shalt  }
0x43: {  	_ =	shalt  }
0x44: {  	_ =	shalt  }
0x45: {  	_ =	shalt  }
0x46: {  	_ =	shalt  }
0x47: {  	_ =	shalt  }
0x48: {  	_ =	shalt  }
0x49: {  	_ =	shalt  }
0x4a: {  	_ =	shalt  }
0x4b: {  	_ =	shalt  }
0x4c: {  	_ =	shalt  }
0x4d: {  	_ =	shalt  }
0x4e: {  	_ =	shalt  }
0x4f: {  	_ =	shalt  }
0x50: {  	_ =	shalt  }
0x51: {  	_ =	shalt  }
0x52: {  	_ =	shalt  }
0x53: {  	_ =	shalt  }
0x54: {  	_ =	shalt  }
0x55: {  	_ =	shalt  }
0x56: {  	_ =	shalt  }
0x57: {  	_ =	shalt  }
0x58: {  	_ =	shalt  }
0x59: {  	_ =	shalt  }
0x5a: {  	_ =	shalt  }
0x5b: {  	_ =	shalt  }
0x5c: {  	_ =	shalt  }
0x5d: {  	_ =	shalt  }
0x5e: {  	_ =	shalt  }
0x5f: {  	_ =	shalt  }
0x60: {  	_ =	shalt  }
0x61: {  	_ =	shalt  }
0x62: {  	_ =	shalt  }
0x63: {  	_ =	shalt  }
0x64: {  	_ =	shalt  }
0x65: {  	_ =	shalt  }
0x66: {  	_ =	shalt  }
0x67: {  	_ =	shalt  }
0x68: {  	_ =	shalt  }
0x69: {  	_ =	shalt  }
0x6a: {  	_ =	shalt  }
0x6b: {  	_ =	shalt  }
0x6c: {  	_ =	shalt  }
0x6d: {  	_ =	shalt  }
0x6e: {  	_ =	shalt  }
0x6f: {  	_ =	shalt  }
0x70: {  	_ =	shalt  }
0x71: {  	_ =	shalt  }
0x72: {  	_ =	shalt  }
0x73: {  	_ =	shalt  }
0x74: {  	_ =	shalt  }
0x75: {  	_ =	shalt  }
0x76: {  	_ =	shalt  }
0x77: {  	_ =	shalt  }
0x78: {  	_ =	shalt  }
0x79: {  	_ =	shalt  }
0x7a: {  	_ =	shalt  }
0x7b: {  	_ =	shalt  }
0x7c: {  	_ =	shalt  }
0x7d: {  	_ =	shalt  }
0x7e: {  	_ =	shalt  }
0x7f: {  	_ =	shalt  }
0x80: {  	_ =	shalt  }
0x81: {  	_ =	shalt  }
0x82: {  	_ =	shalt  }
0x83: {  	_ =	shalt  }
0x84: {  	_ =	shalt  }
0x85: {  	_ =	shalt  }
0x86: {  	_ =	shalt  }
0x87: {  	_ =	shalt  }
.Lfunc_end0:
.L_simem_size_0:
called_computation_lowered:
.L_overlay_start_0:
0x88: {  	s2 =	sld [smem:$0x3FD9]  }
0x89: {  	s3 =	sld [smem:$0x3FFE];
	_ =	sdelay $0x1  }
0x8a: {  	s1 =	srdreg.scid  }
0x8b: {  	s0 =	sand.u32 $0x1, s1  }
0x8c: {  	s16 =	sshll.u32 s0, $0xA;
	s2 =	sadd.s32 s3, s2  }
0x8d: {  	s2 =	sadd.s32 s2, s16  }
0x8e: {  	[smem:$0x3FB8] =	sst s2  }
0x8f: {  	_ = 	snop  }
0x90: {  	(tm) =	ssettm $0x1  }
0x91: {  	s17 =	sld [smem:$0x3FFB];
	_ =	sdelay $0x3  }
0x92: {  	_ =	strace s17  }
0x93: {  	s2 =	sld [smem:$0x3FFC];
	_ =	sdelay $0x3  }
0x94: {  	_ =	strace s2  }
0x95: {  	s2 =	sld [smem:$0x3FFD];
	_ =	sdelay $0x3  }
0x96: {  	_ =	strace s2  }
0x97: {  	_ =	strace $0x8FFFFFFF  }
0x98: {  	s18 =	sld [smem:$0x3FDB];
	_ =	sdelay $0x1  }
0x99: {  	s19 =	simm.s32 $_scs_section_size  }
0x9a: {  	s4 =	simm.s32 $_size__tile_overlayer_lowered;
	s5 =	simm.s32 $_tile_overlayer_lowered  }
0x9b: {  	s22 =	simm.s32 $0x1BFF;
	s21 =	sshll.u32 s5, $0x1;
	s2 =	sadd.s32 s19, s18  }
0x9c: {  	s6 =	simm.s32 $0x0;
	s20 =	sshll.u32 s4, $0x1;
	s4 =	sadd.s32 s21, s2  }
0x9d: {  	[timem:s6], [sflag:s22] =	dma.local [hbm:s4], s20  }
0x9e: {  	_ =	swait.ge [sflag:s22], s20  }
0x9f: {  	s3 =	ssub.s32 $0x0, s20;
	[sflag:s22] =	ssyncset.done $0x0  }
0xa0: {  	[sflag:s22] =	ssyncadd.s32 s3;
	_ =	sdelay $0x1  }
0xa1: {  	s23 =	simm.s32 $0x1B8B  }
0xa2: {  	_ =	swait.ge [sflag:s23], $0x1  }
0xa3: {  	[sflag:s23] =	ssyncset.done $0x0  }
0xa4: {  	s25 =	simm.s32 $0x1B8E;
	s24 =	sld [smem:$0x3FFE];
	[sflag:s23] =	ssyncadd.s32 $0xFFFFFFFF  }
0xa5: {  	s26 =	simm.s32 $execute0_lowered;
	[smem:$0x3FD2] =	sst s25  }
0xa6: {  	s4 =	sshll.u32 s26, $0x1;
	_ =	strace $0x80000046;
	[dreg:$0x1] =	wrdreg $0xFFFFFFFF  }
0xa7: {  	s28 =	simm.s32 $_size_execute0_lowered;
	s2 =	sadd.s32 s2, s4;
	[dreg:$0x0] =	wrdreg $0x0  }
0xa8: {  	s4 =	sshll.u32 s28, $0x1;
	[dreg:$0x2] =	wrdreg s2  }
0xa9: {  	[dreg:$0x3] =	wrdreg s4  }
0xaa: {  	[dreg:$0x4] =	wrdreg $0xC0  }
0xab: {  	_ =	task [dreg:s6], $0x5FFFF  }
0xac: {  	[dreg:$0x1] =	wrdreg $0xFFFFFFFF  }
0xad: {  	[dreg:$0x0] =	wrdreg $0x60  }
0xae: {  	[dreg:$0x2] =	wrdreg s24  }
0xaf: {  	[dreg:$0x3] =	wrdreg $0x90000  }
0xb0: {  	[dreg:$0x4] =	wrdreg $0x1D0800  }
0xb1: {  	[dreg:$0x5] =	wrdreg $0x9  }
0xb2: {  	_ =	task.clear_ibuf [dreg:s6], $0x6FFFF;
	_ =	strace $0x90000046  }
0xb3: {  	s29 =	simm.s32 $0x9;
	_ =	strace $0x80000048  }
0xb4: {  	_ =	swait.ge [sflag:s29], $0x1  }
0xb5: {  	[sflag:s29] =	ssyncadd.s32 $0xFFFFFFFF  }
0xb6: {  	_ =	strace $0x90000048  }
0xb7: {  	_ =	sfence  }
0xb8: {  	s30 =	sld [smem:$0x0];
	_ =	sdelay $0x2  }
0xb9: {  	s31 =	sshll.u32 s1, $0xD;
	s1 =	sshrl.u32 s1, $0x2  }
0xba: {  	s3 =	sand.u32 $0x4000, s31;
	s1 =	sadd.s32 s1, s30  }
0xbb: {  	s0 =	sor.u32 s3, s0;
	s1 =	sshll.u32 s1, $0x11  }
0xbc: {  	s0 =	sor.u32 s1, s0  }
0xbd: {  	s0 =	sadd.s32 $0x8F2B, s0  }
0xbe: {  	[sflag:s0] =	ssyncadd.remote.s32 $0x1  }
0xbf: {  	_ =	sfence.sel $0xFFFF  }
0xc0: {  	[dreg:$0x0] =	wrdreg $0xFFFFFFFF;
	(pc) =	sbr.abs _section_cstart, $3  }
0xc1: {  	[dreg:$0x1] =	wrdreg $0xFFFFFFFF  }
0xc2: {  	_ =	task.clear_ibuf [dreg:s6], $0x2FFFF;
	_ =	strace $0x9FFFFFFF  }
0xc3: {  	(tm) =	ssettm $0x7FFFFFFF  }
tec
execute0_lowered:
.L_overlay_start_1:
0x0: {  	(tag) =	ssettag $0x1  }
0x1: {  	s0 =	rddreg [dreg:$0x0]  }
0x2: {  	s1 =	rddreg [dreg:$0x1]  }
0x3: {  	s2 =	rddreg [dreg:$0x2]  }
0x4: {  	s3 =	srdreg.scid;
	s4 =	simm.s32 $0x0;
	s12 =	stileid.u32  }
0x5: {  	s29 =	simm.s32 $0x1000;
	s30 =	simm.s32 $0x5;
	s7 =	smul.u32 $0x14000, s12  }
0x6: {  	s31 =	simm.s32 $0x800;
	s3 =	sand.u32 $0x1, s3;
	s21 =	smul.u32 $0x500, s12  }
0x7: {  	[smem:$0x7FF] =	sst s4;
	s5 =	sadd.s32 $0x24000, s0;
	s10 =	smul.u32 $0x50000, s12  }
0x8: {  	s8 =	sadd.s32 $0x4000, s0;
	s11 =	sadd.s32 $0x14000, s0;
	s25 =	smul.u32 $0xA00, s12  }
0x9: {  	s26 =	sshll.u32 s12, $0xF;
	s12 =	simm.s32 $0x1;
	s6 =	smul.u32 $0x140000, s3  }
0xa: {  	_ =	strace $0x80000047;
	s9 =	sshll.u32 s3, $0x7;
	s22 =	ssub.s32 $0x2, s3  }
0xb: {  	s3 =	sshll.u32 s3, $0xE;
	s10 =	sshrl.u32 s10, $0x2;
	s23 =	sshrl.u32 s22, $0x1  }
0xc: {  	s3 =	sor.u32 s3, s26;
	s6 =	sadd.s32 s7, s6;
	s7 =	sor.u32 s9, s21  }
0xd: {  	s13 =	sadd.s32 s10, s1;
	s9 =	sshrl.u32 s25, $0x2;
	s16 =	sshrl.u32 s3, $0x3  }
0xe: {  	s21 =	sor.u32 $0xC00, s3;
	s3 =	sor.u32 $0x800, s3;
	s6 =	sshrl.u32 s6, $0x3  }
0xf: {  	s7 =	sshrl.u32 s7, $0x3;
	s24 =	sadd.s32 $0x3E80, s13;
	s10 =	sadd.s32 $0x7D00, s13  }
0x10: {  	s28 =	sadd.s32 $0xBB80, s13;
	s14 =	sadd.s32 $0xFA00, s13;
	[dreg:$0x4] =	wrdreg s13  }
0x11: {  	s15 =	sadd.s32 s9, s2;
	s17 =	sadd.s32 $0x13880, s13;
	[dreg:$0x5] =	wrdreg s24  }
0x12: {  	s19 =	sadd.s32 s8, s16;
	s20 =	sadd.s32 s11, s16;
	[dreg:$0x6] =	wrdreg s10  }
0x13: {  	s9 =	sor.u32 $0x80, s16;
	s3 =	sshrl.u32 s3, $0x3;
	[dreg:$0x7] =	wrdreg s28  }
0x14: {  	s13 =	simm.s32 $0x1D000;
	s16 =	simm.s32 $0x880;
	[dreg:$0x8] =	wrdreg s14  }
0x15: {  	s6 =	sadd.s32 s6, s0;
	s0 =	sadd.s32 s7, s0;
	[dreg:$0xa] =	wrdreg s17  }
0x16: {  	s7 =	ssub.s32 s22, s23;
	s18 =	sadd.s32 $0x80, s15;
	[dreg:$0xc] =	wrdreg s19  }
0x17: {  	[dreg:$0xd] =	wrdreg s20;
	s22 =	sadd.s32 s8, s9;
	s10 =	sshrl.u32 s21, $0x3  }
0x18: {  	s9 =	sadd.s32 s11, s9;
	s20 =	sadd.s32 s3, s11;
	s21 =	sadd.s32 s3, s8  }
0x19: {  	s23 =	sadd.s32 $0x100, s15;
	s26 =	sadd.s32 $0x180, s15;
	[dreg:$0x9] =	wrdreg s15  }
0x1a: {  	s28 =	sadd.s32 $0x200, s15;
	s3 =	simm.s32 $0xC00;
	[dreg:$0xb] =	wrdreg s18  }
0x1b: {  	s15 =	simm.s32 $0x2;
	s17 =	simm.s32 $0xD80;
	[dreg:$0xe] =	wrdreg s22  }
0x1c: {  	s14 =	simm.s32 $0x0;
	[dreg:$0xf] =	wrdreg s9;
	s18 =	sadd.s32 s10, s11  }
0x1d: {  	s19 =	sadd.s32 s10, s8;
	[dreg:$0x10] =	wrdreg s23;
	s24 =	sadd.s32 $0x4C000, s6  }
0x1e: {  	s0 =	sadd.s32 $0x9C000, s0;
	s25 =	smax.u32 s7, $0x1;
	[dreg:$0x14] =	wrdreg s26  }
.Ltmp0:
0x1f: {  	[dreg:$0x15] =	wrdreg s28;
	s7 =	simm.s32 $0x7D;
	(pc) =	sbr.rel .LBB2_1-.Ltmp0, $4  }
0x20: {  	s8 =	simm.s32 $0x4;
	s10 =	simm.s32 $0x5000;
	[dreg:$0x11] =	wrdreg s24  }
0x21: {  	s22 =	simm.s32 $0x900;
	s6 =	simm.s32 $0xC80;
	[dreg:$0x12] =	wrdreg s0  }
0x22: {  	s9 =	simm.s32 $0xD00;
	s23 =	simm.s32 $0xE00;
	[dreg:$0x13] =	wrdreg s25  }
0x23: {  	v0 =	vimm.f32 $0.0e+00;
	v1 =	vimm.f32 $1.000000000e+00;
	s0 =	simm.s32 $0x400;
	s24 =	simm.s32 $0x980;
	s25 =	simm.s32 $0xA00  }
.LBB2_6:
0x24: {  	s11 =	stileid.u32;
	[bflag:$0x0] =	sbarrier.arrive $0xFFFF  }
0x25: {  	s11 =	sshll.u32 s11, $0x6;
	s14 =	rddreg [dreg:$0x4]  }
0x26: {  	s26 =	rddreg [dreg:$0x11];
	s11 =	sor.u32 $0x1C05, s11;
	s14 =	sshrl.u32 s14, $0x3  }
0x27: {  	[hbm:s26], [sflag:s11] =	dma.local [spmem:s14], $0x2800  }
0x28: {  	_ =	swait.ge [sflag:s30], $0x2800  }
0x29: {  	s4 =	rddreg [dreg:$0x9]  }
0x2a: {  	s28 =	simm.s32 $0x20;
	[sflag:s30] =	ssyncset.done $0x0;
	s26 =	rddreg [dreg:$0x12]  }
0x2b: {  	[sflag:s30] =	ssyncadd.s32 $0xFFFFD800;
	s14 =	sshrl.u32 s4, $0x3;
	s4 =	simm.s32 $0x10  }
0x2c: {  	[hbm:s26@s28], [sflag:s11] =	dma.strided [spmem:s14@s4], $0x50, s12, $0x10   }
0x2d: {  	_ =	swait.ge [sflag:s30], $0x50  }
0x2e: {  	s26 =	rddreg [dreg:$0x16]  }
0x2f: {  	s28 =	rddreg [dreg:$0x13];
	s14 =	sadd.s32 $0x1, s26  }
0x30: {  	p0 =	sne.s32 s14, s28  }
.Ltmp1:
0x31: {  	_ = 	snop;
	(pc) =	sbr.rel @!p0 .LBB2_7-.Ltmp1, $3  }
0x32: {  	_ =	sdelay $0x1  }
0x33: {  	[sflag:s30] =	ssyncset.done $0x0  }
0x34: {  	s4 =	simm.s32 $0x0;
	[sflag:s30] =	ssyncadd.s32 $0xFFFFFFB0  }
.LBB2_1:
0x35: {  	[dreg:$0x16] =	wrdreg s14;
	s26 =	simm.s32 $0x0;
	s28 =	simm.s32 $0x200  }
.LBB2_2:
0x36: {  	p0 =	sne.s32 s28, $0xF800;
	[tilespmem:s26+$0x1070] =	vst v0  }
0x37: {  	[tilespmem:s26+$0x1000] =	vst v0  }
0x38: {  	[tilespmem:s26+$0x1010] =	vst v0  }
.Ltmp2:
0x39: {  	[tilespmem:s26+$0x1020] =	vst v0;
	(pc) =	sbr.rel @p0 .LBB2_2-.Ltmp2, $4  }
0x3a: {  	[tilespmem:s26+$0x1030] =	vst v0  }
0x3b: {  	[tilespmem:s26+$0x1040] =	vst v0  }
0x3c: {  	[tilespmem:s26+$0x1050] =	vst v0  }
0x3d: {  	[tilespmem:s26+$0x1060] =	vst v0;
	s26 =	sshra.s32 s28, $0x2;
	s28 =	sadd.s32 $0x200, s28  }
0x3e: {  	[tilespmem:s26+$0x1070] =	vst v0  }
0x3f: {  	[tilespmem:s26+$0x1000] =	vst v0  }
0x40: {  	[tilespmem:s26+$0x1010] =	vst v0  }
0x41: {  	[tilespmem:s26+$0x1020] =	vst v0  }
0x42: {  	[tilespmem:s26+$0x1030] =	vst v0  }
0x43: {  	[tilespmem:s26+$0x1040] =	vst v0  }
0x44: {  	[tilespmem:s26+$0x1050] =	vst v0  }
0x45: {  	[tilespmem:s26+$0x1060] =	vst v0;
	s11 =	rddreg [dreg:$0x4]  }
0x46: {  	[spmem:s11] =	stream.linear.scatter [tilespmem:s29], [sflag:$0x5], $0x3E80, $0x38;
	[tilespmem:$0x1D300] =	vst v63  }
0x47: {  	_ =	swait.ge [sflag:s30], $0x3E80  }
0x48: {  	[sflag:s30] =	ssyncset.done $0x0  }
0x49: {  	s28 =	rddreg [dreg:$0x5];
	[sflag:s30] =	ssyncadd.s32 $0xFFFFC180  }
0x4a: {  	[spmem:s28] =	stream.linear.scatter [tilespmem:s29], [sflag:$0x5], $0x3E80, $0x38;
	[tilespmem:$0x1D300] =	vst v63  }
0x4b: {  	_ =	swait.ge [sflag:s30], $0x3E80  }
0x4c: {  	[sflag:s30] =	ssyncset.done $0x0  }
0x4d: {  	s14 =	rddreg [dreg:$0x6];
	[sflag:s30] =	ssyncadd.s32 $0xFFFFC180  }
0x4e: {  	[spmem:s14] =	stream.linear.scatter [tilespmem:s29], [sflag:$0x5], $0x3E80, $0x38;
	[tilespmem:$0x1D300] =	vst v63  }
0x4f: {  	_ =	swait.ge [sflag:s30], $0x3E80  }
0x50: {  	[sflag:s30] =	ssyncset.done $0x0  }
0x51: {  	s26 =	rddreg [dreg:$0x7];
	[sflag:s30] =	ssyncadd.s32 $0xFFFFC180  }
0x52: {  	[spmem:s26] =	stream.linear.scatter [tilespmem:s29], [sflag:$0x5], $0x3E80, $0x38;
	[tilespmem:$0x1D300] =	vst v63  }
0x53: {  	_ =	swait.ge [sflag:s30], $0x3E80  }
0x54: {  	[sflag:s30] =	ssyncset.done $0x0  }
0x55: {  	s28 =	rddreg [dreg:$0x8];
	[sflag:s30] =	ssyncadd.s32 $0xFFFFC180  }
0x56: {  	[spmem:s28] =	stream.linear.scatter [tilespmem:s29], [sflag:$0x5], $0x3E80, $0x38;
	[tilespmem:$0x1D300] =	vst v63  }
0x57: {  	_ =	swait.ge [sflag:s30], $0x3E80  }
0x58: {  	[sflag:s30] =	ssyncset.done $0x0  }
0x59: {  	s14 =	rddreg [dreg:$0xa];
	[sflag:s30] =	ssyncadd.s32 $0xFFFFC180  }
0x5a: {  	[spmem:s14] =	stream.linear.scatter [tilespmem:s29], [sflag:$0x5], $0x780, $0x38;
	[tilespmem:$0x1D300] =	vst v63  }
0x5b: {  	_ =	swait.ge [sflag:s30], $0x780  }
0x5c: {  	[sflag:s30] =	ssyncset.done $0x0  }
0x5d: {  	[sflag:s30] =	ssyncadd.s32 $0xFFFFF880  }
0x5e: {  	[tilespmem:$0x1D000] =	vst v1  }
0x5f: {  	[tilespmem:$0x1D010] =	vst v1  }
0x60: {  	[tilespmem:$0x1D020] =	vst v1  }
0x61: {  	[tilespmem:$0x1D030] =	vst v1  }
0x62: {  	[tilespmem:$0x1D040] =	vst v1  }
0x63: {  	[tilespmem:$0x1D050] =	vst v1  }
0x64: {  	[tilespmem:$0x1D060] =	vst v1  }
0x65: {  	s26 =	rddreg [dreg:$0x9];
	[tilespmem:$0x1D070] =	vst v1  }
0x66: {  	[spmem:s26] =	stream.linear.scatter [tilespmem:s29], [sflag:$0x5], $0x80, $0x38;
	[tilespmem:$0x1D300] =	vst v63  }
0x67: {  	_ =	swait.ge [sflag:s30], $0x80  }
0x68: {  	[sflag:s30] =	ssyncset.done $0x0  }
0x69: {  	s28 =	rddreg [dreg:$0xb];
	[sflag:s30] =	ssyncadd.s32 $0xFFFFFF80  }
0x6a: {  	[spmem:s28] =	stream.linear.scatter [tilespmem:s29], [sflag:$0x5], $0x80, $0x38;
	[tilespmem:$0x1D300] =	vst v63  }
0x6b: {  	_ =	swait.ge [sflag:s30], $0x80  }
0x6c: {  	[sflag:s30] =	ssyncset.done $0x0  }
0x6d: {  	s14 =	rddreg [dreg:$0x10];
	[sflag:s30] =	ssyncadd.s32 $0xFFFFFF80  }
0x6e: {  	[spmem:s14] =	stream.linear.scatter [tilespmem:s29], [sflag:$0x5], $0x80, $0x38;
	[tilespmem:$0x1D300] =	vst v63  }
0x6f: {  	_ =	swait.ge [sflag:s30], $0x80  }
0x70: {  	[sflag:s30] =	ssyncset.done $0x0  }
0x71: {  	s26 =	rddreg [dreg:$0x14];
	[sflag:s30] =	ssyncadd.s32 $0xFFFFFF80  }
0x72: {  	[spmem:s26] =	stream.linear.scatter [tilespmem:s29], [sflag:$0x5], $0x80, $0x38;
	[tilespmem:$0x1D300] =	vst v63  }
0x73: {  	_ =	swait.ge [sflag:s30], $0x80  }
0x74: {  	[sflag:s30] =	ssyncset.done $0x0  }
0x75: {  	s28 =	rddreg [dreg:$0x15];
	[sflag:s30] =	ssyncadd.s32 $0xFFFFFF80  }
0x76: {  	[spmem:s28] =	stream.linear.scatter [tilespmem:s29], [sflag:$0x5], $0x80, $0x38;
	[tilespmem:$0x1D300] =	vst v63  }
0x77: {  	_ =	swait.ge [sflag:s30], $0x80  }
0x78: {  	[sflag:s30] =	ssyncset.done $0x0  }
0x79: {  	s26 =	simm.s32 $0x0;
	s14 =	rddreg [dreg:$0xc];
	[sflag:s30] =	ssyncadd.s32 $0xFFFFFF80  }
0x7a: {  	[tilespmem:s26], [sflag:$0x5] =	stream.linear.gather [hbm4b:s14+s26], $0x280, $0x38;
	[tilespmem:$0x1D300] =	vst v63  }
0x7b: {  	_ =	swait.ge [sflag:s30], $0x280  }
0x7c: {  	[sflag:s30] =	ssyncset.done $0x0  }
0x7d: {  	s28 =	rddreg [dreg:$0xd];
	[sflag:s30] =	ssyncadd.s32 $0xFFFFFD80  }
0x7e: {  	[tilespmem:s31], [sflag:$0x5] =	stream.linear.gather [hbm4b:s28+s26], $0x280, $0x38;
	[tilespmem:$0x1D300] =	vst v63  }
0x7f: {  	_ =	swait.ge [sflag:s30], $0x280  }
0x80: {  	[sflag:s30] =	ssyncset.done $0x0  }
0x81: {  	s14 =	rddreg [dreg:$0xe];
	[sflag:s30] =	ssyncadd.s32 $0xFFFFFD80  }
0x82: {  	[tilespmem:s0], [sflag:$0x4] =	stream.linear.gather [hbm4b:s14+s26], $0x280, $0x38;
	[tilespmem:$0x1D300] =	vst v63  }
0x83: {  	s28 =	rddreg [dreg:$0xf]  }
0x84: {  	[tilespmem:s3], [sflag:$0x4] =	stream.linear.gather [hbm4b:s28+s26], $0x280, $0x38;
	[tilespmem:$0x1D300] =	vst v63  }
0x85: {  	_ = 	snop  }
0x86: {  	[tilespmem:s29], [sflag:$0x1] =	stream.indirect.gather [hbm4b:s5+s7], $0x80, s26, s7, $0xb8;
	[tilespmem:$0x1D300] =	vst v63  }
0x87: {  	[bflag:$0x0] =	sbarrier.arrive $0xFFFF  }
.LBB2_4:
0x88: {  	_ =	swait.ge [sflag:s8], $0x280  }
0x89: {  	[sflag:s8] =	ssyncset.done $0x0  }
0x8a: {  	[sflag:s8] =	ssyncadd.s32 $0xFFFFFD80  }
0x8b: {  	_ =	swait.ge [sflag:s8], $0x280  }
0x8c: {  	[sflag:s8] =	ssyncset.done $0x0  }
0x8d: {  	s11 =	simm.s32 $0x80;
	[sflag:s8] =	ssyncadd.s32 $0xFFFFFD80  }
0x8e: {  	[tilespmem:s10], [sflag:$0x2] =	stream.indirect.gather [hbm4b:s5+s7], $0x80, s11, s7, $0xb8;
	[tilespmem:$0x1D300] =	vst v63  }
0x8f: {  	_ =	swait.ge [sflag:s12], $0x3E80  }
0x90: {  	[sflag:s12] =	ssyncset.done $0x0  }
0x91: {  	[sflag:s12] =	ssyncadd.s32 $0xFFFFC180  }
0x92: {  	[spmem:s1] =	stream.indirect.scatter.add.f32 [tilespmem:s29], [sflag:$0x5], $0x80, s31, s7, $0xb8;
	[tilespmem:$0x1D300] =	vst v63  }
0x93: {  	_ =	swait.ge [sflag:s30], $0x3E80  }
0x94: {  	[sflag:s30] =	ssyncset.done $0x0  }
0x95: {  	[sflag:s30] =	ssyncadd.s32 $0xFFFFC180  }
0x96: {  	[spmem:s2] =	stream.indirect.scatter.add.f32 [tilespmem:s13], [sflag:$0x5], $0x1, s31, s7, $0xb8;
	[tilespmem:$0x1D300] =	vst v63  }
0x97: {  	_ =	swait.ge [sflag:s30], $0x7D  }
0x98: {  	[sflag:s30] =	ssyncset.done $0x0  }
0x99: {  	s14 =	simm.s32 $0x100;
	[sflag:s30] =	ssyncadd.s32 $0xFFFFFF83  }
0x9a: {  	[tilespmem:s29], [sflag:$0x1] =	stream.indirect.gather [hbm4b:s5+s7], $0x80, s14, s7, $0xb8;
	[tilespmem:$0x1D300] =	vst v63  }
0x9b: {  	_ =	swait.ge [sflag:s15], $0x3E80  }
0x9c: {  	[sflag:s15] =	ssyncset.done $0x0  }
0x9d: {  	[sflag:s15] =	ssyncadd.s32 $0xFFFFC180  }
0x9e: {  	[spmem:s1] =	stream.indirect.scatter.add.f32 [tilespmem:s10], [sflag:$0x5], $0x80, s16, s7, $0xb8;
	[tilespmem:$0x1D300] =	vst v63  }
0x9f: {  	_ =	swait.ge [sflag:s30], $0x3E80  }
0xa0: {  	[sflag:s30] =	ssyncset.done $0x0  }
0xa1: {  	[sflag:s30] =	ssyncadd.s32 $0xFFFFC180  }
0xa2: {  	[spmem:s2] =	stream.indirect.scatter.add.f32 [tilespmem:s13], [sflag:$0x5], $0x1, s16, s7, $0xb8;
	[tilespmem:$0x1D300] =	vst v63  }
0xa3: {  	_ =	swait.ge [sflag:s30], $0x7D  }
0xa4: {  	[sflag:s30] =	ssyncset.done $0x0  }
0xa5: {  	s28 =	simm.s32 $0x180;
	[sflag:s30] =	ssyncadd.s32 $0xFFFFFF83  }
0xa6: {  	[tilespmem:s10], [sflag:$0x2] =	stream.indirect.gather [hbm4b:s5+s7], $0x80, s28, s7, $0xb8;
	[tilespmem:$0x1D300] =	vst v63  }
0xa7: {  	_ =	swait.ge [sflag:s12], $0x3E80  }
0xa8: {  	[sflag:s12] =	ssyncset.done $0x0  }
0xa9: {  	[sflag:s12] =	ssyncadd.s32 $0xFFFFC180  }
0xaa: {  	[spmem:s1] =	stream.indirect.scatter.add.f32 [tilespmem:s29], [sflag:$0x5], $0x80, s22, s7, $0xb8;
	[tilespmem:$0x1D300] =	vst v63  }
0xab: {  	_ =	swait.ge [sflag:s30], $0x3E80  }
0xac: {  	[sflag:s30] =	ssyncset.done $0x0  }
0xad: {  	[sflag:s30] =	ssyncadd.s32 $0xFFFFC180  }
0xae: {  	[spmem:s2] =	stream.indirect.scatter.add.f32 [tilespmem:s13], [sflag:$0x5], $0x1, s22, s7, $0xb8;
	[tilespmem:$0x1D300] =	vst v63  }
0xaf: {  	_ =	swait.ge [sflag:s30], $0x7D  }
0xb0: {  	[sflag:s30] =	ssyncset.done $0x0  }
0xb1: {  	s14 =	simm.s32 $0x200;
	[sflag:s30] =	ssyncadd.s32 $0xFFFFFF83  }
0xb2: {  	[tilespmem:s29], [sflag:$0x1] =	stream.indirect.gather [hbm4b:s5+s7], $0x80, s14, s7, $0xb8;
	[tilespmem:$0x1D300] =	vst v63  }
0xb3: {  	_ =	swait.ge [sflag:s15], $0x3E80  }
0xb4: {  	[sflag:s15] =	ssyncset.done $0x0  }
0xb5: {  	[sflag:s15] =	ssyncadd.s32 $0xFFFFC180  }
0xb6: {  	[spmem:s1] =	stream.indirect.scatter.add.f32 [tilespmem:s10], [sflag:$0x5], $0x80, s24, s7, $0xb8;
	[tilespmem:$0x1D300] =	vst v63  }
0xb7: {  	_ =	swait.ge [sflag:s30], $0x3E80  }
0xb8: {  	[sflag:s30] =	ssyncset.done $0x0  }
0xb9: {  	[sflag:s30] =	ssyncadd.s32 $0xFFFFC180  }
0xba: {  	[spmem:s2] =	stream.indirect.scatter.add.f32 [tilespmem:s13], [sflag:$0x5], $0x1, s24, s7, $0xb8;
	[tilespmem:$0x1D300] =	vst v63  }
0xbb: {  	_ =	swait.ge [sflag:s30], $0x7D  }
0xbc: {  	[sflag:s30] =	ssyncset.done $0x0  }
0xbd: {  	[sflag:s30] =	ssyncadd.s32 $0xFFFFFF83  }
0xbe: {  	[tilespmem:s10], [sflag:$0x2] =	stream.indirect.gather [hbm4b:s5+s7], $0x80, s0, s7, $0xb8;
	[tilespmem:$0x1D300] =	vst v63  }
0xbf: {  	_ =	swait.ge [sflag:s12], $0x3E80  }
0xc0: {  	[sflag:s12] =	ssyncset.done $0x0  }
0xc1: {  	[sflag:s12] =	ssyncadd.s32 $0xFFFFC180  }
0xc2: {  	[spmem:s1] =	stream.indirect.scatter.add.f32 [tilespmem:s29], [sflag:$0x5], $0x80, s25, s7, $0xb8;
	[tilespmem:$0x1D300] =	vst v63  }
0xc3: {  	_ =	swait.ge [sflag:s30], $0x3E80  }
0xc4: {  	[sflag:s30] =	ssyncset.done $0x0  }
0xc5: {  	[sflag:s30] =	ssyncadd.s32 $0xFFFFC180  }
0xc6: {  	[spmem:s2] =	stream.indirect.scatter.add.f32 [tilespmem:s13], [sflag:$0x5], $0x1, s25, s7, $0xb8;
	[tilespmem:$0x1D300] =	vst v63  }
0xc7: {  	_ =	swait.ge [sflag:s30], $0x7D  }
0xc8: {  	p0 =	seq.s32 s26, $0x700;
	[sflag:s30] =	ssyncset.done $0x0  }
0xc9: {  	s11 =	simm.s32 @!p0 $0x0;
	s28 =	sadd.s32 @!p0 s26, s21;
	[sflag:s30] =	ssyncadd.s32 $0xFFFFFF83  }
0xca: {  	[tilespmem:s11], [sflag:$0x3] =	stream.linear.gather @!p0 [hbm4b:s28+s11], $0x280, $0x38;
	[tilespmem:$0x1D300] =	vst v63  }
0xcb: {  	s14 =	simm.s32 @!p0 $0x800;
	s28 =	sadd.s32 @!p0 s26, s20  }
0xcc: {  	[tilespmem:s14], [sflag:$0x3] =	stream.linear.gather @!p0 [hbm4b:s28+s11], $0x280, $0x38;
	[tilespmem:$0x1D300] =	vst v63  }
0xcd: {  	s14 =	simm.s32 @!p0 $0x3  }
0xce: {  	_ =	swait.ge @!p0 [sflag:s14], $0x280  }
0xcf: {  	[sflag:s14] =	ssyncset.done @!p0 $0x0  }
0xd0: {  	[sflag:s14] =	ssyncadd.s32 @!p0 $0xFFFFFD80  }
0xd1: {  	_ =	swait.ge @!p0 [sflag:s14], $0x280  }
0xd2: {  	[sflag:s14] =	ssyncset.done @!p0 $0x0  }
0xd3: {  	s28 =	simm.s32 $0x480;
	[sflag:s14] =	ssyncadd.s32 @!p0 $0xFFFFFD80  }
0xd4: {  	[tilespmem:s29], [sflag:$0x1] =	stream.indirect.gather [hbm4b:s5+s7], $0x80, s28, s7, $0xb8;
	[tilespmem:$0x1D300] =	vst v63  }
0xd5: {  	_ =	swait.ge [sflag:s15], $0x3E80  }
0xd6: {  	[sflag:s15] =	ssyncset.done $0x0  }
0xd7: {  	[sflag:s15] =	ssyncadd.s32 $0xFFFFC180  }
0xd8: {  	[spmem:s1] =	stream.indirect.scatter.add.f32 [tilespmem:s10], [sflag:$0x5], $0x80, s3, s7, $0xb8;
	[tilespmem:$0x1D300] =	vst v63  }
0xd9: {  	_ =	swait.ge [sflag:s30], $0x3E80  }
0xda: {  	[sflag:s30] =	ssyncset.done $0x0  }
0xdb: {  	[sflag:s30] =	ssyncadd.s32 $0xFFFFC180  }
0xdc: {  	[spmem:s2] =	stream.indirect.scatter.add.f32 [tilespmem:s13], [sflag:$0x5], $0x1, s3, s7, $0xb8;
	[tilespmem:$0x1D300] =	vst v63  }
0xdd: {  	_ =	swait.ge [sflag:s30], $0x7D  }
0xde: {  	[sflag:s30] =	ssyncset.done $0x0  }
0xdf: {  	s28 =	simm.s32 $0x500;
	[sflag:s30] =	ssyncadd.s32 $0xFFFFFF83  }
0xe0: {  	[tilespmem:s10], [sflag:$0x2] =	stream.indirect.gather [hbm4b:s5+s7], $0x80, s28, s7, $0xb8;
	[tilespmem:$0x1D300] =	vst v63  }
0xe1: {  	_ =	swait.ge [sflag:s12], $0x3E80  }
0xe2: {  	[sflag:s12] =	ssyncset.done $0x0  }
0xe3: {  	[sflag:s12] =	ssyncadd.s32 $0xFFFFC180  }
0xe4: {  	[spmem:s1] =	stream.indirect.scatter.add.f32 [tilespmem:s29], [sflag:$0x5], $0x80, s6, s7, $0xb8;
	[tilespmem:$0x1D300] =	vst v63  }
0xe5: {  	_ =	swait.ge [sflag:s30], $0x3E80  }
0xe6: {  	[sflag:s30] =	ssyncset.done $0x0  }
0xe7: {  	[sflag:s30] =	ssyncadd.s32 $0xFFFFC180  }
0xe8: {  	[spmem:s2] =	stream.indirect.scatter.add.f32 [tilespmem:s13], [sflag:$0x5], $0x1, s6, s7, $0xb8;
	[tilespmem:$0x1D300] =	vst v63  }
0xe9: {  	_ =	swait.ge [sflag:s30], $0x7D  }
0xea: {  	[sflag:s30] =	ssyncset.done $0x0  }
0xeb: {  	s28 =	simm.s32 $0x580;
	[sflag:s30] =	ssyncadd.s32 $0xFFFFFF83  }
0xec: {  	[tilespmem:s29], [sflag:$0x1] =	stream.indirect.gather [hbm4b:s5+s7], $0x80, s28, s7, $0xb8;
	[tilespmem:$0x1D300] =	vst v63  }
0xed: {  	_ =	swait.ge [sflag:s15], $0x3E80  }
0xee: {  	[sflag:s15] =	ssyncset.done $0x0  }
0xef: {  	[sflag:s15] =	ssyncadd.s32 $0xFFFFC180  }
0xf0: {  	[spmem:s1] =	stream.indirect.scatter.add.f32 [tilespmem:s10], [sflag:$0x5], $0x80, s9, s7, $0xb8;
	[tilespmem:$0x1D300] =	vst v63  }
0xf1: {  	_ =	swait.ge [sflag:s30], $0x3E80  }
0xf2: {  	[sflag:s30] =	ssyncset.done $0x0  }
0xf3: {  	[sflag:s30] =	ssyncadd.s32 $0xFFFFC180  }
0xf4: {  	[spmem:s2] =	stream.indirect.scatter.add.f32 [tilespmem:s13], [sflag:$0x5], $0x1, s9, s7, $0xb8;
	[tilespmem:$0x1D300] =	vst v63  }
0xf5: {  	_ =	swait.ge [sflag:s30], $0x7D  }
0xf6: {  	[sflag:s30] =	ssyncset.done $0x0  }
0xf7: {  	s28 =	simm.s32 $0x600;
	[sflag:s30] =	ssyncadd.s32 $0xFFFFFF83  }
0xf8: {  	[tilespmem:s10], [sflag:$0x2] =	stream.indirect.gather [hbm4b:s5+s7], $0x80, s28, s7, $0xb8;
	[tilespmem:$0x1D300] =	vst v63  }
0xf9: {  	_ =	swait.ge [sflag:s12], $0x3E80  }
0xfa: {  	[sflag:s12] =	ssyncset.done $0x0  }
0xfb: {  	[sflag:s12] =	ssyncadd.s32 $0xFFFFC180  }
0xfc: {  	[spmem:s1] =	stream.indirect.scatter.add.f32 [tilespmem:s29], [sflag:$0x5], $0x80, s17, s7, $0xb8;
	[tilespmem:$0x1D300] =	vst v63  }
0xfd: {  	_ =	swait.ge [sflag:s30], $0x3E80  }
0xfe: {  	[sflag:s30] =	ssyncset.done $0x0  }
0xff: {  	[sflag:s30] =	ssyncadd.s32 $0xFFFFC180  }
0x100: {  	[spmem:s2] =	stream.indirect.scatter.add.f32 [tilespmem:s13], [sflag:$0x5], $0x1, s17, s7, $0xb8;
	[tilespmem:$0x1D300] =	vst v63  }
0x101: {  	_ =	swait.ge [sflag:s30], $0x7D  }
0x102: {  	[sflag:s30] =	ssyncset.done $0x0  }
0x103: {  	s14 =	simm.s32 @!p0 $0x7D;
	s28 =	simm.s32 @!p0 $0x1000;
	[sflag:s30] =	ssyncadd.s32 $0xFFFFFF83  }
0x104: {  	[tilespmem:s28], [sflag:$0x1] =	stream.indirect.gather @!p0 [hbm4b:s5+s14], $0x80, s11, s14, $0xb8;
	[tilespmem:$0x1D300] =	vst v63  }
0x105: {  	_ =	swait.ge [sflag:s15], $0x3E80  }
0x106: {  	[sflag:s15] =	ssyncset.done $0x0  }
0x107: {  	[sflag:s15] =	ssyncadd.s32 $0xFFFFC180  }
0x108: {  	[spmem:s1] =	stream.indirect.scatter.add.f32 [tilespmem:s10], [sflag:$0x5], $0x80, s23, s7, $0xb8;
	[tilespmem:$0x1D300] =	vst v63  }
0x109: {  	_ =	swait.ge [sflag:s30], $0x3E80  }
0x10a: {  	[sflag:s30] =	ssyncset.done $0x0  }
.Ltmp3:
0x10b: {  	[sflag:s30] =	ssyncadd.s32 $0xFFFFC180;
	(pc) =	sbr.rel @p0 .LBB2_6-.Ltmp3, $4  }
0x10c: {  	[spmem:s2] =	stream.indirect.scatter.add.f32 [tilespmem:s13], [sflag:$0x5], $0x1, s23, s7, $0xb8;
	[tilespmem:$0x1D300] =	vst v63  }
0x10d: {  	_ =	swait.ge [sflag:s30], $0x7D  }
0x10e: {  	[sflag:s30] =	ssyncset.done $0x0  }
0x10f: {  	[sflag:s30] =	ssyncadd.s32 $0xFFFFFF83  }
.Ltmp4:
0x110: {  	(pc) =	sbr.rel .LBB2_4-.Ltmp4, $4  }
0x111: {  	s11 =	sadd.s32 s26, s19  }
0x112: {  	[tilespmem:s0], [sflag:$0x4] =	stream.linear.gather [hbm4b:s11+s4], $0x280, $0x38;
	[tilespmem:$0x1D300] =	vst v63  }
0x113: {  	s28 =	sadd.s32 s26, s18;
	s26 =	sadd.s32 $0x100, s26  }
0x114: {  	[tilespmem:s3], [sflag:$0x4] =	stream.linear.gather [hbm4b:s28+s4], $0x280, $0x38;
	[tilespmem:$0x1D300] =	vst v63  }
.LBB2_7:
0x115: {  	_ =	sfence.sel $0x180000  }
0x116: {  	[bflag:$0x0] =	sbarrier.arrive $0xFFFF  }
0x117: {  	_ =	strace $0x90000047  }
0x118: {  	s0 =	stileid.u32;
	[bflag:$0x2] =	sbarrier.arrive $0xFFFF  }
0x119: {  	p0 =	sne.s32 s0, $0x0;
	s0 =	rddreg [dreg:$0x3]  }
0x11a: {  	s0 =	sadd.s32 @!p0 $0x100000, s0  }
0x11b: {  	[sflag:s0] =	ssyncadd.tile.s32 @!p0 $0x1;
	_ =	shalt  }
.Lfunc_end2:
_tile_overlayer_lowered:
.L_overlay_start_2:
0x11c: {  	(tag) =	ssettag $0x2  }
0x11d: {  	s0 =	rddreg [dreg:$0x0];
	s2 =	stileid.u32  }
0x11e: {  	s1 =	rddreg [dreg:$0x1];
	p0 =	sne.s32 s2, $0x0  }
0x11f: {  	s3 =	rddreg [dreg:$0x2];
	[bflag:$0x3] =	sbarrier.arrive $0xFFFF;
	s2 =	simm.s32 @!p0 $0x1C05  }
0x120: {  	[timem:s3], [sflag:s2] =	dma.local @!p0 [hbm:s0], s1  }
0x121: {  	s0 =	simm.s32 @!p0 $0x5  }
0x122: {  	_ =	swait.ge @!p0 [sflag:s0], s1  }
0x123: {  	s1 =	ssub.s32 @!p0 $0x0, s1;
	[sflag:s0] =	ssyncset.done @!p0 $0x0  }
0x124: {  	[sflag:s0] =	ssyncadd.s32 @!p0 s1  }
0x125: {  	[bflag:$0x3] =	sbarrier.arrive $0xFFFF  }
0x126: {  	_ =	shalt  }

</sc_bundles>
